<compile_context>
chip_gen: v7x
topology: tpu7x:2x2x1
jax: 0.10.2.dev20260603
libtpu: 0.0.44.dev20260713+nightly
codegen_flags: <defaults>
</compile_context>

<pallas_src>
import functools

import jax
import jax.numpy as jnp
from jax import lax
from jax.experimental import pallas as pl
from jax.experimental.pallas import tpu as pltpu
from jax.experimental.pallas import tpu_sc as plsc

N_I = 16384
N_J = 50
N_K = 64
N_V = 8192
NUM_WORKERS = 32
IB = 1024
N_IQ = N_I // IB
UNITS = N_J * N_IQ
U_PER_W = UNITS // NUM_WORKERS
STEPS = U_PER_W * 4


def _make_gather():
    mesh = plsc.VectorSubcoreMesh(core_axis_name="c", subcore_axis_name="s")
    flat_len = N_I * N_J * N_K

    @functools.partial(
        pl.kernel,
        mesh=mesh,
        compiler_params=pltpu.CompilerParams(
            use_tc_tiling_on_sc=False, needs_layout_passes=False),
        out_type=jax.ShapeDtypeStruct((flat_len,), jnp.float32),
        scratch_types=[
            pltpu.VMEM((IB,), jnp.int32),
            pltpu.VMEM((IB,), jnp.int32),
            pltpu.VMEM((IB, 16), jnp.float32),
            pltpu.VMEM((IB, 16), jnp.float32),
            pltpu.VMEM((2, 8 * IB), jnp.float32),
            pltpu.VMEM((2, 8 * IB), jnp.float32),
            pltpu.SemaphoreType.DMA,
            pltpu.SemaphoreType.DMA,
            pltpu.SemaphoreType.DMA,
            pltpu.SemaphoreType.DMA,
            pltpu.SemaphoreType.DMA,
            pltpu.SemaphoreType.DMA,
        ],
    )
    def gather(pe16_hbm, idx_hbm, out_hbm, idx0, idx1, rows0, rows1,
               img0, img1, sem0, sem1, wsem0, wsem1, isem0, isem1):
        wid = lax.axis_index("s") * 2 + lax.axis_index("c")
        iota = lax.iota(jnp.int32, 16)
        idx_b = (idx0, idx1)
        rows_b = (rows0, rows1)
        img_b = (img0, img1)
        sem_b = (sem0, sem1)
        wsem_b = (wsem0, wsem1)
        isem_b = (isem0, isem1)

        def decode(t):
            u = wid * U_PER_W + t // 4
            ktp = t % 4
            j = u // N_IQ
            iq = u % N_IQ
            return j, iq, ktp

        def load_idx(t, b):
            j, iq, ktp = decode(t)
            pltpu.async_copy(
                idx_hbm.at[pl.ds((ktp * N_J + j) * N_I + iq * IB, IB)],
                idx_b[b], isem_b[b])

        def wait_idx(b):
            pltpu.make_async_copy(
                idx_hbm.at[pl.ds(0, IB)], idx_b[b], isem_b[b]).wait()

        load_idx(0, 0)
        wait_idx(0)
        pltpu.async_copy(pe16_hbm.at[idx_b[0]], rows_b[0], sem_b[0])
        load_idx(1, 1)

        def outer(g, carry):
            for b in range(2):
                t = g * 2 + b
                wait_idx(1 - b)
                pltpu.async_copy(pe16_hbm.at[idx_b[1 - b]], rows_b[1 - b],
                                 sem_b[1 - b])
                pltpu.make_async_copy(
                    pe16_hbm.at[idx_b[b]], rows_b[b], sem_b[b]).wait()
                load_idx(jnp.minimum(t + 2, STEPS - 1), b)
                @pl.when(g >= 1)
                def _drain():
                    for kt2 in range(2):
                        pltpu.make_async_copy(
                            img_b[b].at[kt2], out_hbm.at[pl.ds(0, 8 * IB)],
                            wsem_b[b]).wait()

                rows_v = rows_b[b]
                img_v = img_b[b]

                def itl_body(itl, carry3):
                    for ilg in range(8):
                        row_idx = jnp.full((16,), itl * 128 + ilg * 16,
                                           jnp.int32) + iota
                        vs = []
                        for kt2 in range(2):
                            for ks in range(8):
                                col_idx = jnp.full((16,), kt2 * 8 + ks,
                                                   jnp.int32)
                                vs.append(plsc.load_gather(
                                    rows_v, [row_idx, col_idx]))
                        for n, v in enumerate(vs):
                            kt2, ks = n // 8, n % 8
                            img_v[kt2, pl.ds(itl * 1024 + ks * 128
                                             + ilg * 16, 16)] = v
                    return carry3

                lax.fori_loop(0, IB // 128, itl_body, 0)

                j, iq, ktp = decode(t)
                for kt2 in range(2):
                    kt = ktp * 2 + kt2
                    base = (j * (N_K * N_I) + kt * (8 * N_I)
                            + iq * (8 * IB))
                    pltpu.async_copy(img_v.at[kt2],
                                     out_hbm.at[pl.ds(base, 8 * IB)],
                                     wsem_b[b])
            return carry

        lax.fori_loop(0, STEPS // 2, outer, 0)
        pltpu.make_async_copy(pe16_hbm.at[idx_b[0]], rows_b[0],
                              sem_b[0]).wait()
        wait_idx(1)
        for b in range(2):
            for kt2 in range(2):
                pltpu.make_async_copy(
                    img_b[b].at[kt2], out_hbm.at[pl.ds(0, 8 * IB)],
                    wsem_b[b]).wait()

    return gather


def kernel(time, pe):
    pe16 = pe.reshape(N_V, 4, 16).transpose(1, 0, 2).reshape(4 * N_V, 16)
    idx_all = (time.T[None, :, :]
               + (jnp.arange(4, dtype=jnp.int32) * N_V)[:, None, None]
               ).reshape(-1)
    flat = _make_gather()(pe16, idx_all)
    t = flat.reshape(N_J, 8, 128, 8, 128)
    return t.transpose(2, 4, 0, 1, 3).reshape(N_I, N_J, N_K)

# --- scband reference (transcript-rebuilt; emitter-appended) ---
"""Pipeline reference for scband-sinusoidal-positional-embedding-73882027426198 (READ-ONLY COPY).

The authoritative reference and input builder live on the scoring server;
editing this copy changes nothing except your own understanding.
"""

import jax, jax.numpy as jnp
import numpy as np

EMBED_DIM = 64
MAX_LENGTH = 8192
MAX_PERIOD = 10000.0


def _build_positional_encodings():
    pe = np.zeros((MAX_LENGTH, EMBED_DIM), dtype=np.float32)
    position = np.arange(0, MAX_LENGTH, dtype=np.float32)[:, None]
    div_term = np.exp(np.arange(0, EMBED_DIM, 2, dtype=np.float32) * (-np.log(MAX_PERIOD) / EMBED_DIM))
    pe[:, 0::2] = np.sin(position * div_term)
    pe[:, 1::2] = np.cos(position * div_term)
    return jnp.asarray(pe)


def setup_inputs(seed: int = 0) -> dict:
    key = jax.random.key(seed)
    time = jax.random.randint(key, (16384, 50), 0, MAX_LENGTH, dtype=jnp.int32)
    pe = _build_positional_encodings()
    return {"time": time, "pe": pe}


def reference(time, pe):
    # forward: self.positional_encodings[time.squeeze().long(), :]
    t = jnp.squeeze(time)  # no-op for [16384, 50]; mimics torch .squeeze()
    return jnp.take(pe, t, axis=0)

if __name__ == "__main__":
    import jax
    _d = setup_inputs()
    print(jax.jit(kernel)(*tuple(_d.values())))

</pallas_src>

<mosaic_0001>
#map = affine_map<(d0, d1) -> (0, 0)>
#map1 = affine_map<(d0, d1) -> (0)>
module attributes {stable_mosaic.version = 14 : i64} {
  func.func @gather(%arg0: i32, %arg1: i32, %arg2: memref<32768x16xf32, #tpu.memory_space<hbm>>, %arg3: memref<3276800xi32, #tpu.memory_space<hbm>>, %arg4: memref<52428800xf32, #tpu.memory_space<hbm>>, %arg5: memref<1024xi32, #tpu.memory_space<vmem>>, %arg6: memref<1024xi32, #tpu.memory_space<vmem>>, %arg7: memref<1024x16xf32, #tpu.memory_space<vmem>>, %arg8: memref<1024x16xf32, #tpu.memory_space<vmem>>, %arg9: memref<2x8192xf32, #tpu.memory_space<vmem>>, %arg10: memref<2x8192xf32, #tpu.memory_space<vmem>>, %arg11: memref<!tpu.dma_semaphore, #tpu.memory_space<semaphore_mem>>, %arg12: memref<!tpu.dma_semaphore, #tpu.memory_space<semaphore_mem>>, %arg13: memref<!tpu.dma_semaphore, #tpu.memory_space<semaphore_mem>>, %arg14: memref<!tpu.dma_semaphore, #tpu.memory_space<semaphore_mem>>, %arg15: memref<!tpu.dma_semaphore, #tpu.memory_space<semaphore_mem>>, %arg16: memref<!tpu.dma_semaphore, #tpu.memory_space<semaphore_mem>>) attributes {dimension_semantics = [#tpu.dimension_semantics<core_parallel>, #tpu.dimension_semantics<subcore_parallel>], iteration_bounds = array<i64: 2, 16>, scalar_prefetch = 0 : i64, scratch_operands = 12 : i64, tpu.core_type = #tpu.core_type<sc_vector_subcore>, window_params = [{transform_indices = #map}, {transform_indices = #map1}, {transform_indices = #map1}]} {
    %mul3A = arith.constant 2 : i32
    %mul3A_0 = arith.muli %arg1, %mul3A : i32
    %add3A = arith.addi %mul3A_0, %arg0 : i32
    %iota3A = tpu.iota {dimensions = array<i32: 0>} : vector<16xi32>
    %mul3A_1 = arith.constant 25 : i32
    %mul3A_2 = arith.muli %add3A, %mul3A_1 : i32
    %add3A_3 = arith.constant 0 : i32
    %add3A_4 = arith.addi %mul3A_2, %add3A_3 : i32
    %jit3A = arith.constant 16 : i32
    %div3A = arith.divsi %add3A_4, %jit3A : i32
    %sign3A = arith.constant 0 : i32
    %sign3A_5 = arith.cmpi sgt, %add3A_4, %sign3A : i32
    %sign3A_6 = arith.extui %sign3A_5 : i1 to i32
    %sign3A_7 = arith.constant 0 : i32
    %sign3A_8 = arith.cmpi slt, %add3A_4, %sign3A_7 : i32
    %sign3A_9 = arith.extui %sign3A_8 : i1 to i32
    %sign3A_10 = arith.subi %sign3A_6, %sign3A_9 : i32
    %sign3A_11 = arith.constant 0 : i32
    %sign3A_12 = arith.cmpi sgt, %jit3A, %sign3A_11 : i32
    %sign3A_13 = arith.extui %sign3A_12 : i1 to i32
    %sign3A_14 = arith.constant 0 : i32
    %sign3A_15 = arith.cmpi slt, %jit3A, %sign3A_14 : i32
    %sign3A_16 = arith.extui %sign3A_15 : i1 to i32
    %sign3A_17 = arith.subi %sign3A_13, %sign3A_16 : i32
    %ne3A = arith.cmpi ne, %sign3A_10, %sign3A_17 : i32
    %rem3A = arith.remsi %add3A_4, %jit3A : i32
    %ne3A_18 = arith.constant 0 : i32
    %ne3A_19 = arith.cmpi ne, %rem3A, %ne3A_18 : i32
    %and3A = arith.andi %ne3A, %ne3A_19 : i1
    %sub3A = arith.constant 1 : i32
    %sub3A_20 = arith.subi %div3A, %sub3A : i32
    %select_n3A = arith.select %and3A, %sub3A_20, %div3A : i32
    %jit3A_21 = arith.constant 16 : i32
    %eq3A = arith.constant 0 : i32
    %eq3A_22 = arith.cmpi eq, %jit3A_21, %eq3A : i32
    %jit3A_23 = arith.constant 1 : i32
    %select_n3A_24 = arith.select %eq3A_22, %jit3A_23, %jit3A_21 : i32
    %rem3A_25 = arith.remsi %add3A_4, %select_n3A_24 : i32
    %ne3A_26 = arith.constant 0 : i32
    %ne3A_27 = arith.cmpi ne, %rem3A_25, %ne3A_26 : i32
    %lt3A = arith.constant 0 : i32
    %lt3A_28 = arith.cmpi slt, %rem3A_25, %lt3A : i32
    %lt3A_29 = arith.constant 0 : i32
    %lt3A_30 = arith.cmpi slt, %select_n3A_24, %lt3A_29 : i32
    %ne3A_31 = arith.xori %lt3A_28, %lt3A_30 : i1
    %and3A_32 = arith.andi %ne3A_31, %ne3A_27 : i1
    %add3A_33 = arith.addi %rem3A_25, %select_n3A_24 : i32
    %select_n3A_34 = arith.select %and3A_32, %add3A_33, %rem3A_25 : i32
    %add3A_35 = arith.constant 0 : i32
    %add3A_36 = arith.addi %add3A_35, %select_n3A : i32
    %mul3A_37 = arith.constant 16384 : i32
    %mul3A_38 = arith.muli %add3A_36, %mul3A_37 : i32
    %mul3A_39 = arith.constant 1024 : i32
    %mul3A_40 = arith.muli %select_n3A_34, %mul3A_39 : i32
    %add3A_41 = arith.addi %mul3A_38, %mul3A_40 : i32
    %dma_start3A = tpu.memref_slice %arg3[%add3A_41] : memref<3276800xi32, #tpu.memory_space<hbm>> -> memref<1024xi32, #tpu.memory_space<hbm>>
    %dma_start3A_42 = tpu.memref_slice %arg3[%add3A_41] : memref<3276800xi32, #tpu.memory_space<hbm>> -> memref<1024xi32, #tpu.memory_space<hbm>>
    tpu.enqueue_dma source(%dma_start3A_42 : memref<1024xi32, #tpu.memory_space<hbm>>) target(%arg5 : memref<1024xi32, #tpu.memory_space<vmem>>) target_semaphore(%arg15 : memref<!tpu.dma_semaphore, #tpu.memory_space<semaphore_mem>>)
    %dma_wait3A = arith.constant 0 : i32
    %dma_wait3A_43 = tpu.memref_slice %arg3[%dma_wait3A] : memref<3276800xi32, #tpu.memory_space<hbm>> -> memref<1024xi32, #tpu.memory_space<hbm>>
    %dma_wait3A_44 = arith.constant 0 : i32
    %dma_wait3A_45 = tpu.memref_slice %arg3[%dma_wait3A_44] : memref<3276800xi32, #tpu.memory_space<hbm>> -> memref<1024xi32, #tpu.memory_space<hbm>>
    tpu.wait_dma2 semaphore(%arg15 : memref<!tpu.dma_semaphore, #tpu.memory_space<semaphore_mem>>) src(%dma_wait3A_45 : memref<1024xi32, #tpu.memory_space<hbm>>) dst(%arg5 : memref<1024xi32, #tpu.memory_space<vmem>>)
    %dma_start3A_46 = arith.constant 0 : i32
    %dma_start3A_47 = arith.constant 0 : i32
    %dma_start3A_48 = tpu.memref_slice %arg2[%dma_start3A_46, %dma_start3A_47] : memref<32768x16xf32, #tpu.memory_space<hbm>> -> memref<32768x16xf32, #tpu.memory_space<hbm>>
    tpu.enqueue_indirect_dma source(%dma_start3A_48 : memref<32768x16xf32, #tpu.memory_space<hbm>>) target(%arg7 : memref<1024x16xf32, #tpu.memory_space<vmem>>) offsets(%arg5 : memref<1024xi32, #tpu.memory_space<vmem>>) semaphore(%arg11 : memref<!tpu.dma_semaphore, #tpu.memory_space<semaphore_mem>>)
    %mul3A_49 = arith.constant 25 : i32
    %mul3A_50 = arith.muli %add3A, %mul3A_49 : i32
    %add3A_51 = arith.constant 0 : i32
    %add3A_52 = arith.addi %mul3A_50, %add3A_51 : i32
    %jit3A_53 = arith.constant 16 : i32
    %div3A_54 = arith.divsi %add3A_52, %jit3A_53 : i32
    %sign3A_55 = arith.constant 0 : i32
    %sign3A_56 = arith.cmpi sgt, %add3A_52, %sign3A_55 : i32
    %sign3A_57 = arith.extui %sign3A_56 : i1 to i32
    %sign3A_58 = arith.constant 0 : i32
    %sign3A_59 = arith.cmpi slt, %add3A_52, %sign3A_58 : i32
    %sign3A_60 = arith.extui %sign3A_59 : i1 to i32
    %sign3A_61 = arith.subi %sign3A_57, %sign3A_60 : i32
    %sign3A_62 = arith.constant 0 : i32
    %sign3A_63 = arith.cmpi sgt, %jit3A_53, %sign3A_62 : i32
    %sign3A_64 = arith.extui %sign3A_63 : i1 to i32
    %sign3A_65 = arith.constant 0 : i32
    %sign3A_66 = arith.cmpi slt, %jit3A_53, %sign3A_65 : i32
    %sign3A_67 = arith.extui %sign3A_66 : i1 to i32
    %sign3A_68 = arith.subi %sign3A_64, %sign3A_67 : i32
    %ne3A_69 = arith.cmpi ne, %sign3A_61, %sign3A_68 : i32
    %rem3A_70 = arith.remsi %add3A_52, %jit3A_53 : i32
    %ne3A_71 = arith.constant 0 : i32
    %ne3A_72 = arith.cmpi ne, %rem3A_70, %ne3A_71 : i32
    %and3A_73 = arith.andi %ne3A_69, %ne3A_72 : i1
    %sub3A_74 = arith.constant 1 : i32
    %sub3A_75 = arith.subi %div3A_54, %sub3A_74 : i32
    %select_n3A_76 = arith.select %and3A_73, %sub3A_75, %div3A_54 : i32
    %jit3A_77 = arith.constant 16 : i32
    %eq3A_78 = arith.constant 0 : i32
    %eq3A_79 = arith.cmpi eq, %jit3A_77, %eq3A_78 : i32
    %jit3A_80 = arith.constant 1 : i32
    %select_n3A_81 = arith.select %eq3A_79, %jit3A_80, %jit3A_77 : i32
    %rem3A_82 = arith.remsi %add3A_52, %select_n3A_81 : i32
    %ne3A_83 = arith.constant 0 : i32
    %ne3A_84 = arith.cmpi ne, %rem3A_82, %ne3A_83 : i32
    %lt3A_85 = arith.constant 0 : i32
    %lt3A_86 = arith.cmpi slt, %rem3A_82, %lt3A_85 : i32
    %lt3A_87 = arith.constant 0 : i32
    %lt3A_88 = arith.cmpi slt, %select_n3A_81, %lt3A_87 : i32
    %ne3A_89 = arith.xori %lt3A_86, %lt3A_88 : i1
    %and3A_90 = arith.andi %ne3A_89, %ne3A_84 : i1
    %add3A_91 = arith.addi %rem3A_82, %select_n3A_81 : i32
    %select_n3A_92 = arith.select %and3A_90, %add3A_91, %rem3A_82 : i32
    %add3A_93 = arith.constant 50 : i32
    %add3A_94 = arith.addi %add3A_93, %select_n3A_76 : i32
    %mul3A_95 = arith.constant 16384 : i32
    %mul3A_96 = arith.muli %add3A_94, %mul3A_95 : i32
    %mul3A_97 = arith.constant 1024 : i32
    %mul3A_98 = arith.muli %select_n3A_92, %mul3A_97 : i32
    %add3A_99 = arith.addi %mul3A_96, %mul3A_98 : i32
    %dma_start3A_100 = tpu.memref_slice %arg3[%add3A_99] : memref<3276800xi32, #tpu.memory_space<hbm>> -> memref<1024xi32, #tpu.memory_space<hbm>>
    %dma_start3A_101 = tpu.memref_slice %arg3[%add3A_99] : memref<3276800xi32, #tpu.memory_space<hbm>> -> memref<1024xi32, #tpu.memory_space<hbm>>
    tpu.enqueue_dma source(%dma_start3A_101 : memref<1024xi32, #tpu.memory_space<hbm>>) target(%arg6 : memref<1024xi32, #tpu.memory_space<vmem>>) target_semaphore(%arg16 : memref<!tpu.dma_semaphore, #tpu.memory_space<semaphore_mem>>)
    %scan3A = arith.constant 0 : i32
    %scan3A_102 = arith.constant 0 : i32
    %scan3A_103 = arith.constant 50 : i32
    %scan3A_104 = arith.addi %scan3A_102, %scan3A_103 : i32
    %scan3A_105 = arith.constant 1 : i32
    scf.for %scan3A_158 = %scan3A_102 to %scan3A_104 step %scan3A_105  : i32 {
      %mul3A_159 = arith.constant 2 : i32
      %mul3A_160 = arith.muli %scan3A_158, %mul3A_159 : i32
      %add3A_161 = arith.constant 0 : i32
      %add3A_162 = arith.addi %mul3A_160, %add3A_161 : i32
      %dma_wait3A_163 = arith.constant 0 : i32
      %dma_wait3A_164 = tpu.memref_slice %arg3[%dma_wait3A_163] : memref<3276800xi32, #tpu.memory_space<hbm>> -> memref<1024xi32, #tpu.memory_space<hbm>>
      %dma_wait3A_165 = arith.constant 0 : i32
      %dma_wait3A_166 = tpu.memref_slice %arg3[%dma_wait3A_165] : memref<3276800xi32, #tpu.memory_space<hbm>> -> memref<1024xi32, #tpu.memory_space<hbm>>
      tpu.wait_dma2 semaphore(%arg16 : memref<!tpu.dma_semaphore, #tpu.memory_space<semaphore_mem>>) src(%dma_wait3A_166 : memref<1024xi32, #tpu.memory_space<hbm>>) dst(%arg6 : memref<1024xi32, #tpu.memory_space<vmem>>)
      %dma_start3A_167 = arith.constant 0 : i32
      %dma_start3A_168 = arith.constant 0 : i32
      %dma_start3A_169 = tpu.memref_slice %arg2[%dma_start3A_167, %dma_start3A_168] : memref<32768x16xf32, #tpu.memory_space<hbm>> -> memref<32768x16xf32, #tpu.memory_space<hbm>>
      tpu.enqueue_indirect_dma source(%dma_start3A_169 : memref<32768x16xf32, #tpu.memory_space<hbm>>) target(%arg8 : memref<1024x16xf32, #tpu.memory_space<vmem>>) offsets(%arg6 : memref<1024xi32, #tpu.memory_space<vmem>>) semaphore(%arg12 : memref<!tpu.dma_semaphore, #tpu.memory_space<semaphore_mem>>)
      %dma_wait3A_170 = arith.constant 0 : i32
      %dma_wait3A_171 = arith.constant 0 : i32
      %dma_wait3A_172 = tpu.memref_slice %arg2[%dma_wait3A_170, %dma_wait3A_171] : memref<32768x16xf32, #tpu.memory_space<hbm>> -> memref<32768x16xf32, #tpu.memory_space<hbm>>
      tpu.wait_indirect_dma semaphore(%arg11 : memref<!tpu.dma_semaphore, #tpu.memory_space<semaphore_mem>>) src(%dma_wait3A_172 : memref<32768x16xf32, #tpu.memory_space<hbm>>) dst(%arg7 : memref<1024x16xf32, #tpu.memory_space<vmem>>)
      %add3A_173 = arith.constant 2 : i32
      %add3A_174 = arith.addi %add3A_162, %add3A_173 : i32
      %min3A = arith.constant 99 : i32
      %min3A_175 = arith.minsi %add3A_174, %min3A : i32
      %mul3A_176 = arith.constant 25 : i32
      %mul3A_177 = arith.muli %add3A, %mul3A_176 : i32
      %jit3A_178 = arith.constant 4 : i32
      %div3A_179 = arith.divsi %min3A_175, %jit3A_178 : i32
      %sign3A_180 = arith.constant 0 : i32
      %sign3A_181 = arith.cmpi sgt, %min3A_175, %sign3A_180 : i32
      %sign3A_182 = arith.extui %sign3A_181 : i1 to i32
      %sign3A_183 = arith.constant 0 : i32
      %sign3A_184 = arith.cmpi slt, %min3A_175, %sign3A_183 : i32
      %sign3A_185 = arith.extui %sign3A_184 : i1 to i32
      %sign3A_186 = arith.subi %sign3A_182, %sign3A_185 : i32
      %sign3A_187 = arith.constant 0 : i32
      %sign3A_188 = arith.cmpi sgt, %jit3A_178, %sign3A_187 : i32
      %sign3A_189 = arith.extui %sign3A_188 : i1 to i32
      %sign3A_190 = arith.constant 0 : i32
      %sign3A_191 = arith.cmpi slt, %jit3A_178, %sign3A_190 : i32
      %sign3A_192 = arith.extui %sign3A_191 : i1 to i32
      %sign3A_193 = arith.subi %sign3A_189, %sign3A_192 : i32
      %ne3A_194 = arith.cmpi ne, %sign3A_186, %sign3A_193 : i32
      %rem3A_195 = arith.remsi %min3A_175, %jit3A_178 : i32
      %ne3A_196 = arith.constant 0 : i32
      %ne3A_197 = arith.cmpi ne, %rem3A_195, %ne3A_196 : i32
      %and3A_198 = arith.andi %ne3A_194, %ne3A_197 : i1
      %sub3A_199 = arith.constant 1 : i32
      %sub3A_200 = arith.subi %div3A_179, %sub3A_199 : i32
      %select_n3A_201 = arith.select %and3A_198, %sub3A_200, %div3A_179 : i32
      %add3A_202 = arith.addi %mul3A_177, %select_n3A_201 : i32
      %jit3A_203 = arith.constant 4 : i32
      %eq3A_204 = arith.constant 0 : i32
      %eq3A_205 = arith.cmpi eq, %jit3A_203, %eq3A_204 : i32
      %jit3A_206 = arith.constant 1 : i32
      %select_n3A_207 = arith.select %eq3A_205, %jit3A_206, %jit3A_203 : i32
      %rem3A_208 = arith.remsi %min3A_175, %select_n3A_207 : i32
      %ne3A_209 = arith.constant 0 : i32
      %ne3A_210 = arith.cmpi ne, %rem3A_208, %ne3A_209 : i32
      %lt3A_211 = arith.constant 0 : i32
      %lt3A_212 = arith.cmpi slt, %rem3A_208, %lt3A_211 : i32
      %lt3A_213 = arith.constant 0 : i32
      %lt3A_214 = arith.cmpi slt, %select_n3A_207, %lt3A_213 : i32
      %ne3A_215 = arith.xori %lt3A_212, %lt3A_214 : i1
      %and3A_216 = arith.andi %ne3A_215, %ne3A_210 : i1
      %add3A_217 = arith.addi %rem3A_208, %select_n3A_207 : i32
      %select_n3A_218 = arith.select %and3A_216, %add3A_217, %rem3A_208 : i32
      %jit3A_219 = arith.constant 16 : i32
      %div3A_220 = arith.divsi %add3A_202, %jit3A_219 : i32
      %sign3A_221 = arith.constant 0 : i32
      %sign3A_222 = arith.cmpi sgt, %add3A_202, %sign3A_221 : i32
      %sign3A_223 = arith.extui %sign3A_222 : i1 to i32
      %sign3A_224 = arith.constant 0 : i32
      %sign3A_225 = arith.cmpi slt, %add3A_202, %sign3A_224 : i32
      %sign3A_226 = arith.extui %sign3A_225 : i1 to i32
      %sign3A_227 = arith.subi %sign3A_223, %sign3A_226 : i32
      %sign3A_228 = arith.constant 0 : i32
      %sign3A_229 = arith.cmpi sgt, %jit3A_219, %sign3A_228 : i32
      %sign3A_230 = arith.extui %sign3A_229 : i1 to i32
      %sign3A_231 = arith.constant 0 : i32
      %sign3A_232 = arith.cmpi slt, %jit3A_219, %sign3A_231 : i32
      %sign3A_233 = arith.extui %sign3A_232 : i1 to i32
      %sign3A_234 = arith.subi %sign3A_230, %sign3A_233 : i32
      %ne3A_235 = arith.cmpi ne, %sign3A_227, %sign3A_234 : i32
      %rem3A_236 = arith.remsi %add3A_202, %jit3A_219 : i32
      %ne3A_237 = arith.constant 0 : i32
      %ne3A_238 = arith.cmpi ne, %rem3A_236, %ne3A_237 : i32
      %and3A_239 = arith.andi %ne3A_235, %ne3A_238 : i1
      %sub3A_240 = arith.constant 1 : i32
      %sub3A_241 = arith.subi %div3A_220, %sub3A_240 : i32
      %select_n3A_242 = arith.select %and3A_239, %sub3A_241, %div3A_220 : i32
      %jit3A_243 = arith.constant 16 : i32
      %eq3A_244 = arith.constant 0 : i32
      %eq3A_245 = arith.cmpi eq, %jit3A_243, %eq3A_244 : i32
      %jit3A_246 = arith.constant 1 : i32
      %select_n3A_247 = arith.select %eq3A_245, %jit3A_246, %jit3A_243 : i32
      %rem3A_248 = arith.remsi %add3A_202, %select_n3A_247 : i32
      %ne3A_249 = arith.constant 0 : i32
      %ne3A_250 = arith.cmpi ne, %rem3A_248, %ne3A_249 : i32
      %lt3A_251 = arith.constant 0 : i32
      %lt3A_252 = arith.cmpi slt, %rem3A_248, %lt3A_251 : i32
      %lt3A_253 = arith.constant 0 : i32
      %lt3A_254 = arith.cmpi slt, %select_n3A_247, %lt3A_253 : i32
      %ne3A_255 = arith.xori %lt3A_252, %lt3A_254 : i1
      %and3A_256 = arith.andi %ne3A_255, %ne3A_250 : i1
      %add3A_257 = arith.addi %rem3A_248, %select_n3A_247 : i32
      %select_n3A_258 = arith.select %and3A_256, %add3A_257, %rem3A_248 : i32
      %mul3A_259 = arith.constant 50 : i32
      %mul3A_260 = arith.muli %select_n3A_218, %mul3A_259 : i32
      %add3A_261 = arith.addi %mul3A_260, %select_n3A_242 : i32
      %mul3A_262 = arith.constant 16384 : i32
      %mul3A_263 = arith.muli %add3A_261, %mul3A_262 : i32
      %mul3A_264 = arith.constant 1024 : i32
      %mul3A_265 = arith.muli %select_n3A_258, %mul3A_264 : i32
      %add3A_266 = arith.addi %mul3A_263, %mul3A_265 : i32
      %dma_start3A_267 = tpu.memref_slice %arg3[%add3A_266] : memref<3276800xi32, #tpu.memory_space<hbm>> -> memref<1024xi32, #tpu.memory_space<hbm>>
      %dma_start3A_268 = tpu.memref_slice %arg3[%add3A_266] : memref<3276800xi32, #tpu.memory_space<hbm>> -> memref<1024xi32, #tpu.memory_space<hbm>>
      tpu.enqueue_dma source(%dma_start3A_268 : memref<1024xi32, #tpu.memory_space<hbm>>) target(%arg5 : memref<1024xi32, #tpu.memory_space<vmem>>) target_semaphore(%arg15 : memref<!tpu.dma_semaphore, #tpu.memory_space<semaphore_mem>>)
      %ge3A = arith.constant 1 : i32
      %ge3A_269 = arith.cmpi sge, %scan3A_158, %ge3A : i32
      %convert_element_type3A = arith.extui %ge3A_269 : i1 to i32
      %cond3A = arith.constant 0 : i32
      %cond3A_270 = arith.cmpi ne, %convert_element_type3A, %cond3A : i32
      scf.if %cond3A_270 {
        %dma_wait3A_649 = arith.constant 0 : i32
        %dma_wait3A_650 = arith.constant 0 : i32
        %dma_wait3A_651 = tpu.memref_slice %arg9[%dma_wait3A_649, %dma_wait3A_650] : memref<2x8192xf32, #tpu.memory_space<vmem>> -> memref<1x8192xf32, #tpu.memory_space<vmem>>
        %dma_wait3A_652 = tpu.memref_squeeze %dma_wait3A_651 : memref<1x8192xf32, #tpu.memory_space<vmem>> -> memref<8192xf32, #tpu.memory_space<vmem>>
        %dma_wait3A_653 = arith.constant 0 : i32
        %dma_wait3A_654 = tpu.memref_slice %arg4[%dma_wait3A_653] : memref<52428800xf32, #tpu.memory_space<hbm>> -> memref<8192xf32, #tpu.memory_space<hbm>>
        %dma_wait3A_655 = arith.constant 0 : i32
        %dma_wait3A_656 = tpu.memref_slice %arg4[%dma_wait3A_655] : memref<52428800xf32, #tpu.memory_space<hbm>> -> memref<8192xf32, #tpu.memory_space<hbm>>
        %dma_wait3A_657 = arith.constant 0 : i32
        %dma_wait3A_658 = tpu.memref_slice %arg9[%dma_wait3A_649, %dma_wait3A_657] : memref<2x8192xf32, #tpu.memory_space<vmem>> -> memref<1x8192xf32, #tpu.memory_space<vmem>>
        %dma_wait3A_659 = tpu.memref_squeeze %dma_wait3A_658 : memref<1x8192xf32, #tpu.memory_space<vmem>> -> memref<8192xf32, #tpu.memory_space<vmem>>
        tpu.wait_dma2 semaphore(%arg13 : memref<!tpu.dma_semaphore, #tpu.memory_space<semaphore_mem>>) src(%dma_wait3A_659 : memref<8192xf32, #tpu.memory_space<vmem>>) dst(%dma_wait3A_656 : memref<8192xf32, #tpu.memory_space<hbm>>)
        %dma_wait3A_660 = arith.constant 1 : i32
        %dma_wait3A_661 = arith.constant 0 : i32
        %dma_wait3A_662 = tpu.memref_slice %arg9[%dma_wait3A_660, %dma_wait3A_661] : memref<2x8192xf32, #tpu.memory_space<vmem>> -> memref<1x8192xf32, #tpu.memory_space<vmem>>
        %dma_wait3A_663 = tpu.memref_squeeze %dma_wait3A_662 : memref<1x8192xf32, #tpu.memory_space<vmem>> -> memref<8192xf32, #tpu.memory_space<vmem>>
        %dma_wait3A_664 = arith.constant 0 : i32
        %dma_wait3A_665 = tpu.memref_slice %arg4[%dma_wait3A_664] : memref<52428800xf32, #tpu.memory_space<hbm>> -> memref<8192xf32, #tpu.memory_space<hbm>>
        %dma_wait3A_666 = arith.constant 0 : i32
        %dma_wait3A_667 = tpu.memref_slice %arg4[%dma_wait3A_666] : memref<52428800xf32, #tpu.memory_space<hbm>> -> memref<8192xf32, #tpu.memory_space<hbm>>
        %dma_wait3A_668 = arith.constant 0 : i32
        %dma_wait3A_669 = tpu.memref_slice %arg9[%dma_wait3A_660, %dma_wait3A_668] : memref<2x8192xf32, #tpu.memory_space<vmem>> -> memref<1x8192xf32, #tpu.memory_space<vmem>>
        %dma_wait3A_670 = tpu.memref_squeeze %dma_wait3A_669 : memref<1x8192xf32, #tpu.memory_space<vmem>> -> memref<8192xf32, #tpu.memory_space<vmem>>
        tpu.wait_dma2 semaphore(%arg13 : memref<!tpu.dma_semaphore, #tpu.memory_space<semaphore_mem>>) src(%dma_wait3A_670 : memref<8192xf32, #tpu.memory_space<vmem>>) dst(%dma_wait3A_667 : memref<8192xf32, #tpu.memory_space<hbm>>)
      } else {
      }
      %scan3A_271 = arith.constant 0 : i32
      %scan3A_272 = arith.constant 0 : i32
      %scan3A_273 = arith.constant 8 : i32
      %scan3A_274 = arith.addi %scan3A_272, %scan3A_273 : i32
      %scan3A_275 = arith.constant 1 : i32
      scf.for %scan3A_649 = %scan3A_272 to %scan3A_274 step %scan3A_275  : i32 {
        %mul3A_650 = arith.constant 128 : i32
        %mul3A_651 = arith.muli %scan3A_649, %mul3A_650 : i32
        %add3A_652 = arith.constant 0 : i32
        %add3A_653 = arith.addi %mul3A_651, %add3A_652 : i32
        %broadcast_in_dim3A = vector.broadcast %add3A_653 : i32 to vector<16xi32>
        %add3A_654 = arith.addi %broadcast_in_dim3A, %iota3A : vector<16xi32>
        %broadcast_in_dim3A_655 = arith.constant 0 : i32
        %broadcast_in_dim3A_656 = vector.broadcast %broadcast_in_dim3A_655 : i32 to vector<16xi32>
        %gather3A = tpu.vector_load_idx %arg7[%add3A_654, %broadcast_in_dim3A_656] : memref<1024x16xf32, #tpu.memory_space<vmem>>[vector<16xi32>, vector<16xi32>], vector<16xf32>,
        %broadcast_in_dim3A_657 = arith.constant 1 : i32
        %broadcast_in_dim3A_658 = vector.broadcast %broadcast_in_dim3A_657 : i32 to vector<16xi32>
        %gather3A_659 = tpu.vector_load_idx %arg7[%add3A_654, %broadcast_in_dim3A_658] : memref<1024x16xf32, #tpu.memory_space<vmem>>[vector<16xi32>, vector<16xi32>], vector<16xf32>,
        %broadcast_in_dim3A_660 = arith.constant 2 : i32
        %broadcast_in_dim3A_661 = vector.broadcast %broadcast_in_dim3A_660 : i32 to vector<16xi32>
        %gather3A_662 = tpu.vector_load_idx %arg7[%add3A_654, %broadcast_in_dim3A_661] : memref<1024x16xf32, #tpu.memory_space<vmem>>[vector<16xi32>, vector<16xi32>], vector<16xf32>,
        %broadcast_in_dim3A_663 = arith.constant 3 : i32
        %broadcast_in_dim3A_664 = vector.broadcast %broadcast_in_dim3A_663 : i32 to vector<16xi32>
        %gather3A_665 = tpu.vector_load_idx %arg7[%add3A_654, %broadcast_in_dim3A_664] : memref<1024x16xf32, #tpu.memory_space<vmem>>[vector<16xi32>, vector<16xi32>], vector<16xf32>,
        %broadcast_in_dim3A_666 = arith.constant 4 : i32
        %broadcast_in_dim3A_667 = vector.broadcast %broadcast_in_dim3A_666 : i32 to vector<16xi32>
        %gather3A_668 = tpu.vector_load_idx %arg7[%add3A_654, %broadcast_in_dim3A_667] : memref<1024x16xf32, #tpu.memory_space<vmem>>[vector<16xi32>, vector<16xi32>], vector<16xf32>,
        %broadcast_in_dim3A_669 = arith.constant 5 : i32
        %broadcast_in_dim3A_670 = vector.broadcast %broadcast_in_dim3A_669 : i32 to vector<16xi32>
        %gather3A_671 = tpu.vector_load_idx %arg7[%add3A_654, %broadcast_in_dim3A_670] : memref<1024x16xf32, #tpu.memory_space<vmem>>[vector<16xi32>, vector<16xi32>], vector<16xf32>,
        %broadcast_in_dim3A_672 = arith.constant 6 : i32
        %broadcast_in_dim3A_673 = vector.broadcast %broadcast_in_dim3A_672 : i32 to vector<16xi32>
        %gather3A_674 = tpu.vector_load_idx %arg7[%add3A_654, %broadcast_in_dim3A_673] : memref<1024x16xf32, #tpu.memory_space<vmem>>[vector<16xi32>, vector<16xi32>], vector<16xf32>,
        %broadcast_in_dim3A_675 = arith.constant 7 : i32
        %broadcast_in_dim3A_676 = vector.broadcast %broadcast_in_dim3A_675 : i32 to vector<16xi32>
        %gather3A_677 = tpu.vector_load_idx %arg7[%add3A_654, %broadcast_in_dim3A_676] : memref<1024x16xf32, #tpu.memory_space<vmem>>[vector<16xi32>, vector<16xi32>], vector<16xf32>,
        %broadcast_in_dim3A_678 = arith.constant 8 : i32
        %broadcast_in_dim3A_679 = vector.broadcast %broadcast_in_dim3A_678 : i32 to vector<16xi32>
        %gather3A_680 = tpu.vector_load_idx %arg7[%add3A_654, %broadcast_in_dim3A_679] : memref<1024x16xf32, #tpu.memory_space<vmem>>[vector<16xi32>, vector<16xi32>], vector<16xf32>,
        %broadcast_in_dim3A_681 = arith.constant 9 : i32
        %broadcast_in_dim3A_682 = vector.broadcast %broadcast_in_dim3A_681 : i32 to vector<16xi32>
        %gather3A_683 = tpu.vector_load_idx %arg7[%add3A_654, %broadcast_in_dim3A_682] : memref<1024x16xf32, #tpu.memory_space<vmem>>[vector<16xi32>, vector<16xi32>], vector<16xf32>,
        %broadcast_in_dim3A_684 = arith.constant 10 : i32
        %broadcast_in_dim3A_685 = vector.broadcast %broadcast_in_dim3A_684 : i32 to vector<16xi32>
        %gather3A_686 = tpu.vector_load_idx %arg7[%add3A_654, %broadcast_in_dim3A_685] : memref<1024x16xf32, #tpu.memory_space<vmem>>[vector<16xi32>, vector<16xi32>], vector<16xf32>,
        %broadcast_in_dim3A_687 = arith.constant 11 : i32
        %broadcast_in_dim3A_688 = vector.broadcast %broadcast_in_dim3A_687 : i32 to vector<16xi32>
        %gather3A_689 = tpu.vector_load_idx %arg7[%add3A_654, %broadcast_in_dim3A_688] : memref<1024x16xf32, #tpu.memory_space<vmem>>[vector<16xi32>, vector<16xi32>], vector<16xf32>,
        %broadcast_in_dim3A_690 = arith.constant 12 : i32
        %broadcast_in_dim3A_691 = vector.broadcast %broadcast_in_dim3A_690 : i32 to vector<16xi32>
        %gather3A_692 = tpu.vector_load_idx %arg7[%add3A_654, %broadcast_in_dim3A_691] : memref<1024x16xf32, #tpu.memory_space<vmem>>[vector<16xi32>, vector<16xi32>], vector<16xf32>,
        %broadcast_in_dim3A_693 = arith.constant 13 : i32
        %broadcast_in_dim3A_694 = vector.broadcast %broadcast_in_dim3A_693 : i32 to vector<16xi32>
        %gather3A_695 = tpu.vector_load_idx %arg7[%add3A_654, %broadcast_in_dim3A_694] : memref<1024x16xf32, #tpu.memory_space<vmem>>[vector<16xi32>, vector<16xi32>], vector<16xf32>,
        %broadcast_in_dim3A_696 = arith.constant 14 : i32
        %broadcast_in_dim3A_697 = vector.broadcast %broadcast_in_dim3A_696 : i32 to vector<16xi32>
        %gather3A_698 = tpu.vector_load_idx %arg7[%add3A_654, %broadcast_in_dim3A_697] : memref<1024x16xf32, #tpu.memory_space<vmem>>[vector<16xi32>, vector<16xi32>], vector<16xf32>,
        %broadcast_in_dim3A_699 = arith.constant 15 : i32
        %broadcast_in_dim3A_700 = vector.broadcast %broadcast_in_dim3A_699 : i32 to vector<16xi32>
        %gather3A_701 = tpu.vector_load_idx %arg7[%add3A_654, %broadcast_in_dim3A_700] : memref<1024x16xf32, #tpu.memory_space<vmem>>[vector<16xi32>, vector<16xi32>], vector<16xf32>,
        %mul3A_702 = arith.constant 1024 : i32
        %mul3A_703 = arith.muli %scan3A_649, %mul3A_702 : i32
        %add3A_704 = arith.constant 0 : i32
        %add3A_705 = arith.addi %mul3A_703, %add3A_704 : i32
        %add3A_706 = arith.constant 0 : i32
        %add3A_707 = arith.addi %add3A_705, %add3A_706 : i32
        %swap3A = arith.constant 0 : i32
        %swap3A_708 = arith.index_cast %swap3A : i32 to index
        %swap3A_709 = arith.index_cast %add3A_707 : i32 to index
        %swap3A_710 = tpu.vector_load %arg9[%swap3A_708, %swap3A_709] {strides = array<i32>} : memref<2x8192xf32, #tpu.memory_space<vmem>>, vector<16xf32>,
        tpu.vector_store %arg9[%swap3A_708, %swap3A_709], %gather3A {strides = array<i32>} : memref<2x8192xf32, #tpu.memory_space<vmem>>, vector<16xf32>,
        %mul3A_711 = arith.constant 1024 : i32
        %mul3A_712 = arith.muli %scan3A_649, %mul3A_711 : i32
        %add3A_713 = arith.constant 128 : i32
        %add3A_714 = arith.addi %mul3A_712, %add3A_713 : i32
        %add3A_715 = arith.constant 0 : i32
        %add3A_716 = arith.addi %add3A_714, %add3A_715 : i32
        %swap3A_717 = arith.constant 0 : i32
        %swap3A_718 = arith.index_cast %swap3A_717 : i32 to index
        %swap3A_719 = arith.index_cast %add3A_716 : i32 to index
        %swap3A_720 = tpu.vector_load %arg9[%swap3A_718, %swap3A_719] {strides = array<i32>} : memref<2x8192xf32, #tpu.memory_space<vmem>>, vector<16xf32>,
        tpu.vector_store %arg9[%swap3A_718, %swap3A_719], %gather3A_659 {strides = array<i32>} : memref<2x8192xf32, #tpu.memory_space<vmem>>, vector<16xf32>,
        %mul3A_721 = arith.constant 1024 : i32
        %mul3A_722 = arith.muli %scan3A_649, %mul3A_721 : i32
        %add3A_723 = arith.constant 256 : i32
        %add3A_724 = arith.addi %mul3A_722, %add3A_723 : i32
        %add3A_725 = arith.constant 0 : i32
        %add3A_726 = arith.addi %add3A_724, %add3A_725 : i32
        %swap3A_727 = arith.constant 0 : i32
        %swap3A_728 = arith.index_cast %swap3A_727 : i32 to index
        %swap3A_729 = arith.index_cast %add3A_726 : i32 to index
        %swap3A_730 = tpu.vector_load %arg9[%swap3A_728, %swap3A_729] {strides = array<i32>} : memref<2x8192xf32, #tpu.memory_space<vmem>>, vector<16xf32>,
        tpu.vector_store %arg9[%swap3A_728, %swap3A_729], %gather3A_662 {strides = array<i32>} : memref<2x8192xf32, #tpu.memory_space<vmem>>, vector<16xf32>,
        %mul3A_731 = arith.constant 1024 : i32
        %mul3A_732 = arith.muli %scan3A_649, %mul3A_731 : i32
        %add3A_733 = arith.constant 384 : i32
        %add3A_734 = arith.addi %mul3A_732, %add3A_733 : i32
        %add3A_735 = arith.constant 0 : i32
        %add3A_736 = arith.addi %add3A_734, %add3A_735 : i32
        %swap3A_737 = arith.constant 0 : i32
        %swap3A_738 = arith.index_cast %swap3A_737 : i32 to index
        %swap3A_739 = arith.index_cast %add3A_736 : i32 to index
        %swap3A_740 = tpu.vector_load %arg9[%swap3A_738, %swap3A_739] {strides = array<i32>} : memref<2x8192xf32, #tpu.memory_space<vmem>>, vector<16xf32>,
        tpu.vector_store %arg9[%swap3A_738, %swap3A_739], %gather3A_665 {strides = array<i32>} : memref<2x8192xf32, #tpu.memory_space<vmem>>, vector<16xf32>,
        %mul3A_741 = arith.constant 1024 : i32
        %mul3A_742 = arith.muli %scan3A_649, %mul3A_741 : i32
        %add3A_743 = arith.constant 512 : i32
        %add3A_744 = arith.addi %mul3A_742, %add3A_743 : i32
        %add3A_745 = arith.constant 0 : i32
        %add3A_746 = arith.addi %add3A_744, %add3A_745 : i32
        %swap3A_747 = arith.constant 0 : i32
        %swap3A_748 = arith.index_cast %swap3A_747 : i32 to index
        %swap3A_749 = arith.index_cast %add3A_746 : i32 to index
        %swap3A_750 = tpu.vector_load %arg9[%swap3A_748, %swap3A_749] {strides = array<i32>} : memref<2x8192xf32, #tpu.memory_space<vmem>>, vector<16xf32>,
        tpu.vector_store %arg9[%swap3A_748, %swap3A_749], %gather3A_668 {strides = array<i32>} : memref<2x8192xf32, #tpu.memory_space<vmem>>, vector<16xf32>,
        %mul3A_751 = arith.constant 1024 : i32
        %mul3A_752 = arith.muli %scan3A_649, %mul3A_751 : i32
        %add3A_753 = arith.constant 640 : i32
        %add3A_754 = arith.addi %mul3A_752, %add3A_753 : i32
        %add3A_755 = arith.constant 0 : i32
        %add3A_756 = arith.addi %add3A_754, %add3A_755 : i32
        %swap3A_757 = arith.constant 0 : i32
        %swap3A_758 = arith.index_cast %swap3A_757 : i32 to index
        %swap3A_759 = arith.index_cast %add3A_756 : i32 to index
        %swap3A_760 = tpu.vector_load %arg9[%swap3A_758, %swap3A_759] {strides = array<i32>} : memref<2x8192xf32, #tpu.memory_space<vmem>>, vector<16xf32>,
        tpu.vector_store %arg9[%swap3A_758, %swap3A_759], %gather3A_671 {strides = array<i32>} : memref<2x8192xf32, #tpu.memory_space<vmem>>, vector<16xf32>,
        %mul3A_761 = arith.constant 1024 : i32
        %mul3A_762 = arith.muli %scan3A_649, %mul3A_761 : i32
        %add3A_763 = arith.constant 768 : i32
        %add3A_764 = arith.addi %mul3A_762, %add3A_763 : i32
        %add3A_765 = arith.constant 0 : i32
        %add3A_766 = arith.addi %add3A_764, %add3A_765 : i32
        %swap3A_767 = arith.constant 0 : i32
        %swap3A_768 = arith.index_cast %swap3A_767 : i32 to index
        %swap3A_769 = arith.index_cast %add3A_766 : i32 to index
        %swap3A_770 = tpu.vector_load %arg9[%swap3A_768, %swap3A_769] {strides = array<i32>} : memref<2x8192xf32, #tpu.memory_space<vmem>>, vector<16xf32>,
        tpu.vector_store %arg9[%swap3A_768, %swap3A_769], %gather3A_674 {strides = array<i32>} : memref<2x8192xf32, #tpu.memory_space<vmem>>, vector<16xf32>,
        %mul3A_771 = arith.constant 1024 : i32
        %mul3A_772 = arith.muli %scan3A_649, %mul3A_771 : i32
        %add3A_773 = arith.constant 896 : i32
        %add3A_774 = arith.addi %mul3A_772, %add3A_773 : i32
        %add3A_775 = arith.constant 0 : i32
        %add3A_776 = arith.addi %add3A_774, %add3A_775 : i32
        %swap3A_777 = arith.constant 0 : i32
        %swap3A_778 = arith.index_cast %swap3A_777 : i32 to index
        %swap3A_779 = arith.index_cast %add3A_776 : i32 to index
        %swap3A_780 = tpu.vector_load %arg9[%swap3A_778, %swap3A_779] {strides = array<i32>} : memref<2x8192xf32, #tpu.memory_space<vmem>>, vector<16xf32>,
        tpu.vector_store %arg9[%swap3A_778, %swap3A_779], %gather3A_677 {strides = array<i32>} : memref<2x8192xf32, #tpu.memory_space<vmem>>, vector<16xf32>,
        %mul3A_781 = arith.constant 1024 : i32
        %mul3A_782 = arith.muli %scan3A_649, %mul3A_781 : i32
        %add3A_783 = arith.constant 0 : i32
        %add3A_784 = arith.addi %mul3A_782, %add3A_783 : i32
        %add3A_785 = arith.constant 0 : i32
        %add3A_786 = arith.addi %add3A_784, %add3A_785 : i32
        %swap3A_787 = arith.constant 1 : i32
        %swap3A_788 = arith.index_cast %swap3A_787 : i32 to index
        %swap3A_789 = arith.index_cast %add3A_786 : i32 to index
        %swap3A_790 = tpu.vector_load %arg9[%swap3A_788, %swap3A_789] {strides = array<i32>} : memref<2x8192xf32, #tpu.memory_space<vmem>>, vector<16xf32>,
        tpu.vector_store %arg9[%swap3A_788, %swap3A_789], %gather3A_680 {strides = array<i32>} : memref<2x8192xf32, #tpu.memory_space<vmem>>, vector<16xf32>,
        %mul3A_791 = arith.constant 1024 : i32
        %mul3A_792 = arith.muli %scan3A_649, %mul3A_791 : i32
        %add3A_793 = arith.constant 128 : i32
        %add3A_794 = arith.addi %mul3A_792, %add3A_793 : i32
        %add3A_795 = arith.constant 0 : i32
        %add3A_796 = arith.addi %add3A_794, %add3A_795 : i32
        %swap3A_797 = arith.constant 1 : i32
        %swap3A_798 = arith.index_cast %swap3A_797 : i32 to index
        %swap3A_799 = arith.index_cast %add3A_796 : i32 to index
        %swap3A_800 = tpu.vector_load %arg9[%swap3A_798, %swap3A_799] {strides = array<i32>} : memref<2x8192xf32, #tpu.memory_space<vmem>>, vector<16xf32>,
        tpu.vector_store %arg9[%swap3A_798, %swap3A_799], %gather3A_683 {strides = array<i32>} : memref<2x8192xf32, #tpu.memory_space<vmem>>, vector<16xf32>,
        %mul3A_801 = arith.constant 1024 : i32
        %mul3A_802 = arith.muli %scan3A_649, %mul3A_801 : i32
        %add3A_803 = arith.constant 256 : i32
        %add3A_804 = arith.addi %mul3A_802, %add3A_803 : i32
        %add3A_805 = arith.constant 0 : i32
        %add3A_806 = arith.addi %add3A_804, %add3A_805 : i32
        %swap3A_807 = arith.constant 1 : i32
        %swap3A_808 = arith.index_cast %swap3A_807 : i32 to index
        %swap3A_809 = arith.index_cast %add3A_806 : i32 to index
        %swap3A_810 = tpu.vector_load %arg9[%swap3A_808, %swap3A_809] {strides = array<i32>} : memref<2x8192xf32, #tpu.memory_space<vmem>>, vector<16xf32>,
        tpu.vector_store %arg9[%swap3A_808, %swap3A_809], %gather3A_686 {strides = array<i32>} : memref<2x8192xf32, #tpu.memory_space<vmem>>, vector<16xf32>,
        %mul3A_811 = arith.constant 1024 : i32
        %mul3A_812 = arith.muli %scan3A_649, %mul3A_811 : i32
        %add3A_813 = arith.constant 384 : i32
        %add3A_814 = arith.addi %mul3A_812, %add3A_813 : i32
        %add3A_815 = arith.constant 0 : i32
        %add3A_816 = arith.addi %add3A_814, %add3A_815 : i32
        %swap3A_817 = arith.constant 1 : i32
        %swap3A_818 = arith.index_cast %swap3A_817 : i32 to index
        %swap3A_819 = arith.index_cast %add3A_816 : i32 to index
        %swap3A_820 = tpu.vector_load %arg9[%swap3A_818, %swap3A_819] {strides = array<i32>} : memref<2x8192xf32, #tpu.memory_space<vmem>>, vector<16xf32>,
        tpu.vector_store %arg9[%swap3A_818, %swap3A_819], %gather3A_689 {strides = array<i32>} : memref<2x8192xf32, #tpu.memory_space<vmem>>, vector<16xf32>,
        %mul3A_821 = arith.constant 1024 : i32
        %mul3A_822 = arith.muli %scan3A_649, %mul3A_821 : i32
        %add3A_823 = arith.constant 512 : i32
        %add3A_824 = arith.addi %mul3A_822, %add3A_823 : i32
        %add3A_825 = arith.constant 0 : i32
        %add3A_826 = arith.addi %add3A_824, %add3A_825 : i32
        %swap3A_827 = arith.constant 1 : i32
        %swap3A_828 = arith.index_cast %swap3A_827 : i32 to index
        %swap3A_829 = arith.index_cast %add3A_826 : i32 to index
        %swap3A_830 = tpu.vector_load %arg9[%swap3A_828, %swap3A_829] {strides = array<i32>} : memref<2x8192xf32, #tpu.memory_space<vmem>>, vector<16xf32>,
        tpu.vector_store %arg9[%swap3A_828, %swap3A_829], %gather3A_692 {strides = array<i32>} : memref<2x8192xf32, #tpu.memory_space<vmem>>, vector<16xf32>,
        %mul3A_831 = arith.constant 1024 : i32
        %mul3A_832 = arith.muli %scan3A_649, %mul3A_831 : i32
        %add3A_833 = arith.constant 640 : i32
        %add3A_834 = arith.addi %mul3A_832, %add3A_833 : i32
        %add3A_835 = arith.constant 0 : i32
        %add3A_836 = arith.addi %add3A_834, %add3A_835 : i32
        %swap3A_837 = arith.constant 1 : i32
        %swap3A_838 = arith.index_cast %swap3A_837 : i32 to index
        %swap3A_839 = arith.index_cast %add3A_836 : i32 to index
        %swap3A_840 = tpu.vector_load %arg9[%swap3A_838, %swap3A_839] {strides = array<i32>} : memref<2x8192xf32, #tpu.memory_space<vmem>>, vector<16xf32>,
        tpu.vector_store %arg9[%swap3A_838, %swap3A_839], %gather3A_695 {strides = array<i32>} : memref<2x8192xf32, #tpu.memory_space<vmem>>, vector<16xf32>,
        %mul3A_841 = arith.constant 1024 : i32
        %mul3A_842 = arith.muli %scan3A_649, %mul3A_841 : i32
        %add3A_843 = arith.constant 768 : i32
        %add3A_844 = arith.addi %mul3A_842, %add3A_843 : i32
        %add3A_845 = arith.constant 0 : i32
        %add3A_846 = arith.addi %add3A_844, %add3A_845 : i32
        %swap3A_847 = arith.constant 1 : i32
        %swap3A_848 = arith.index_cast %swap3A_847 : i32 to index
        %swap3A_849 = arith.index_cast %add3A_846 : i32 to index
        %swap3A_850 = tpu.vector_load %arg9[%swap3A_848, %swap3A_849] {strides = array<i32>} : memref<2x8192xf32, #tpu.memory_space<vmem>>, vector<16xf32>,
        tpu.vector_store %arg9[%swap3A_848, %swap3A_849], %gather3A_698 {strides = array<i32>} : memref<2x8192xf32, #tpu.memory_space<vmem>>, vector<16xf32>,
        %mul3A_851 = arith.constant 1024 : i32
        %mul3A_852 = arith.muli %scan3A_649, %mul3A_851 : i32
        %add3A_853 = arith.constant 896 : i32
        %add3A_854 = arith.addi %mul3A_852, %add3A_853 : i32
        %add3A_855 = arith.constant 0 : i32
        %add3A_856 = arith.addi %add3A_854, %add3A_855 : i32
        %swap3A_857 = arith.constant 1 : i32
        %swap3A_858 = arith.index_cast %swap3A_857 : i32 to index
        %swap3A_859 = arith.index_cast %add3A_856 : i32 to index
        %swap3A_860 = tpu.vector_load %arg9[%swap3A_858, %swap3A_859] {strides = array<i32>} : memref<2x8192xf32, #tpu.memory_space<vmem>>, vector<16xf32>,
        tpu.vector_store %arg9[%swap3A_858, %swap3A_859], %gather3A_701 {strides = array<i32>} : memref<2x8192xf32, #tpu.memory_space<vmem>>, vector<16xf32>,
        %mul3A_861 = arith.constant 128 : i32
        %mul3A_862 = arith.muli %scan3A_649, %mul3A_861 : i32
        %add3A_863 = arith.constant 16 : i32
        %add3A_864 = arith.addi %mul3A_862, %add3A_863 : i32
        %broadcast_in_dim3A_865 = vector.broadcast %add3A_864 : i32 to vector<16xi32>
        %add3A_866 = arith.addi %broadcast_in_dim3A_865, %iota3A : vector<16xi32>
        %broadcast_in_dim3A_867 = arith.constant 0 : i32
        %broadcast_in_dim3A_868 = vector.broadcast %broadcast_in_dim3A_867 : i32 to vector<16xi32>
        %gather3A_869 = tpu.vector_load_idx %arg7[%add3A_866, %broadcast_in_dim3A_868] : memref<1024x16xf32, #tpu.memory_space<vmem>>[vector<16xi32>, vector<16xi32>], vector<16xf32>,
        %broadcast_in_dim3A_870 = arith.constant 1 : i32
        %broadcast_in_dim3A_871 = vector.broadcast %broadcast_in_dim3A_870 : i32 to vector<16xi32>
        %gather3A_872 = tpu.vector_load_idx %arg7[%add3A_866, %broadcast_in_dim3A_871] : memref<1024x16xf32, #tpu.memory_space<vmem>>[vector<16xi32>, vector<16xi32>], vector<16xf32>,
        %broadcast_in_dim3A_873 = arith.constant 2 : i32
        %broadcast_in_dim3A_874 = vector.broadcast %broadcast_in_dim3A_873 : i32 to vector<16xi32>
        %gather3A_875 = tpu.vector_load_idx %arg7[%add3A_866, %broadcast_in_dim3A_874] : memref<1024x16xf32, #tpu.memory_space<vmem>>[vector<16xi32>, vector<16xi32>], vector<16xf32>,
        %broadcast_in_dim3A_876 = arith.constant 3 : i32
        %broadcast_in_dim3A_877 = vector.broadcast %broadcast_in_dim3A_876 : i32 to vector<16xi32>
        %gather3A_878 = tpu.vector_load_idx %arg7[%add3A_866, %broadcast_in_dim3A_877] : memref<1024x16xf32, #tpu.memory_space<vmem>>[vector<16xi32>, vector<16xi32>], vector<16xf32>,
        %broadcast_in_dim3A_879 = arith.constant 4 : i32
        %broadcast_in_dim3A_880 = vector.broadcast %broadcast_in_dim3A_879 : i32 to vector<16xi32>
        %gather3A_881 = tpu.vector_load_idx %arg7[%add3A_866, %broadcast_in_dim3A_880] : memref<1024x16xf32, #tpu.memory_space<vmem>>[vector<16xi32>, vector<16xi32>], vector<16xf32>,
        %broadcast_in_dim3A_882 = arith.constant 5 : i32
        %broadcast_in_dim3A_883 = vector.broadcast %broadcast_in_dim3A_882 : i32 to vector<16xi32>
        %gather3A_884 = tpu.vector_load_idx %arg7[%add3A_866, %broadcast_in_dim3A_883] : memref<1024x16xf32, #tpu.memory_space<vmem>>[vector<16xi32>, vector<16xi32>], vector<16xf32>,
        %broadcast_in_dim3A_885 = arith.constant 6 : i32
        %broadcast_in_dim3A_886 = vector.broadcast %broadcast_in_dim3A_885 : i32 to vector<16xi32>
        %gather3A_887 = tpu.vector_load_idx %arg7[%add3A_866, %broadcast_in_dim3A_886] : memref<1024x16xf32, #tpu.memory_space<vmem>>[vector<16xi32>, vector<16xi32>], vector<16xf32>,
        %broadcast_in_dim3A_888 = arith.constant 7 : i32
        %broadcast_in_dim3A_889 = vector.broadcast %broadcast_in_dim3A_888 : i32 to vector<16xi32>
        %gather3A_890 = tpu.vector_load_idx %arg7[%add3A_866, %broadcast_in_dim3A_889] : memref<1024x16xf32, #tpu.memory_space<vmem>>[vector<16xi32>, vector<16xi32>], vector<16xf32>,
        %broadcast_in_dim3A_891 = arith.constant 8 : i32
        %broadcast_in_dim3A_892 = vector.broadcast %broadcast_in_dim3A_891 : i32 to vector<16xi32>
        %gather3A_893 = tpu.vector_load_idx %arg7[%add3A_866, %broadcast_in_dim3A_892] : memref<1024x16xf32, #tpu.memory_space<vmem>>[vector<16xi32>, vector<16xi32>], vector<16xf32>,
        %broadcast_in_dim3A_894 = arith.constant 9 : i32
        %broadcast_in_dim3A_895 = vector.broadcast %broadcast_in_dim3A_894 : i32 to vector<16xi32>
        %gather3A_896 = tpu.vector_load_idx %arg7[%add3A_866, %broadcast_in_dim3A_895] : memref<1024x16xf32, #tpu.memory_space<vmem>>[vector<16xi32>, vector<16xi32>], vector<16xf32>,
        %broadcast_in_dim3A_897 = arith.constant 10 : i32
        %broadcast_in_dim3A_898 = vector.broadcast %broadcast_in_dim3A_897 : i32 to vector<16xi32>
        %gather3A_899 = tpu.vector_load_idx %arg7[%add3A_866, %broadcast_in_dim3A_898] : memref<1024x16xf32, #tpu.memory_space<vmem>>[vector<16xi32>, vector<16xi32>], vector<16xf32>,
        %broadcast_in_dim3A_900 = arith.constant 11 : i32
        %broadcast_in_dim3A_901 = vector.broadcast %broadcast_in_dim3A_900 : i32 to vector<16xi32>
        %gather3A_902 = tpu.vector_load_idx %arg7[%add3A_866, %broadcast_in_dim3A_901] : memref<1024x16xf32, #tpu.memory_space<vmem>>[vector<16xi32>, vector<16xi32>], vector<16xf32>,
        %broadcast_in_dim3A_903 = arith.constant 12 : i32
        %broadcast_in_dim3A_904 = vector.broadcast %broadcast_in_dim3A_903 : i32 to vector<16xi32>
        %gather3A_905 = tpu.vector_load_idx %arg7[%add3A_866, %broadcast_in_dim3A_904] : memref<1024x16xf32, #tpu.memory_space<vmem>>[vector<16xi32>, vector<16xi32>], vector<16xf32>,
        %broadcast_in_dim3A_906 = arith.constant 13 : i32
        %broadcast_in_dim3A_907 = vector.broadcast %broadcast_in_dim3A_906 : i32 to vector<16xi32>
        %gather3A_908 = tpu.vector_load_idx %arg7[%add3A_866, %broadcast_in_dim3A_907] : memref<1024x16xf32, #tpu.memory_space<vmem>>[vector<16xi32>, vector<16xi32>], vector<16xf32>,
        %broadcast_in_dim3A_909 = arith.constant 14 : i32
        %broadcast_in_dim3A_910 = vector.broadcast %broadcast_in_dim3A_909 : i32 to vector<16xi32>
        %gather3A_911 = tpu.vector_load_idx %arg7[%add3A_866, %broadcast_in_dim3A_910] : memref<1024x16xf32, #tpu.memory_space<vmem>>[vector<16xi32>, vector<16xi32>], vector<16xf32>,
        %broadcast_in_dim3A_912 = arith.constant 15 : i32
        %broadcast_in_dim3A_913 = vector.broadcast %broadcast_in_dim3A_912 : i32 to vector<16xi32>
        %gather3A_914 = tpu.vector_load_idx %arg7[%add3A_866, %broadcast_in_dim3A_913] : memref<1024x16xf32, #tpu.memory_space<vmem>>[vector<16xi32>, vector<16xi32>], vector<16xf32>,
        %mul3A_915 = arith.constant 1024 : i32
        %mul3A_916 = arith.muli %scan3A_649, %mul3A_915 : i32
        %add3A_917 = arith.constant 0 : i32
        %add3A_918 = arith.addi %mul3A_916, %add3A_917 : i32
        %add3A_919 = arith.constant 16 : i32
        %add3A_920 = arith.addi %add3A_918, %add3A_919 : i32
        %swap3A_921 = arith.constant 0 : i32
        %swap3A_922 = arith.index_cast %swap3A_921 : i32 to index
        %swap3A_923 = arith.index_cast %add3A_920 : i32 to index
        %swap3A_924 = tpu.vector_load %arg9[%swap3A_922, %swap3A_923] {strides = array<i32>} : memref<2x8192xf32, #tpu.memory_space<vmem>>, vector<16xf32>,
        tpu.vector_store %arg9[%swap3A_922, %swap3A_923], %gather3A_869 {strides = array<i32>} : memref<2x8192xf32, #tpu.memory_space<vmem>>, vector<16xf32>,
        %mul3A_925 = arith.constant 1024 : i32
        %mul3A_926 = arith.muli %scan3A_649, %mul3A_925 : i32
        %add3A_927 = arith.constant 128 : i32
        %add3A_928 = arith.addi %mul3A_926, %add3A_927 : i32
        %add3A_929 = arith.constant 16 : i32
        %add3A_930 = arith.addi %add3A_928, %add3A_929 : i32
        %swap3A_931 = arith.constant 0 : i32
        %swap3A_932 = arith.index_cast %swap3A_931 : i32 to index
        %swap3A_933 = arith.index_cast %add3A_930 : i32 to index
        %swap3A_934 = tpu.vector_load %arg9[%swap3A_932, %swap3A_933] {strides = array<i32>} : memref<2x8192xf32, #tpu.memory_space<vmem>>, vector<16xf32>,
        tpu.vector_store %arg9[%swap3A_932, %swap3A_933], %gather3A_872 {strides = array<i32>} : memref<2x8192xf32, #tpu.memory_space<vmem>>, vector<16xf32>,
        %mul3A_935 = arith.constant 1024 : i32
        %mul3A_936 = arith.muli %scan3A_649, %mul3A_935 : i32
        %add3A_937 = arith.constant 256 : i32
        %add3A_938 = arith.addi %mul3A_936, %add3A_937 : i32
        %add3A_939 = arith.constant 16 : i32
        %add3A_940 = arith.addi %add3A_938, %add3A_939 : i32
        %swap3A_941 = arith.constant 0 : i32
        %swap3A_942 = arith.index_cast %swap3A_941 : i32 to index
        %swap3A_943 = arith.index_cast %add3A_940 : i32 to index
        %swap3A_944 = tpu.vector_load %arg9[%swap3A_942, %swap3A_943] {strides = array<i32>} : memref<2x8192xf32, #tpu.memory_space<vmem>>, vector<16xf32>,
        tpu.vector_store %arg9[%swap3A_942, %swap3A_943], %gather3A_875 {strides = array<i32>} : memref<2x8192xf32, #tpu.memory_space<vmem>>, vector<16xf32>,
        %mul3A_945 = arith.constant 1024 : i32
        %mul3A_946 = arith.muli %scan3A_649, %mul3A_945 : i32
        %add3A_947 = arith.constant 384 : i32
        %add3A_948 = arith.addi %mul3A_946, %add3A_947 : i32
        %add3A_949 = arith.constant 16 : i32
        %add3A_950 = arith.addi %add3A_948, %add3A_949 : i32
        %swap3A_951 = arith.constant 0 : i32
        %swap3A_952 = arith.index_cast %swap3A_951 : i32 to index
        %swap3A_953 = arith.index_cast %add3A_950 : i32 to index
        %swap3A_954 = tpu.vector_load %arg9[%swap3A_952, %swap3A_953] {strides = array<i32>} : memref<2x8192xf32, #tpu.memory_space<vmem>>, vector<16xf32>,
        tpu.vector_store %arg9[%swap3A_952, %swap3A_953], %gather3A_878 {strides = array<i32>} : memref<2x8192xf32, #tpu.memory_space<vmem>>, vector<16xf32>,
        %mul3A_955 = arith.constant 1024 : i32
        %mul3A_956 = arith.muli %scan3A_649, %mul3A_955 : i32
        %add3A_957 = arith.constant 512 : i32
        %add3A_958 = arith.addi %mul3A_956, %add3A_957 : i32
        %add3A_959 = arith.constant 16 : i32
        %add3A_960 = arith.addi %add3A_958, %add3A_959 : i32
        %swap3A_961 = arith.constant 0 : i32
        %swap3A_962 = arith.index_cast %swap3A_961 : i32 to index
        %swap3A_963 = arith.index_cast %add3A_960 : i32 to index
        %swap3A_964 = tpu.vector_load %arg9[%swap3A_962, %swap3A_963] {strides = array<i32>} : memref<2x8192xf32, #tpu.memory_space<vmem>>, vector<16xf32>,
        tpu.vector_store %arg9[%swap3A_962, %swap3A_963], %gather3A_881 {strides = array<i32>} : memref<2x8192xf32, #tpu.memory_space<vmem>>, vector<16xf32>,
        %mul3A_965 = arith.constant 1024 : i32
        %mul3A_966 = arith.muli %scan3A_649, %mul3A_965 : i32
        %add3A_967 = arith.constant 640 : i32
        %add3A_968 = arith.addi %mul3A_966, %add3A_967 : i32
        %add3A_969 = arith.constant 16 : i32
        %add3A_970 = arith.addi %add3A_968, %add3A_969 : i32
        %swap3A_971 = arith.constant 0 : i32
        %swap3A_972 = arith.index_cast %swap3A_971 : i32 to index
        %swap3A_973 = arith.index_cast %add3A_970 : i32 to index
        %swap3A_974 = tpu.vector_load %arg9[%swap3A_972, %swap3A_973] {strides = array<i32>} : memref<2x8192xf32, #tpu.memory_space<vmem>>, vector<16xf32>,
        tpu.vector_store %arg9[%swap3A_972, %swap3A_973], %gather3A_884 {strides = array<i32>} : memref<2x8192xf32, #tpu.memory_space<vmem>>, vector<16xf32>,
        %mul3A_975 = arith.constant 1024 : i32
        %mul3A_976 = arith.muli %scan3A_649, %mul3A_975 : i32
        %add3A_977 = arith.constant 768 : i32
        %add3A_978 = arith.addi %mul3A_976, %add3A_977 : i32
        %add3A_979 = arith.constant 16 : i32
        %add3A_980 = arith.addi %add3A_978, %add3A_979 : i32
        %swap3A_981 = arith.constant 0 : i32
        %swap3A_982 = arith.index_cast %swap3A_981 : i32 to index
        %swap3A_983 = arith.index_cast %add3A_980 : i32 to index
        %swap3A_984 = tpu.vector_load %arg9[%swap3A_982, %swap3A_983] {strides = array<i32>} : memref<2x8192xf32, #tpu.memory_space<vmem>>, vector<16xf32>,
        tpu.vector_store %arg9[%swap3A_982, %swap3A_983], %gather3A_887 {strides = array<i32>} : memref<2x8192xf32, #tpu.memory_space<vmem>>, vector<16xf32>,
        %mul3A_985 = arith.constant 1024 : i32
        %mul3A_986 = arith.muli %scan3A_649, %mul3A_985 : i32
        %add3A_987 = arith.constant 896 : i32
        %add3A_988 = arith.addi %mul3A_986, %add3A_987 : i32
        %add3A_989 = arith.constant 16 : i32
        %add3A_990 = arith.addi %add3A_988, %add3A_989 : i32
        %swap3A_991 = arith.constant 0 : i32
        %swap3A_992 = arith.index_cast %swap3A_991 : i32 to index
        %swap3A_993 = arith.index_cast %add3A_990 : i32 to index
        %swap3A_994 = tpu.vector_load %arg9[%swap3A_992, %swap3A_993] {strides = array<i32>} : memref<2x8192xf32, #tpu.memory_space<vmem>>, vector<16xf32>,
        tpu.vector_store %arg9[%swap3A_992, %swap3A_993], %gather3A_890 {strides = array<i32>} : memref<2x8192xf32, #tpu.memory_space<vmem>>, vector<16xf32>,
        %mul3A_995 = arith.constant 1024 : i32
        %mul3A_996 = arith.muli %scan3A_649, %mul3A_995 : i32
        %add3A_997 = arith.constant 0 : i32
        %add3A_998 = arith.addi %mul3A_996, %add3A_997 : i32
        %add3A_999 = arith.constant 16 : i32
        %add3A_1000 = arith.addi %add3A_998, %add3A_999 : i32
        %swap3A_1001 = arith.constant 1 : i32
        %swap3A_1002 = arith.index_cast %swap3A_1001 : i32 to index
        %swap3A_1003 = arith.index_cast %add3A_1000 : i32 to index
        %swap3A_1004 = tpu.vector_load %arg9[%swap3A_1002, %swap3A_1003] {strides = array<i32>} : memref<2x8192xf32, #tpu.memory_space<vmem>>, vector<16xf32>,
        tpu.vector_store %arg9[%swap3A_1002, %swap3A_1003], %gather3A_893 {strides = array<i32>} : memref<2x8192xf32, #tpu.memory_space<vmem>>, vector<16xf32>,
        %mul3A_1005 = arith.constant 1024 : i32
        %mul3A_1006 = arith.muli %scan3A_649, %mul3A_1005 : i32
        %add3A_1007 = arith.constant 128 : i32
        %add3A_1008 = arith.addi %mul3A_1006, %add3A_1007 : i32
        %add3A_1009 = arith.constant 16 : i32
        %add3A_1010 = arith.addi %add3A_1008, %add3A_1009 : i32
        %swap3A_1011 = arith.constant 1 : i32
        %swap3A_1012 = arith.index_cast %swap3A_1011 : i32 to index
        %swap3A_1013 = arith.index_cast %add3A_1010 : i32 to index
        %swap3A_1014 = tpu.vector_load %arg9[%swap3A_1012, %swap3A_1013] {strides = array<i32>} : memref<2x8192xf32, #tpu.memory_space<vmem>>, vector<16xf32>,
        tpu.vector_store %arg9[%swap3A_1012, %swap3A_1013], %gather3A_896 {strides = array<i32>} : memref<2x8192xf32, #tpu.memory_space<vmem>>, vector<16xf32>,
        %mul3A_1015 = arith.constant 1024 : i32
        %mul3A_1016 = arith.muli %scan3A_649, %mul3A_1015 : i32
        %add3A_1017 = arith.constant 256 : i32
        %add3A_1018 = arith.addi %mul3A_1016, %add3A_1017 : i32
        %add3A_1019 = arith.constant 16 : i32
        %add3A_1020 = arith.addi %add3A_1018, %add3A_1019 : i32
        %swap3A_1021 = arith.constant 1 : i32
        %swap3A_1022 = arith.index_cast %swap3A_1021 : i32 to index
        %swap3A_1023 = arith.index_cast %add3A_1020 : i32 to index
        %swap3A_1024 = tpu.vector_load %arg9[%swap3A_1022, %swap3A_1023] {strides = array<i32>} : memref<2x8192xf32, #tpu.memory_space<vmem>>, vector<16xf32>,
        tpu.vector_store %arg9[%swap3A_1022, %swap3A_1023], %gather3A_899 {strides = array<i32>} : memref<2x8192xf32, #tpu.memory_space<vmem>>, vector<16xf32>,
        %mul3A_1025 = arith.constant 1024 : i32
        %mul3A_1026 = arith.muli %scan3A_649, %mul3A_1025 : i32
        %add3A_1027 = arith.constant 384 : i32
        %add3A_1028 = arith.addi %mul3A_1026, %add3A_1027 : i32
        %add3A_1029 = arith.constant 16 : i32
        %add3A_1030 = arith.addi %add3A_1028, %add3A_1029 : i32
        %swap3A_1031 = arith.constant 1 : i32
        %swap3A_1032 = arith.index_cast %swap3A_1031 : i32 to index
        %swap3A_1033 = arith.index_cast %add3A_1030 : i32 to index
        %swap3A_1034 = tpu.vector_load %arg9[%swap3A_1032, %swap3A_1033] {strides = array<i32>} : memref<2x8192xf32, #tpu.memory_space<vmem>>, vector<16xf32>,
        tpu.vector_store %arg9[%swap3A_1032, %swap3A_1033], %gather3A_902 {strides = array<i32>} : memref<2x8192xf32, #tpu.memory_space<vmem>>, vector<16xf32>,
        %mul3A_1035 = arith.constant 1024 : i32
        %mul3A_1036 = arith.muli %scan3A_649, %mul3A_1035 : i32
        %add3A_1037 = arith.constant 512 : i32
        %add3A_1038 = arith.addi %mul3A_1036, %add3A_1037 : i32
        %add3A_1039 = arith.constant 16 : i32
        %add3A_1040 = arith.addi %add3A_1038, %add3A_1039 : i32
        %swap3A_1041 = arith.constant 1 : i32
        %swap3A_1042 = arith.index_cast %swap3A_1041 : i32 to index
        %swap3A_1043 = arith.index_cast %add3A_1040 : i32 to index
        %swap3A_1044 = tpu.vector_load %arg9[%swap3A_1042, %swap3A_1043] {strides = array<i32>} : memref<2x8192xf32, #tpu.memory_space<vmem>>, vector<16xf32>,
        tpu.vector_store %arg9[%swap3A_1042, %swap3A_1043], %gather3A_905 {strides = array<i32>} : memref<2x8192xf32, #tpu.memory_space<vmem>>, vector<16xf32>,
        %mul3A_1045 = arith.constant 1024 : i32
        %mul3A_1046 = arith.muli %scan3A_649, %mul3A_1045 : i32
        %add3A_1047 = arith.constant 640 : i32
        %add3A_1048 = arith.addi %mul3A_1046, %add3A_1047 : i32
        %add3A_1049 = arith.constant 16 : i32
        %add3A_1050 = arith.addi %add3A_1048, %add3A_1049 : i32
        %swap3A_1051 = arith.constant 1 : i32
        %swap3A_1052 = arith.index_cast %swap3A_1051 : i32 to index
        %swap3A_1053 = arith.index_cast %add3A_1050 : i32 to index
        %swap3A_1054 = tpu.vector_load %arg9[%swap3A_1052, %swap3A_1053] {strides = array<i32>} : memref<2x8192xf32, #tpu.memory_space<vmem>>, vector<16xf32>,
        tpu.vector_store %arg9[%swap3A_1052, %swap3A_1053], %gather3A_908 {strides = array<i32>} : memref<2x8192xf32, #tpu.memory_space<vmem>>, vector<16xf32>,
        %mul3A_1055 = arith.constant 1024 : i32
        %mul3A_1056 = arith.muli %scan3A_649, %mul3A_1055 : i32
        %add3A_1057 = arith.constant 768 : i32
        %add3A_1058 = arith.addi %mul3A_1056, %add3A_1057 : i32
        %add3A_1059 = arith.constant 16 : i32
        %add3A_1060 = arith.addi %add3A_1058, %add3A_1059 : i32
        %swap3A_1061 = arith.constant 1 : i32
        %swap3A_1062 = arith.index_cast %swap3A_1061 : i32 to index
        %swap3A_1063 = arith.index_cast %add3A_1060 : i32 to index
        %swap3A_1064 = tpu.vector_load %arg9[%swap3A_1062, %swap3A_1063] {strides = array<i32>} : memref<2x8192xf32, #tpu.memory_space<vmem>>, vector<16xf32>,
        tpu.vector_store %arg9[%swap3A_1062, %swap3A_1063], %gather3A_911 {strides = array<i32>} : memref<2x8192xf32, #tpu.memory_space<vmem>>, vector<16xf32>,
        %mul3A_1065 = arith.constant 1024 : i32
        %mul3A_1066 = arith.muli %scan3A_649, %mul3A_1065 : i32
        %add3A_1067 = arith.constant 896 : i32
        %add3A_1068 = arith.addi %mul3A_1066, %add3A_1067 : i32
        %add3A_1069 = arith.constant 16 : i32
        %add3A_1070 = arith.addi %add3A_1068, %add3A_1069 : i32
        %swap3A_1071 = arith.constant 1 : i32
        %swap3A_1072 = arith.index_cast %swap3A_1071 : i32 to index
        %swap3A_1073 = arith.index_cast %add3A_1070 : i32 to index
        %swap3A_1074 = tpu.vector_load %arg9[%swap3A_1072, %swap3A_1073] {strides = array<i32>} : memref<2x8192xf32, #tpu.memory_space<vmem>>, vector<16xf32>,
        tpu.vector_store %arg9[%swap3A_1072, %swap3A_1073], %gather3A_914 {strides = array<i32>} : memref<2x8192xf32, #tpu.memory_space<vmem>>, vector<16xf32>,
        %mul3A_1075 = arith.constant 128 : i32
        %mul3A_1076 = arith.muli %scan3A_649, %mul3A_1075 : i32
        %add3A_1077 = arith.constant 32 : i32
        %add3A_1078 = arith.addi %mul3A_1076, %add3A_1077 : i32
        %broadcast_in_dim3A_1079 = vector.broadcast %add3A_1078 : i32 to vector<16xi32>
        %add3A_1080 = arith.addi %broadcast_in_dim3A_1079, %iota3A : vector<16xi32>
        %broadcast_in_dim3A_1081 = arith.constant 0 : i32
        %broadcast_in_dim3A_1082 = vector.broadcast %broadcast_in_dim3A_1081 : i32 to vector<16xi32>
        %gather3A_1083 = tpu.vector_load_idx %arg7[%add3A_1080, %broadcast_in_dim3A_1082] : memref<1024x16xf32, #tpu.memory_space<vmem>>[vector<16xi32>, vector<16xi32>], vector<16xf32>,
        %broadcast_in_dim3A_1084 = arith.constant 1 : i32
        %broadcast_in_dim3A_1085 = vector.broadcast %broadcast_in_dim3A_1084 : i32 to vector<16xi32>
        %gather3A_1086 = tpu.vector_load_idx %arg7[%add3A_1080, %broadcast_in_dim3A_1085] : memref<1024x16xf32, #tpu.memory_space<vmem>>[vector<16xi32>, vector<16xi32>], vector<16xf32>,
        %broadcast_in_dim3A_1087 = arith.constant 2 : i32
        %broadcast_in_dim3A_1088 = vector.broadcast %broadcast_in_dim3A_1087 : i32 to vector<16xi32>
        %gather3A_1089 = tpu.vector_load_idx %arg7[%add3A_1080, %broadcast_in_dim3A_1088] : memref<1024x16xf32, #tpu.memory_space<vmem>>[vector<16xi32>, vector<16xi32>], vector<16xf32>,
        %broadcast_in_dim3A_1090 = arith.constant 3 : i32
        %broadcast_in_dim3A_1091 = vector.broadcast %broadcast_in_dim3A_1090 : i32 to vector<16xi32>
        %gather3A_1092 = tpu.vector_load_idx %arg7[%add3A_1080, %broadcast_in_dim3A_1091] : memref<1024x16xf32, #tpu.memory_space<vmem>>[vector<16xi32>, vector<16xi32>], vector<16xf32>,
        %broadcast_in_dim3A_1093 = arith.constant 4 : i32
        %broadcast_in_dim3A_1094 = vector.broadcast %broadcast_in_dim3A_1093 : i32 to vector<16xi32>
        %gather3A_1095 = tpu.vector_load_idx %arg7[%add3A_1080, %broadcast_in_dim3A_1094] : memref<1024x16xf32, #tpu.memory_space<vmem>>[vector<16xi32>, vector<16xi32>], vector<16xf32>,
        %broadcast_in_dim3A_1096 = arith.constant 5 : i32
        %broadcast_in_dim3A_1097 = vector.broadcast %broadcast_in_dim3A_1096 : i32 to vector<16xi32>
        %gather3A_1098 = tpu.vector_load_idx %arg7[%add3A_1080, %broadcast_in_dim3A_1097] : memref<1024x16xf32, #tpu.memory_space<vmem>>[vector<16xi32>, vector<16xi32>], vector<16xf32>,
        %broadcast_in_dim3A_1099 = arith.constant 6 : i32
        %broadcast_in_dim3A_1100 = vector.broadcast %broadcast_in_dim3A_1099 : i32 to vector<16xi32>
        %gather3A_1101 = tpu.vector_load_idx %arg7[%add3A_1080, %broadcast_in_dim3A_1100] : memref<1024x16xf32, #tpu.memory_space<vmem>>[vector<16xi32>, vector<16xi32>], vector<16xf32>,
        %broadcast_in_dim3A_1102 = arith.constant 7 : i32
        %broadcast_in_dim3A_1103 = vector.broadcast %broadcast_in_dim3A_1102 : i32 to vector<16xi32>
        %gather3A_1104 = tpu.vector_load_idx %arg7[%add3A_1080, %broadcast_in_dim3A_1103] : memref<1024x16xf32, #tpu.memory_space<vmem>>[vector<16xi32>, vector<16xi32>], vector<16xf32>,
        %broadcast_in_dim3A_1105 = arith.constant 8 : i32
        %broadcast_in_dim3A_1106 = vector.broadcast %broadcast_in_dim3A_1105 : i32 to vector<16xi32>
        %gather3A_1107 = tpu.vector_load_idx %arg7[%add3A_1080, %broadcast_in_dim3A_1106] : memref<1024x16xf32, #tpu.memory_space<vmem>>[vector<16xi32>, vector<16xi32>], vector<16xf32>,
        %broadcast_in_dim3A_1108 = arith.constant 9 : i32
        %broadcast_in_dim3A_1109 = vector.broadcast %broadcast_in_dim3A_1108 : i32 to vector<16xi32>
        %gather3A_1110 = tpu.vector_load_idx %arg7[%add3A_1080, %broadcast_in_dim3A_1109] : memref<1024x16xf32, #tpu.memory_space<vmem>>[vector<16xi32>, vector<16xi32>], vector<16xf32>,
        %broadcast_in_dim3A_1111 = arith.constant 10 : i32
        %broadcast_in_dim3A_1112 = vector.broadcast %broadcast_in_dim3A_1111 : i32 to vector<16xi32>
        %gather3A_1113 = tpu.vector_load_idx %arg7[%add3A_1080, %broadcast_in_dim3A_1112] : memref<1024x16xf32, #tpu.memory_space<vmem>>[vector<16xi32>, vector<16xi32>], vector<16xf32>,
        %broadcast_in_dim3A_1114 = arith.constant 11 : i32
        %broadcast_in_dim3A_1115 = vector.broadcast %broadcast_in_dim3A_1114 : i32 to vector<16xi32>
        %gather3A_1116 = tpu.vector_load_idx %arg7[%add3A_1080, %broadcast_in_dim3A_1115] : memref<1024x16xf32, #tpu.memory_space<vmem>>[vector<16xi32>, vector<16xi32>], vector<16xf32>,
        %broadcast_in_dim3A_1117 = arith.constant 12 : i32
        %broadcast_in_dim3A_1118 = vector.broadcast %broadcast_in_dim3A_1117 : i32 to vector<16xi32>
        %gather3A_1119 = tpu.vector_load_idx %arg7[%add3A_1080, %broadcast_in_dim3A_1118] : memref<1024x16xf32, #tpu.memory_space<vmem>>[vector<16xi32>, vector<16xi32>], vector<16xf32>,
        %broadcast_in_dim3A_1120 = arith.constant 13 : i32
        %broadcast_in_dim3A_1121 = vector.broadcast %broadcast_in_dim3A_1120 : i32 to vector<16xi32>
        %gather3A_1122 = tpu.vector_load_idx %arg7[%add3A_1080, %broadcast_in_dim3A_1121] : memref<1024x16xf32, #tpu.memory_space<vmem>>[vector<16xi32>, vector<16xi32>], vector<16xf32>,
        %broadcast_in_dim3A_1123 = arith.constant 14 : i32
        %broadcast_in_dim3A_1124 = vector.broadcast %broadcast_in_dim3A_1123 : i32 to vector<16xi32>
        %gather3A_1125 = tpu.vector_load_idx %arg7[%add3A_1080, %broadcast_in_dim3A_1124] : memref<1024x16xf32, #tpu.memory_space<vmem>>[vector<16xi32>, vector<16xi32>], vector<16xf32>,
        %broadcast_in_dim3A_1126 = arith.constant 15 : i32
        %broadcast_in_dim3A_1127 = vector.broadcast %broadcast_in_dim3A_1126 : i32 to vector<16xi32>
        %gather3A_1128 = tpu.vector_load_idx %arg7[%add3A_1080, %broadcast_in_dim3A_1127] : memref<1024x16xf32, #tpu.memory_space<vmem>>[vector<16xi32>, vector<16xi32>], vector<16xf32>,
        %mul3A_1129 = arith.constant 1024 : i32
        %mul3A_1130 = arith.muli %scan3A_649, %mul3A_1129 : i32
        %add3A_1131 = arith.constant 0 : i32
        %add3A_1132 = arith.addi %mul3A_1130, %add3A_1131 : i32
        %add3A_1133 = arith.constant 32 : i32
        %add3A_1134 = arith.addi %add3A_1132, %add3A_1133 : i32
        %swap3A_1135 = arith.constant 0 : i32
        %swap3A_1136 = arith.index_cast %swap3A_1135 : i32 to index
        %swap3A_1137 = arith.index_cast %add3A_1134 : i32 to index
        %swap3A_1138 = tpu.vector_load %arg9[%swap3A_1136, %swap3A_1137] {strides = array<i32>} : memref<2x8192xf32, #tpu.memory_space<vmem>>, vector<16xf32>,
        tpu.vector_store %arg9[%swap3A_1136, %swap3A_1137], %gather3A_1083 {strides = array<i32>} : memref<2x8192xf32, #tpu.memory_space<vmem>>, vector<16xf32>,
        %mul3A_1139 = arith.constant 1024 : i32
        %mul3A_1140 = arith.muli %scan3A_649, %mul3A_1139 : i32
        %add3A_1141 = arith.constant 128 : i32
        %add3A_1142 = arith.addi %mul3A_1140, %add3A_1141 : i32
        %add3A_1143 = arith.constant 32 : i32
        %add3A_1144 = arith.addi %add3A_1142, %add3A_1143 : i32
        %swap3A_1145 = arith.constant 0 : i32
        %swap3A_1146 = arith.index_cast %swap3A_1145 : i32 to index
        %swap3A_1147 = arith.index_cast %add3A_1144 : i32 to index
        %swap3A_1148 = tpu.vector_load %arg9[%swap3A_1146, %swap3A_1147] {strides = array<i32>} : memref<2x8192xf32, #tpu.memory_space<vmem>>, vector<16xf32>,
        tpu.vector_store %arg9[%swap3A_1146, %swap3A_1147], %gather3A_1086 {strides = array<i32>} : memref<2x8192xf32, #tpu.memory_space<vmem>>, vector<16xf32>,
        %mul3A_1149 = arith.constant 1024 : i32
        %mul3A_1150 = arith.muli %scan3A_649, %mul3A_1149 : i32
        %add3A_1151 = arith.constant 256 : i32
        %add3A_1152 = arith.addi %mul3A_1150, %add3A_1151 : i32
        %add3A_1153 = arith.constant 32 : i32
        %add3A_1154 = arith.addi %add3A_1152, %add3A_1153 : i32
        %swap3A_1155 = arith.constant 0 : i32
        %swap3A_1156 = arith.index_cast %swap3A_1155 : i32 to index
        %swap3A_1157 = arith.index_cast %add3A_1154 : i32 to index
        %swap3A_1158 = tpu.vector_load %arg9[%swap3A_1156, %swap3A_1157] {strides = array<i32>} : memref<2x8192xf32, #tpu.memory_space<vmem>>, vector<16xf32>,
        tpu.vector_store %arg9[%swap3A_1156, %swap3A_1157], %gather3A_1089 {strides = array<i32>} : memref<2x8192xf32, #tpu.memory_space<vmem>>, vector<16xf32>,
        %mul3A_1159 = arith.constant 1024 : i32
        %mul3A_1160 = arith.muli %scan3A_649, %mul3A_1159 : i32
        %add3A_1161 = arith.constant 384 : i32
        %add3A_1162 = arith.addi %mul3A_1160, %add3A_1161 : i32
        %add3A_1163 = arith.constant 32 : i32
        %add3A_1164 = arith.addi %add3A_1162, %add3A_1163 : i32
        %swap3A_1165 = arith.constant 0 : i32
        %swap3A_1166 = arith.index_cast %swap3A_1165 : i32 to index
        %swap3A_1167 = arith.index_cast %add3A_1164 : i32 to index
        %swap3A_1168 = tpu.vector_load %arg9[%swap3A_1166, %swap3A_1167] {strides = array<i32>} : memref<2x8192xf32, #tpu.memory_space<vmem>>, vector<16xf32>,
        tpu.vector_store %arg9[%swap3A_1166, %swap3A_1167], %gather3A_1092 {strides = array<i32>} : memref<2x8192xf32, #tpu.memory_space<vmem>>, vector<16xf32>,
        %mul3A_1169 = arith.constant 1024 : i32
        %mul3A_1170 = arith.muli %scan3A_649, %mul3A_1169 : i32
        %add3A_1171 = arith.constant 512 : i32
        %add3A_1172 = arith.addi %mul3A_1170, %add3A_1171 : i32
        %add3A_1173 = arith.constant 32 : i32
        %add3A_1174 = arith.addi %add3A_1172, %add3A_1173 : i32
        %swap3A_1175 = arith.constant 0 : i32
        %swap3A_1176 = arith.index_cast %swap3A_1175 : i32 to index
        %swap3A_1177 = arith.index_cast %add3A_1174 : i32 to index
        %swap3A_1178 = tpu.vector_load %arg9[%swap3A_1176, %swap3A_1177] {strides = array<i32>} : memref<2x8192xf32, #tpu.memory_space<vmem>>, vector<16xf32>,
        tpu.vector_store %arg9[%swap3A_1176, %swap3A_1177], %gather3A_1095 {strides = array<i32>} : memref<2x8192xf32, #tpu.memory_space<vmem>>, vector<16xf32>,
        %mul3A_1179 = arith.constant 1024 : i32
        %mul3A_1180 = arith.muli %scan3A_649, %mul3A_1179 : i32
        %add3A_1181 = arith.constant 640 : i32
        %add3A_1182 = arith.addi %mul3A_1180, %add3A_1181 : i32
        %add3A_1183 = arith.constant 32 : i32
        %add3A_1184 = arith.addi %add3A_1182, %add3A_1183 : i32
        %swap3A_1185 = arith.constant 0 : i32
        %swap3A_1186 = arith.index_cast %swap3A_1185 : i32 to index
        %swap3A_1187 = arith.index_cast %add3A_1184 : i32 to index
        %swap3A_1188 = tpu.vector_load %arg9[%swap3A_1186, %swap3A_1187] {strides = array<i32>} : memref<2x8192xf32, #tpu.memory_space<vmem>>, vector<16xf32>,
        tpu.vector_store %arg9[%swap3A_1186, %swap3A_1187], %gather3A_1098 {strides = array<i32>} : memref<2x8192xf32, #tpu.memory_space<vmem>>, vector<16xf32>,
        %mul3A_1189 = arith.constant 1024 : i32
        %mul3A_1190 = arith.muli %scan3A_649, %mul3A_1189 : i32
        %add3A_1191 = arith.constant 768 : i32
        %add3A_1192 = arith.addi %mul3A_1190, %add3A_1191 : i32
        %add3A_1193 = arith.constant 32 : i32
        %add3A_1194 = arith.addi %add3A_1192, %add3A_1193 : i32
        %swap3A_1195 = arith.constant 0 : i32
        %swap3A_1196 = arith.index_cast %swap3A_1195 : i32 to index
        %swap3A_1197 = arith.index_cast %add3A_1194 : i32 to index
        %swap3A_1198 = tpu.vector_load %arg9[%swap3A_1196, %swap3A_1197] {strides = array<i32>} : memref<2x8192xf32, #tpu.memory_space<vmem>>, vector<16xf32>,
        tpu.vector_store %arg9[%swap3A_1196, %swap3A_1197], %gather3A_1101 {strides = array<i32>} : memref<2x8192xf32, #tpu.memory_space<vmem>>, vector<16xf32>,
        %mul3A_1199 = arith.constant 1024 : i32
        %mul3A_1200 = arith.muli %scan3A_649, %mul3A_1199 : i32
        %add3A_1201 = arith.constant 896 : i32
        %add3A_1202 = arith.addi %mul3A_1200, %add3A_1201 : i32
        %add3A_1203 = arith.constant 32 : i32
        %add3A_1204 = arith.addi %add3A_1202, %add3A_1203 : i32
        %swap3A_1205 = arith.constant 0 : i32
        %swap3A_1206 = arith.index_cast %swap3A_1205 : i32 to index
        %swap3A_1207 = arith.index_cast %add3A_1204 : i32 to index
        %swap3A_1208 = tpu.vector_load %arg9[%swap3A_1206, %swap3A_1207] {strides = array<i32>} : memref<2x8192xf32, #tpu.memory_space<vmem>>, vector<16xf32>,
        tpu.vector_store %arg9[%swap3A_1206, %swap3A_1207], %gather3A_1104 {strides = array<i32>} : memref<2x8192xf32, #tpu.memory_space<vmem>>, vector<16xf32>,
        %mul3A_1209 = arith.constant 1024 : i32
        %mul3A_1210 = arith.muli %scan3A_649, %mul3A_1209 : i32
        %add3A_1211 = arith.constant 0 : i32
        %add3A_1212 = arith.addi %mul3A_1210, %add3A_1211 : i32
        %add3A_1213 = arith.constant 32 : i32
        %add3A_1214 = arith.addi %add3A_1212, %add3A_1213 : i32
        %swap3A_1215 = arith.constant 1 : i32
        %swap3A_1216 = arith.index_cast %swap3A_1215 : i32 to index
        %swap3A_1217 = arith.index_cast %add3A_1214 : i32 to index
        %swap3A_1218 = tpu.vector_load %arg9[%swap3A_1216, %swap3A_1217] {strides = array<i32>} : memref<2x8192xf32, #tpu.memory_space<vmem>>, vector<16xf32>,
        tpu.vector_store %arg9[%swap3A_1216, %swap3A_1217], %gather3A_1107 {strides = array<i32>} : memref<2x8192xf32, #tpu.memory_space<vmem>>, vector<16xf32>,
        %mul3A_1219 = arith.constant 1024 : i32
        %mul3A_1220 = arith.muli %scan3A_649, %mul3A_1219 : i32
        %add3A_1221 = arith.constant 128 : i32
        %add3A_1222 = arith.addi %mul3A_1220, %add3A_1221 : i32
        %add3A_1223 = arith.constant 32 : i32
        %add3A_1224 = arith.addi %add3A_1222, %add3A_1223 : i32
        %swap3A_1225 = arith.constant 1 : i32
        %swap3A_1226 = arith.index_cast %swap3A_1225 : i32 to index
        %swap3A_1227 = arith.index_cast %add3A_1224 : i32 to index
        %swap3A_1228 = tpu.vector_load %arg9[%swap3A_1226, %swap3A_1227] {strides = array<i32>} : memref<2x8192xf32, #tpu.memory_space<vmem>>, vector<16xf32>,
        tpu.vector_store %arg9[%swap3A_1226, %swap3A_1227], %gather3A_1110 {strides = array<i32>} : memref<2x8192xf32, #tpu.memory_space<vmem>>, vector<16xf32>,
        %mul3A_1229 = arith.constant 1024 : i32
        %mul3A_1230 = arith.muli %scan3A_649, %mul3A_1229 : i32
        %add3A_1231 = arith.constant 256 : i32
        %add3A_1232 = arith.addi %mul3A_1230, %add3A_1231 : i32
        %add3A_1233 = arith.constant 32 : i32
        %add3A_1234 = arith.addi %add3A_1232, %add3A_1233 : i32
        %swap3A_1235 = arith.constant 1 : i32
        %swap3A_1236 = arith.index_cast %swap3A_1235 : i32 to index
        %swap3A_1237 = arith.index_cast %add3A_1234 : i32 to index
        %swap3A_1238 = tpu.vector_load %arg9[%swap3A_1236, %swap3A_1237] {strides = array<i32>} : memref<2x8192xf32, #tpu.memory_space<vmem>>, vector<16xf32>,
        tpu.vector_store %arg9[%swap3A_1236, %swap3A_1237], %gather3A_1113 {strides = array<i32>} : memref<2x8192xf32, #tpu.memory_space<vmem>>, vector<16xf32>,
        %mul3A_1239 = arith.constant 1024 : i32
        %mul3A_1240 = arith.muli %scan3A_649, %mul3A_1239 : i32
        %add3A_1241 = arith.constant 384 : i32
        %add3A_1242 = arith.addi %mul3A_1240, %add3A_1241 : i32
        %add3A_1243 = arith.constant 32 : i32
        %add3A_1244 = arith.addi %add3A_1242, %add3A_1243 : i32
        %swap3A_1245 = arith.constant 1 : i32
        %swap3A_1246 = arith.index_cast %swap3A_1245 : i32 to index
        %swap3A_1247 = arith.index_cast %add3A_1244 : i32 to index
        %swap3A_1248 = tpu.vector_load %arg9[%swap3A_1246, %swap3A_1247] {strides = array<i32>} : memref<2x8192xf32, #tpu.memory_space<vmem>>, vector<16xf32>,
        tpu.vector_store %arg9[%swap3A_1246, %swap3A_1247], %gather3A_1116 {strides = array<i32>} : memref<2x8192xf32, #tpu.memory_space<vmem>>, vector<16xf32>,
        %mul3A_1249 = arith.constant 1024 : i32
        %mul3A_1250 = arith.muli %scan3A_649, %mul3A_1249 : i32
        %add3A_1251 = arith.constant 512 : i32
        %add3A_1252 = arith.addi %mul3A_1250, %add3A_1251 : i32
        %add3A_1253 = arith.constant 32 : i32
        %add3A_1254 = arith.addi %add3A_1252, %add3A_1253 : i32
        %swap3A_1255 = arith.constant 1 : i32
        %swap3A_1256 = arith.index_cast %swap3A_1255 : i32 to index
        %swap3A_1257 = arith.index_cast %add3A_1254 : i32 to index
        %swap3A_1258 = tpu.vector_load %arg9[%swap3A_1256, %swap3A_1257] {strides = array<i32>} : memref<2x8192xf32, #tpu.memory_space<vmem>>, vector<16xf32>,
        tpu.vector_store %arg9[%swap3A_1256, %swap3A_1257], %gather3A_1119 {strides = array<i32>} : memref<2x8192xf32, #tpu.memory_space<vmem>>, vector<16xf32>,
        %mul3A_1259 = arith.constant 1024 : i32
        %mul3A_1260 = arith.muli %scan3A_649, %mul3A_1259 : i32
        %add3A_1261 = arith.constant 640 : i32
        %add3A_1262 = arith.addi %mul3A_1260, %add3A_1261 : i32
        %add3A_1263 = arith.constant 32 : i32
        %add3A_1264 = arith.addi %add3A_1262, %add3A_1263 : i32
        %swap3A_1265 = arith.constant 1 : i32
        %swap3A_1266 = arith.index_cast %swap3A_1265 : i32 to index
        %swap3A_1267 = arith.index_cast %add3A_1264 : i32 to index
        %swap3A_1268 = tpu.vector_load %arg9[%swap3A_1266, %swap3A_1267] {strides = array<i32>} : memref<2x8192xf32, #tpu.memory_space<vmem>>, vector<16xf32>,
        tpu.vector_store %arg9[%swap3A_1266, %swap3A_1267], %gather3A_1122 {strides = array<i32>} : memref<2x8192xf32, #tpu.memory_space<vmem>>, vector<16xf32>,
        %mul3A_1269 = arith.constant 1024 : i32
        %mul3A_1270 = arith.muli %scan3A_649, %mul3A_1269 : i32
        %add3A_1271 = arith.constant 768 : i32
        %add3A_1272 = arith.addi %mul3A_1270, %add3A_1271 : i32
        %add3A_1273 = arith.constant 32 : i32
        %add3A_1274 = arith.addi %add3A_1272, %add3A_1273 : i32
        %swap3A_1275 = arith.constant 1 : i32
        %swap3A_1276 = arith.index_cast %swap3A_1275 : i32 to index
        %swap3A_1277 = arith.index_cast %add3A_1274 : i32 to index
        %swap3A_1278 = tpu.vector_load %arg9[%swap3A_1276, %swap3A_1277] {strides = array<i32>} : memref<2x8192xf32, #tpu.memory_space<vmem>>, vector<16xf32>,
        tpu.vector_store %arg9[%swap3A_1276, %swap3A_1277], %gather3A_1125 {strides = array<i32>} : memref<2x8192xf32, #tpu.memory_space<vmem>>, vector<16xf32>,
        %mul3A_1279 = arith.constant 1024 : i32
        %mul3A_1280 = arith.muli %scan3A_649, %mul3A_1279 : i32
        %add3A_1281 = arith.constant 896 : i32
        %add3A_1282 = arith.addi %mul3A_1280, %add3A_1281 : i32
        %add3A_1283 = arith.constant 32 : i32
        %add3A_1284 = arith.addi %add3A_1282, %add3A_1283 : i32
        %swap3A_1285 = arith.constant 1 : i32
        %swap3A_1286 = arith.index_cast %swap3A_1285 : i32 to index
        %swap3A_1287 = arith.index_cast %add3A_1284 : i32 to index
        %swap3A_1288 = tpu.vector_load %arg9[%swap3A_1286, %swap3A_1287] {strides = array<i32>} : memref<2x8192xf32, #tpu.memory_space<vmem>>, vector<16xf32>,
        tpu.vector_store %arg9[%swap3A_1286, %swap3A_1287], %gather3A_1128 {strides = array<i32>} : memref<2x8192xf32, #tpu.memory_space<vmem>>, vector<16xf32>,
        %mul3A_1289 = arith.constant 128 : i32
        %mul3A_1290 = arith.muli %scan3A_649, %mul3A_1289 : i32
        %add3A_1291 = arith.constant 48 : i32
        %add3A_1292 = arith.addi %mul3A_1290, %add3A_1291 : i32
        %broadcast_in_dim3A_1293 = vector.broadcast %add3A_1292 : i32 to vector<16xi32>
        %add3A_1294 = arith.addi %broadcast_in_dim3A_1293, %iota3A : vector<16xi32>
        %broadcast_in_dim3A_1295 = arith.constant 0 : i32
        %broadcast_in_dim3A_1296 = vector.broadcast %broadcast_in_dim3A_1295 : i32 to vector<16xi32>
        %gather3A_1297 = tpu.vector_load_idx %arg7[%add3A_1294, %broadcast_in_dim3A_1296] : memref<1024x16xf32, #tpu.memory_space<vmem>>[vector<16xi32>, vector<16xi32>], vector<16xf32>,
        %broadcast_in_dim3A_1298 = arith.constant 1 : i32
        %broadcast_in_dim3A_1299 = vector.broadcast %broadcast_in_dim3A_1298 : i32 to vector<16xi32>
        %gather3A_1300 = tpu.vector_load_idx %arg7[%add3A_1294, %broadcast_in_dim3A_1299] : memref<1024x16xf32, #tpu.memory_space<vmem>>[vector<16xi32>, vector<16xi32>], vector<16xf32>,
        %broadcast_in_dim3A_1301 = arith.constant 2 : i32
        %broadcast_in_dim3A_1302 = vector.broadcast %broadcast_in_dim3A_1301 : i32 to vector<16xi32>
        %gather3A_1303 = tpu.vector_load_idx %arg7[%add3A_1294, %broadcast_in_dim3A_1302] : memref<1024x16xf32, #tpu.memory_space<vmem>>[vector<16xi32>, vector<16xi32>], vector<16xf32>,
        %broadcast_in_dim3A_1304 = arith.constant 3 : i32
        %broadcast_in_dim3A_1305 = vector.broadcast %broadcast_in_dim3A_1304 : i32 to vector<16xi32>
        %gather3A_1306 = tpu.vector_load_idx %arg7[%add3A_1294, %broadcast_in_dim3A_1305] : memref<1024x16xf32, #tpu.memory_space<vmem>>[vector<16xi32>, vector<16xi32>], vector<16xf32>,
        %broadcast_in_dim3A_1307 = arith.constant 4 : i32
        %broadcast_in_dim3A_1308 = vector.broadcast %broadcast_in_dim3A_1307 : i32 to vector<16xi32>
        %gather3A_1309 = tpu.vector_load_idx %arg7[%add3A_1294, %broadcast_in_dim3A_1308] : memref<1024x16xf32, #tpu.memory_space<vmem>>[vector<16xi32>, vector<16xi32>], vector<16xf32>,
        %broadcast_in_dim3A_1310 = arith.constant 5 : i32
        %broadcast_in_dim3A_1311 = vector.broadcast %broadcast_in_dim3A_1310 : i32 to vector<16xi32>
        %gather3A_1312 = tpu.vector_load_idx %arg7[%add3A_1294, %broadcast_in_dim3A_1311] : memref<1024x16xf32, #tpu.memory_space<vmem>>[vector<16xi32>, vector<16xi32>], vector<16xf32>,
        %broadcast_in_dim3A_1313 = arith.constant 6 : i32
        %broadcast_in_dim3A_1314 = vector.broadcast %broadcast_in_dim3A_1313 : i32 to vector<16xi32>
        %gather3A_1315 = tpu.vector_load_idx %arg7[%add3A_1294, %broadcast_in_dim3A_1314] : memref<1024x16xf32, #tpu.memory_space<vmem>>[vector<16xi32>, vector<16xi32>], vector<16xf32>,
        %broadcast_in_dim3A_1316 = arith.constant 7 : i32
        %broadcast_in_dim3A_1317 = vector.broadcast %broadcast_in_dim3A_1316 : i32 to vector<16xi32>
        %gather3A_1318 = tpu.vector_load_idx %arg7[%add3A_1294, %broadcast_in_dim3A_1317] : memref<1024x16xf32, #tpu.memory_space<vmem>>[vector<16xi32>, vector<16xi32>], vector<16xf32>,
        %broadcast_in_dim3A_1319 = arith.constant 8 : i32
        %broadcast_in_dim3A_1320 = vector.broadcast %broadcast_in_dim3A_1319 : i32 to vector<16xi32>
        %gather3A_1321 = tpu.vector_load_idx %arg7[%add3A_1294, %broadcast_in_dim3A_1320] : memref<1024x16xf32, #tpu.memory_space<vmem>>[vector<16xi32>, vector<16xi32>], vector<16xf32>,
        %broadcast_in_dim3A_1322 = arith.constant 9 : i32
        %broadcast_in_dim3A_1323 = vector.broadcast %broadcast_in_dim3A_1322 : i32 to vector<16xi32>
        %gather3A_1324 = tpu.vector_load_idx %arg7[%add3A_1294, %broadcast_in_dim3A_1323] : memref<1024x16xf32, #tpu.memory_space<vmem>>[vector<16xi32>, vector<16xi32>], vector<16xf32>,
        %broadcast_in_dim3A_1325 = arith.constant 10 : i32
        %broadcast_in_dim3A_1326 = vector.broadcast %broadcast_in_dim3A_1325 : i32 to vector<16xi32>
        %gather3A_1327 = tpu.vector_load_idx %arg7[%add3A_1294, %broadcast_in_dim3A_1326] : memref<1024x16xf32, #tpu.memory_space<vmem>>[vector<16xi32>, vector<16xi32>], vector<16xf32>,
        %broadcast_in_dim3A_1328 = arith.constant 11 : i32
        %broadcast_in_dim3A_1329 = vector.broadcast %broadcast_in_dim3A_1328 : i32 to vector<16xi32>
        %gather3A_1330 = tpu.vector_load_idx %arg7[%add3A_1294, %broadcast_in_dim3A_1329] : memref<1024x16xf32, #tpu.memory_space<vmem>>[vector<16xi32>, vector<16xi32>], vector<16xf32>,
        %broadcast_in_dim3A_1331 = arith.constant 12 : i32
        %broadcast_in_dim3A_1332 = vector.broadcast %broadcast_in_dim3A_1331 : i32 to vector<16xi32>
        %gather3A_1333 = tpu.vector_load_idx %arg7[%add3A_1294, %broadcast_in_dim3A_1332] : memref<1024x16xf32, #tpu.memory_space<vmem>>[vector<16xi32>, vector<16xi32>], vector<16xf32>,
        %broadcast_in_dim3A_1334 = arith.constant 13 : i32
        %broadcast_in_dim3A_1335 = vector.broadcast %broadcast_in_dim3A_1334 : i32 to vector<16xi32>
        %gather3A_1336 = tpu.vector_load_idx %arg7[%add3A_1294, %broadcast_in_dim3A_1335] : memref<1024x16xf32, #tpu.memory_space<vmem>>[vector<16xi32>, vector<16xi32>], vector<16xf32>,
        %broadcast_in_dim3A_1337 = arith.constant 14 : i32
        %broadcast_in_dim3A_1338 = vector.broadcast %broadcast_in_dim3A_1337 : i32 to vector<16xi32>
        %gather3A_1339 = tpu.vector_load_idx %arg7[%add3A_1294, %broadcast_in_dim3A_1338] : memref<1024x16xf32, #tpu.memory_space<vmem>>[vector<16xi32>, vector<16xi32>], vector<16xf32>,
        %broadcast_in_dim3A_1340 = arith.constant 15 : i32
        %broadcast_in_dim3A_1341 = vector.broadcast %broadcast_in_dim3A_1340 : i32 to vector<16xi32>
        %gather3A_1342 = tpu.vector_load_idx %arg7[%add3A_1294, %broadcast_in_dim3A_1341] : memref<1024x16xf32, #tpu.memory_space<vmem>>[vector<16xi32>, vector<16xi32>], vector<16xf32>,
        %mul3A_1343 = arith.constant 1024 : i32
        %mul3A_1344 = arith.muli %scan3A_649, %mul3A_1343 : i32
        %add3A_1345 = arith.constant 0 : i32
        %add3A_1346 = arith.addi %mul3A_1344, %add3A_1345 : i32
        %add3A_1347 = arith.constant 48 : i32
        %add3A_1348 = arith.addi %add3A_1346, %add3A_1347 : i32
        %swap3A_1349 = arith.constant 0 : i32
        %swap3A_1350 = arith.index_cast %swap3A_1349 : i32 to index
        %swap3A_1351 = arith.index_cast %add3A_1348 : i32 to index
        %swap3A_1352 = tpu.vector_load %arg9[%swap3A_1350, %swap3A_1351] {strides = array<i32>} : memref<2x8192xf32, #tpu.memory_space<vmem>>, vector<16xf32>,
        tpu.vector_store %arg9[%swap3A_1350, %swap3A_1351], %gather3A_1297 {strides = array<i32>} : memref<2x8192xf32, #tpu.memory_space<vmem>>, vector<16xf32>,
        %mul3A_1353 = arith.constant 1024 : i32
        %mul3A_1354 = arith.muli %scan3A_649, %mul3A_1353 : i32
        %add3A_1355 = arith.constant 128 : i32
        %add3A_1356 = arith.addi %mul3A_1354, %add3A_1355 : i32
        %add3A_1357 = arith.constant 48 : i32
        %add3A_1358 = arith.addi %add3A_1356, %add3A_1357 : i32
        %swap3A_1359 = arith.constant 0 : i32
        %swap3A_1360 = arith.index_cast %swap3A_1359 : i32 to index
        %swap3A_1361 = arith.index_cast %add3A_1358 : i32 to index
        %swap3A_1362 = tpu.vector_load %arg9[%swap3A_1360, %swap3A_1361] {strides = array<i32>} : memref<2x8192xf32, #tpu.memory_space<vmem>>, vector<16xf32>,
        tpu.vector_store %arg9[%swap3A_1360, %swap3A_1361], %gather3A_1300 {strides = array<i32>} : memref<2x8192xf32, #tpu.memory_space<vmem>>, vector<16xf32>,
        %mul3A_1363 = arith.constant 1024 : i32
        %mul3A_1364 = arith.muli %scan3A_649, %mul3A_1363 : i32
        %add3A_1365 = arith.constant 256 : i32
        %add3A_1366 = arith.addi %mul3A_1364, %add3A_1365 : i32
        %add3A_1367 = arith.constant 48 : i32
        %add3A_1368 = arith.addi %add3A_1366, %add3A_1367 : i32
        %swap3A_1369 = arith.constant 0 : i32
        %swap3A_1370 = arith.index_cast %swap3A_1369 : i32 to index
        %swap3A_1371 = arith.index_cast %add3A_1368 : i32 to index
        %swap3A_1372 = tpu.vector_load %arg9[%swap3A_1370, %swap3A_1371] {strides = array<i32>} : memref<2x8192xf32, #tpu.memory_space<vmem>>, vector<16xf32>,
        tpu.vector_store %arg9[%swap3A_1370, %swap3A_1371], %gather3A_1303 {strides = array<i32>} : memref<2x8192xf32, #tpu.memory_space<vmem>>, vector<16xf32>,
        %mul3A_1373 = arith.constant 1024 : i32
        %mul3A_1374 = arith.muli %scan3A_649, %mul3A_1373 : i32
        %add3A_1375 = arith.constant 384 : i32
        %add3A_1376 = arith.addi %mul3A_1374, %add3A_1375 : i32
        %add3A_1377 = arith.constant 48 : i32
        %add3A_1378 = arith.addi %add3A_1376, %add3A_1377 : i32
        %swap3A_1379 = arith.constant 0 : i32
        %swap3A_1380 = arith.index_cast %swap3A_1379 : i32 to index
        %swap3A_1381 = arith.index_cast %add3A_1378 : i32 to index
        %swap3A_1382 = tpu.vector_load %arg9[%swap3A_1380, %swap3A_1381] {strides = array<i32>} : memref<2x8192xf32, #tpu.memory_space<vmem>>, vector<16xf32>,
        tpu.vector_store %arg9[%swap3A_1380, %swap3A_1381], %gather3A_1306 {strides = array<i32>} : memref<2x8192xf32, #tpu.memory_space<vmem>>, vector<16xf32>,
        %mul3A_1383 = arith.constant 1024 : i32
        %mul3A_1384 = arith.muli %scan3A_649, %mul3A_1383 : i32
        %add3A_1385 = arith.constant 512 : i32
        %add3A_1386 = arith.addi %mul3A_1384, %add3A_1385 : i32
        %add3A_1387 = arith.constant 48 : i32
        %add3A_1388 = arith.addi %add3A_1386, %add3A_1387 : i32
        %swap3A_1389 = arith.constant 0 : i32
        %swap3A_1390 = arith.index_cast %swap3A_1389 : i32 to index
        %swap3A_1391 = arith.index_cast %add3A_1388 : i32 to index
        %swap3A_1392 = tpu.vector_load %arg9[%swap3A_1390, %swap3A_1391] {strides = array<i32>} : memref<2x8192xf32, #tpu.memory_space<vmem>>, vector<16xf32>,
        tpu.vector_store %arg9[%swap3A_1390, %swap3A_1391], %gather3A_1309 {strides = array<i32>} : memref<2x8192xf32, #tpu.memory_space<vmem>>, vector<16xf32>,
        %mul3A_1393 = arith.constant 1024 : i32
        %mul3A_1394 = arith.muli %scan3A_649, %mul3A_1393 : i32
        %add3A_1395 = arith.constant 640 : i32
        %add3A_1396 = arith.addi %mul3A_1394, %add3A_1395 : i32
        %add3A_1397 = arith.constant 48 : i32
        %add3A_1398 = arith.addi %add3A_1396, %add3A_1397 : i32
        %swap3A_1399 = arith.constant 0 : i32
        %swap3A_1400 = arith.index_cast %swap3A_1399 : i32 to index
        %swap3A_1401 = arith.index_cast %add3A_1398 : i32 to index
        %swap3A_1402 = tpu.vector_load %arg9[%swap3A_1400, %swap3A_1401] {strides = array<i32>} : memref<2x8192xf32, #tpu.memory_space<vmem>>, vector<16xf32>,
        tpu.vector_store %arg9[%swap3A_1400, %swap3A_1401], %gather3A_1312 {strides = array<i32>} : memref<2x8192xf32, #tpu.memory_space<vmem>>, vector<16xf32>,
        %mul3A_1403 = arith.constant 1024 : i32
        %mul3A_1404 = arith.muli %scan3A_649, %mul3A_1403 : i32
        %add3A_1405 = arith.constant 768 : i32
        %add3A_1406 = arith.addi %mul3A_1404, %add3A_1405 : i32
        %add3A_1407 = arith.constant 48 : i32
        %add3A_1408 = arith.addi %add3A_1406, %add3A_1407 : i32
        %swap3A_1409 = arith.constant 0 : i32
        %swap3A_1410 = arith.index_cast %swap3A_1409 : i32 to index
        %swap3A_1411 = arith.index_cast %add3A_1408 : i32 to index
        %swap3A_1412 = tpu.vector_load %arg9[%swap3A_1410, %swap3A_1411] {strides = array<i32>} : memref<2x8192xf32, #tpu.memory_space<vmem>>, vector<16xf32>,
        tpu.vector_store %arg9[%swap3A_1410, %swap3A_1411], %gather3A_1315 {strides = array<i32>} : memref<2x8192xf32, #tpu.memory_space<vmem>>, vector<16xf32>,
        %mul3A_1413 = arith.constant 1024 : i32
        %mul3A_1414 = arith.muli %scan3A_649, %mul3A_1413 : i32
        %add3A_1415 = arith.constant 896 : i32
        %add3A_1416 = arith.addi %mul3A_1414, %add3A_1415 : i32
        %add3A_1417 = arith.constant 48 : i32
        %add3A_1418 = arith.addi %add3A_1416, %add3A_1417 : i32
        %swap3A_1419 = arith.constant 0 : i32
        %swap3A_1420 = arith.index_cast %swap3A_1419 : i32 to index
        %swap3A_1421 = arith.index_cast %add3A_1418 : i32 to index
        %swap3A_1422 = tpu.vector_load %arg9[%swap3A_1420, %swap3A_1421] {strides = array<i32>} : memref<2x8192xf32, #tpu.memory_space<vmem>>, vector<16xf32>,
        tpu.vector_store %arg9[%swap3A_1420, %swap3A_1421], %gather3A_1318 {strides = array<i32>} : memref<2x8192xf32, #tpu.memory_space<vmem>>, vector<16xf32>,
        %mul3A_1423 = arith.constant 1024 : i32
        %mul3A_1424 = arith.muli %scan3A_649, %mul3A_1423 : i32
        %add3A_1425 = arith.constant 0 : i32
        %add3A_1426 = arith.addi %mul3A_1424, %add3A_1425 : i32
        %add3A_1427 = arith.constant 48 : i32
        %add3A_1428 = arith.addi %add3A_1426, %add3A_1427 : i32
        %swap3A_1429 = arith.constant 1 : i32
        %swap3A_1430 = arith.index_cast %swap3A_1429 : i32 to index
        %swap3A_1431 = arith.index_cast %add3A_1428 : i32 to index
        %swap3A_1432 = tpu.vector_load %arg9[%swap3A_1430, %swap3A_1431] {strides = array<i32>} : memref<2x8192xf32, #tpu.memory_space<vmem>>, vector<16xf32>,
        tpu.vector_store %arg9[%swap3A_1430, %swap3A_1431], %gather3A_1321 {strides = array<i32>} : memref<2x8192xf32, #tpu.memory_space<vmem>>, vector<16xf32>,
        %mul3A_1433 = arith.constant 1024 : i32
        %mul3A_1434 = arith.muli %scan3A_649, %mul3A_1433 : i32
        %add3A_1435 = arith.constant 128 : i32
        %add3A_1436 = arith.addi %mul3A_1434, %add3A_1435 : i32
        %add3A_1437 = arith.constant 48 : i32
        %add3A_1438 = arith.addi %add3A_1436, %add3A_1437 : i32
        %swap3A_1439 = arith.constant 1 : i32
        %swap3A_1440 = arith.index_cast %swap3A_1439 : i32 to index
        %swap3A_1441 = arith.index_cast %add3A_1438 : i32 to index
        %swap3A_1442 = tpu.vector_load %arg9[%swap3A_1440, %swap3A_1441] {strides = array<i32>} : memref<2x8192xf32, #tpu.memory_space<vmem>>, vector<16xf32>,
        tpu.vector_store %arg9[%swap3A_1440, %swap3A_1441], %gather3A_1324 {strides = array<i32>} : memref<2x8192xf32, #tpu.memory_space<vmem>>, vector<16xf32>,
        %mul3A_1443 = arith.constant 1024 : i32
        %mul3A_1444 = arith.muli %scan3A_649, %mul3A_1443 : i32
        %add3A_1445 = arith.constant 256 : i32
        %add3A_1446 = arith.addi %mul3A_1444, %add3A_1445 : i32
        %add3A_1447 = arith.constant 48 : i32
        %add3A_1448 = arith.addi %add3A_1446, %add3A_1447 : i32
        %swap3A_1449 = arith.constant 1 : i32
        %swap3A_1450 = arith.index_cast %swap3A_1449 : i32 to index
        %swap3A_1451 = arith.index_cast %add3A_1448 : i32 to index
        %swap3A_1452 = tpu.vector_load %arg9[%swap3A_1450, %swap3A_1451] {strides = array<i32>} : memref<2x8192xf32, #tpu.memory_space<vmem>>, vector<16xf32>,
        tpu.vector_store %arg9[%swap3A_1450, %swap3A_1451], %gather3A_1327 {strides = array<i32>} : memref<2x8192xf32, #tpu.memory_space<vmem>>, vector<16xf32>,
        %mul3A_1453 = arith.constant 1024 : i32
        %mul3A_1454 = arith.muli %scan3A_649, %mul3A_1453 : i32
        %add3A_1455 = arith.constant 384 : i32
        %add3A_1456 = arith.addi %mul3A_1454, %add3A_1455 : i32
        %add3A_1457 = arith.constant 48 : i32
        %add3A_1458 = arith.addi %add3A_1456, %add3A_1457 : i32
        %swap3A_1459 = arith.constant 1 : i32
        %swap3A_1460 = arith.index_cast %swap3A_1459 : i32 to index
        %swap3A_1461 = arith.index_cast %add3A_1458 : i32 to index
        %swap3A_1462 = tpu.vector_load %arg9[%swap3A_1460, %swap3A_1461] {strides = array<i32>} : memref<2x8192xf32, #tpu.memory_space<vmem>>, vector<16xf32>,
        tpu.vector_store %arg9[%swap3A_1460, %swap3A_1461], %gather3A_1330 {strides = array<i32>} : memref<2x8192xf32, #tpu.memory_space<vmem>>, vector<16xf32>,
        %mul3A_1463 = arith.constant 1024 : i32
        %mul3A_1464 = arith.muli %scan3A_649, %mul3A_1463 : i32
        %add3A_1465 = arith.constant 512 : i32
        %add3A_1466 = arith.addi %mul3A_1464, %add3A_1465 : i32
        %add3A_1467 = arith.constant 48 : i32
        %add3A_1468 = arith.addi %add3A_1466, %add3A_1467 : i32
        %swap3A_1469 = arith.constant 1 : i32
        %swap3A_1470 = arith.index_cast %swap3A_1469 : i32 to index
        %swap3A_1471 = arith.index_cast %add3A_1468 : i32 to index
        %swap3A_1472 = tpu.vector_load %arg9[%swap3A_1470, %swap3A_1471] {strides = array<i32>} : memref<2x8192xf32, #tpu.memory_space<vmem>>, vector<16xf32>,
        tpu.vector_store %arg9[%swap3A_1470, %swap3A_1471], %gather3A_1333 {strides = array<i32>} : memref<2x8192xf32, #tpu.memory_space<vmem>>, vector<16xf32>,
        %mul3A_1473 = arith.constant 1024 : i32
        %mul3A_1474 = arith.muli %scan3A_649, %mul3A_1473 : i32
        %add3A_1475 = arith.constant 640 : i32
        %add3A_1476 = arith.addi %mul3A_1474, %add3A_1475 : i32
        %add3A_1477 = arith.constant 48 : i32
        %add3A_1478 = arith.addi %add3A_1476, %add3A_1477 : i32
        %swap3A_1479 = arith.constant 1 : i32
        %swap3A_1480 = arith.index_cast %swap3A_1479 : i32 to index
        %swap3A_1481 = arith.index_cast %add3A_1478 : i32 to index
        %swap3A_1482 = tpu.vector_load %arg9[%swap3A_1480, %swap3A_1481] {strides = array<i32>} : memref<2x8192xf32, #tpu.memory_space<vmem>>, vector<16xf32>,
        tpu.vector_store %arg9[%swap3A_1480, %swap3A_1481], %gather3A_1336 {strides = array<i32>} : memref<2x8192xf32, #tpu.memory_space<vmem>>, vector<16xf32>,
        %mul3A_1483 = arith.constant 1024 : i32
        %mul3A_1484 = arith.muli %scan3A_649, %mul3A_1483 : i32
        %add3A_1485 = arith.constant 768 : i32
        %add3A_1486 = arith.addi %mul3A_1484, %add3A_1485 : i32
        %add3A_1487 = arith.constant 48 : i32
        %add3A_1488 = arith.addi %add3A_1486, %add3A_1487 : i32
        %swap3A_1489 = arith.constant 1 : i32
        %swap3A_1490 = arith.index_cast %swap3A_1489 : i32 to index
        %swap3A_1491 = arith.index_cast %add3A_1488 : i32 to index
        %swap3A_1492 = tpu.vector_load %arg9[%swap3A_1490, %swap3A_1491] {strides = array<i32>} : memref<2x8192xf32, #tpu.memory_space<vmem>>, vector<16xf32>,
        tpu.vector_store %arg9[%swap3A_1490, %swap3A_1491], %gather3A_1339 {strides = array<i32>} : memref<2x8192xf32, #tpu.memory_space<vmem>>, vector<16xf32>,
        %mul3A_1493 = arith.constant 1024 : i32
        %mul3A_1494 = arith.muli %scan3A_649, %mul3A_1493 : i32
        %add3A_1495 = arith.constant 896 : i32
        %add3A_1496 = arith.addi %mul3A_1494, %add3A_1495 : i32
        %add3A_1497 = arith.constant 48 : i32
        %add3A_1498 = arith.addi %add3A_1496, %add3A_1497 : i32
        %swap3A_1499 = arith.constant 1 : i32
        %swap3A_1500 = arith.index_cast %swap3A_1499 : i32 to index
        %swap3A_1501 = arith.index_cast %add3A_1498 : i32 to index
        %swap3A_1502 = tpu.vector_load %arg9[%swap3A_1500, %swap3A_1501] {strides = array<i32>} : memref<2x8192xf32, #tpu.memory_space<vmem>>, vector<16xf32>,
        tpu.vector_store %arg9[%swap3A_1500, %swap3A_1501], %gather3A_1342 {strides = array<i32>} : memref<2x8192xf32, #tpu.memory_space<vmem>>, vector<16xf32>,
        %mul3A_1503 = arith.constant 128 : i32
        %mul3A_1504 = arith.muli %scan3A_649, %mul3A_1503 : i32
        %add3A_1505 = arith.constant 64 : i32
        %add3A_1506 = arith.addi %mul3A_1504, %add3A_1505 : i32
        %broadcast_in_dim3A_1507 = vector.broadcast %add3A_1506 : i32 to vector<16xi32>
        %add3A_1508 = arith.addi %broadcast_in_dim3A_1507, %iota3A : vector<16xi32>
        %broadcast_in_dim3A_1509 = arith.constant 0 : i32
        %broadcast_in_dim3A_1510 = vector.broadcast %broadcast_in_dim3A_1509 : i32 to vector<16xi32>
        %gather3A_1511 = tpu.vector_load_idx %arg7[%add3A_1508, %broadcast_in_dim3A_1510] : memref<1024x16xf32, #tpu.memory_space<vmem>>[vector<16xi32>, vector<16xi32>], vector<16xf32>,
        %broadcast_in_dim3A_1512 = arith.constant 1 : i32
        %broadcast_in_dim3A_1513 = vector.broadcast %broadcast_in_dim3A_1512 : i32 to vector<16xi32>
        %gather3A_1514 = tpu.vector_load_idx %arg7[%add3A_1508, %broadcast_in_dim3A_1513] : memref<1024x16xf32, #tpu.memory_space<vmem>>[vector<16xi32>, vector<16xi32>], vector<16xf32>,
        %broadcast_in_dim3A_1515 = arith.constant 2 : i32
        %broadcast_in_dim3A_1516 = vector.broadcast %broadcast_in_dim3A_1515 : i32 to vector<16xi32>
        %gather3A_1517 = tpu.vector_load_idx %arg7[%add3A_1508, %broadcast_in_dim3A_1516] : memref<1024x16xf32, #tpu.memory_space<vmem>>[vector<16xi32>, vector<16xi32>], vector<16xf32>,
        %broadcast_in_dim3A_1518 = arith.constant 3 : i32
        %broadcast_in_dim3A_1519 = vector.broadcast %broadcast_in_dim3A_1518 : i32 to vector<16xi32>
        %gather3A_1520 = tpu.vector_load_idx %arg7[%add3A_1508, %broadcast_in_dim3A_1519] : memref<1024x16xf32, #tpu.memory_space<vmem>>[vector<16xi32>, vector<16xi32>], vector<16xf32>,
        %broadcast_in_dim3A_1521 = arith.constant 4 : i32
        %broadcast_in_dim3A_1522 = vector.broadcast %broadcast_in_dim3A_1521 : i32 to vector<16xi32>
        %gather3A_1523 = tpu.vector_load_idx %arg7[%add3A_1508, %broadcast_in_dim3A_1522] : memref<1024x16xf32, #tpu.memory_space<vmem>>[vector<16xi32>, vector<16xi32>], vector<16xf32>,
        %broadcast_in_dim3A_1524 = arith.constant 5 : i32
        %broadcast_in_dim3A_1525 = vector.broadcast %broadcast_in_dim3A_1524 : i32 to vector<16xi32>
        %gather3A_1526 = tpu.vector_load_idx %arg7[%add3A_1508, %broadcast_in_dim3A_1525] : memref<1024x16xf32, #tpu.memory_space<vmem>>[vector<16xi32>, vector<16xi32>], vector<16xf32>,
        %broadcast_in_dim3A_1527 = arith.constant 6 : i32
        %broadcast_in_dim3A_1528 = vector.broadcast %broadcast_in_dim3A_1527 : i32 to vector<16xi32>
        %gather3A_1529 = tpu.vector_load_idx %arg7[%add3A_1508, %broadcast_in_dim3A_1528] : memref<1024x16xf32, #tpu.memory_space<vmem>>[vector<16xi32>, vector<16xi32>], vector<16xf32>,
        %broadcast_in_dim3A_1530 = arith.constant 7 : i32
        %broadcast_in_dim3A_1531 = vector.broadcast %broadcast_in_dim3A_1530 : i32 to vector<16xi32>
        %gather3A_1532 = tpu.vector_load_idx %arg7[%add3A_1508, %broadcast_in_dim3A_1531] : memref<1024x16xf32, #tpu.memory_space<vmem>>[vector<16xi32>, vector<16xi32>], vector<16xf32>,
        %broadcast_in_dim3A_1533 = arith.constant 8 : i32
        %broadcast_in_dim3A_1534 = vector.broadcast %broadcast_in_dim3A_1533 : i32 to vector<16xi32>
        %gather3A_1535 = tpu.vector_load_idx %arg7[%add3A_1508, %broadcast_in_dim3A_1534] : memref<1024x16xf32, #tpu.memory_space<vmem>>[vector<16xi32>, vector<16xi32>], vector<16xf32>,
        %broadcast_in_dim3A_1536 = arith.constant 9 : i32
        %broadcast_in_dim3A_1537 = vector.broadcast %broadcast_in_dim3A_1536 : i32 to vector<16xi32>
        %gather3A_1538 = tpu.vector_load_idx %arg7[%add3A_1508, %broadcast_in_dim3A_1537] : memref<1024x16xf32, #tpu.memory_space<vmem>>[vector<16xi32>, vector<16xi32>], vector<16xf32>,
        %broadcast_in_dim3A_1539 = arith.constant 10 : i32
        %broadcast_in_dim3A_1540 = vector.broadcast %broadcast_in_dim3A_1539 : i32 to vector<16xi32>
        %gather3A_1541 = tpu.vector_load_idx %arg7[%add3A_1508, %broadcast_in_dim3A_1540] : memref<1024x16xf32, #tpu.memory_space<vmem>>[vector<16xi32>, vector<16xi32>], vector<16xf32>,
        %broadcast_in_dim3A_1542 = arith.constant 11 : i32
        %broadcast_in_dim3A_1543 = vector.broadcast %broadcast_in_dim3A_1542 : i32 to vector<16xi32>
        %gather3A_1544 = tpu.vector_load_idx %arg7[%add3A_1508, %broadcast_in_dim3A_1543] : memref<1024x16xf32, #tpu.memory_space<vmem>>[vector<16xi32>, vector<16xi32>], vector<16xf32>,
        %broadcast_in_dim3A_1545 = arith.constant 12 : i32
        %broadcast_in_dim3A_1546 = vector.broadcast %broadcast_in_dim3A_1545 : i32 to vector<16xi32>
        %gather3A_1547 = tpu.vector_load_idx %arg7[%add3A_1508, %broadcast_in_dim3A_1546] : memref<1024x16xf32, #tpu.memory_space<vmem>>[vector<16xi32>, vector<16xi32>], vector<16xf32>,
        %broadcast_in_dim3A_1548 = arith.constant 13 : i32
        %broadcast_in_dim3A_1549 = vector.broadcast %broadcast_in_dim3A_1548 : i32 to vector<16xi32>
        %gather3A_1550 = tpu.vector_load_idx %arg7[%add3A_1508, %broadcast_in_dim3A_1549] : memref<1024x16xf32, #tpu.memory_space<vmem>>[vector<16xi32>, vector<16xi32>], vector<16xf32>,
        %broadcast_in_dim3A_1551 = arith.constant 14 : i32
        %broadcast_in_dim3A_1552 = vector.broadcast %broadcast_in_dim3A_1551 : i32 to vector<16xi32>
        %gather3A_1553 = tpu.vector_load_idx %arg7[%add3A_1508, %broadcast_in_dim3A_1552] : memref<1024x16xf32, #tpu.memory_space<vmem>>[vector<16xi32>, vector<16xi32>], vector<16xf32>,
        %broadcast_in_dim3A_1554 = arith.constant 15 : i32
        %broadcast_in_dim3A_1555 = vector.broadcast %broadcast_in_dim3A_1554 : i32 to vector<16xi32>
        %gather3A_1556 = tpu.vector_load_idx %arg7[%add3A_1508, %broadcast_in_dim3A_1555] : memref<1024x16xf32, #tpu.memory_space<vmem>>[vector<16xi32>, vector<16xi32>], vector<16xf32>,
        %mul3A_1557 = arith.constant 1024 : i32
        %mul3A_1558 = arith.muli %scan3A_649, %mul3A_1557 : i32
        %add3A_1559 = arith.constant 0 : i32
        %add3A_1560 = arith.addi %mul3A_1558, %add3A_1559 : i32
        %add3A_1561 = arith.constant 64 : i32
        %add3A_1562 = arith.addi %add3A_1560, %add3A_1561 : i32
        %swap3A_1563 = arith.constant 0 : i32
        %swap3A_1564 = arith.index_cast %swap3A_1563 : i32 to index
        %swap3A_1565 = arith.index_cast %add3A_1562 : i32 to index
        %swap3A_1566 = tpu.vector_load %arg9[%swap3A_1564, %swap3A_1565] {strides = array<i32>} : memref<2x8192xf32, #tpu.memory_space<vmem>>, vector<16xf32>,
        tpu.vector_store %arg9[%swap3A_1564, %swap3A_1565], %gather3A_1511 {strides = array<i32>} : memref<2x8192xf32, #tpu.memory_space<vmem>>, vector<16xf32>,
        %mul3A_1567 = arith.constant 1024 : i32
        %mul3A_1568 = arith.muli %scan3A_649, %mul3A_1567 : i32
        %add3A_1569 = arith.constant 128 : i32
        %add3A_1570 = arith.addi %mul3A_1568, %add3A_1569 : i32
        %add3A_1571 = arith.constant 64 : i32
        %add3A_1572 = arith.addi %add3A_1570, %add3A_1571 : i32
        %swap3A_1573 = arith.constant 0 : i32
        %swap3A_1574 = arith.index_cast %swap3A_1573 : i32 to index
        %swap3A_1575 = arith.index_cast %add3A_1572 : i32 to index
        %swap3A_1576 = tpu.vector_load %arg9[%swap3A_1574, %swap3A_1575] {strides = array<i32>} : memref<2x8192xf32, #tpu.memory_space<vmem>>, vector<16xf32>,
        tpu.vector_store %arg9[%swap3A_1574, %swap3A_1575], %gather3A_1514 {strides = array<i32>} : memref<2x8192xf32, #tpu.memory_space<vmem>>, vector<16xf32>,
        %mul3A_1577 = arith.constant 1024 : i32
        %mul3A_1578 = arith.muli %scan3A_649, %mul3A_1577 : i32
        %add3A_1579 = arith.constant 256 : i32
        %add3A_1580 = arith.addi %mul3A_1578, %add3A_1579 : i32
        %add3A_1581 = arith.constant 64 : i32
        %add3A_1582 = arith.addi %add3A_1580, %add3A_1581 : i32
        %swap3A_1583 = arith.constant 0 : i32
        %swap3A_1584 = arith.index_cast %swap3A_1583 : i32 to index
        %swap3A_1585 = arith.index_cast %add3A_1582 : i32 to index
        %swap3A_1586 = tpu.vector_load %arg9[%swap3A_1584, %swap3A_1585] {strides = array<i32>} : memref<2x8192xf32, #tpu.memory_space<vmem>>, vector<16xf32>,
        tpu.vector_store %arg9[%swap3A_1584, %swap3A_1585], %gather3A_1517 {strides = array<i32>} : memref<2x8192xf32, #tpu.memory_space<vmem>>, vector<16xf32>,
        %mul3A_1587 = arith.constant 1024 : i32
        %mul3A_1588 = arith.muli %scan3A_649, %mul3A_1587 : i32
        %add3A_1589 = arith.constant 384 : i32
        %add3A_1590 = arith.addi %mul3A_1588, %add3A_1589 : i32
        %add3A_1591 = arith.constant 64 : i32
        %add3A_1592 = arith.addi %add3A_1590, %add3A_1591 : i32
        %swap3A_1593 = arith.constant 0 : i32
        %swap3A_1594 = arith.index_cast %swap3A_1593 : i32 to index
        %swap3A_1595 = arith.index_cast %add3A_1592 : i32 to index
        %swap3A_1596 = tpu.vector_load %arg9[%swap3A_1594, %swap3A_1595] {strides = array<i32>} : memref<2x8192xf32, #tpu.memory_space<vmem>>, vector<16xf32>,
        tpu.vector_store %arg9[%swap3A_1594, %swap3A_1595], %gather3A_1520 {strides = array<i32>} : memref<2x8192xf32, #tpu.memory_space<vmem>>, vector<16xf32>,
        %mul3A_1597 = arith.constant 1024 : i32
        %mul3A_1598 = arith.muli %scan3A_649, %mul3A_1597 : i32
        %add3A_1599 = arith.constant 512 : i32
        %add3A_1600 = arith.addi %mul3A_1598, %add3A_1599 : i32
        %add3A_1601 = arith.constant 64 : i32
        %add3A_1602 = arith.addi %add3A_1600, %add3A_1601 : i32
        %swap3A_1603 = arith.constant 0 : i32
        %swap3A_1604 = arith.index_cast %swap3A_1603 : i32 to index
        %swap3A_1605 = arith.index_cast %add3A_1602 : i32 to index
        %swap3A_1606 = tpu.vector_load %arg9[%swap3A_1604, %swap3A_1605] {strides = array<i32>} : memref<2x8192xf32, #tpu.memory_space<vmem>>, vector<16xf32>,
        tpu.vector_store %arg9[%swap3A_1604, %swap3A_1605], %gather3A_1523 {strides = array<i32>} : memref<2x8192xf32, #tpu.memory_space<vmem>>, vector<16xf32>,
        %mul3A_1607 = arith.constant 1024 : i32
        %mul3A_1608 = arith.muli %scan3A_649, %mul3A_1607 : i32
        %add3A_1609 = arith.constant 640 : i32
        %add3A_1610 = arith.addi %mul3A_1608, %add3A_1609 : i32
        %add3A_1611 = arith.constant 64 : i32
        %add3A_1612 = arith.addi %add3A_1610, %add3A_1611 : i32
        %swap3A_1613 = arith.constant 0 : i32
        %swap3A_1614 = arith.index_cast %swap3A_1613 : i32 to index
        %swap3A_1615 = arith.index_cast %add3A_1612 : i32 to index
        %swap3A_1616 = tpu.vector_load %arg9[%swap3A_1614, %swap3A_1615] {strides = array<i32>} : memref<2x8192xf32, #tpu.memory_space<vmem>>, vector<16xf32>,
        tpu.vector_store %arg9[%swap3A_1614, %swap3A_1615], %gather3A_1526 {strides = array<i32>} : memref<2x8192xf32, #tpu.memory_space<vmem>>, vector<16xf32>,
        %mul3A_1617 = arith.constant 1024 : i32
        %mul3A_1618 = arith.muli %scan3A_649, %mul3A_1617 : i32
        %add3A_1619 = arith.constant 768 : i32
        %add3A_1620 = arith.addi %mul3A_1618, %add3A_1619 : i32
        %add3A_1621 = arith.constant 64 : i32
        %add3A_1622 = arith.addi %add3A_1620, %add3A_1621 : i32
        %swap3A_1623 = arith.constant 0 : i32
        %swap3A_1624 = arith.index_cast %swap3A_1623 : i32 to index
        %swap3A_1625 = arith.index_cast %add3A_1622 : i32 to index
        %swap3A_1626 = tpu.vector_load %arg9[%swap3A_1624, %swap3A_1625] {strides = array<i32>} : memref<2x8192xf32, #tpu.memory_space<vmem>>, vector<16xf32>,
        tpu.vector_store %arg9[%swap3A_1624, %swap3A_1625], %gather3A_1529 {strides = array<i32>} : memref<2x8192xf32, #tpu.memory_space<vmem>>, vector<16xf32>,
        %mul3A_1627 = arith.constant 1024 : i32
        %mul3A_1628 = arith.muli %scan3A_649, %mul3A_1627 : i32
        %add3A_1629 = arith.constant 896 : i32
        %add3A_1630 = arith.addi %mul3A_1628, %add3A_1629 : i32
        %add3A_1631 = arith.constant 64 : i32
        %add3A_1632 = arith.addi %add3A_1630, %add3A_1631 : i32
        %swap3A_1633 = arith.constant 0 : i32
        %swap3A_1634 = arith.index_cast %swap3A_1633 : i32 to index
        %swap3A_1635 = arith.index_cast %add3A_1632 : i32 to index
        %swap3A_1636 = tpu.vector_load %arg9[%swap3A_1634, %swap3A_1635] {strides = array<i32>} : memref<2x8192xf32, #tpu.memory_space<vmem>>, vector<16xf32>,
        tpu.vector_store %arg9[%swap3A_1634, %swap3A_1635], %gather3A_1532 {strides = array<i32>} : memref<2x8192xf32, #tpu.memory_space<vmem>>, vector<16xf32>,
        %mul3A_1637 = arith.constant 1024 : i32
        %mul3A_1638 = arith.muli %scan3A_649, %mul3A_1637 : i32
        %add3A_1639 = arith.constant 0 : i32
        %add3A_1640 = arith.addi %mul3A_1638, %add3A_1639 : i32
        %add3A_1641 = arith.constant 64 : i32
        %add3A_1642 = arith.addi %add3A_1640, %add3A_1641 : i32
        %swap3A_1643 = arith.constant 1 : i32
        %swap3A_1644 = arith.index_cast %swap3A_1643 : i32 to index
        %swap3A_1645 = arith.index_cast %add3A_1642 : i32 to index
        %swap3A_1646 = tpu.vector_load %arg9[%swap3A_1644, %swap3A_1645] {strides = array<i32>} : memref<2x8192xf32, #tpu.memory_space<vmem>>, vector<16xf32>,
        tpu.vector_store %arg9[%swap3A_1644, %swap3A_1645], %gather3A_1535 {strides = array<i32>} : memref<2x8192xf32, #tpu.memory_space<vmem>>, vector<16xf32>,
        %mul3A_1647 = arith.constant 1024 : i32
        %mul3A_1648 = arith.muli %scan3A_649, %mul3A_1647 : i32
        %add3A_1649 = arith.constant 128 : i32
        %add3A_1650 = arith.addi %mul3A_1648, %add3A_1649 : i32
        %add3A_1651 = arith.constant 64 : i32
        %add3A_1652 = arith.addi %add3A_1650, %add3A_1651 : i32
        %swap3A_1653 = arith.constant 1 : i32
        %swap3A_1654 = arith.index_cast %swap3A_1653 : i32 to index
        %swap3A_1655 = arith.index_cast %add3A_1652 : i32 to index
        %swap3A_1656 = tpu.vector_load %arg9[%swap3A_1654, %swap3A_1655] {strides = array<i32>} : memref<2x8192xf32, #tpu.memory_space<vmem>>, vector<16xf32>,
        tpu.vector_store %arg9[%swap3A_1654, %swap3A_1655], %gather3A_1538 {strides = array<i32>} : memref<2x8192xf32, #tpu.memory_space<vmem>>, vector<16xf32>,
        %mul3A_1657 = arith.constant 1024 : i32
        %mul3A_1658 = arith.muli %scan3A_649, %mul3A_1657 : i32
        %add3A_1659 = arith.constant 256 : i32
        %add3A_1660 = arith.addi %mul3A_1658, %add3A_1659 : i32
        %add3A_1661 = arith.constant 64 : i32
        %add3A_1662 = arith.addi %add3A_1660, %add3A_1661 : i32
        %swap3A_1663 = arith.constant 1 : i32
        %swap3A_1664 = arith.index_cast %swap3A_1663 : i32 to index
        %swap3A_1665 = arith.index_cast %add3A_1662 : i32 to index
        %swap3A_1666 = tpu.vector_load %arg9[%swap3A_1664, %swap3A_1665] {strides = array<i32>} : memref<2x8192xf32, #tpu.memory_space<vmem>>, vector<16xf32>,
        tpu.vector_store %arg9[%swap3A_1664, %swap3A_1665], %gather3A_1541 {strides = array<i32>} : memref<2x8192xf32, #tpu.memory_space<vmem>>, vector<16xf32>,
        %mul3A_1667 = arith.constant 1024 : i32
        %mul3A_1668 = arith.muli %scan3A_649, %mul3A_1667 : i32
        %add3A_1669 = arith.constant 384 : i32
        %add3A_1670 = arith.addi %mul3A_1668, %add3A_1669 : i32
        %add3A_1671 = arith.constant 64 : i32
        %add3A_1672 = arith.addi %add3A_1670, %add3A_1671 : i32
        %swap3A_1673 = arith.constant 1 : i32
        %swap3A_1674 = arith.index_cast %swap3A_1673 : i32 to index
        %swap3A_1675 = arith.index_cast %add3A_1672 : i32 to index
        %swap3A_1676 = tpu.vector_load %arg9[%swap3A_1674, %swap3A_1675] {strides = array<i32>} : memref<2x8192xf32, #tpu.memory_space<vmem>>, vector<16xf32>,
        tpu.vector_store %arg9[%swap3A_1674, %swap3A_1675], %gather3A_1544 {strides = array<i32>} : memref<2x8192xf32, #tpu.memory_space<vmem>>, vector<16xf32>,
        %mul3A_1677 = arith.constant 1024 : i32
        %mul3A_1678 = arith.muli %scan3A_649, %mul3A_1677 : i32
        %add3A_1679 = arith.constant 512 : i32
        %add3A_1680 = arith.addi %mul3A_1678, %add3A_1679 : i32
        %add3A_1681 = arith.constant 64 : i32
        %add3A_1682 = arith.addi %add3A_1680, %add3A_1681 : i32
        %swap3A_1683 = arith.constant 1 : i32
        %swap3A_1684 = arith.index_cast %swap3A_1683 : i32 to index
        %swap3A_1685 = arith.index_cast %add3A_1682 : i32 to index
        %swap3A_1686 = tpu.vector_load %arg9[%swap3A_1684, %swap3A_1685] {strides = array<i32>} : memref<2x8192xf32, #tpu.memory_space<vmem>>, vector<16xf32>,
        tpu.vector_store %arg9[%swap3A_1684, %swap3A_1685], %gather3A_1547 {strides = array<i32>} : memref<2x8192xf32, #tpu.memory_space<vmem>>, vector<16xf32>,
        %mul3A_1687 = arith.constant 1024 : i32
        %mul3A_1688 = arith.muli %scan3A_649, %mul3A_1687 : i32
        %add3A_1689 = arith.constant 640 : i32
        %add3A_1690 = arith.addi %mul3A_1688, %add3A_1689 : i32
        %add3A_1691 = arith.constant 64 : i32
        %add3A_1692 = arith.addi %add3A_1690, %add3A_1691 : i32
        %swap3A_1693 = arith.constant 1 : i32
        %swap3A_1694 = arith.index_cast %swap3A_1693 : i32 to index
        %swap3A_1695 = arith.index_cast %add3A_1692 : i32 to index
        %swap3A_1696 = tpu.vector_load %arg9[%swap3A_1694, %swap3A_1695] {strides = array<i32>} : memref<2x8192xf32, #tpu.memory_space<vmem>>, vector<16xf32>,
        tpu.vector_store %arg9[%swap3A_1694, %swap3A_1695], %gather3A_1550 {strides = array<i32>} : memref<2x8192xf32, #tpu.memory_space<vmem>>, vector<16xf32>,
        %mul3A_1697 = arith.constant 1024 : i32
        %mul3A_1698 = arith.muli %scan3A_649, %mul3A_1697 : i32
        %add3A_1699 = arith.constant 768 : i32
        %add3A_1700 = arith.addi %mul3A_1698, %add3A_1699 : i32
        %add3A_1701 = arith.constant 64 : i32
        %add3A_1702 = arith.addi %add3A_1700, %add3A_1701 : i32
        %swap3A_1703 = arith.constant 1 : i32
        %swap3A_1704 = arith.index_cast %swap3A_1703 : i32 to index
        %swap3A_1705 = arith.index_cast %add3A_1702 : i32 to index
        %swap3A_1706 = tpu.vector_load %arg9[%swap3A_1704, %swap3A_1705] {strides = array<i32>} : memref<2x8192xf32, #tpu.memory_space<vmem>>, vector<16xf32>,
        tpu.vector_store %arg9[%swap3A_1704, %swap3A_1705], %gather3A_1553 {strides = array<i32>} : memref<2x8192xf32, #tpu.memory_space<vmem>>, vector<16xf32>,
        %mul3A_1707 = arith.constant 1024 : i32
        %mul3A_1708 = arith.muli %scan3A_649, %mul3A_1707 : i32
        %add3A_1709 = arith.constant 896 : i32
        %add3A_1710 = arith.addi %mul3A_1708, %add3A_1709 : i32
        %add3A_1711 = arith.constant 64 : i32
        %add3A_1712 = arith.addi %add3A_1710, %add3A_1711 : i32
        %swap3A_1713 = arith.constant 1 : i32
        %swap3A_1714 = arith.index_cast %swap3A_1713 : i32 to index
        %swap3A_1715 = arith.index_cast %add3A_1712 : i32 to index
        %swap3A_1716 = tpu.vector_load %arg9[%swap3A_1714, %swap3A_1715] {strides = array<i32>} : memref<2x8192xf32, #tpu.memory_space<vmem>>, vector<16xf32>,
        tpu.vector_store %arg9[%swap3A_1714, %swap3A_1715], %gather3A_1556 {strides = array<i32>} : memref<2x8192xf32, #tpu.memory_space<vmem>>, vector<16xf32>,
        %mul3A_1717 = arith.constant 128 : i32
        %mul3A_1718 = arith.muli %scan3A_649, %mul3A_1717 : i32
        %add3A_1719 = arith.constant 80 : i32
        %add3A_1720 = arith.addi %mul3A_1718, %add3A_1719 : i32
        %broadcast_in_dim3A_1721 = vector.broadcast %add3A_1720 : i32 to vector<16xi32>
        %add3A_1722 = arith.addi %broadcast_in_dim3A_1721, %iota3A : vector<16xi32>
        %broadcast_in_dim3A_1723 = arith.constant 0 : i32
        %broadcast_in_dim3A_1724 = vector.broadcast %broadcast_in_dim3A_1723 : i32 to vector<16xi32>
        %gather3A_1725 = tpu.vector_load_idx %arg7[%add3A_1722, %broadcast_in_dim3A_1724] : memref<1024x16xf32, #tpu.memory_space<vmem>>[vector<16xi32>, vector<16xi32>], vector<16xf32>,
        %broadcast_in_dim3A_1726 = arith.constant 1 : i32
        %broadcast_in_dim3A_1727 = vector.broadcast %broadcast_in_dim3A_1726 : i32 to vector<16xi32>
        %gather3A_1728 = tpu.vector_load_idx %arg7[%add3A_1722, %broadcast_in_dim3A_1727] : memref<1024x16xf32, #tpu.memory_space<vmem>>[vector<16xi32>, vector<16xi32>], vector<16xf32>,
        %broadcast_in_dim3A_1729 = arith.constant 2 : i32
        %broadcast_in_dim3A_1730 = vector.broadcast %broadcast_in_dim3A_1729 : i32 to vector<16xi32>
        %gather3A_1731 = tpu.vector_load_idx %arg7[%add3A_1722, %broadcast_in_dim3A_1730] : memref<1024x16xf32, #tpu.memory_space<vmem>>[vector<16xi32>, vector<16xi32>], vector<16xf32>,
        %broadcast_in_dim3A_1732 = arith.constant 3 : i32
        %broadcast_in_dim3A_1733 = vector.broadcast %broadcast_in_dim3A_1732 : i32 to vector<16xi32>
        %gather3A_1734 = tpu.vector_load_idx %arg7[%add3A_1722, %broadcast_in_dim3A_1733] : memref<1024x16xf32, #tpu.memory_space<vmem>>[vector<16xi32>, vector<16xi32>], vector<16xf32>,
        %broadcast_in_dim3A_1735 = arith.constant 4 : i32
        %broadcast_in_dim3A_1736 = vector.broadcast %broadcast_in_dim3A_1735 : i32 to vector<16xi32>
        %gather3A_1737 = tpu.vector_load_idx %arg7[%add3A_1722, %broadcast_in_dim3A_1736] : memref<1024x16xf32, #tpu.memory_space<vmem>>[vector<16xi32>, vector<16xi32>], vector<16xf32>,
        %broadcast_in_dim3A_1738 = arith.constant 5 : i32
        %broadcast_in_dim3A_1739 = vector.broadcast %broadcast_in_dim3A_1738 : i32 to vector<16xi32>
        %gather3A_1740 = tpu.vector_load_idx %arg7[%add3A_1722, %broadcast_in_dim3A_1739] : memref<1024x16xf32, #tpu.memory_space<vmem>>[vector<16xi32>, vector<16xi32>], vector<16xf32>,
        %broadcast_in_dim3A_1741 = arith.constant 6 : i32
        %broadcast_in_dim3A_1742 = vector.broadcast %broadcast_in_dim3A_1741 : i32 to vector<16xi32>
        %gather3A_1743 = tpu.vector_load_idx %arg7[%add3A_1722, %broadcast_in_dim3A_1742] : memref<1024x16xf32, #tpu.memory_space<vmem>>[vector<16xi32>, vector<16xi32>], vector<16xf32>,
        %broadcast_in_dim3A_1744 = arith.constant 7 : i32
        %broadcast_in_dim3A_1745 = vector.broadcast %broadcast_in_dim3A_1744 : i32 to vector<16xi32>
        %gather3A_1746 = tpu.vector_load_idx %arg7[%add3A_1722, %broadcast_in_dim3A_1745] : memref<1024x16xf32, #tpu.memory_space<vmem>>[vector<16xi32>, vector<16xi32>], vector<16xf32>,
        %broadcast_in_dim3A_1747 = arith.constant 8 : i32
        %broadcast_in_dim3A_1748 = vector.broadcast %broadcast_in_dim3A_1747 : i32 to vector<16xi32>
        %gather3A_1749 = tpu.vector_load_idx %arg7[%add3A_1722, %broadcast_in_dim3A_1748] : memref<1024x16xf32, #tpu.memory_space<vmem>>[vector<16xi32>, vector<16xi32>], vector<16xf32>,
        %broadcast_in_dim3A_1750 = arith.constant 9 : i32
        %broadcast_in_dim3A_1751 = vector.broadcast %broadcast_in_dim3A_1750 : i32 to vector<16xi32>
        %gather3A_1752 = tpu.vector_load_idx %arg7[%add3A_1722, %broadcast_in_dim3A_1751] : memref<1024x16xf32, #tpu.memory_space<vmem>>[vector<16xi32>, vector<16xi32>], vector<16xf32>,
        %broadcast_in_dim3A_1753 = arith.constant 10 : i32
        %broadcast_in_dim3A_1754 = vector.broadcast %broadcast_in_dim3A_1753 : i32 to vector<16xi32>
        %gather3A_1755 = tpu.vector_load_idx %arg7[%add3A_1722, %broadcast_in_dim3A_1754] : memref<1024x16xf32, #tpu.memory_space<vmem>>[vector<16xi32>, vector<16xi32>], vector<16xf32>,
        %broadcast_in_dim3A_1756 = arith.constant 11 : i32
        %broadcast_in_dim3A_1757 = vector.broadcast %broadcast_in_dim3A_1756 : i32 to vector<16xi32>
        %gather3A_1758 = tpu.vector_load_idx %arg7[%add3A_1722, %broadcast_in_dim3A_1757] : memref<1024x16xf32, #tpu.memory_space<vmem>>[vector<16xi32>, vector<16xi32>], vector<16xf32>,
        %broadcast_in_dim3A_1759 = arith.constant 12 : i32
        %broadcast_in_dim3A_1760 = vector.broadcast %broadcast_in_dim3A_1759 : i32 to vector<16xi32>
        %gather3A_1761 = tpu.vector_load_idx %arg7[%add3A_1722, %broadcast_in_dim3A_1760] : memref<1024x16xf32, #tpu.memory_space<vmem>>[vector<16xi32>, vector<16xi32>], vector<16xf32>,
        %broadcast_in_dim3A_1762 = arith.constant 13 : i32
        %broadcast_in_dim3A_1763 = vector.broadcast %broadcast_in_dim3A_1762 : i32 to vector<16xi32>
        %gather3A_1764 = tpu.vector_load_idx %arg7[%add3A_1722, %broadcast_in_dim3A_1763] : memref<1024x16xf32, #tpu.memory_space<vmem>>[vector<16xi32>, vector<16xi32>], vector<16xf32>,
        %broadcast_in_dim3A_1765 = arith.constant 14 : i32
        %broadcast_in_dim3A_1766 = vector.broadcast %broadcast_in_dim3A_1765 : i32 to vector<16xi32>
        %gather3A_1767 = tpu.vector_load_idx %arg7[%add3A_1722, %broadcast_in_dim3A_1766] : memref<1024x16xf32, #tpu.memory_space<vmem>>[vector<16xi32>, vector<16xi32>], vector<16xf32>,
        %broadcast_in_dim3A_1768 = arith.constant 15 : i32
        %broadcast_in_dim3A_1769 = vector.broadcast %broadcast_in_dim3A_1768 : i32 to vector<16xi32>
        %gather3A_1770 = tpu.vector_load_idx %arg7[%add3A_1722, %broadcast_in_dim3A_1769] : memref<1024x16xf32, #tpu.memory_space<vmem>>[vector<16xi32>, vector<16xi32>], vector<16xf32>,
        %mul3A_1771 = arith.constant 1024 : i32
        %mul3A_1772 = arith.muli %scan3A_649, %mul3A_1771 : i32
        %add3A_1773 = arith.constant 0 : i32
        %add3A_1774 = arith.addi %mul3A_1772, %add3A_1773 : i32
        %add3A_1775 = arith.constant 80 : i32
        %add3A_1776 = arith.addi %add3A_1774, %add3A_1775 : i32
        %swap3A_1777 = arith.constant 0 : i32
        %swap3A_1778 = arith.index_cast %swap3A_1777 : i32 to index
        %swap3A_1779 = arith.index_cast %add3A_1776 : i32 to index
        %swap3A_1780 = tpu.vector_load %arg9[%swap3A_1778, %swap3A_1779] {strides = array<i32>} : memref<2x8192xf32, #tpu.memory_space<vmem>>, vector<16xf32>,
        tpu.vector_store %arg9[%swap3A_1778, %swap3A_1779], %gather3A_1725 {strides = array<i32>} : memref<2x8192xf32, #tpu.memory_space<vmem>>, vector<16xf32>,
        %mul3A_1781 = arith.constant 1024 : i32
        %mul3A_1782 = arith.muli %scan3A_649, %mul3A_1781 : i32
        %add3A_1783 = arith.constant 128 : i32
        %add3A_1784 = arith.addi %mul3A_1782, %add3A_1783 : i32
        %add3A_1785 = arith.constant 80 : i32
        %add3A_1786 = arith.addi %add3A_1784, %add3A_1785 : i32
        %swap3A_1787 = arith.constant 0 : i32
        %swap3A_1788 = arith.index_cast %swap3A_1787 : i32 to index
        %swap3A_1789 = arith.index_cast %add3A_1786 : i32 to index
        %swap3A_1790 = tpu.vector_load %arg9[%swap3A_1788, %swap3A_1789] {strides = array<i32>} : memref<2x8192xf32, #tpu.memory_space<vmem>>, vector<16xf32>,
        tpu.vector_store %arg9[%swap3A_1788, %swap3A_1789], %gather3A_1728 {strides = array<i32>} : memref<2x8192xf32, #tpu.memory_space<vmem>>, vector<16xf32>,
        %mul3A_1791 = arith.constant 1024 : i32
        %mul3A_1792 = arith.muli %scan3A_649, %mul3A_1791 : i32
        %add3A_1793 = arith.constant 256 : i32
        %add3A_1794 = arith.addi %mul3A_1792, %add3A_1793 : i32
        %add3A_1795 = arith.constant 80 : i32
        %add3A_1796 = arith.addi %add3A_1794, %add3A_1795 : i32
        %swap3A_1797 = arith.constant 0 : i32
        %swap3A_1798 = arith.index_cast %swap3A_1797 : i32 to index
        %swap3A_1799 = arith.index_cast %add3A_1796 : i32 to index
        %swap3A_1800 = tpu.vector_load %arg9[%swap3A_1798, %swap3A_1799] {strides = array<i32>} : memref<2x8192xf32, #tpu.memory_space<vmem>>, vector<16xf32>,
        tpu.vector_store %arg9[%swap3A_1798, %swap3A_1799], %gather3A_1731 {strides = array<i32>} : memref<2x8192xf32, #tpu.memory_space<vmem>>, vector<16xf32>,
        %mul3A_1801 = arith.constant 1024 : i32
        %mul3A_1802 = arith.muli %scan3A_649, %mul3A_1801 : i32
        %add3A_1803 = arith.constant 384 : i32
        %add3A_1804 = arith.addi %mul3A_1802, %add3A_1803 : i32
        %add3A_1805 = arith.constant 80 : i32
        %add3A_1806 = arith.addi %add3A_1804, %add3A_1805 : i32
        %swap3A_1807 = arith.constant 0 : i32
        %swap3A_1808 = arith.index_cast %swap3A_1807 : i32 to index
        %swap3A_1809 = arith.index_cast %add3A_1806 : i32 to index
        %swap3A_1810 = tpu.vector_load %arg9[%swap3A_1808, %swap3A_1809] {strides = array<i32>} : memref<2x8192xf32, #tpu.memory_space<vmem>>, vector<16xf32>,
        tpu.vector_store %arg9[%swap3A_1808, %swap3A_1809], %gather3A_1734 {strides = array<i32>} : memref<2x8192xf32, #tpu.memory_space<vmem>>, vector<16xf32>,
        %mul3A_1811 = arith.constant 1024 : i32
        %mul3A_1812 = arith.muli %scan3A_649, %mul3A_1811 : i32
        %add3A_1813 = arith.constant 512 : i32
        %add3A_1814 = arith.addi %mul3A_1812, %add3A_1813 : i32
        %add3A_1815 = arith.constant 80 : i32
        %add3A_1816 = arith.addi %add3A_1814, %add3A_1815 : i32
        %swap3A_1817 = arith.constant 0 : i32
        %swap3A_1818 = arith.index_cast %swap3A_1817 : i32 to index
        %swap3A_1819 = arith.index_cast %add3A_1816 : i32 to index
        %swap3A_1820 = tpu.vector_load %arg9[%swap3A_1818, %swap3A_1819] {strides = array<i32>} : memref<2x8192xf32, #tpu.memory_space<vmem>>, vector<16xf32>,
        tpu.vector_store %arg9[%swap3A_1818, %swap3A_1819], %gather3A_1737 {strides = array<i32>} : memref<2x8192xf32, #tpu.memory_space<vmem>>, vector<16xf32>,
        %mul3A_1821 = arith.constant 1024 : i32
        %mul3A_1822 = arith.muli %scan3A_649, %mul3A_1821 : i32
        %add3A_1823 = arith.constant 640 : i32
        %add3A_1824 = arith.addi %mul3A_1822, %add3A_1823 : i32
        %add3A_1825 = arith.constant 80 : i32
        %add3A_1826 = arith.addi %add3A_1824, %add3A_1825 : i32
        %swap3A_1827 = arith.constant 0 : i32
        %swap3A_1828 = arith.index_cast %swap3A_1827 : i32 to index
        %swap3A_1829 = arith.index_cast %add3A_1826 : i32 to index
        %swap3A_1830 = tpu.vector_load %arg9[%swap3A_1828, %swap3A_1829] {strides = array<i32>} : memref<2x8192xf32, #tpu.memory_space<vmem>>, vector<16xf32>,
        tpu.vector_store %arg9[%swap3A_1828, %swap3A_1829], %gather3A_1740 {strides = array<i32>} : memref<2x8192xf32, #tpu.memory_space<vmem>>, vector<16xf32>,
        %mul3A_1831 = arith.constant 1024 : i32
        %mul3A_1832 = arith.muli %scan3A_649, %mul3A_1831 : i32
        %add3A_1833 = arith.constant 768 : i32
        %add3A_1834 = arith.addi %mul3A_1832, %add3A_1833 : i32
        %add3A_1835 = arith.constant 80 : i32
        %add3A_1836 = arith.addi %add3A_1834, %add3A_1835 : i32
        %swap3A_1837 = arith.constant 0 : i32
        %swap3A_1838 = arith.index_cast %swap3A_1837 : i32 to index
        %swap3A_1839 = arith.index_cast %add3A_1836 : i32 to index
        %swap3A_1840 = tpu.vector_load %arg9[%swap3A_1838, %swap3A_1839] {strides = array<i32>} : memref<2x8192xf32, #tpu.memory_space<vmem>>, vector<16xf32>,
        tpu.vector_store %arg9[%swap3A_1838, %swap3A_1839], %gather3A_1743 {strides = array<i32>} : memref<2x8192xf32, #tpu.memory_space<vmem>>, vector<16xf32>,
        %mul3A_1841 = arith.constant 1024 : i32
        %mul3A_1842 = arith.muli %scan3A_649, %mul3A_1841 : i32
        %add3A_1843 = arith.constant 896 : i32
        %add3A_1844 = arith.addi %mul3A_1842, %add3A_1843 : i32
        %add3A_1845 = arith.constant 80 : i32
        %add3A_1846 = arith.addi %add3A_1844, %add3A_1845 : i32
        %swap3A_1847 = arith.constant 0 : i32
        %swap3A_1848 = arith.index_cast %swap3A_1847 : i32 to index
        %swap3A_1849 = arith.index_cast %add3A_1846 : i32 to index
        %swap3A_1850 = tpu.vector_load %arg9[%swap3A_1848, %swap3A_1849] {strides = array<i32>} : memref<2x8192xf32, #tpu.memory_space<vmem>>, vector<16xf32>,
        tpu.vector_store %arg9[%swap3A_1848, %swap3A_1849], %gather3A_1746 {strides = array<i32>} : memref<2x8192xf32, #tpu.memory_space<vmem>>, vector<16xf32>,
        %mul3A_1851 = arith.constant 1024 : i32
        %mul3A_1852 = arith.muli %scan3A_649, %mul3A_1851 : i32
        %add3A_1853 = arith.constant 0 : i32
        %add3A_1854 = arith.addi %mul3A_1852, %add3A_1853 : i32
        %add3A_1855 = arith.constant 80 : i32
        %add3A_1856 = arith.addi %add3A_1854, %add3A_1855 : i32
        %swap3A_1857 = arith.constant 1 : i32
        %swap3A_1858 = arith.index_cast %swap3A_1857 : i32 to index
        %swap3A_1859 = arith.index_cast %add3A_1856 : i32 to index
        %swap3A_1860 = tpu.vector_load %arg9[%swap3A_1858, %swap3A_1859] {strides = array<i32>} : memref<2x8192xf32, #tpu.memory_space<vmem>>, vector<16xf32>,
        tpu.vector_store %arg9[%swap3A_1858, %swap3A_1859], %gather3A_1749 {strides = array<i32>} : memref<2x8192xf32, #tpu.memory_space<vmem>>, vector<16xf32>,
        %mul3A_1861 = arith.constant 1024 : i32
        %mul3A_1862 = arith.muli %scan3A_649, %mul3A_1861 : i32
        %add3A_1863 = arith.constant 128 : i32
        %add3A_1864 = arith.addi %mul3A_1862, %add3A_1863 : i32
        %add3A_1865 = arith.constant 80 : i32
        %add3A_1866 = arith.addi %add3A_1864, %add3A_1865 : i32
        %swap3A_1867 = arith.constant 1 : i32
        %swap3A_1868 = arith.index_cast %swap3A_1867 : i32 to index
        %swap3A_1869 = arith.index_cast %add3A_1866 : i32 to index
        %swap3A_1870 = tpu.vector_load %arg9[%swap3A_1868, %swap3A_1869] {strides = array<i32>} : memref<2x8192xf32, #tpu.memory_space<vmem>>, vector<16xf32>,
        tpu.vector_store %arg9[%swap3A_1868, %swap3A_1869], %gather3A_1752 {strides = array<i32>} : memref<2x8192xf32, #tpu.memory_space<vmem>>, vector<16xf32>,
        %mul3A_1871 = arith.constant 1024 : i32
        %mul3A_1872 = arith.muli %scan3A_649, %mul3A_1871 : i32
        %add3A_1873 = arith.constant 256 : i32
        %add3A_1874 = arith.addi %mul3A_1872, %add3A_1873 : i32
        %add3A_1875 = arith.constant 80 : i32
        %add3A_1876 = arith.addi %add3A_1874, %add3A_1875 : i32
        %swap3A_1877 = arith.constant 1 : i32
        %swap3A_1878 = arith.index_cast %swap3A_1877 : i32 to index
        %swap3A_1879 = arith.index_cast %add3A_1876 : i32 to index
        %swap3A_1880 = tpu.vector_load %arg9[%swap3A_1878, %swap3A_1879] {strides = array<i32>} : memref<2x8192xf32, #tpu.memory_space<vmem>>, vector<16xf32>,
        tpu.vector_store %arg9[%swap3A_1878, %swap3A_1879], %gather3A_1755 {strides = array<i32>} : memref<2x8192xf32, #tpu.memory_space<vmem>>, vector<16xf32>,
        %mul3A_1881 = arith.constant 1024 : i32
        %mul3A_1882 = arith.muli %scan3A_649, %mul3A_1881 : i32
        %add3A_1883 = arith.constant 384 : i32
        %add3A_1884 = arith.addi %mul3A_1882, %add3A_1883 : i32
        %add3A_1885 = arith.constant 80 : i32
        %add3A_1886 = arith.addi %add3A_1884, %add3A_1885 : i32
        %swap3A_1887 = arith.constant 1 : i32
        %swap3A_1888 = arith.index_cast %swap3A_1887 : i32 to index
        %swap3A_1889 = arith.index_cast %add3A_1886 : i32 to index
        %swap3A_1890 = tpu.vector_load %arg9[%swap3A_1888, %swap3A_1889] {strides = array<i32>} : memref<2x8192xf32, #tpu.memory_space<vmem>>, vector<16xf32>,
        tpu.vector_store %arg9[%swap3A_1888, %swap3A_1889], %gather3A_1758 {strides = array<i32>} : memref<2x8192xf32, #tpu.memory_space<vmem>>, vector<16xf32>,
        %mul3A_1891 = arith.constant 1024 : i32
        %mul3A_1892 = arith.muli %scan3A_649, %mul3A_1891 : i32
        %add3A_1893 = arith.constant 512 : i32
        %add3A_1894 = arith.addi %mul3A_1892, %add3A_1893 : i32
        %add3A_1895 = arith.constant 80 : i32
        %add3A_1896 = arith.addi %add3A_1894, %add3A_1895 : i32
        %swap3A_1897 = arith.constant 1 : i32
        %swap3A_1898 = arith.index_cast %swap3A_1897 : i32 to index
        %swap3A_1899 = arith.index_cast %add3A_1896 : i32 to index
        %swap3A_1900 = tpu.vector_load %arg9[%swap3A_1898, %swap3A_1899] {strides = array<i32>} : memref<2x8192xf32, #tpu.memory_space<vmem>>, vector<16xf32>,
        tpu.vector_store %arg9[%swap3A_1898, %swap3A_1899], %gather3A_1761 {strides = array<i32>} : memref<2x8192xf32, #tpu.memory_space<vmem>>, vector<16xf32>,
        %mul3A_1901 = arith.constant 1024 : i32
        %mul3A_1902 = arith.muli %scan3A_649, %mul3A_1901 : i32
        %add3A_1903 = arith.constant 640 : i32
        %add3A_1904 = arith.addi %mul3A_1902, %add3A_1903 : i32
        %add3A_1905 = arith.constant 80 : i32
        %add3A_1906 = arith.addi %add3A_1904, %add3A_1905 : i32
        %swap3A_1907 = arith.constant 1 : i32
        %swap3A_1908 = arith.index_cast %swap3A_1907 : i32 to index
        %swap3A_1909 = arith.index_cast %add3A_1906 : i32 to index
        %swap3A_1910 = tpu.vector_load %arg9[%swap3A_1908, %swap3A_1909] {strides = array<i32>} : memref<2x8192xf32, #tpu.memory_space<vmem>>, vector<16xf32>,
        tpu.vector_store %arg9[%swap3A_1908, %swap3A_1909], %gather3A_1764 {strides = array<i32>} : memref<2x8192xf32, #tpu.memory_space<vmem>>, vector<16xf32>,
        %mul3A_1911 = arith.constant 1024 : i32
        %mul3A_1912 = arith.muli %scan3A_649, %mul3A_1911 : i32
        %add3A_1913 = arith.constant 768 : i32
        %add3A_1914 = arith.addi %mul3A_1912, %add3A_1913 : i32
        %add3A_1915 = arith.constant 80 : i32
        %add3A_1916 = arith.addi %add3A_1914, %add3A_1915 : i32
        %swap3A_1917 = arith.constant 1 : i32
        %swap3A_1918 = arith.index_cast %swap3A_1917 : i32 to index
        %swap3A_1919 = arith.index_cast %add3A_1916 : i32 to index
        %swap3A_1920 = tpu.vector_load %arg9[%swap3A_1918, %swap3A_1919] {strides = array<i32>} : memref<2x8192xf32, #tpu.memory_space<vmem>>, vector<16xf32>,
        tpu.vector_store %arg9[%swap3A_1918, %swap3A_1919], %gather3A_1767 {strides = array<i32>} : memref<2x8192xf32, #tpu.memory_space<vmem>>, vector<16xf32>,
        %mul3A_1921 = arith.constant 1024 : i32
        %mul3A_1922 = arith.muli %scan3A_649, %mul3A_1921 : i32
        %add3A_1923 = arith.constant 896 : i32
        %add3A_1924 = arith.addi %mul3A_1922, %add3A_1923 : i32
        %add3A_1925 = arith.constant 80 : i32
        %add3A_1926 = arith.addi %add3A_1924, %add3A_1925 : i32
        %swap3A_1927 = arith.constant 1 : i32
        %swap3A_1928 = arith.index_cast %swap3A_1927 : i32 to index
        %swap3A_1929 = arith.index_cast %add3A_1926 : i32 to index
        %swap3A_1930 = tpu.vector_load %arg9[%swap3A_1928, %swap3A_1929] {strides = array<i32>} : memref<2x8192xf32, #tpu.memory_space<vmem>>, vector<16xf32>,
        tpu.vector_store %arg9[%swap3A_1928, %swap3A_1929], %gather3A_1770 {strides = array<i32>} : memref<2x8192xf32, #tpu.memory_space<vmem>>, vector<16xf32>,
        %mul3A_1931 = arith.constant 128 : i32
        %mul3A_1932 = arith.muli %scan3A_649, %mul3A_1931 : i32
        %add3A_1933 = arith.constant 96 : i32
        %add3A_1934 = arith.addi %mul3A_1932, %add3A_1933 : i32
        %broadcast_in_dim3A_1935 = vector.broadcast %add3A_1934 : i32 to vector<16xi32>
        %add3A_1936 = arith.addi %broadcast_in_dim3A_1935, %iota3A : vector<16xi32>
        %broadcast_in_dim3A_1937 = arith.constant 0 : i32
        %broadcast_in_dim3A_1938 = vector.broadcast %broadcast_in_dim3A_1937 : i32 to vector<16xi32>
        %gather3A_1939 = tpu.vector_load_idx %arg7[%add3A_1936, %broadcast_in_dim3A_1938] : memref<1024x16xf32, #tpu.memory_space<vmem>>[vector<16xi32>, vector<16xi32>], vector<16xf32>,
        %broadcast_in_dim3A_1940 = arith.constant 1 : i32
        %broadcast_in_dim3A_1941 = vector.broadcast %broadcast_in_dim3A_1940 : i32 to vector<16xi32>
        %gather3A_1942 = tpu.vector_load_idx %arg7[%add3A_1936, %broadcast_in_dim3A_1941] : memref<1024x16xf32, #tpu.memory_space<vmem>>[vector<16xi32>, vector<16xi32>], vector<16xf32>,
        %broadcast_in_dim3A_1943 = arith.constant 2 : i32
        %broadcast_in_dim3A_1944 = vector.broadcast %broadcast_in_dim3A_1943 : i32 to vector<16xi32>
        %gather3A_1945 = tpu.vector_load_idx %arg7[%add3A_1936, %broadcast_in_dim3A_1944] : memref<1024x16xf32, #tpu.memory_space<vmem>>[vector<16xi32>, vector<16xi32>], vector<16xf32>,
        %broadcast_in_dim3A_1946 = arith.constant 3 : i32
        %broadcast_in_dim3A_1947 = vector.broadcast %broadcast_in_dim3A_1946 : i32 to vector<16xi32>
        %gather3A_1948 = tpu.vector_load_idx %arg7[%add3A_1936, %broadcast_in_dim3A_1947] : memref<1024x16xf32, #tpu.memory_space<vmem>>[vector<16xi32>, vector<16xi32>], vector<16xf32>,
        %broadcast_in_dim3A_1949 = arith.constant 4 : i32
        %broadcast_in_dim3A_1950 = vector.broadcast %broadcast_in_dim3A_1949 : i32 to vector<16xi32>
        %gather3A_1951 = tpu.vector_load_idx %arg7[%add3A_1936, %broadcast_in_dim3A_1950] : memref<1024x16xf32, #tpu.memory_space<vmem>>[vector<16xi32>, vector<16xi32>], vector<16xf32>,
        %broadcast_in_dim3A_1952 = arith.constant 5 : i32
        %broadcast_in_dim3A_1953 = vector.broadcast %broadcast_in_dim3A_1952 : i32 to vector<16xi32>
        %gather3A_1954 = tpu.vector_load_idx %arg7[%add3A_1936, %broadcast_in_dim3A_1953] : memref<1024x16xf32, #tpu.memory_space<vmem>>[vector<16xi32>, vector<16xi32>], vector<16xf32>,
        %broadcast_in_dim3A_1955 = arith.constant 6 : i32
        %broadcast_in_dim3A_1956 = vector.broadcast %broadcast_in_dim3A_1955 : i32 to vector<16xi32>
        %gather3A_1957 = tpu.vector_load_idx %arg7[%add3A_1936, %broadcast_in_dim3A_1956] : memref<1024x16xf32, #tpu.memory_space<vmem>>[vector<16xi32>, vector<16xi32>], vector<16xf32>,
        %broadcast_in_dim3A_1958 = arith.constant 7 : i32
        %broadcast_in_dim3A_1959 = vector.broadcast %broadcast_in_dim3A_1958 : i32 to vector<16xi32>
        %gather3A_1960 = tpu.vector_load_idx %arg7[%add3A_1936, %broadcast_in_dim3A_1959] : memref<1024x16xf32, #tpu.memory_space<vmem>>[vector<16xi32>, vector<16xi32>], vector<16xf32>,
        %broadcast_in_dim3A_1961 = arith.constant 8 : i32
        %broadcast_in_dim3A_1962 = vector.broadcast %broadcast_in_dim3A_1961 : i32 to vector<16xi32>
        %gather3A_1963 = tpu.vector_load_idx %arg7[%add3A_1936, %broadcast_in_dim3A_1962] : memref<1024x16xf32, #tpu.memory_space<vmem>>[vector<16xi32>, vector<16xi32>], vector<16xf32>,
        %broadcast_in_dim3A_1964 = arith.constant 9 : i32
        %broadcast_in_dim3A_1965 = vector.broadcast %broadcast_in_dim3A_1964 : i32 to vector<16xi32>
        %gather3A_1966 = tpu.vector_load_idx %arg7[%add3A_1936, %broadcast_in_dim3A_1965] : memref<1024x16xf32, #tpu.memory_space<vmem>>[vector<16xi32>, vector<16xi32>], vector<16xf32>,
        %broadcast_in_dim3A_1967 = arith.constant 10 : i32
        %broadcast_in_dim3A_1968 = vector.broadcast %broadcast_in_dim3A_1967 : i32 to vector<16xi32>
        %gather3A_1969 = tpu.vector_load_idx %arg7[%add3A_1936, %broadcast_in_dim3A_1968] : memref<1024x16xf32, #tpu.memory_space<vmem>>[vector<16xi32>, vector<16xi32>], vector<16xf32>,
        %broadcast_in_dim3A_1970 = arith.constant 11 : i32
        %broadcast_in_dim3A_1971 = vector.broadcast %broadcast_in_dim3A_1970 : i32 to vector<16xi32>
        %gather3A_1972 = tpu.vector_load_idx %arg7[%add3A_1936, %broadcast_in_dim3A_1971] : memref<1024x16xf32, #tpu.memory_space<vmem>>[vector<16xi32>, vector<16xi32>], vector<16xf32>,
        %broadcast_in_dim3A_1973 = arith.constant 12 : i32
        %broadcast_in_dim3A_1974 = vector.broadcast %broadcast_in_dim3A_1973 : i32 to vector<16xi32>
        %gather3A_1975 = tpu.vector_load_idx %arg7[%add3A_1936, %broadcast_in_dim3A_1974] : memref<1024x16xf32, #tpu.memory_space<vmem>>[vector<16xi32>, vector<16xi32>], vector<16xf32>,
        %broadcast_in_dim3A_1976 = arith.constant 13 : i32
        %broadcast_in_dim3A_1977 = vector.broadcast %broadcast_in_dim3A_1976 : i32 to vector<16xi32>
        %gather3A_1978 = tpu.vector_load_idx %arg7[%add3A_1936, %broadcast_in_dim3A_1977] : memref<1024x16xf32, #tpu.memory_space<vmem>>[vector<16xi32>, vector<16xi32>], vector<16xf32>,
        %broadcast_in_dim3A_1979 = arith.constant 14 : i32
        %broadcast_in_dim3A_1980 = vector.broadcast %broadcast_in_dim3A_1979 : i32 to vector<16xi32>
        %gather3A_1981 = tpu.vector_load_idx %arg7[%add3A_1936, %broadcast_in_dim3A_1980] : memref<1024x16xf32, #tpu.memory_space<vmem>>[vector<16xi32>, vector<16xi32>], vector<16xf32>,
        %broadcast_in_dim3A_1982 = arith.constant 15 : i32
        %broadcast_in_dim3A_1983 = vector.broadcast %broadcast_in_dim3A_1982 : i32 to vector<16xi32>
        %gather3A_1984 = tpu.vector_load_idx %arg7[%add3A_1936, %broadcast_in_dim3A_1983] : memref<1024x16xf32, #tpu.memory_space<vmem>>[vector<16xi32>, vector<16xi32>], vector<16xf32>,
        %mul3A_1985 = arith.constant 1024 : i32
        %mul3A_1986 = arith.muli %scan3A_649, %mul3A_1985 : i32
        %add3A_1987 = arith.constant 0 : i32
        %add3A_1988 = arith.addi %mul3A_1986, %add3A_1987 : i32
        %add3A_1989 = arith.constant 96 : i32
        %add3A_1990 = arith.addi %add3A_1988, %add3A_1989 : i32
        %swap3A_1991 = arith.constant 0 : i32
        %swap3A_1992 = arith.index_cast %swap3A_1991 : i32 to index
        %swap3A_1993 = arith.index_cast %add3A_1990 : i32 to index
        %swap3A_1994 = tpu.vector_load %arg9[%swap3A_1992, %swap3A_1993] {strides = array<i32>} : memref<2x8192xf32, #tpu.memory_space<vmem>>, vector<16xf32>,
        tpu.vector_store %arg9[%swap3A_1992, %swap3A_1993], %gather3A_1939 {strides = array<i32>} : memref<2x8192xf32, #tpu.memory_space<vmem>>, vector<16xf32>,
        %mul3A_1995 = arith.constant 1024 : i32
        %mul3A_1996 = arith.muli %scan3A_649, %mul3A_1995 : i32
        %add3A_1997 = arith.constant 128 : i32
        %add3A_1998 = arith.addi %mul3A_1996, %add3A_1997 : i32
        %add3A_1999 = arith.constant 96 : i32
        %add3A_2000 = arith.addi %add3A_1998, %add3A_1999 : i32
        %swap3A_2001 = arith.constant 0 : i32
        %swap3A_2002 = arith.index_cast %swap3A_2001 : i32 to index
        %swap3A_2003 = arith.index_cast %add3A_2000 : i32 to index
        %swap3A_2004 = tpu.vector_load %arg9[%swap3A_2002, %swap3A_2003] {strides = array<i32>} : memref<2x8192xf32, #tpu.memory_space<vmem>>, vector<16xf32>,
        tpu.vector_store %arg9[%swap3A_2002, %swap3A_2003], %gather3A_1942 {strides = array<i32>} : memref<2x8192xf32, #tpu.memory_space<vmem>>, vector<16xf32>,
        %mul3A_2005 = arith.constant 1024 : i32
        %mul3A_2006 = arith.muli %scan3A_649, %mul3A_2005 : i32
        %add3A_2007 = arith.constant 256 : i32
        %add3A_2008 = arith.addi %mul3A_2006, %add3A_2007 : i32
        %add3A_2009 = arith.constant 96 : i32
        %add3A_2010 = arith.addi %add3A_2008, %add3A_2009 : i32
        %swap3A_2011 = arith.constant 0 : i32
        %swap3A_2012 = arith.index_cast %swap3A_2011 : i32 to index
        %swap3A_2013 = arith.index_cast %add3A_2010 : i32 to index
        %swap3A_2014 = tpu.vector_load %arg9[%swap3A_2012, %swap3A_2013] {strides = array<i32>} : memref<2x8192xf32, #tpu.memory_space<vmem>>, vector<16xf32>,
        tpu.vector_store %arg9[%swap3A_2012, %swap3A_2013], %gather3A_1945 {strides = array<i32>} : memref<2x8192xf32, #tpu.memory_space<vmem>>, vector<16xf32>,
        %mul3A_2015 = arith.constant 1024 : i32
        %mul3A_2016 = arith.muli %scan3A_649, %mul3A_2015 : i32
        %add3A_2017 = arith.constant 384 : i32
        %add3A_2018 = arith.addi %mul3A_2016, %add3A_2017 : i32
        %add3A_2019 = arith.constant 96 : i32
        %add3A_2020 = arith.addi %add3A_2018, %add3A_2019 : i32
        %swap3A_2021 = arith.constant 0 : i32
        %swap3A_2022 = arith.index_cast %swap3A_2021 : i32 to index
        %swap3A_2023 = arith.index_cast %add3A_2020 : i32 to index
        %swap3A_2024 = tpu.vector_load %arg9[%swap3A_2022, %swap3A_2023] {strides = array<i32>} : memref<2x8192xf32, #tpu.memory_space<vmem>>, vector<16xf32>,
        tpu.vector_store %arg9[%swap3A_2022, %swap3A_2023], %gather3A_1948 {strides = array<i32>} : memref<2x8192xf32, #tpu.memory_space<vmem>>, vector<16xf32>,
        %mul3A_2025 = arith.constant 1024 : i32
        %mul3A_2026 = arith.muli %scan3A_649, %mul3A_2025 : i32
        %add3A_2027 = arith.constant 512 : i32
        %add3A_2028 = arith.addi %mul3A_2026, %add3A_2027 : i32
        %add3A_2029 = arith.constant 96 : i32
        %add3A_2030 = arith.addi %add3A_2028, %add3A_2029 : i32
        %swap3A_2031 = arith.constant 0 : i32
        %swap3A_2032 = arith.index_cast %swap3A_2031 : i32 to index
        %swap3A_2033 = arith.index_cast %add3A_2030 : i32 to index
        %swap3A_2034 = tpu.vector_load %arg9[%swap3A_2032, %swap3A_2033] {strides = array<i32>} : memref<2x8192xf32, #tpu.memory_space<vmem>>, vector<16xf32>,
        tpu.vector_store %arg9[%swap3A_2032, %swap3A_2033], %gather3A_1951 {strides = array<i32>} : memref<2x8192xf32, #tpu.memory_space<vmem>>, vector<16xf32>,
        %mul3A_2035 = arith.constant 1024 : i32
        %mul3A_2036 = arith.muli %scan3A_649, %mul3A_2035 : i32
        %add3A_2037 = arith.constant 640 : i32
        %add3A_2038 = arith.addi %mul3A_2036, %add3A_2037 : i32
        %add3A_2039 = arith.constant 96 : i32
        %add3A_2040 = arith.addi %add3A_2038, %add3A_2039 : i32
        %swap3A_2041 = arith.constant 0 : i32
        %swap3A_2042 = arith.index_cast %swap3A_2041 : i32 to index
        %swap3A_2043 = arith.index_cast %add3A_2040 : i32 to index
        %swap3A_2044 = tpu.vector_load %arg9[%swap3A_2042, %swap3A_2043] {strides = array<i32>} : memref<2x8192xf32, #tpu.memory_space<vmem>>, vector<16xf32>,
        tpu.vector_store %arg9[%swap3A_2042, %swap3A_2043], %gather3A_1954 {strides = array<i32>} : memref<2x8192xf32, #tpu.memory_space<vmem>>, vector<16xf32>,
        %mul3A_2045 = arith.constant 1024 : i32
        %mul3A_2046 = arith.muli %scan3A_649, %mul3A_2045 : i32
        %add3A_2047 = arith.constant 768 : i32
        %add3A_2048 = arith.addi %mul3A_2046, %add3A_2047 : i32
        %add3A_2049 = arith.constant 96 : i32
        %add3A_2050 = arith.addi %add3A_2048, %add3A_2049 : i32
        %swap3A_2051 = arith.constant 0 : i32
        %swap3A_2052 = arith.index_cast %swap3A_2051 : i32 to index
        %swap3A_2053 = arith.index_cast %add3A_2050 : i32 to index
        %swap3A_2054 = tpu.vector_load %arg9[%swap3A_2052, %swap3A_2053] {strides = array<i32>} : memref<2x8192xf32, #tpu.memory_space<vmem>>, vector<16xf32>,
        tpu.vector_store %arg9[%swap3A_2052, %swap3A_2053], %gather3A_1957 {strides = array<i32>} : memref<2x8192xf32, #tpu.memory_space<vmem>>, vector<16xf32>,
        %mul3A_2055 = arith.constant 1024 : i32
        %mul3A_2056 = arith.muli %scan3A_649, %mul3A_2055 : i32
        %add3A_2057 = arith.constant 896 : i32
        %add3A_2058 = arith.addi %mul3A_2056, %add3A_2057 : i32
        %add3A_2059 = arith.constant 96 : i32
        %add3A_2060 = arith.addi %add3A_2058, %add3A_2059 : i32
        %swap3A_2061 = arith.constant 0 : i32
        %swap3A_2062 = arith.index_cast %swap3A_2061 : i32 to index
        %swap3A_2063 = arith.index_cast %add3A_2060 : i32 to index
        %swap3A_2064 = tpu.vector_load %arg9[%swap3A_2062, %swap3A_2063] {strides = array<i32>} : memref<2x8192xf32, #tpu.memory_space<vmem>>, vector<16xf32>,
        tpu.vector_store %arg9[%swap3A_2062, %swap3A_2063], %gather3A_1960 {strides = array<i32>} : memref<2x8192xf32, #tpu.memory_space<vmem>>, vector<16xf32>,
        %mul3A_2065 = arith.constant 1024 : i32
        %mul3A_2066 = arith.muli %scan3A_649, %mul3A_2065 : i32
        %add3A_2067 = arith.constant 0 : i32
        %add3A_2068 = arith.addi %mul3A_2066, %add3A_2067 : i32
        %add3A_2069 = arith.constant 96 : i32
        %add3A_2070 = arith.addi %add3A_2068, %add3A_2069 : i32
        %swap3A_2071 = arith.constant 1 : i32
        %swap3A_2072 = arith.index_cast %swap3A_2071 : i32 to index
        %swap3A_2073 = arith.index_cast %add3A_2070 : i32 to index
        %swap3A_2074 = tpu.vector_load %arg9[%swap3A_2072, %swap3A_2073] {strides = array<i32>} : memref<2x8192xf32, #tpu.memory_space<vmem>>, vector<16xf32>,
        tpu.vector_store %arg9[%swap3A_2072, %swap3A_2073], %gather3A_1963 {strides = array<i32>} : memref<2x8192xf32, #tpu.memory_space<vmem>>, vector<16xf32>,
        %mul3A_2075 = arith.constant 1024 : i32
        %mul3A_2076 = arith.muli %scan3A_649, %mul3A_2075 : i32
        %add3A_2077 = arith.constant 128 : i32
        %add3A_2078 = arith.addi %mul3A_2076, %add3A_2077 : i32
        %add3A_2079 = arith.constant 96 : i32
        %add3A_2080 = arith.addi %add3A_2078, %add3A_2079 : i32
        %swap3A_2081 = arith.constant 1 : i32
        %swap3A_2082 = arith.index_cast %swap3A_2081 : i32 to index
        %swap3A_2083 = arith.index_cast %add3A_2080 : i32 to index
        %swap3A_2084 = tpu.vector_load %arg9[%swap3A_2082, %swap3A_2083] {strides = array<i32>} : memref<2x8192xf32, #tpu.memory_space<vmem>>, vector<16xf32>,
        tpu.vector_store %arg9[%swap3A_2082, %swap3A_2083], %gather3A_1966 {strides = array<i32>} : memref<2x8192xf32, #tpu.memory_space<vmem>>, vector<16xf32>,
        %mul3A_2085 = arith.constant 1024 : i32
        %mul3A_2086 = arith.muli %scan3A_649, %mul3A_2085 : i32
        %add3A_2087 = arith.constant 256 : i32
        %add3A_2088 = arith.addi %mul3A_2086, %add3A_2087 : i32
        %add3A_2089 = arith.constant 96 : i32
        %add3A_2090 = arith.addi %add3A_2088, %add3A_2089 : i32
        %swap3A_2091 = arith.constant 1 : i32
        %swap3A_2092 = arith.index_cast %swap3A_2091 : i32 to index
        %swap3A_2093 = arith.index_cast %add3A_2090 : i32 to index
        %swap3A_2094 = tpu.vector_load %arg9[%swap3A_2092, %swap3A_2093] {strides = array<i32>} : memref<2x8192xf32, #tpu.memory_space<vmem>>, vector<16xf32>,
        tpu.vector_store %arg9[%swap3A_2092, %swap3A_2093], %gather3A_1969 {strides = array<i32>} : memref<2x8192xf32, #tpu.memory_space<vmem>>, vector<16xf32>,
        %mul3A_2095 = arith.constant 1024 : i32
        %mul3A_2096 = arith.muli %scan3A_649, %mul3A_2095 : i32
        %add3A_2097 = arith.constant 384 : i32
        %add3A_2098 = arith.addi %mul3A_2096, %add3A_2097 : i32
        %add3A_2099 = arith.constant 96 : i32
        %add3A_2100 = arith.addi %add3A_2098, %add3A_2099 : i32
        %swap3A_2101 = arith.constant 1 : i32
        %swap3A_2102 = arith.index_cast %swap3A_2101 : i32 to index
        %swap3A_2103 = arith.index_cast %add3A_2100 : i32 to index
        %swap3A_2104 = tpu.vector_load %arg9[%swap3A_2102, %swap3A_2103] {strides = array<i32>} : memref<2x8192xf32, #tpu.memory_space<vmem>>, vector<16xf32>,
        tpu.vector_store %arg9[%swap3A_2102, %swap3A_2103], %gather3A_1972 {strides = array<i32>} : memref<2x8192xf32, #tpu.memory_space<vmem>>, vector<16xf32>,
        %mul3A_2105 = arith.constant 1024 : i32
        %mul3A_2106 = arith.muli %scan3A_649, %mul3A_2105 : i32
        %add3A_2107 = arith.constant 512 : i32
        %add3A_2108 = arith.addi %mul3A_2106, %add3A_2107 : i32
        %add3A_2109 = arith.constant 96 : i32
        %add3A_2110 = arith.addi %add3A_2108, %add3A_2109 : i32
        %swap3A_2111 = arith.constant 1 : i32
        %swap3A_2112 = arith.index_cast %swap3A_2111 : i32 to index
        %swap3A_2113 = arith.index_cast %add3A_2110 : i32 to index
        %swap3A_2114 = tpu.vector_load %arg9[%swap3A_2112, %swap3A_2113] {strides = array<i32>} : memref<2x8192xf32, #tpu.memory_space<vmem>>, vector<16xf32>,
        tpu.vector_store %arg9[%swap3A_2112, %swap3A_2113], %gather3A_1975 {strides = array<i32>} : memref<2x8192xf32, #tpu.memory_space<vmem>>, vector<16xf32>,
        %mul3A_2115 = arith.constant 1024 : i32
        %mul3A_2116 = arith.muli %scan3A_649, %mul3A_2115 : i32
        %add3A_2117 = arith.constant 640 : i32
        %add3A_2118 = arith.addi %mul3A_2116, %add3A_2117 : i32
        %add3A_2119 = arith.constant 96 : i32
        %add3A_2120 = arith.addi %add3A_2118, %add3A_2119 : i32
        %swap3A_2121 = arith.constant 1 : i32
        %swap3A_2122 = arith.index_cast %swap3A_2121 : i32 to index
        %swap3A_2123 = arith.index_cast %add3A_2120 : i32 to index
        %swap3A_2124 = tpu.vector_load %arg9[%swap3A_2122, %swap3A_2123] {strides = array<i32>} : memref<2x8192xf32, #tpu.memory_space<vmem>>, vector<16xf32>,
        tpu.vector_store %arg9[%swap3A_2122, %swap3A_2123], %gather3A_1978 {strides = array<i32>} : memref<2x8192xf32, #tpu.memory_space<vmem>>, vector<16xf32>,
        %mul3A_2125 = arith.constant 1024 : i32
        %mul3A_2126 = arith.muli %scan3A_649, %mul3A_2125 : i32
        %add3A_2127 = arith.constant 768 : i32
        %add3A_2128 = arith.addi %mul3A_2126, %add3A_2127 : i32
        %add3A_2129 = arith.constant 96 : i32
        %add3A_2130 = arith.addi %add3A_2128, %add3A_2129 : i32
        %swap3A_2131 = arith.constant 1 : i32
        %swap3A_2132 = arith.index_cast %swap3A_2131 : i32 to index
        %swap3A_2133 = arith.index_cast %add3A_2130 : i32 to index
        %swap3A_2134 = tpu.vector_load %arg9[%swap3A_2132, %swap3A_2133] {strides = array<i32>} : memref<2x8192xf32, #tpu.memory_space<vmem>>, vector<16xf32>,
        tpu.vector_store %arg9[%swap3A_2132, %swap3A_2133], %gather3A_1981 {strides = array<i32>} : memref<2x8192xf32, #tpu.memory_space<vmem>>, vector<16xf32>,
        %mul3A_2135 = arith.constant 1024 : i32
        %mul3A_2136 = arith.muli %scan3A_649, %mul3A_2135 : i32
        %add3A_2137 = arith.constant 896 : i32
        %add3A_2138 = arith.addi %mul3A_2136, %add3A_2137 : i32
        %add3A_2139 = arith.constant 96 : i32
        %add3A_2140 = arith.addi %add3A_2138, %add3A_2139 : i32
        %swap3A_2141 = arith.constant 1 : i32
        %swap3A_2142 = arith.index_cast %swap3A_2141 : i32 to index
        %swap3A_2143 = arith.index_cast %add3A_2140 : i32 to index
        %swap3A_2144 = tpu.vector_load %arg9[%swap3A_2142, %swap3A_2143] {strides = array<i32>} : memref<2x8192xf32, #tpu.memory_space<vmem>>, vector<16xf32>,
        tpu.vector_store %arg9[%swap3A_2142, %swap3A_2143], %gather3A_1984 {strides = array<i32>} : memref<2x8192xf32, #tpu.memory_space<vmem>>, vector<16xf32>,
        %mul3A_2145 = arith.constant 128 : i32
        %mul3A_2146 = arith.muli %scan3A_649, %mul3A_2145 : i32
        %add3A_2147 = arith.constant 112 : i32
        %add3A_2148 = arith.addi %mul3A_2146, %add3A_2147 : i32
        %broadcast_in_dim3A_2149 = vector.broadcast %add3A_2148 : i32 to vector<16xi32>
        %add3A_2150 = arith.addi %broadcast_in_dim3A_2149, %iota3A : vector<16xi32>
        %broadcast_in_dim3A_2151 = arith.constant 0 : i32
        %broadcast_in_dim3A_2152 = vector.broadcast %broadcast_in_dim3A_2151 : i32 to vector<16xi32>
        %gather3A_2153 = tpu.vector_load_idx %arg7[%add3A_2150, %broadcast_in_dim3A_2152] : memref<1024x16xf32, #tpu.memory_space<vmem>>[vector<16xi32>, vector<16xi32>], vector<16xf32>,
        %broadcast_in_dim3A_2154 = arith.constant 1 : i32
        %broadcast_in_dim3A_2155 = vector.broadcast %broadcast_in_dim3A_2154 : i32 to vector<16xi32>
        %gather3A_2156 = tpu.vector_load_idx %arg7[%add3A_2150, %broadcast_in_dim3A_2155] : memref<1024x16xf32, #tpu.memory_space<vmem>>[vector<16xi32>, vector<16xi32>], vector<16xf32>,
        %broadcast_in_dim3A_2157 = arith.constant 2 : i32
        %broadcast_in_dim3A_2158 = vector.broadcast %broadcast_in_dim3A_2157 : i32 to vector<16xi32>
        %gather3A_2159 = tpu.vector_load_idx %arg7[%add3A_2150, %broadcast_in_dim3A_2158] : memref<1024x16xf32, #tpu.memory_space<vmem>>[vector<16xi32>, vector<16xi32>], vector<16xf32>,
        %broadcast_in_dim3A_2160 = arith.constant 3 : i32
        %broadcast_in_dim3A_2161 = vector.broadcast %broadcast_in_dim3A_2160 : i32 to vector<16xi32>
        %gather3A_2162 = tpu.vector_load_idx %arg7[%add3A_2150, %broadcast_in_dim3A_2161] : memref<1024x16xf32, #tpu.memory_space<vmem>>[vector<16xi32>, vector<16xi32>], vector<16xf32>,
        %broadcast_in_dim3A_2163 = arith.constant 4 : i32
        %broadcast_in_dim3A_2164 = vector.broadcast %broadcast_in_dim3A_2163 : i32 to vector<16xi32>
        %gather3A_2165 = tpu.vector_load_idx %arg7[%add3A_2150, %broadcast_in_dim3A_2164] : memref<1024x16xf32, #tpu.memory_space<vmem>>[vector<16xi32>, vector<16xi32>], vector<16xf32>,
        %broadcast_in_dim3A_2166 = arith.constant 5 : i32
        %broadcast_in_dim3A_2167 = vector.broadcast %broadcast_in_dim3A_2166 : i32 to vector<16xi32>
        %gather3A_2168 = tpu.vector_load_idx %arg7[%add3A_2150, %broadcast_in_dim3A_2167] : memref<1024x16xf32, #tpu.memory_space<vmem>>[vector<16xi32>, vector<16xi32>], vector<16xf32>,
        %broadcast_in_dim3A_2169 = arith.constant 6 : i32
        %broadcast_in_dim3A_2170 = vector.broadcast %broadcast_in_dim3A_2169 : i32 to vector<16xi32>
        %gather3A_2171 = tpu.vector_load_idx %arg7[%add3A_2150, %broadcast_in_dim3A_2170] : memref<1024x16xf32, #tpu.memory_space<vmem>>[vector<16xi32>, vector<16xi32>], vector<16xf32>,
        %broadcast_in_dim3A_2172 = arith.constant 7 : i32
        %broadcast_in_dim3A_2173 = vector.broadcast %broadcast_in_dim3A_2172 : i32 to vector<16xi32>
        %gather3A_2174 = tpu.vector_load_idx %arg7[%add3A_2150, %broadcast_in_dim3A_2173] : memref<1024x16xf32, #tpu.memory_space<vmem>>[vector<16xi32>, vector<16xi32>], vector<16xf32>,
        %broadcast_in_dim3A_2175 = arith.constant 8 : i32
        %broadcast_in_dim3A_2176 = vector.broadcast %broadcast_in_dim3A_2175 : i32 to vector<16xi32>
        %gather3A_2177 = tpu.vector_load_idx %arg7[%add3A_2150, %broadcast_in_dim3A_2176] : memref<1024x16xf32, #tpu.memory_space<vmem>>[vector<16xi32>, vector<16xi32>], vector<16xf32>,
        %broadcast_in_dim3A_2178 = arith.constant 9 : i32
        %broadcast_in_dim3A_2179 = vector.broadcast %broadcast_in_dim3A_2178 : i32 to vector<16xi32>
        %gather3A_2180 = tpu.vector_load_idx %arg7[%add3A_2150, %broadcast_in_dim3A_2179] : memref<1024x16xf32, #tpu.memory_space<vmem>>[vector<16xi32>, vector<16xi32>], vector<16xf32>,
        %broadcast_in_dim3A_2181 = arith.constant 10 : i32
        %broadcast_in_dim3A_2182 = vector.broadcast %broadcast_in_dim3A_2181 : i32 to vector<16xi32>
        %gather3A_2183 = tpu.vector_load_idx %arg7[%add3A_2150, %broadcast_in_dim3A_2182] : memref<1024x16xf32, #tpu.memory_space<vmem>>[vector<16xi32>, vector<16xi32>], vector<16xf32>,
        %broadcast_in_dim3A_2184 = arith.constant 11 : i32
        %broadcast_in_dim3A_2185 = vector.broadcast %broadcast_in_dim3A_2184 : i32 to vector<16xi32>
        %gather3A_2186 = tpu.vector_load_idx %arg7[%add3A_2150, %broadcast_in_dim3A_2185] : memref<1024x16xf32, #tpu.memory_space<vmem>>[vector<16xi32>, vector<16xi32>], vector<16xf32>,
        %broadcast_in_dim3A_2187 = arith.constant 12 : i32
        %broadcast_in_dim3A_2188 = vector.broadcast %broadcast_in_dim3A_2187 : i32 to vector<16xi32>
        %gather3A_2189 = tpu.vector_load_idx %arg7[%add3A_2150, %broadcast_in_dim3A_2188] : memref<1024x16xf32, #tpu.memory_space<vmem>>[vector<16xi32>, vector<16xi32>], vector<16xf32>,
        %broadcast_in_dim3A_2190 = arith.constant 13 : i32
        %broadcast_in_dim3A_2191 = vector.broadcast %broadcast_in_dim3A_2190 : i32 to vector<16xi32>
        %gather3A_2192 = tpu.vector_load_idx %arg7[%add3A_2150, %broadcast_in_dim3A_2191] : memref<1024x16xf32, #tpu.memory_space<vmem>>[vector<16xi32>, vector<16xi32>], vector<16xf32>,
        %broadcast_in_dim3A_2193 = arith.constant 14 : i32
        %broadcast_in_dim3A_2194 = vector.broadcast %broadcast_in_dim3A_2193 : i32 to vector<16xi32>
        %gather3A_2195 = tpu.vector_load_idx %arg7[%add3A_2150, %broadcast_in_dim3A_2194] : memref<1024x16xf32, #tpu.memory_space<vmem>>[vector<16xi32>, vector<16xi32>], vector<16xf32>,
        %broadcast_in_dim3A_2196 = arith.constant 15 : i32
        %broadcast_in_dim3A_2197 = vector.broadcast %broadcast_in_dim3A_2196 : i32 to vector<16xi32>
        %gather3A_2198 = tpu.vector_load_idx %arg7[%add3A_2150, %broadcast_in_dim3A_2197] : memref<1024x16xf32, #tpu.memory_space<vmem>>[vector<16xi32>, vector<16xi32>], vector<16xf32>,
        %mul3A_2199 = arith.constant 1024 : i32
        %mul3A_2200 = arith.muli %scan3A_649, %mul3A_2199 : i32
        %add3A_2201 = arith.constant 0 : i32
        %add3A_2202 = arith.addi %mul3A_2200, %add3A_2201 : i32
        %add3A_2203 = arith.constant 112 : i32
        %add3A_2204 = arith.addi %add3A_2202, %add3A_2203 : i32
        %swap3A_2205 = arith.constant 0 : i32
        %swap3A_2206 = arith.index_cast %swap3A_2205 : i32 to index
        %swap3A_2207 = arith.index_cast %add3A_2204 : i32 to index
        %swap3A_2208 = tpu.vector_load %arg9[%swap3A_2206, %swap3A_2207] {strides = array<i32>} : memref<2x8192xf32, #tpu.memory_space<vmem>>, vector<16xf32>,
        tpu.vector_store %arg9[%swap3A_2206, %swap3A_2207], %gather3A_2153 {strides = array<i32>} : memref<2x8192xf32, #tpu.memory_space<vmem>>, vector<16xf32>,
        %mul3A_2209 = arith.constant 1024 : i32
        %mul3A_2210 = arith.muli %scan3A_649, %mul3A_2209 : i32
        %add3A_2211 = arith.constant 128 : i32
        %add3A_2212 = arith.addi %mul3A_2210, %add3A_2211 : i32
        %add3A_2213 = arith.constant 112 : i32
        %add3A_2214 = arith.addi %add3A_2212, %add3A_2213 : i32
        %swap3A_2215 = arith.constant 0 : i32
        %swap3A_2216 = arith.index_cast %swap3A_2215 : i32 to index
        %swap3A_2217 = arith.index_cast %add3A_2214 : i32 to index
        %swap3A_2218 = tpu.vector_load %arg9[%swap3A_2216, %swap3A_2217] {strides = array<i32>} : memref<2x8192xf32, #tpu.memory_space<vmem>>, vector<16xf32>,
        tpu.vector_store %arg9[%swap3A_2216, %swap3A_2217], %gather3A_2156 {strides = array<i32>} : memref<2x8192xf32, #tpu.memory_space<vmem>>, vector<16xf32>,
        %mul3A_2219 = arith.constant 1024 : i32
        %mul3A_2220 = arith.muli %scan3A_649, %mul3A_2219 : i32
        %add3A_2221 = arith.constant 256 : i32
        %add3A_2222 = arith.addi %mul3A_2220, %add3A_2221 : i32
        %add3A_2223 = arith.constant 112 : i32
        %add3A_2224 = arith.addi %add3A_2222, %add3A_2223 : i32
        %swap3A_2225 = arith.constant 0 : i32
        %swap3A_2226 = arith.index_cast %swap3A_2225 : i32 to index
        %swap3A_2227 = arith.index_cast %add3A_2224 : i32 to index
        %swap3A_2228 = tpu.vector_load %arg9[%swap3A_2226, %swap3A_2227] {strides = array<i32>} : memref<2x8192xf32, #tpu.memory_space<vmem>>, vector<16xf32>,
        tpu.vector_store %arg9[%swap3A_2226, %swap3A_2227], %gather3A_2159 {strides = array<i32>} : memref<2x8192xf32, #tpu.memory_space<vmem>>, vector<16xf32>,
        %mul3A_2229 = arith.constant 1024 : i32
        %mul3A_2230 = arith.muli %scan3A_649, %mul3A_2229 : i32
        %add3A_2231 = arith.constant 384 : i32
        %add3A_2232 = arith.addi %mul3A_2230, %add3A_2231 : i32
        %add3A_2233 = arith.constant 112 : i32
        %add3A_2234 = arith.addi %add3A_2232, %add3A_2233 : i32
        %swap3A_2235 = arith.constant 0 : i32
        %swap3A_2236 = arith.index_cast %swap3A_2235 : i32 to index
        %swap3A_2237 = arith.index_cast %add3A_2234 : i32 to index
        %swap3A_2238 = tpu.vector_load %arg9[%swap3A_2236, %swap3A_2237] {strides = array<i32>} : memref<2x8192xf32, #tpu.memory_space<vmem>>, vector<16xf32>,
        tpu.vector_store %arg9[%swap3A_2236, %swap3A_2237], %gather3A_2162 {strides = array<i32>} : memref<2x8192xf32, #tpu.memory_space<vmem>>, vector<16xf32>,
        %mul3A_2239 = arith.constant 1024 : i32
        %mul3A_2240 = arith.muli %scan3A_649, %mul3A_2239 : i32
        %add3A_2241 = arith.constant 512 : i32
        %add3A_2242 = arith.addi %mul3A_2240, %add3A_2241 : i32
        %add3A_2243 = arith.constant 112 : i32
        %add3A_2244 = arith.addi %add3A_2242, %add3A_2243 : i32
        %swap3A_2245 = arith.constant 0 : i32
        %swap3A_2246 = arith.index_cast %swap3A_2245 : i32 to index
        %swap3A_2247 = arith.index_cast %add3A_2244 : i32 to index
        %swap3A_2248 = tpu.vector_load %arg9[%swap3A_2246, %swap3A_2247] {strides = array<i32>} : memref<2x8192xf32, #tpu.memory_space<vmem>>, vector<16xf32>,
        tpu.vector_store %arg9[%swap3A_2246, %swap3A_2247], %gather3A_2165 {strides = array<i32>} : memref<2x8192xf32, #tpu.memory_space<vmem>>, vector<16xf32>,
        %mul3A_2249 = arith.constant 1024 : i32
        %mul3A_2250 = arith.muli %scan3A_649, %mul3A_2249 : i32
        %add3A_2251 = arith.constant 640 : i32
        %add3A_2252 = arith.addi %mul3A_2250, %add3A_2251 : i32
        %add3A_2253 = arith.constant 112 : i32
        %add3A_2254 = arith.addi %add3A_2252, %add3A_2253 : i32
        %swap3A_2255 = arith.constant 0 : i32
        %swap3A_2256 = arith.index_cast %swap3A_2255 : i32 to index
        %swap3A_2257 = arith.index_cast %add3A_2254 : i32 to index
        %swap3A_2258 = tpu.vector_load %arg9[%swap3A_2256, %swap3A_2257] {strides = array<i32>} : memref<2x8192xf32, #tpu.memory_space<vmem>>, vector<16xf32>,
        tpu.vector_store %arg9[%swap3A_2256, %swap3A_2257], %gather3A_2168 {strides = array<i32>} : memref<2x8192xf32, #tpu.memory_space<vmem>>, vector<16xf32>,
        %mul3A_2259 = arith.constant 1024 : i32
        %mul3A_2260 = arith.muli %scan3A_649, %mul3A_2259 : i32
        %add3A_2261 = arith.constant 768 : i32
        %add3A_2262 = arith.addi %mul3A_2260, %add3A_2261 : i32
        %add3A_2263 = arith.constant 112 : i32
        %add3A_2264 = arith.addi %add3A_2262, %add3A_2263 : i32
        %swap3A_2265 = arith.constant 0 : i32
        %swap3A_2266 = arith.index_cast %swap3A_2265 : i32 to index
        %swap3A_2267 = arith.index_cast %add3A_2264 : i32 to index
        %swap3A_2268 = tpu.vector_load %arg9[%swap3A_2266, %swap3A_2267] {strides = array<i32>} : memref<2x8192xf32, #tpu.memory_space<vmem>>, vector<16xf32>,
        tpu.vector_store %arg9[%swap3A_2266, %swap3A_2267], %gather3A_2171 {strides = array<i32>} : memref<2x8192xf32, #tpu.memory_space<vmem>>, vector<16xf32>,
        %mul3A_2269 = arith.constant 1024 : i32
        %mul3A_2270 = arith.muli %scan3A_649, %mul3A_2269 : i32
        %add3A_2271 = arith.constant 896 : i32
        %add3A_2272 = arith.addi %mul3A_2270, %add3A_2271 : i32
        %add3A_2273 = arith.constant 112 : i32
        %add3A_2274 = arith.addi %add3A_2272, %add3A_2273 : i32
        %swap3A_2275 = arith.constant 0 : i32
        %swap3A_2276 = arith.index_cast %swap3A_2275 : i32 to index
        %swap3A_2277 = arith.index_cast %add3A_2274 : i32 to index
        %swap3A_2278 = tpu.vector_load %arg9[%swap3A_2276, %swap3A_2277] {strides = array<i32>} : memref<2x8192xf32, #tpu.memory_space<vmem>>, vector<16xf32>,
        tpu.vector_store %arg9[%swap3A_2276, %swap3A_2277], %gather3A_2174 {strides = array<i32>} : memref<2x8192xf32, #tpu.memory_space<vmem>>, vector<16xf32>,
        %mul3A_2279 = arith.constant 1024 : i32
        %mul3A_2280 = arith.muli %scan3A_649, %mul3A_2279 : i32
        %add3A_2281 = arith.constant 0 : i32
        %add3A_2282 = arith.addi %mul3A_2280, %add3A_2281 : i32
        %add3A_2283 = arith.constant 112 : i32
        %add3A_2284 = arith.addi %add3A_2282, %add3A_2283 : i32
        %swap3A_2285 = arith.constant 1 : i32
        %swap3A_2286 = arith.index_cast %swap3A_2285 : i32 to index
        %swap3A_2287 = arith.index_cast %add3A_2284 : i32 to index
        %swap3A_2288 = tpu.vector_load %arg9[%swap3A_2286, %swap3A_2287] {strides = array<i32>} : memref<2x8192xf32, #tpu.memory_space<vmem>>, vector<16xf32>,
        tpu.vector_store %arg9[%swap3A_2286, %swap3A_2287], %gather3A_2177 {strides = array<i32>} : memref<2x8192xf32, #tpu.memory_space<vmem>>, vector<16xf32>,
        %mul3A_2289 = arith.constant 1024 : i32
        %mul3A_2290 = arith.muli %scan3A_649, %mul3A_2289 : i32
        %add3A_2291 = arith.constant 128 : i32
        %add3A_2292 = arith.addi %mul3A_2290, %add3A_2291 : i32
        %add3A_2293 = arith.constant 112 : i32
        %add3A_2294 = arith.addi %add3A_2292, %add3A_2293 : i32
        %swap3A_2295 = arith.constant 1 : i32
        %swap3A_2296 = arith.index_cast %swap3A_2295 : i32 to index
        %swap3A_2297 = arith.index_cast %add3A_2294 : i32 to index
        %swap3A_2298 = tpu.vector_load %arg9[%swap3A_2296, %swap3A_2297] {strides = array<i32>} : memref<2x8192xf32, #tpu.memory_space<vmem>>, vector<16xf32>,
        tpu.vector_store %arg9[%swap3A_2296, %swap3A_2297], %gather3A_2180 {strides = array<i32>} : memref<2x8192xf32, #tpu.memory_space<vmem>>, vector<16xf32>,
        %mul3A_2299 = arith.constant 1024 : i32
        %mul3A_2300 = arith.muli %scan3A_649, %mul3A_2299 : i32
        %add3A_2301 = arith.constant 256 : i32
        %add3A_2302 = arith.addi %mul3A_2300, %add3A_2301 : i32
        %add3A_2303 = arith.constant 112 : i32
        %add3A_2304 = arith.addi %add3A_2302, %add3A_2303 : i32
        %swap3A_2305 = arith.constant 1 : i32
        %swap3A_2306 = arith.index_cast %swap3A_2305 : i32 to index
        %swap3A_2307 = arith.index_cast %add3A_2304 : i32 to index
        %swap3A_2308 = tpu.vector_load %arg9[%swap3A_2306, %swap3A_2307] {strides = array<i32>} : memref<2x8192xf32, #tpu.memory_space<vmem>>, vector<16xf32>,
        tpu.vector_store %arg9[%swap3A_2306, %swap3A_2307], %gather3A_2183 {strides = array<i32>} : memref<2x8192xf32, #tpu.memory_space<vmem>>, vector<16xf32>,
        %mul3A_2309 = arith.constant 1024 : i32
        %mul3A_2310 = arith.muli %scan3A_649, %mul3A_2309 : i32
        %add3A_2311 = arith.constant 384 : i32
        %add3A_2312 = arith.addi %mul3A_2310, %add3A_2311 : i32
        %add3A_2313 = arith.constant 112 : i32
        %add3A_2314 = arith.addi %add3A_2312, %add3A_2313 : i32
        %swap3A_2315 = arith.constant 1 : i32
        %swap3A_2316 = arith.index_cast %swap3A_2315 : i32 to index
        %swap3A_2317 = arith.index_cast %add3A_2314 : i32 to index
        %swap3A_2318 = tpu.vector_load %arg9[%swap3A_2316, %swap3A_2317] {strides = array<i32>} : memref<2x8192xf32, #tpu.memory_space<vmem>>, vector<16xf32>,
        tpu.vector_store %arg9[%swap3A_2316, %swap3A_2317], %gather3A_2186 {strides = array<i32>} : memref<2x8192xf32, #tpu.memory_space<vmem>>, vector<16xf32>,
        %mul3A_2319 = arith.constant 1024 : i32
        %mul3A_2320 = arith.muli %scan3A_649, %mul3A_2319 : i32
        %add3A_2321 = arith.constant 512 : i32
        %add3A_2322 = arith.addi %mul3A_2320, %add3A_2321 : i32
        %add3A_2323 = arith.constant 112 : i32
        %add3A_2324 = arith.addi %add3A_2322, %add3A_2323 : i32
        %swap3A_2325 = arith.constant 1 : i32
        %swap3A_2326 = arith.index_cast %swap3A_2325 : i32 to index
        %swap3A_2327 = arith.index_cast %add3A_2324 : i32 to index
        %swap3A_2328 = tpu.vector_load %arg9[%swap3A_2326, %swap3A_2327] {strides = array<i32>} : memref<2x8192xf32, #tpu.memory_space<vmem>>, vector<16xf32>,
        tpu.vector_store %arg9[%swap3A_2326, %swap3A_2327], %gather3A_2189 {strides = array<i32>} : memref<2x8192xf32, #tpu.memory_space<vmem>>, vector<16xf32>,
        %mul3A_2329 = arith.constant 1024 : i32
        %mul3A_2330 = arith.muli %scan3A_649, %mul3A_2329 : i32
        %add3A_2331 = arith.constant 640 : i32
        %add3A_2332 = arith.addi %mul3A_2330, %add3A_2331 : i32
        %add3A_2333 = arith.constant 112 : i32
        %add3A_2334 = arith.addi %add3A_2332, %add3A_2333 : i32
        %swap3A_2335 = arith.constant 1 : i32
        %swap3A_2336 = arith.index_cast %swap3A_2335 : i32 to index
        %swap3A_2337 = arith.index_cast %add3A_2334 : i32 to index
        %swap3A_2338 = tpu.vector_load %arg9[%swap3A_2336, %swap3A_2337] {strides = array<i32>} : memref<2x8192xf32, #tpu.memory_space<vmem>>, vector<16xf32>,
        tpu.vector_store %arg9[%swap3A_2336, %swap3A_2337], %gather3A_2192 {strides = array<i32>} : memref<2x8192xf32, #tpu.memory_space<vmem>>, vector<16xf32>,
        %mul3A_2339 = arith.constant 1024 : i32
        %mul3A_2340 = arith.muli %scan3A_649, %mul3A_2339 : i32
        %add3A_2341 = arith.constant 768 : i32
        %add3A_2342 = arith.addi %mul3A_2340, %add3A_2341 : i32
        %add3A_2343 = arith.constant 112 : i32
        %add3A_2344 = arith.addi %add3A_2342, %add3A_2343 : i32
        %swap3A_2345 = arith.constant 1 : i32
        %swap3A_2346 = arith.index_cast %swap3A_2345 : i32 to index
        %swap3A_2347 = arith.index_cast %add3A_2344 : i32 to index
        %swap3A_2348 = tpu.vector_load %arg9[%swap3A_2346, %swap3A_2347] {strides = array<i32>} : memref<2x8192xf32, #tpu.memory_space<vmem>>, vector<16xf32>,
        tpu.vector_store %arg9[%swap3A_2346, %swap3A_2347], %gather3A_2195 {strides = array<i32>} : memref<2x8192xf32, #tpu.memory_space<vmem>>, vector<16xf32>,
        %mul3A_2349 = arith.constant 1024 : i32
        %mul3A_2350 = arith.muli %scan3A_649, %mul3A_2349 : i32
        %add3A_2351 = arith.constant 896 : i32
        %add3A_2352 = arith.addi %mul3A_2350, %add3A_2351 : i32
        %add3A_2353 = arith.constant 112 : i32
        %add3A_2354 = arith.addi %add3A_2352, %add3A_2353 : i32
        %swap3A_2355 = arith.constant 1 : i32
        %swap3A_2356 = arith.index_cast %swap3A_2355 : i32 to index
        %swap3A_2357 = arith.index_cast %add3A_2354 : i32 to index
        %swap3A_2358 = tpu.vector_load %arg9[%swap3A_2356, %swap3A_2357] {strides = array<i32>} : memref<2x8192xf32, #tpu.memory_space<vmem>>, vector<16xf32>,
        tpu.vector_store %arg9[%swap3A_2356, %swap3A_2357], %gather3A_2198 {strides = array<i32>} : memref<2x8192xf32, #tpu.memory_space<vmem>>, vector<16xf32>,
      }
      %scan3A_276 = arith.constant 8 : i32
      %mul3A_277 = arith.constant 25 : i32
      %mul3A_278 = arith.muli %add3A, %mul3A_277 : i32
      %jit3A_279 = arith.constant 4 : i32
      %div3A_280 = arith.divsi %add3A_162, %jit3A_279 : i32
      %sign3A_281 = arith.constant 0 : i32
      %sign3A_282 = arith.cmpi sgt, %add3A_162, %sign3A_281 : i32
      %sign3A_283 = arith.extui %sign3A_282 : i1 to i32
      %sign3A_284 = arith.constant 0 : i32
      %sign3A_285 = arith.cmpi slt, %add3A_162, %sign3A_284 : i32
      %sign3A_286 = arith.extui %sign3A_285 : i1 to i32
      %sign3A_287 = arith.subi %sign3A_283, %sign3A_286 : i32
      %sign3A_288 = arith.constant 0 : i32
      %sign3A_289 = arith.cmpi sgt, %jit3A_279, %sign3A_288 : i32
      %sign3A_290 = arith.extui %sign3A_289 : i1 to i32
      %sign3A_291 = arith.constant 0 : i32
      %sign3A_292 = arith.cmpi slt, %jit3A_279, %sign3A_291 : i32
      %sign3A_293 = arith.extui %sign3A_292 : i1 to i32
      %sign3A_294 = arith.subi %sign3A_290, %sign3A_293 : i32
      %ne3A_295 = arith.cmpi ne, %sign3A_287, %sign3A_294 : i32
      %rem3A_296 = arith.remsi %add3A_162, %jit3A_279 : i32
      %ne3A_297 = arith.constant 0 : i32
      %ne3A_298 = arith.cmpi ne, %rem3A_296, %ne3A_297 : i32
      %and3A_299 = arith.andi %ne3A_295, %ne3A_298 : i1
      %sub3A_300 = arith.constant 1 : i32
      %sub3A_301 = arith.subi %div3A_280, %sub3A_300 : i32
      %select_n3A_302 = arith.select %and3A_299, %sub3A_301, %div3A_280 : i32
      %add3A_303 = arith.addi %mul3A_278, %select_n3A_302 : i32
      %jit3A_304 = arith.constant 4 : i32
      %eq3A_305 = arith.constant 0 : i32
      %eq3A_306 = arith.cmpi eq, %jit3A_304, %eq3A_305 : i32
      %jit3A_307 = arith.constant 1 : i32
      %select_n3A_308 = arith.select %eq3A_306, %jit3A_307, %jit3A_304 : i32
      %rem3A_309 = arith.remsi %add3A_162, %select_n3A_308 : i32
      %ne3A_310 = arith.constant 0 : i32
      %ne3A_311 = arith.cmpi ne, %rem3A_309, %ne3A_310 : i32
      %lt3A_312 = arith.constant 0 : i32
      %lt3A_313 = arith.cmpi slt, %rem3A_309, %lt3A_312 : i32
      %lt3A_314 = arith.constant 0 : i32
      %lt3A_315 = arith.cmpi slt, %select_n3A_308, %lt3A_314 : i32
      %ne3A_316 = arith.xori %lt3A_313, %lt3A_315 : i1
      %and3A_317 = arith.andi %ne3A_316, %ne3A_311 : i1
      %add3A_318 = arith.addi %rem3A_309, %select_n3A_308 : i32
      %select_n3A_319 = arith.select %and3A_317, %add3A_318, %rem3A_309 : i32
      %jit3A_320 = arith.constant 16 : i32
      %div3A_321 = arith.divsi %add3A_303, %jit3A_320 : i32
      %sign3A_322 = arith.constant 0 : i32
      %sign3A_323 = arith.cmpi sgt, %add3A_303, %sign3A_322 : i32
      %sign3A_324 = arith.extui %sign3A_323 : i1 to i32
      %sign3A_325 = arith.constant 0 : i32
      %sign3A_326 = arith.cmpi slt, %add3A_303, %sign3A_325 : i32
      %sign3A_327 = arith.extui %sign3A_326 : i1 to i32
      %sign3A_328 = arith.subi %sign3A_324, %sign3A_327 : i32
      %sign3A_329 = arith.constant 0 : i32
      %sign3A_330 = arith.cmpi sgt, %jit3A_320, %sign3A_329 : i32
      %sign3A_331 = arith.extui %sign3A_330 : i1 to i32
      %sign3A_332 = arith.constant 0 : i32
      %sign3A_333 = arith.cmpi slt, %jit3A_320, %sign3A_332 : i32
      %sign3A_334 = arith.extui %sign3A_333 : i1 to i32
      %sign3A_335 = arith.subi %sign3A_331, %sign3A_334 : i32
      %ne3A_336 = arith.cmpi ne, %sign3A_328, %sign3A_335 : i32
      %rem3A_337 = arith.remsi %add3A_303, %jit3A_320 : i32
      %ne3A_338 = arith.constant 0 : i32
      %ne3A_339 = arith.cmpi ne, %rem3A_337, %ne3A_338 : i32
      %and3A_340 = arith.andi %ne3A_336, %ne3A_339 : i1
      %sub3A_341 = arith.constant 1 : i32
      %sub3A_342 = arith.subi %div3A_321, %sub3A_341 : i32
      %select_n3A_343 = arith.select %and3A_340, %sub3A_342, %div3A_321 : i32
      %jit3A_344 = arith.constant 16 : i32
      %eq3A_345 = arith.constant 0 : i32
      %eq3A_346 = arith.cmpi eq, %jit3A_344, %eq3A_345 : i32
      %jit3A_347 = arith.constant 1 : i32
      %select_n3A_348 = arith.select %eq3A_346, %jit3A_347, %jit3A_344 : i32
      %rem3A_349 = arith.remsi %add3A_303, %select_n3A_348 : i32
      %ne3A_350 = arith.constant 0 : i32
      %ne3A_351 = arith.cmpi ne, %rem3A_349, %ne3A_350 : i32
      %lt3A_352 = arith.constant 0 : i32
      %lt3A_353 = arith.cmpi slt, %rem3A_349, %lt3A_352 : i32
      %lt3A_354 = arith.constant 0 : i32
      %lt3A_355 = arith.cmpi slt, %select_n3A_348, %lt3A_354 : i32
      %ne3A_356 = arith.xori %lt3A_353, %lt3A_355 : i1
      %and3A_357 = arith.andi %ne3A_356, %ne3A_351 : i1
      %add3A_358 = arith.addi %rem3A_349, %select_n3A_348 : i32
      %select_n3A_359 = arith.select %and3A_357, %add3A_358, %rem3A_349 : i32
      %mul3A_360 = arith.constant 2 : i32
      %mul3A_361 = arith.muli %select_n3A_319, %mul3A_360 : i32
      %add3A_362 = arith.constant 0 : i32
      %add3A_363 = arith.addi %mul3A_361, %add3A_362 : i32
      %mul3A_364 = arith.constant 1048576 : i32
      %mul3A_365 = arith.muli %select_n3A_343, %mul3A_364 : i32
      %mul3A_366 = arith.constant 131072 : i32
      %mul3A_367 = arith.muli %add3A_363, %mul3A_366 : i32
      %add3A_368 = arith.addi %mul3A_365, %mul3A_367 : i32
      %mul3A_369 = arith.constant 8192 : i32
      %mul3A_370 = arith.muli %select_n3A_359, %mul3A_369 : i32
      %add3A_371 = arith.addi %add3A_368, %mul3A_370 : i32
      %dma_start3A_372 = arith.constant 0 : i32
      %dma_start3A_373 = arith.constant 0 : i32
      %dma_start3A_374 = tpu.memref_slice %arg9[%dma_start3A_372, %dma_start3A_373] : memref<2x8192xf32, #tpu.memory_space<vmem>> -> memref<1x8192xf32, #tpu.memory_space<vmem>>
      %dma_start3A_375 = tpu.memref_squeeze %dma_start3A_374 : memref<1x8192xf32, #tpu.memory_space<vmem>> -> memref<8192xf32, #tpu.memory_space<vmem>>
      %dma_start3A_376 = tpu.memref_slice %arg4[%add3A_371] : memref<52428800xf32, #tpu.memory_space<hbm>> -> memref<8192xf32, #tpu.memory_space<hbm>>
      %dma_start3A_377 = tpu.memref_slice %arg4[%add3A_371] : memref<52428800xf32, #tpu.memory_space<hbm>> -> memref<8192xf32, #tpu.memory_space<hbm>>
      %dma_start3A_378 = arith.constant 0 : i32
      %dma_start3A_379 = tpu.memref_slice %arg9[%dma_start3A_372, %dma_start3A_378] : memref<2x8192xf32, #tpu.memory_space<vmem>> -> memref<1x8192xf32, #tpu.memory_space<vmem>>
      %dma_start3A_380 = tpu.memref_squeeze %dma_start3A_379 : memref<1x8192xf32, #tpu.memory_space<vmem>> -> memref<8192xf32, #tpu.memory_space<vmem>>
      tpu.enqueue_dma source(%dma_start3A_380 : memref<8192xf32, #tpu.memory_space<vmem>>) target(%dma_start3A_377 : memref<8192xf32, #tpu.memory_space<hbm>>) target_semaphore(%arg13 : memref<!tpu.dma_semaphore, #tpu.memory_space<semaphore_mem>>)
      %mul3A_381 = arith.constant 2 : i32
      %mul3A_382 = arith.muli %select_n3A_319, %mul3A_381 : i32
      %add3A_383 = arith.constant 1 : i32
      %add3A_384 = arith.addi %mul3A_382, %add3A_383 : i32
      %mul3A_385 = arith.constant 1048576 : i32
      %mul3A_386 = arith.muli %select_n3A_343, %mul3A_385 : i32
      %mul3A_387 = arith.constant 131072 : i32
      %mul3A_388 = arith.muli %add3A_384, %mul3A_387 : i32
      %add3A_389 = arith.addi %mul3A_386, %mul3A_388 : i32
      %mul3A_390 = arith.constant 8192 : i32
      %mul3A_391 = arith.muli %select_n3A_359, %mul3A_390 : i32
      %add3A_392 = arith.addi %add3A_389, %mul3A_391 : i32
      %dma_start3A_393 = arith.constant 1 : i32
      %dma_start3A_394 = arith.constant 0 : i32
      %dma_start3A_395 = tpu.memref_slice %arg9[%dma_start3A_393, %dma_start3A_394] : memref<2x8192xf32, #tpu.memory_space<vmem>> -> memref<1x8192xf32, #tpu.memory_space<vmem>>
      %dma_start3A_396 = tpu.memref_squeeze %dma_start3A_395 : memref<1x8192xf32, #tpu.memory_space<vmem>> -> memref<8192xf32, #tpu.memory_space<vmem>>
      %dma_start3A_397 = tpu.memref_slice %arg4[%add3A_392] : memref<52428800xf32, #tpu.memory_space<hbm>> -> memref<8192xf32, #tpu.memory_space<hbm>>
      %dma_start3A_398 = tpu.memref_slice %arg4[%add3A_392] : memref<52428800xf32, #tpu.memory_space<hbm>> -> memref<8192xf32, #tpu.memory_space<hbm>>
      %dma_start3A_399 = arith.constant 0 : i32
      %dma_start3A_400 = tpu.memref_slice %arg9[%dma_start3A_393, %dma_start3A_399] : memref<2x8192xf32, #tpu.memory_space<vmem>> -> memref<1x8192xf32, #tpu.memory_space<vmem>>
      %dma_start3A_401 = tpu.memref_squeeze %dma_start3A_400 : memref<1x8192xf32, #tpu.memory_space<vmem>> -> memref<8192xf32, #tpu.memory_space<vmem>>
      tpu.enqueue_dma source(%dma_start3A_401 : memref<8192xf32, #tpu.memory_space<vmem>>) target(%dma_start3A_398 : memref<8192xf32, #tpu.memory_space<hbm>>) target_semaphore(%arg13 : memref<!tpu.dma_semaphore, #tpu.memory_space<semaphore_mem>>)
      %mul3A_402 = arith.constant 2 : i32
      %mul3A_403 = arith.muli %scan3A_158, %mul3A_402 : i32
      %add3A_404 = arith.constant 1 : i32
      %add3A_405 = arith.addi %mul3A_403, %add3A_404 : i32
      %dma_wait3A_406 = arith.constant 0 : i32
      %dma_wait3A_407 = tpu.memref_slice %arg3[%dma_wait3A_406] : memref<3276800xi32, #tpu.memory_space<hbm>> -> memref<1024xi32, #tpu.memory_space<hbm>>
      %dma_wait3A_408 = arith.constant 0 : i32
      %dma_wait3A_409 = tpu.memref_slice %arg3[%dma_wait3A_408] : memref<3276800xi32, #tpu.memory_space<hbm>> -> memref<1024xi32, #tpu.memory_space<hbm>>
      tpu.wait_dma2 semaphore(%arg15 : memref<!tpu.dma_semaphore, #tpu.memory_space<semaphore_mem>>) src(%dma_wait3A_409 : memref<1024xi32, #tpu.memory_space<hbm>>) dst(%arg5 : memref<1024xi32, #tpu.memory_space<vmem>>)
      %dma_start3A_410 = arith.constant 0 : i32
      %dma_start3A_411 = arith.constant 0 : i32
      %dma_start3A_412 = tpu.memref_slice %arg2[%dma_start3A_410, %dma_start3A_411] : memref<32768x16xf32, #tpu.memory_space<hbm>> -> memref<32768x16xf32, #tpu.memory_space<hbm>>
      tpu.enqueue_indirect_dma source(%dma_start3A_412 : memref<32768x16xf32, #tpu.memory_space<hbm>>) target(%arg7 : memref<1024x16xf32, #tpu.memory_space<vmem>>) offsets(%arg5 : memref<1024xi32, #tpu.memory_space<vmem>>) semaphore(%arg11 : memref<!tpu.dma_semaphore, #tpu.memory_space<semaphore_mem>>)
      %dma_wait3A_413 = arith.constant 0 : i32
      %dma_wait3A_414 = arith.constant 0 : i32
      %dma_wait3A_415 = tpu.memref_slice %arg2[%dma_wait3A_413, %dma_wait3A_414] : memref<32768x16xf32, #tpu.memory_space<hbm>> -> memref<32768x16xf32, #tpu.memory_space<hbm>>
      tpu.wait_indirect_dma semaphore(%arg12 : memref<!tpu.dma_semaphore, #tpu.memory_space<semaphore_mem>>) src(%dma_wait3A_415 : memref<32768x16xf32, #tpu.memory_space<hbm>>) dst(%arg8 : memref<1024x16xf32, #tpu.memory_space<vmem>>)
      %add3A_416 = arith.constant 2 : i32
      %add3A_417 = arith.addi %add3A_405, %add3A_416 : i32
      %min3A_418 = arith.constant 99 : i32
      %min3A_419 = arith.minsi %add3A_417, %min3A_418 : i32
      %mul3A_420 = arith.constant 25 : i32
      %mul3A_421 = arith.muli %add3A, %mul3A_420 : i32
      %jit3A_422 = arith.constant 4 : i32
      %div3A_423 = arith.divsi %min3A_419, %jit3A_422 : i32
      %sign3A_424 = arith.constant 0 : i32
      %sign3A_425 = arith.cmpi sgt, %min3A_419, %sign3A_424 : i32
      %sign3A_426 = arith.extui %sign3A_425 : i1 to i32
      %sign3A_427 = arith.constant 0 : i32
      %sign3A_428 = arith.cmpi slt, %min3A_419, %sign3A_427 : i32
      %sign3A_429 = arith.extui %sign3A_428 : i1 to i32
      %sign3A_430 = arith.subi %sign3A_426, %sign3A_429 : i32
      %sign3A_431 = arith.constant 0 : i32
      %sign3A_432 = arith.cmpi sgt, %jit3A_422, %sign3A_431 : i32
      %sign3A_433 = arith.extui %sign3A_432 : i1 to i32
      %sign3A_434 = arith.constant 0 : i32
      %sign3A_435 = arith.cmpi slt, %jit3A_422, %sign3A_434 : i32
      %sign3A_436 = arith.extui %sign3A_435 : i1 to i32
      %sign3A_437 = arith.subi %sign3A_433, %sign3A_436 : i32
      %ne3A_438 = arith.cmpi ne, %sign3A_430, %sign3A_437 : i32
      %rem3A_439 = arith.remsi %min3A_419, %jit3A_422 : i32
      %ne3A_440 = arith.constant 0 : i32
      %ne3A_441 = arith.cmpi ne, %rem3A_439, %ne3A_440 : i32
      %and3A_442 = arith.andi %ne3A_438, %ne3A_441 : i1
      %sub3A_443 = arith.constant 1 : i32
      %sub3A_444 = arith.subi %div3A_423, %sub3A_443 : i32
      %select_n3A_445 = arith.select %and3A_442, %sub3A_444, %div3A_423 : i32
      %add3A_446 = arith.addi %mul3A_421, %select_n3A_445 : i32
      %jit3A_447 = arith.constant 4 : i32
      %eq3A_448 = arith.constant 0 : i32
      %eq3A_449 = arith.cmpi eq, %jit3A_447, %eq3A_448 : i32
      %jit3A_450 = arith.constant 1 : i32
      %select_n3A_451 = arith.select %eq3A_449, %jit3A_450, %jit3A_447 : i32
      %rem3A_452 = arith.remsi %min3A_419, %select_n3A_451 : i32
      %ne3A_453 = arith.constant 0 : i32
      %ne3A_454 = arith.cmpi ne, %rem3A_452, %ne3A_453 : i32
      %lt3A_455 = arith.constant 0 : i32
      %lt3A_456 = arith.cmpi slt, %rem3A_452, %lt3A_455 : i32
      %lt3A_457 = arith.constant 0 : i32
      %lt3A_458 = arith.cmpi slt, %select_n3A_451, %lt3A_457 : i32
      %ne3A_459 = arith.xori %lt3A_456, %lt3A_458 : i1
      %and3A_460 = arith.andi %ne3A_459, %ne3A_454 : i1
      %add3A_461 = arith.addi %rem3A_452, %select_n3A_451 : i32
      %select_n3A_462 = arith.select %and3A_460, %add3A_461, %rem3A_452 : i32
      %jit3A_463 = arith.constant 16 : i32
      %div3A_464 = arith.divsi %add3A_446, %jit3A_463 : i32
      %sign3A_465 = arith.constant 0 : i32
      %sign3A_466 = arith.cmpi sgt, %add3A_446, %sign3A_465 : i32
      %sign3A_467 = arith.extui %sign3A_466 : i1 to i32
      %sign3A_468 = arith.constant 0 : i32
      %sign3A_469 = arith.cmpi slt, %add3A_446, %sign3A_468 : i32
      %sign3A_470 = arith.extui %sign3A_469 : i1 to i32
      %sign3A_471 = arith.subi %sign3A_467, %sign3A_470 : i32
      %sign3A_472 = arith.constant 0 : i32
      %sign3A_473 = arith.cmpi sgt, %jit3A_463, %sign3A_472 : i32
      %sign3A_474 = arith.extui %sign3A_473 : i1 to i32
      %sign3A_475 = arith.constant 0 : i32
      %sign3A_476 = arith.cmpi slt, %jit3A_463, %sign3A_475 : i32
      %sign3A_477 = arith.extui %sign3A_476 : i1 to i32
      %sign3A_478 = arith.subi %sign3A_474, %sign3A_477 : i32
      %ne3A_479 = arith.cmpi ne, %sign3A_471, %sign3A_478 : i32
      %rem3A_480 = arith.remsi %add3A_446, %jit3A_463 : i32
      %ne3A_481 = arith.constant 0 : i32
      %ne3A_482 = arith.cmpi ne, %rem3A_480, %ne3A_481 : i32
      %and3A_483 = arith.andi %ne3A_479, %ne3A_482 : i1
      %sub3A_484 = arith.constant 1 : i32
      %sub3A_485 = arith.subi %div3A_464, %sub3A_484 : i32
      %select_n3A_486 = arith.select %and3A_483, %sub3A_485, %div3A_464 : i32
      %jit3A_487 = arith.constant 16 : i32
      %eq3A_488 = arith.constant 0 : i32
      %eq3A_489 = arith.cmpi eq, %jit3A_487, %eq3A_488 : i32
      %jit3A_490 = arith.constant 1 : i32
      %select_n3A_491 = arith.select %eq3A_489, %jit3A_490, %jit3A_487 : i32
      %rem3A_492 = arith.remsi %add3A_446, %select_n3A_491 : i32
      %ne3A_493 = arith.constant 0 : i32
      %ne3A_494 = arith.cmpi ne, %rem3A_492, %ne3A_493 : i32
      %lt3A_495 = arith.constant 0 : i32
      %lt3A_496 = arith.cmpi slt, %rem3A_492, %lt3A_495 : i32
      %lt3A_497 = arith.constant 0 : i32
      %lt3A_498 = arith.cmpi slt, %select_n3A_491, %lt3A_497 : i32
      %ne3A_499 = arith.xori %lt3A_496, %lt3A_498 : i1
      %and3A_500 = arith.andi %ne3A_499, %ne3A_494 : i1
      %add3A_501 = arith.addi %rem3A_492, %select_n3A_491 : i32
      %select_n3A_502 = arith.select %and3A_500, %add3A_501, %rem3A_492 : i32
      %mul3A_503 = arith.constant 50 : i32
      %mul3A_504 = arith.muli %select_n3A_462, %mul3A_503 : i32
      %add3A_505 = arith.addi %mul3A_504, %select_n3A_486 : i32
      %mul3A_506 = arith.constant 16384 : i32
      %mul3A_507 = arith.muli %add3A_505, %mul3A_506 : i32
      %mul3A_508 = arith.constant 1024 : i32
      %mul3A_509 = arith.muli %select_n3A_502, %mul3A_508 : i32
      %add3A_510 = arith.addi %mul3A_507, %mul3A_509 : i32
      %dma_start3A_511 = tpu.memref_slice %arg3[%add3A_510] : memref<3276800xi32, #tpu.memory_space<hbm>> -> memref<1024xi32, #tpu.memory_space<hbm>>
      %dma_start3A_512 = tpu.memref_slice %arg3[%add3A_510] : memref<3276800xi32, #tpu.memory_space<hbm>> -> memref<1024xi32, #tpu.memory_space<hbm>>
      tpu.enqueue_dma source(%dma_start3A_512 : memref<1024xi32, #tpu.memory_space<hbm>>) target(%arg6 : memref<1024xi32, #tpu.memory_space<vmem>>) target_semaphore(%arg16 : memref<!tpu.dma_semaphore, #tpu.memory_space<semaphore_mem>>)
      %ge3A_513 = arith.constant 1 : i32
      %ge3A_514 = arith.cmpi sge, %scan3A_158, %ge3A_513 : i32
      %convert_element_type3A_515 = arith.extui %ge3A_514 : i1 to i32
      %cond3A_516 = arith.constant 0 : i32
      %cond3A_517 = arith.cmpi ne, %convert_element_type3A_515, %cond3A_516 : i32
      scf.if %cond3A_517 {
        %dma_wait3A_649 = arith.constant 0 : i32
        %dma_wait3A_650 = arith.constant 0 : i32
        %dma_wait3A_651 = tpu.memref_slice %arg10[%dma_wait3A_649, %dma_wait3A_650] : memref<2x8192xf32, #tpu.memory_space<vmem>> -> memref<1x8192xf32, #tpu.memory_space<vmem>>
        %dma_wait3A_652 = tpu.memref_squeeze %dma_wait3A_651 : memref<1x8192xf32, #tpu.memory_space<vmem>> -> memref<8192xf32, #tpu.memory_space<vmem>>
        %dma_wait3A_653 = arith.constant 0 : i32
        %dma_wait3A_654 = tpu.memref_slice %arg4[%dma_wait3A_653] : memref<52428800xf32, #tpu.memory_space<hbm>> -> memref<8192xf32, #tpu.memory_space<hbm>>
        %dma_wait3A_655 = arith.constant 0 : i32
        %dma_wait3A_656 = tpu.memref_slice %arg4[%dma_wait3A_655] : memref<52428800xf32, #tpu.memory_space<hbm>> -> memref<8192xf32, #tpu.memory_space<hbm>>
        %dma_wait3A_657 = arith.constant 0 : i32
        %dma_wait3A_658 = tpu.memref_slice %arg10[%dma_wait3A_649, %dma_wait3A_657] : memref<2x8192xf32, #tpu.memory_space<vmem>> -> memref<1x8192xf32, #tpu.memory_space<vmem>>
        %dma_wait3A_659 = tpu.memref_squeeze %dma_wait3A_658 : memref<1x8192xf32, #tpu.memory_space<vmem>> -> memref<8192xf32, #tpu.memory_space<vmem>>
        tpu.wait_dma2 semaphore(%arg14 : memref<!tpu.dma_semaphore, #tpu.memory_space<semaphore_mem>>) src(%dma_wait3A_659 : memref<8192xf32, #tpu.memory_space<vmem>>) dst(%dma_wait3A_656 : memref<8192xf32, #tpu.memory_space<hbm>>)
        %dma_wait3A_660 = arith.constant 1 : i32
        %dma_wait3A_661 = arith.constant 0 : i32
        %dma_wait3A_662 = tpu.memref_slice %arg10[%dma_wait3A_660, %dma_wait3A_661] : memref<2x8192xf32, #tpu.memory_space<vmem>> -> memref<1x8192xf32, #tpu.memory_space<vmem>>
        %dma_wait3A_663 = tpu.memref_squeeze %dma_wait3A_662 : memref<1x8192xf32, #tpu.memory_space<vmem>> -> memref<8192xf32, #tpu.memory_space<vmem>>
        %dma_wait3A_664 = arith.constant 0 : i32
        %dma_wait3A_665 = tpu.memref_slice %arg4[%dma_wait3A_664] : memref<52428800xf32, #tpu.memory_space<hbm>> -> memref<8192xf32, #tpu.memory_space<hbm>>
        %dma_wait3A_666 = arith.constant 0 : i32
        %dma_wait3A_667 = tpu.memref_slice %arg4[%dma_wait3A_666] : memref<52428800xf32, #tpu.memory_space<hbm>> -> memref<8192xf32, #tpu.memory_space<hbm>>
        %dma_wait3A_668 = arith.constant 0 : i32
        %dma_wait3A_669 = tpu.memref_slice %arg10[%dma_wait3A_660, %dma_wait3A_668] : memref<2x8192xf32, #tpu.memory_space<vmem>> -> memref<1x8192xf32, #tpu.memory_space<vmem>>
        %dma_wait3A_670 = tpu.memref_squeeze %dma_wait3A_669 : memref<1x8192xf32, #tpu.memory_space<vmem>> -> memref<8192xf32, #tpu.memory_space<vmem>>
        tpu.wait_dma2 semaphore(%arg14 : memref<!tpu.dma_semaphore, #tpu.memory_space<semaphore_mem>>) src(%dma_wait3A_670 : memref<8192xf32, #tpu.memory_space<vmem>>) dst(%dma_wait3A_667 : memref<8192xf32, #tpu.memory_space<hbm>>)
      } else {
      }
      %scan3A_518 = arith.constant 0 : i32
      %scan3A_519 = arith.constant 0 : i32
      %scan3A_520 = arith.constant 8 : i32
      %scan3A_521 = arith.addi %scan3A_519, %scan3A_520 : i32
      %scan3A_522 = arith.constant 1 : i32
      scf.for %scan3A_649 = %scan3A_519 to %scan3A_521 step %scan3A_522  : i32 {
        %mul3A_650 = arith.constant 128 : i32
        %mul3A_651 = arith.muli %scan3A_649, %mul3A_650 : i32
        %add3A_652 = arith.constant 0 : i32
        %add3A_653 = arith.addi %mul3A_651, %add3A_652 : i32
        %broadcast_in_dim3A = vector.broadcast %add3A_653 : i32 to vector<16xi32>
        %add3A_654 = arith.addi %broadcast_in_dim3A, %iota3A : vector<16xi32>
        %broadcast_in_dim3A_655 = arith.constant 0 : i32
        %broadcast_in_dim3A_656 = vector.broadcast %broadcast_in_dim3A_655 : i32 to vector<16xi32>
        %gather3A = tpu.vector_load_idx %arg8[%add3A_654, %broadcast_in_dim3A_656] : memref<1024x16xf32, #tpu.memory_space<vmem>>[vector<16xi32>, vector<16xi32>], vector<16xf32>,
        %broadcast_in_dim3A_657 = arith.constant 1 : i32
        %broadcast_in_dim3A_658 = vector.broadcast %broadcast_in_dim3A_657 : i32 to vector<16xi32>
        %gather3A_659 = tpu.vector_load_idx %arg8[%add3A_654, %broadcast_in_dim3A_658] : memref<1024x16xf32, #tpu.memory_space<vmem>>[vector<16xi32>, vector<16xi32>], vector<16xf32>,
        %broadcast_in_dim3A_660 = arith.constant 2 : i32
        %broadcast_in_dim3A_661 = vector.broadcast %broadcast_in_dim3A_660 : i32 to vector<16xi32>
        %gather3A_662 = tpu.vector_load_idx %arg8[%add3A_654, %broadcast_in_dim3A_661] : memref<1024x16xf32, #tpu.memory_space<vmem>>[vector<16xi32>, vector<16xi32>], vector<16xf32>,
        %broadcast_in_dim3A_663 = arith.constant 3 : i32
        %broadcast_in_dim3A_664 = vector.broadcast %broadcast_in_dim3A_663 : i32 to vector<16xi32>
        %gather3A_665 = tpu.vector_load_idx %arg8[%add3A_654, %broadcast_in_dim3A_664] : memref<1024x16xf32, #tpu.memory_space<vmem>>[vector<16xi32>, vector<16xi32>], vector<16xf32>,
        %broadcast_in_dim3A_666 = arith.constant 4 : i32
        %broadcast_in_dim3A_667 = vector.broadcast %broadcast_in_dim3A_666 : i32 to vector<16xi32>
        %gather3A_668 = tpu.vector_load_idx %arg8[%add3A_654, %broadcast_in_dim3A_667] : memref<1024x16xf32, #tpu.memory_space<vmem>>[vector<16xi32>, vector<16xi32>], vector<16xf32>,
        %broadcast_in_dim3A_669 = arith.constant 5 : i32
        %broadcast_in_dim3A_670 = vector.broadcast %broadcast_in_dim3A_669 : i32 to vector<16xi32>
        %gather3A_671 = tpu.vector_load_idx %arg8[%add3A_654, %broadcast_in_dim3A_670] : memref<1024x16xf32, #tpu.memory_space<vmem>>[vector<16xi32>, vector<16xi32>], vector<16xf32>,
        %broadcast_in_dim3A_672 = arith.constant 6 : i32
        %broadcast_in_dim3A_673 = vector.broadcast %broadcast_in_dim3A_672 : i32 to vector<16xi32>
        %gather3A_674 = tpu.vector_load_idx %arg8[%add3A_654, %broadcast_in_dim3A_673] : memref<1024x16xf32, #tpu.memory_space<vmem>>[vector<16xi32>, vector<16xi32>], vector<16xf32>,
        %broadcast_in_dim3A_675 = arith.constant 7 : i32
        %broadcast_in_dim3A_676 = vector.broadcast %broadcast_in_dim3A_675 : i32 to vector<16xi32>
        %gather3A_677 = tpu.vector_load_idx %arg8[%add3A_654, %broadcast_in_dim3A_676] : memref<1024x16xf32, #tpu.memory_space<vmem>>[vector<16xi32>, vector<16xi32>], vector<16xf32>,
        %broadcast_in_dim3A_678 = arith.constant 8 : i32
        %broadcast_in_dim3A_679 = vector.broadcast %broadcast_in_dim3A_678 : i32 to vector<16xi32>
        %gather3A_680 = tpu.vector_load_idx %arg8[%add3A_654, %broadcast_in_dim3A_679] : memref<1024x16xf32, #tpu.memory_space<vmem>>[vector<16xi32>, vector<16xi32>], vector<16xf32>,
        %broadcast_in_dim3A_681 = arith.constant 9 : i32
        %broadcast_in_dim3A_682 = vector.broadcast %broadcast_in_dim3A_681 : i32 to vector<16xi32>
        %gather3A_683 = tpu.vector_load_idx %arg8[%add3A_654, %broadcast_in_dim3A_682] : memref<1024x16xf32, #tpu.memory_space<vmem>>[vector<16xi32>, vector<16xi32>], vector<16xf32>,
        %broadcast_in_dim3A_684 = arith.constant 10 : i32
        %broadcast_in_dim3A_685 = vector.broadcast %broadcast_in_dim3A_684 : i32 to vector<16xi32>
        %gather3A_686 = tpu.vector_load_idx %arg8[%add3A_654, %broadcast_in_dim3A_685] : memref<1024x16xf32, #tpu.memory_space<vmem>>[vector<16xi32>, vector<16xi32>], vector<16xf32>,
        %broadcast_in_dim3A_687 = arith.constant 11 : i32
        %broadcast_in_dim3A_688 = vector.broadcast %broadcast_in_dim3A_687 : i32 to vector<16xi32>
        %gather3A_689 = tpu.vector_load_idx %arg8[%add3A_654, %broadcast_in_dim3A_688] : memref<1024x16xf32, #tpu.memory_space<vmem>>[vector<16xi32>, vector<16xi32>], vector<16xf32>,
        %broadcast_in_dim3A_690 = arith.constant 12 : i32
        %broadcast_in_dim3A_691 = vector.broadcast %broadcast_in_dim3A_690 : i32 to vector<16xi32>
        %gather3A_692 = tpu.vector_load_idx %arg8[%add3A_654, %broadcast_in_dim3A_691] : memref<1024x16xf32, #tpu.memory_space<vmem>>[vector<16xi32>, vector<16xi32>], vector<16xf32>,
        %broadcast_in_dim3A_693 = arith.constant 13 : i32
        %broadcast_in_dim3A_694 = vector.broadcast %broadcast_in_dim3A_693 : i32 to vector<16xi32>
        %gather3A_695 = tpu.vector_load_idx %arg8[%add3A_654, %broadcast_in_dim3A_694] : memref<1024x16xf32, #tpu.memory_space<vmem>>[vector<16xi32>, vector<16xi32>], vector<16xf32>,
        %broadcast_in_dim3A_696 = arith.constant 14 : i32
        %broadcast_in_dim3A_697 = vector.broadcast %broadcast_in_dim3A_696 : i32 to vector<16xi32>
        %gather3A_698 = tpu.vector_load_idx %arg8[%add3A_654, %broadcast_in_dim3A_697] : memref<1024x16xf32, #tpu.memory_space<vmem>>[vector<16xi32>, vector<16xi32>], vector<16xf32>,
        %broadcast_in_dim3A_699 = arith.constant 15 : i32
        %broadcast_in_dim3A_700 = vector.broadcast %broadcast_in_dim3A_699 : i32 to vector<16xi32>
        %gather3A_701 = tpu.vector_load_idx %arg8[%add3A_654, %broadcast_in_dim3A_700] : memref<1024x16xf32, #tpu.memory_space<vmem>>[vector<16xi32>, vector<16xi32>], vector<16xf32>,
        %mul3A_702 = arith.constant 1024 : i32
        %mul3A_703 = arith.muli %scan3A_649, %mul3A_702 : i32
        %add3A_704 = arith.constant 0 : i32
        %add3A_705 = arith.addi %mul3A_703, %add3A_704 : i32
        %add3A_706 = arith.constant 0 : i32
        %add3A_707 = arith.addi %add3A_705, %add3A_706 : i32
        %swap3A = arith.constant 0 : i32
        %swap3A_708 = arith.index_cast %swap3A : i32 to index
        %swap3A_709 = arith.index_cast %add3A_707 : i32 to index
        %swap3A_710 = tpu.vector_load %arg10[%swap3A_708, %swap3A_709] {strides = array<i32>} : memref<2x8192xf32, #tpu.memory_space<vmem>>, vector<16xf32>,
        tpu.vector_store %arg10[%swap3A_708, %swap3A_709], %gather3A {strides = array<i32>} : memref<2x8192xf32, #tpu.memory_space<vmem>>, vector<16xf32>,
        %mul3A_711 = arith.constant 1024 : i32
        %mul3A_712 = arith.muli %scan3A_649, %mul3A_711 : i32
        %add3A_713 = arith.constant 128 : i32
        %add3A_714 = arith.addi %mul3A_712, %add3A_713 : i32
        %add3A_715 = arith.constant 0 : i32
        %add3A_716 = arith.addi %add3A_714, %add3A_715 : i32
        %swap3A_717 = arith.constant 0 : i32
        %swap3A_718 = arith.index_cast %swap3A_717 : i32 to index
        %swap3A_719 = arith.index_cast %add3A_716 : i32 to index
        %swap3A_720 = tpu.vector_load %arg10[%swap3A_718, %swap3A_719] {strides = array<i32>} : memref<2x8192xf32, #tpu.memory_space<vmem>>, vector<16xf32>,
        tpu.vector_store %arg10[%swap3A_718, %swap3A_719], %gather3A_659 {strides = array<i32>} : memref<2x8192xf32, #tpu.memory_space<vmem>>, vector<16xf32>,
        %mul3A_721 = arith.constant 1024 : i32
        %mul3A_722 = arith.muli %scan3A_649, %mul3A_721 : i32
        %add3A_723 = arith.constant 256 : i32
        %add3A_724 = arith.addi %mul3A_722, %add3A_723 : i32
        %add3A_725 = arith.constant 0 : i32
        %add3A_726 = arith.addi %add3A_724, %add3A_725 : i32
        %swap3A_727 = arith.constant 0 : i32
        %swap3A_728 = arith.index_cast %swap3A_727 : i32 to index
        %swap3A_729 = arith.index_cast %add3A_726 : i32 to index
        %swap3A_730 = tpu.vector_load %arg10[%swap3A_728, %swap3A_729] {strides = array<i32>} : memref<2x8192xf32, #tpu.memory_space<vmem>>, vector<16xf32>,
        tpu.vector_store %arg10[%swap3A_728, %swap3A_729], %gather3A_662 {strides = array<i32>} : memref<2x8192xf32, #tpu.memory_space<vmem>>, vector<16xf32>,
        %mul3A_731 = arith.constant 1024 : i32
        %mul3A_732 = arith.muli %scan3A_649, %mul3A_731 : i32
        %add3A_733 = arith.constant 384 : i32
        %add3A_734 = arith.addi %mul3A_732, %add3A_733 : i32
        %add3A_735 = arith.constant 0 : i32
        %add3A_736 = arith.addi %add3A_734, %add3A_735 : i32
        %swap3A_737 = arith.constant 0 : i32
        %swap3A_738 = arith.index_cast %swap3A_737 : i32 to index
        %swap3A_739 = arith.index_cast %add3A_736 : i32 to index
        %swap3A_740 = tpu.vector_load %arg10[%swap3A_738, %swap3A_739] {strides = array<i32>} : memref<2x8192xf32, #tpu.memory_space<vmem>>, vector<16xf32>,
        tpu.vector_store %arg10[%swap3A_738, %swap3A_739], %gather3A_665 {strides = array<i32>} : memref<2x8192xf32, #tpu.memory_space<vmem>>, vector<16xf32>,
        %mul3A_741 = arith.constant 1024 : i32
        %mul3A_742 = arith.muli %scan3A_649, %mul3A_741 : i32
        %add3A_743 = arith.constant 512 : i32
        %add3A_744 = arith.addi %mul3A_742, %add3A_743 : i32
        %add3A_745 = arith.constant 0 : i32
        %add3A_746 = arith.addi %add3A_744, %add3A_745 : i32
        %swap3A_747 = arith.constant 0 : i32
        %swap3A_748 = arith.index_cast %swap3A_747 : i32 to index
        %swap3A_749 = arith.index_cast %add3A_746 : i32 to index
        %swap3A_750 = tpu.vector_load %arg10[%swap3A_748, %swap3A_749] {strides = array<i32>} : memref<2x8192xf32, #tpu.memory_space<vmem>>, vector<16xf32>,
        tpu.vector_store %arg10[%swap3A_748, %swap3A_749], %gather3A_668 {strides = array<i32>} : memref<2x8192xf32, #tpu.memory_space<vmem>>, vector<16xf32>,
        %mul3A_751 = arith.constant 1024 : i32
        %mul3A_752 = arith.muli %scan3A_649, %mul3A_751 : i32
        %add3A_753 = arith.constant 640 : i32
        %add3A_754 = arith.addi %mul3A_752, %add3A_753 : i32
        %add3A_755 = arith.constant 0 : i32
        %add3A_756 = arith.addi %add3A_754, %add3A_755 : i32
        %swap3A_757 = arith.constant 0 : i32
        %swap3A_758 = arith.index_cast %swap3A_757 : i32 to index
        %swap3A_759 = arith.index_cast %add3A_756 : i32 to index
        %swap3A_760 = tpu.vector_load %arg10[%swap3A_758, %swap3A_759] {strides = array<i32>} : memref<2x8192xf32, #tpu.memory_space<vmem>>, vector<16xf32>,
        tpu.vector_store %arg10[%swap3A_758, %swap3A_759], %gather3A_671 {strides = array<i32>} : memref<2x8192xf32, #tpu.memory_space<vmem>>, vector<16xf32>,
        %mul3A_761 = arith.constant 1024 : i32
        %mul3A_762 = arith.muli %scan3A_649, %mul3A_761 : i32
        %add3A_763 = arith.constant 768 : i32
        %add3A_764 = arith.addi %mul3A_762, %add3A_763 : i32
        %add3A_765 = arith.constant 0 : i32
        %add3A_766 = arith.addi %add3A_764, %add3A_765 : i32
        %swap3A_767 = arith.constant 0 : i32
        %swap3A_768 = arith.index_cast %swap3A_767 : i32 to index
        %swap3A_769 = arith.index_cast %add3A_766 : i32 to index
        %swap3A_770 = tpu.vector_load %arg10[%swap3A_768, %swap3A_769] {strides = array<i32>} : memref<2x8192xf32, #tpu.memory_space<vmem>>, vector<16xf32>,
        tpu.vector_store %arg10[%swap3A_768, %swap3A_769], %gather3A_674 {strides = array<i32>} : memref<2x8192xf32, #tpu.memory_space<vmem>>, vector<16xf32>,
        %mul3A_771 = arith.constant 1024 : i32
        %mul3A_772 = arith.muli %scan3A_649, %mul3A_771 : i32
        %add3A_773 = arith.constant 896 : i32
        %add3A_774 = arith.addi %mul3A_772, %add3A_773 : i32
        %add3A_775 = arith.constant 0 : i32
        %add3A_776 = arith.addi %add3A_774, %add3A_775 : i32
        %swap3A_777 = arith.constant 0 : i32
        %swap3A_778 = arith.index_cast %swap3A_777 : i32 to index
        %swap3A_779 = arith.index_cast %add3A_776 : i32 to index
        %swap3A_780 = tpu.vector_load %arg10[%swap3A_778, %swap3A_779] {strides = array<i32>} : memref<2x8192xf32, #tpu.memory_space<vmem>>, vector<16xf32>,
        tpu.vector_store %arg10[%swap3A_778, %swap3A_779], %gather3A_677 {strides = array<i32>} : memref<2x8192xf32, #tpu.memory_space<vmem>>, vector<16xf32>,
        %mul3A_781 = arith.constant 1024 : i32
        %mul3A_782 = arith.muli %scan3A_649, %mul3A_781 : i32
        %add3A_783 = arith.constant 0 : i32
        %add3A_784 = arith.addi %mul3A_782, %add3A_783 : i32
        %add3A_785 = arith.constant 0 : i32
        %add3A_786 = arith.addi %add3A_784, %add3A_785 : i32
        %swap3A_787 = arith.constant 1 : i32
        %swap3A_788 = arith.index_cast %swap3A_787 : i32 to index
        %swap3A_789 = arith.index_cast %add3A_786 : i32 to index
        %swap3A_790 = tpu.vector_load %arg10[%swap3A_788, %swap3A_789] {strides = array<i32>} : memref<2x8192xf32, #tpu.memory_space<vmem>>, vector<16xf32>,
        tpu.vector_store %arg10[%swap3A_788, %swap3A_789], %gather3A_680 {strides = array<i32>} : memref<2x8192xf32, #tpu.memory_space<vmem>>, vector<16xf32>,
        %mul3A_791 = arith.constant 1024 : i32
        %mul3A_792 = arith.muli %scan3A_649, %mul3A_791 : i32
        %add3A_793 = arith.constant 128 : i32
        %add3A_794 = arith.addi %mul3A_792, %add3A_793 : i32
        %add3A_795 = arith.constant 0 : i32
        %add3A_796 = arith.addi %add3A_794, %add3A_795 : i32
        %swap3A_797 = arith.constant 1 : i32
        %swap3A_798 = arith.index_cast %swap3A_797 : i32 to index
        %swap3A_799 = arith.index_cast %add3A_796 : i32 to index
        %swap3A_800 = tpu.vector_load %arg10[%swap3A_798, %swap3A_799] {strides = array<i32>} : memref<2x8192xf32, #tpu.memory_space<vmem>>, vector<16xf32>,
        tpu.vector_store %arg10[%swap3A_798, %swap3A_799], %gather3A_683 {strides = array<i32>} : memref<2x8192xf32, #tpu.memory_space<vmem>>, vector<16xf32>,
        %mul3A_801 = arith.constant 1024 : i32
        %mul3A_802 = arith.muli %scan3A_649, %mul3A_801 : i32
        %add3A_803 = arith.constant 256 : i32
        %add3A_804 = arith.addi %mul3A_802, %add3A_803 : i32
        %add3A_805 = arith.constant 0 : i32
        %add3A_806 = arith.addi %add3A_804, %add3A_805 : i32
        %swap3A_807 = arith.constant 1 : i32
        %swap3A_808 = arith.index_cast %swap3A_807 : i32 to index
        %swap3A_809 = arith.index_cast %add3A_806 : i32 to index
        %swap3A_810 = tpu.vector_load %arg10[%swap3A_808, %swap3A_809] {strides = array<i32>} : memref<2x8192xf32, #tpu.memory_space<vmem>>, vector<16xf32>,
        tpu.vector_store %arg10[%swap3A_808, %swap3A_809], %gather3A_686 {strides = array<i32>} : memref<2x8192xf32, #tpu.memory_space<vmem>>, vector<16xf32>,
        %mul3A_811 = arith.constant 1024 : i32
        %mul3A_812 = arith.muli %scan3A_649, %mul3A_811 : i32
        %add3A_813 = arith.constant 384 : i32
        %add3A_814 = arith.addi %mul3A_812, %add3A_813 : i32
        %add3A_815 = arith.constant 0 : i32
        %add3A_816 = arith.addi %add3A_814, %add3A_815 : i32
        %swap3A_817 = arith.constant 1 : i32
        %swap3A_818 = arith.index_cast %swap3A_817 : i32 to index
        %swap3A_819 = arith.index_cast %add3A_816 : i32 to index
        %swap3A_820 = tpu.vector_load %arg10[%swap3A_818, %swap3A_819] {strides = array<i32>} : memref<2x8192xf32, #tpu.memory_space<vmem>>, vector<16xf32>,
        tpu.vector_store %arg10[%swap3A_818, %swap3A_819], %gather3A_689 {strides = array<i32>} : memref<2x8192xf32, #tpu.memory_space<vmem>>, vector<16xf32>,
        %mul3A_821 = arith.constant 1024 : i32
        %mul3A_822 = arith.muli %scan3A_649, %mul3A_821 : i32
        %add3A_823 = arith.constant 512 : i32
        %add3A_824 = arith.addi %mul3A_822, %add3A_823 : i32
        %add3A_825 = arith.constant 0 : i32
        %add3A_826 = arith.addi %add3A_824, %add3A_825 : i32
        %swap3A_827 = arith.constant 1 : i32
        %swap3A_828 = arith.index_cast %swap3A_827 : i32 to index
        %swap3A_829 = arith.index_cast %add3A_826 : i32 to index
        %swap3A_830 = tpu.vector_load %arg10[%swap3A_828, %swap3A_829] {strides = array<i32>} : memref<2x8192xf32, #tpu.memory_space<vmem>>, vector<16xf32>,
        tpu.vector_store %arg10[%swap3A_828, %swap3A_829], %gather3A_692 {strides = array<i32>} : memref<2x8192xf32, #tpu.memory_space<vmem>>, vector<16xf32>,
        %mul3A_831 = arith.constant 1024 : i32
        %mul3A_832 = arith.muli %scan3A_649, %mul3A_831 : i32
        %add3A_833 = arith.constant 640 : i32
        %add3A_834 = arith.addi %mul3A_832, %add3A_833 : i32
        %add3A_835 = arith.constant 0 : i32
        %add3A_836 = arith.addi %add3A_834, %add3A_835 : i32
        %swap3A_837 = arith.constant 1 : i32
        %swap3A_838 = arith.index_cast %swap3A_837 : i32 to index
        %swap3A_839 = arith.index_cast %add3A_836 : i32 to index
        %swap3A_840 = tpu.vector_load %arg10[%swap3A_838, %swap3A_839] {strides = array<i32>} : memref<2x8192xf32, #tpu.memory_space<vmem>>, vector<16xf32>,
        tpu.vector_store %arg10[%swap3A_838, %swap3A_839], %gather3A_695 {strides = array<i32>} : memref<2x8192xf32, #tpu.memory_space<vmem>>, vector<16xf32>,
        %mul3A_841 = arith.constant 1024 : i32
        %mul3A_842 = arith.muli %scan3A_649, %mul3A_841 : i32
        %add3A_843 = arith.constant 768 : i32
        %add3A_844 = arith.addi %mul3A_842, %add3A_843 : i32
        %add3A_845 = arith.constant 0 : i32
        %add3A_846 = arith.addi %add3A_844, %add3A_845 : i32
        %swap3A_847 = arith.constant 1 : i32
        %swap3A_848 = arith.index_cast %swap3A_847 : i32 to index
        %swap3A_849 = arith.index_cast %add3A_846 : i32 to index
        %swap3A_850 = tpu.vector_load %arg10[%swap3A_848, %swap3A_849] {strides = array<i32>} : memref<2x8192xf32, #tpu.memory_space<vmem>>, vector<16xf32>,
        tpu.vector_store %arg10[%swap3A_848, %swap3A_849], %gather3A_698 {strides = array<i32>} : memref<2x8192xf32, #tpu.memory_space<vmem>>, vector<16xf32>,
        %mul3A_851 = arith.constant 1024 : i32
        %mul3A_852 = arith.muli %scan3A_649, %mul3A_851 : i32
        %add3A_853 = arith.constant 896 : i32
        %add3A_854 = arith.addi %mul3A_852, %add3A_853 : i32
        %add3A_855 = arith.constant 0 : i32
        %add3A_856 = arith.addi %add3A_854, %add3A_855 : i32
        %swap3A_857 = arith.constant 1 : i32
        %swap3A_858 = arith.index_cast %swap3A_857 : i32 to index
        %swap3A_859 = arith.index_cast %add3A_856 : i32 to index
        %swap3A_860 = tpu.vector_load %arg10[%swap3A_858, %swap3A_859] {strides = array<i32>} : memref<2x8192xf32, #tpu.memory_space<vmem>>, vector<16xf32>,
        tpu.vector_store %arg10[%swap3A_858, %swap3A_859], %gather3A_701 {strides = array<i32>} : memref<2x8192xf32, #tpu.memory_space<vmem>>, vector<16xf32>,
        %mul3A_861 = arith.constant 128 : i32
        %mul3A_862 = arith.muli %scan3A_649, %mul3A_861 : i32
        %add3A_863 = arith.constant 16 : i32
        %add3A_864 = arith.addi %mul3A_862, %add3A_863 : i32
        %broadcast_in_dim3A_865 = vector.broadcast %add3A_864 : i32 to vector<16xi32>
        %add3A_866 = arith.addi %broadcast_in_dim3A_865, %iota3A : vector<16xi32>
        %broadcast_in_dim3A_867 = arith.constant 0 : i32
        %broadcast_in_dim3A_868 = vector.broadcast %broadcast_in_dim3A_867 : i32 to vector<16xi32>
        %gather3A_869 = tpu.vector_load_idx %arg8[%add3A_866, %broadcast_in_dim3A_868] : memref<1024x16xf32, #tpu.memory_space<vmem>>[vector<16xi32>, vector<16xi32>], vector<16xf32>,
        %broadcast_in_dim3A_870 = arith.constant 1 : i32
        %broadcast_in_dim3A_871 = vector.broadcast %broadcast_in_dim3A_870 : i32 to vector<16xi32>
        %gather3A_872 = tpu.vector_load_idx %arg8[%add3A_866, %broadcast_in_dim3A_871] : memref<1024x16xf32, #tpu.memory_space<vmem>>[vector<16xi32>, vector<16xi32>], vector<16xf32>,
        %broadcast_in_dim3A_873 = arith.constant 2 : i32
        %broadcast_in_dim3A_874 = vector.broadcast %broadcast_in_dim3A_873 : i32 to vector<16xi32>
        %gather3A_875 = tpu.vector_load_idx %arg8[%add3A_866, %broadcast_in_dim3A_874] : memref<1024x16xf32, #tpu.memory_space<vmem>>[vector<16xi32>, vector<16xi32>], vector<16xf32>,
        %broadcast_in_dim3A_876 = arith.constant 3 : i32
        %broadcast_in_dim3A_877 = vector.broadcast %broadcast_in_dim3A_876 : i32 to vector<16xi32>
        %gather3A_878 = tpu.vector_load_idx %arg8[%add3A_866, %broadcast_in_dim3A_877] : memref<1024x16xf32, #tpu.memory_space<vmem>>[vector<16xi32>, vector<16xi32>], vector<16xf32>,
        %broadcast_in_dim3A_879 = arith.constant 4 : i32
        %broadcast_in_dim3A_880 = vector.broadcast %broadcast_in_dim3A_879 : i32 to vector<16xi32>
        %gather3A_881 = tpu.vector_load_idx %arg8[%add3A_866, %broadcast_in_dim3A_880] : memref<1024x16xf32, #tpu.memory_space<vmem>>[vector<16xi32>, vector<16xi32>], vector<16xf32>,
        %broadcast_in_dim3A_882 = arith.constant 5 : i32
        %broadcast_in_dim3A_883 = vector.broadcast %broadcast_in_dim3A_882 : i32 to vector<16xi32>
        %gather3A_884 = tpu.vector_load_idx %arg8[%add3A_866, %broadcast_in_dim3A_883] : memref<1024x16xf32, #tpu.memory_space<vmem>>[vector<16xi32>, vector<16xi32>], vector<16xf32>,
        %broadcast_in_dim3A_885 = arith.constant 6 : i32
        %broadcast_in_dim3A_886 = vector.broadcast %broadcast_in_dim3A_885 : i32 to vector<16xi32>
        %gather3A_887 = tpu.vector_load_idx %arg8[%add3A_866, %broadcast_in_dim3A_886] : memref<1024x16xf32, #tpu.memory_space<vmem>>[vector<16xi32>, vector<16xi32>], vector<16xf32>,
        %broadcast_in_dim3A_888 = arith.constant 7 : i32
        %broadcast_in_dim3A_889 = vector.broadcast %broadcast_in_dim3A_888 : i32 to vector<16xi32>
        %gather3A_890 = tpu.vector_load_idx %arg8[%add3A_866, %broadcast_in_dim3A_889] : memref<1024x16xf32, #tpu.memory_space<vmem>>[vector<16xi32>, vector<16xi32>], vector<16xf32>,
        %broadcast_in_dim3A_891 = arith.constant 8 : i32
        %broadcast_in_dim3A_892 = vector.broadcast %broadcast_in_dim3A_891 : i32 to vector<16xi32>
        %gather3A_893 = tpu.vector_load_idx %arg8[%add3A_866, %broadcast_in_dim3A_892] : memref<1024x16xf32, #tpu.memory_space<vmem>>[vector<16xi32>, vector<16xi32>], vector<16xf32>,
        %broadcast_in_dim3A_894 = arith.constant 9 : i32
        %broadcast_in_dim3A_895 = vector.broadcast %broadcast_in_dim3A_894 : i32 to vector<16xi32>
        %gather3A_896 = tpu.vector_load_idx %arg8[%add3A_866, %broadcast_in_dim3A_895] : memref<1024x16xf32, #tpu.memory_space<vmem>>[vector<16xi32>, vector<16xi32>], vector<16xf32>,
        %broadcast_in_dim3A_897 = arith.constant 10 : i32
        %broadcast_in_dim3A_898 = vector.broadcast %broadcast_in_dim3A_897 : i32 to vector<16xi32>
        %gather3A_899 = tpu.vector_load_idx %arg8[%add3A_866, %broadcast_in_dim3A_898] : memref<1024x16xf32, #tpu.memory_space<vmem>>[vector<16xi32>, vector<16xi32>], vector<16xf32>,
        %broadcast_in_dim3A_900 = arith.constant 11 : i32
        %broadcast_in_dim3A_901 = vector.broadcast %broadcast_in_dim3A_900 : i32 to vector<16xi32>
        %gather3A_902 = tpu.vector_load_idx %arg8[%add3A_866, %broadcast_in_dim3A_901] : memref<1024x16xf32, #tpu.memory_space<vmem>>[vector<16xi32>, vector<16xi32>], vector<16xf32>,
        %broadcast_in_dim3A_903 = arith.constant 12 : i32
        %broadcast_in_dim3A_904 = vector.broadcast %broadcast_in_dim3A_903 : i32 to vector<16xi32>
        %gather3A_905 = tpu.vector_load_idx %arg8[%add3A_866, %broadcast_in_dim3A_904] : memref<1024x16xf32, #tpu.memory_space<vmem>>[vector<16xi32>, vector<16xi32>], vector<16xf32>,
        %broadcast_in_dim3A_906 = arith.constant 13 : i32
        %broadcast_in_dim3A_907 = vector.broadcast %broadcast_in_dim3A_906 : i32 to vector<16xi32>
        %gather3A_908 = tpu.vector_load_idx %arg8[%add3A_866, %broadcast_in_dim3A_907] : memref<1024x16xf32, #tpu.memory_space<vmem>>[vector<16xi32>, vector<16xi32>], vector<16xf32>,
        %broadcast_in_dim3A_909 = arith.constant 14 : i32
        %broadcast_in_dim3A_910 = vector.broadcast %broadcast_in_dim3A_909 : i32 to vector<16xi32>
        %gather3A_911 = tpu.vector_load_idx %arg8[%add3A_866, %broadcast_in_dim3A_910] : memref<1024x16xf32, #tpu.memory_space<vmem>>[vector<16xi32>, vector<16xi32>], vector<16xf32>,
        %broadcast_in_dim3A_912 = arith.constant 15 : i32
        %broadcast_in_dim3A_913 = vector.broadcast %broadcast_in_dim3A_912 : i32 to vector<16xi32>
        %gather3A_914 = tpu.vector_load_idx %arg8[%add3A_866, %broadcast_in_dim3A_913] : memref<1024x16xf32, #tpu.memory_space<vmem>>[vector<16xi32>, vector<16xi32>], vector<16xf32>,
        %mul3A_915 = arith.constant 1024 : i32
        %mul3A_916 = arith.muli %scan3A_649, %mul3A_915 : i32
        %add3A_917 = arith.constant 0 : i32
        %add3A_918 = arith.addi %mul3A_916, %add3A_917 : i32
        %add3A_919 = arith.constant 16 : i32
        %add3A_920 = arith.addi %add3A_918, %add3A_919 : i32
        %swap3A_921 = arith.constant 0 : i32
        %swap3A_922 = arith.index_cast %swap3A_921 : i32 to index
        %swap3A_923 = arith.index_cast %add3A_920 : i32 to index
        %swap3A_924 = tpu.vector_load %arg10[%swap3A_922, %swap3A_923] {strides = array<i32>} : memref<2x8192xf32, #tpu.memory_space<vmem>>, vector<16xf32>,
        tpu.vector_store %arg10[%swap3A_922, %swap3A_923], %gather3A_869 {strides = array<i32>} : memref<2x8192xf32, #tpu.memory_space<vmem>>, vector<16xf32>,
        %mul3A_925 = arith.constant 1024 : i32
        %mul3A_926 = arith.muli %scan3A_649, %mul3A_925 : i32
        %add3A_927 = arith.constant 128 : i32
        %add3A_928 = arith.addi %mul3A_926, %add3A_927 : i32
        %add3A_929 = arith.constant 16 : i32
        %add3A_930 = arith.addi %add3A_928, %add3A_929 : i32
        %swap3A_931 = arith.constant 0 : i32
        %swap3A_932 = arith.index_cast %swap3A_931 : i32 to index
        %swap3A_933 = arith.index_cast %add3A_930 : i32 to index
        %swap3A_934 = tpu.vector_load %arg10[%swap3A_932, %swap3A_933] {strides = array<i32>} : memref<2x8192xf32, #tpu.memory_space<vmem>>, vector<16xf32>,
        tpu.vector_store %arg10[%swap3A_932, %swap3A_933], %gather3A_872 {strides = array<i32>} : memref<2x8192xf32, #tpu.memory_space<vmem>>, vector<16xf32>,
        %mul3A_935 = arith.constant 1024 : i32
        %mul3A_936 = arith.muli %scan3A_649, %mul3A_935 : i32
        %add3A_937 = arith.constant 256 : i32
        %add3A_938 = arith.addi %mul3A_936, %add3A_937 : i32
        %add3A_939 = arith.constant 16 : i32
        %add3A_940 = arith.addi %add3A_938, %add3A_939 : i32
        %swap3A_941 = arith.constant 0 : i32
        %swap3A_942 = arith.index_cast %swap3A_941 : i32 to index
        %swap3A_943 = arith.index_cast %add3A_940 : i32 to index
        %swap3A_944 = tpu.vector_load %arg10[%swap3A_942, %swap3A_943] {strides = array<i32>} : memref<2x8192xf32, #tpu.memory_space<vmem>>, vector<16xf32>,
        tpu.vector_store %arg10[%swap3A_942, %swap3A_943], %gather3A_875 {strides = array<i32>} : memref<2x8192xf32, #tpu.memory_space<vmem>>, vector<16xf32>,
        %mul3A_945 = arith.constant 1024 : i32
        %mul3A_946 = arith.muli %scan3A_649, %mul3A_945 : i32
        %add3A_947 = arith.constant 384 : i32
        %add3A_948 = arith.addi %mul3A_946, %add3A_947 : i32
        %add3A_949 = arith.constant 16 : i32
        %add3A_950 = arith.addi %add3A_948, %add3A_949 : i32
        %swap3A_951 = arith.constant 0 : i32
        %swap3A_952 = arith.index_cast %swap3A_951 : i32 to index
        %swap3A_953 = arith.index_cast %add3A_950 : i32 to index
        %swap3A_954 = tpu.vector_load %arg10[%swap3A_952, %swap3A_953] {strides = array<i32>} : memref<2x8192xf32, #tpu.memory_space<vmem>>, vector<16xf32>,
        tpu.vector_store %arg10[%swap3A_952, %swap3A_953], %gather3A_878 {strides = array<i32>} : memref<2x8192xf32, #tpu.memory_space<vmem>>, vector<16xf32>,
        %mul3A_955 = arith.constant 1024 : i32
        %mul3A_956 = arith.muli %scan3A_649, %mul3A_955 : i32
        %add3A_957 = arith.constant 512 : i32
        %add3A_958 = arith.addi %mul3A_956, %add3A_957 : i32
        %add3A_959 = arith.constant 16 : i32
        %add3A_960 = arith.addi %add3A_958, %add3A_959 : i32
        %swap3A_961 = arith.constant 0 : i32
        %swap3A_962 = arith.index_cast %swap3A_961 : i32 to index
        %swap3A_963 = arith.index_cast %add3A_960 : i32 to index
        %swap3A_964 = tpu.vector_load %arg10[%swap3A_962, %swap3A_963] {strides = array<i32>} : memref<2x8192xf32, #tpu.memory_space<vmem>>, vector<16xf32>,
        tpu.vector_store %arg10[%swap3A_962, %swap3A_963], %gather3A_881 {strides = array<i32>} : memref<2x8192xf32, #tpu.memory_space<vmem>>, vector<16xf32>,
        %mul3A_965 = arith.constant 1024 : i32
        %mul3A_966 = arith.muli %scan3A_649, %mul3A_965 : i32
        %add3A_967 = arith.constant 640 : i32
        %add3A_968 = arith.addi %mul3A_966, %add3A_967 : i32
        %add3A_969 = arith.constant 16 : i32
        %add3A_970 = arith.addi %add3A_968, %add3A_969 : i32
        %swap3A_971 = arith.constant 0 : i32
        %swap3A_972 = arith.index_cast %swap3A_971 : i32 to index
        %swap3A_973 = arith.index_cast %add3A_970 : i32 to index
        %swap3A_974 = tpu.vector_load %arg10[%swap3A_972, %swap3A_973] {strides = array<i32>} : memref<2x8192xf32, #tpu.memory_space<vmem>>, vector<16xf32>,
        tpu.vector_store %arg10[%swap3A_972, %swap3A_973], %gather3A_884 {strides = array<i32>} : memref<2x8192xf32, #tpu.memory_space<vmem>>, vector<16xf32>,
        %mul3A_975 = arith.constant 1024 : i32
        %mul3A_976 = arith.muli %scan3A_649, %mul3A_975 : i32
        %add3A_977 = arith.constant 768 : i32
        %add3A_978 = arith.addi %mul3A_976, %add3A_977 : i32
        %add3A_979 = arith.constant 16 : i32
        %add3A_980 = arith.addi %add3A_978, %add3A_979 : i32
        %swap3A_981 = arith.constant 0 : i32
        %swap3A_982 = arith.index_cast %swap3A_981 : i32 to index
        %swap3A_983 = arith.index_cast %add3A_980 : i32 to index
        %swap3A_984 = tpu.vector_load %arg10[%swap3A_982, %swap3A_983] {strides = array<i32>} : memref<2x8192xf32, #tpu.memory_space<vmem>>, vector<16xf32>,
        tpu.vector_store %arg10[%swap3A_982, %swap3A_983], %gather3A_887 {strides = array<i32>} : memref<2x8192xf32, #tpu.memory_space<vmem>>, vector<16xf32>,
        %mul3A_985 = arith.constant 1024 : i32
        %mul3A_986 = arith.muli %scan3A_649, %mul3A_985 : i32
        %add3A_987 = arith.constant 896 : i32
        %add3A_988 = arith.addi %mul3A_986, %add3A_987 : i32
        %add3A_989 = arith.constant 16 : i32
        %add3A_990 = arith.addi %add3A_988, %add3A_989 : i32
        %swap3A_991 = arith.constant 0 : i32
        %swap3A_992 = arith.index_cast %swap3A_991 : i32 to index
        %swap3A_993 = arith.index_cast %add3A_990 : i32 to index
        %swap3A_994 = tpu.vector_load %arg10[%swap3A_992, %swap3A_993] {strides = array<i32>} : memref<2x8192xf32, #tpu.memory_space<vmem>>, vector<16xf32>,
        tpu.vector_store %arg10[%swap3A_992, %swap3A_993], %gather3A_890 {strides = array<i32>} : memref<2x8192xf32, #tpu.memory_space<vmem>>, vector<16xf32>,
        %mul3A_995 = arith.constant 1024 : i32
        %mul3A_996 = arith.muli %scan3A_649, %mul3A_995 : i32
        %add3A_997 = arith.constant 0 : i32
        %add3A_998 = arith.addi %mul3A_996, %add3A_997 : i32
        %add3A_999 = arith.constant 16 : i32
        %add3A_1000 = arith.addi %add3A_998, %add3A_999 : i32
        %swap3A_1001 = arith.constant 1 : i32
        %swap3A_1002 = arith.index_cast %swap3A_1001 : i32 to index
        %swap3A_1003 = arith.index_cast %add3A_1000 : i32 to index
        %swap3A_1004 = tpu.vector_load %arg10[%swap3A_1002, %swap3A_1003] {strides = array<i32>} : memref<2x8192xf32, #tpu.memory_space<vmem>>, vector<16xf32>,
        tpu.vector_store %arg10[%swap3A_1002, %swap3A_1003], %gather3A_893 {strides = array<i32>} : memref<2x8192xf32, #tpu.memory_space<vmem>>, vector<16xf32>,
        %mul3A_1005 = arith.constant 1024 : i32
        %mul3A_1006 = arith.muli %scan3A_649, %mul3A_1005 : i32
        %add3A_1007 = arith.constant 128 : i32
        %add3A_1008 = arith.addi %mul3A_1006, %add3A_1007 : i32
        %add3A_1009 = arith.constant 16 : i32
        %add3A_1010 = arith.addi %add3A_1008, %add3A_1009 : i32
        %swap3A_1011 = arith.constant 1 : i32
        %swap3A_1012 = arith.index_cast %swap3A_1011 : i32 to index
        %swap3A_1013 = arith.index_cast %add3A_1010 : i32 to index
        %swap3A_1014 = tpu.vector_load %arg10[%swap3A_1012, %swap3A_1013] {strides = array<i32>} : memref<2x8192xf32, #tpu.memory_space<vmem>>, vector<16xf32>,
        tpu.vector_store %arg10[%swap3A_1012, %swap3A_1013], %gather3A_896 {strides = array<i32>} : memref<2x8192xf32, #tpu.memory_space<vmem>>, vector<16xf32>,
        %mul3A_1015 = arith.constant 1024 : i32
        %mul3A_1016 = arith.muli %scan3A_649, %mul3A_1015 : i32
        %add3A_1017 = arith.constant 256 : i32
        %add3A_1018 = arith.addi %mul3A_1016, %add3A_1017 : i32
        %add3A_1019 = arith.constant 16 : i32
        %add3A_1020 = arith.addi %add3A_1018, %add3A_1019 : i32
        %swap3A_1021 = arith.constant 1 : i32
        %swap3A_1022 = arith.index_cast %swap3A_1021 : i32 to index
        %swap3A_1023 = arith.index_cast %add3A_1020 : i32 to index
        %swap3A_1024 = tpu.vector_load %arg10[%swap3A_1022, %swap3A_1023] {strides = array<i32>} : memref<2x8192xf32, #tpu.memory_space<vmem>>, vector<16xf32>,
        tpu.vector_store %arg10[%swap3A_1022, %swap3A_1023], %gather3A_899 {strides = array<i32>} : memref<2x8192xf32, #tpu.memory_space<vmem>>, vector<16xf32>,
        %mul3A_1025 = arith.constant 1024 : i32
        %mul3A_1026 = arith.muli %scan3A_649, %mul3A_1025 : i32
        %add3A_1027 = arith.constant 384 : i32
        %add3A_1028 = arith.addi %mul3A_1026, %add3A_1027 : i32
        %add3A_1029 = arith.constant 16 : i32
        %add3A_1030 = arith.addi %add3A_1028, %add3A_1029 : i32
        %swap3A_1031 = arith.constant 1 : i32
        %swap3A_1032 = arith.index_cast %swap3A_1031 : i32 to index
        %swap3A_1033 = arith.index_cast %add3A_1030 : i32 to index
        %swap3A_1034 = tpu.vector_load %arg10[%swap3A_1032, %swap3A_1033] {strides = array<i32>} : memref<2x8192xf32, #tpu.memory_space<vmem>>, vector<16xf32>,
        tpu.vector_store %arg10[%swap3A_1032, %swap3A_1033], %gather3A_902 {strides = array<i32>} : memref<2x8192xf32, #tpu.memory_space<vmem>>, vector<16xf32>,
        %mul3A_1035 = arith.constant 1024 : i32
        %mul3A_1036 = arith.muli %scan3A_649, %mul3A_1035 : i32
        %add3A_1037 = arith.constant 512 : i32
        %add3A_1038 = arith.addi %mul3A_1036, %add3A_1037 : i32
        %add3A_1039 = arith.constant 16 : i32
        %add3A_1040 = arith.addi %add3A_1038, %add3A_1039 : i32
        %swap3A_1041 = arith.constant 1 : i32
        %swap3A_1042 = arith.index_cast %swap3A_1041 : i32 to index
        %swap3A_1043 = arith.index_cast %add3A_1040 : i32 to index
        %swap3A_1044 = tpu.vector_load %arg10[%swap3A_1042, %swap3A_1043] {strides = array<i32>} : memref<2x8192xf32, #tpu.memory_space<vmem>>, vector<16xf32>,
        tpu.vector_store %arg10[%swap3A_1042, %swap3A_1043], %gather3A_905 {strides = array<i32>} : memref<2x8192xf32, #tpu.memory_space<vmem>>, vector<16xf32>,
        %mul3A_1045 = arith.constant 1024 : i32
        %mul3A_1046 = arith.muli %scan3A_649, %mul3A_1045 : i32
        %add3A_1047 = arith.constant 640 : i32
        %add3A_1048 = arith.addi %mul3A_1046, %add3A_1047 : i32
        %add3A_1049 = arith.constant 16 : i32
        %add3A_1050 = arith.addi %add3A_1048, %add3A_1049 : i32
        %swap3A_1051 = arith.constant 1 : i32
        %swap3A_1052 = arith.index_cast %swap3A_1051 : i32 to index
        %swap3A_1053 = arith.index_cast %add3A_1050 : i32 to index
        %swap3A_1054 = tpu.vector_load %arg10[%swap3A_1052, %swap3A_1053] {strides = array<i32>} : memref<2x8192xf32, #tpu.memory_space<vmem>>, vector<16xf32>,
        tpu.vector_store %arg10[%swap3A_1052, %swap3A_1053], %gather3A_908 {strides = array<i32>} : memref<2x8192xf32, #tpu.memory_space<vmem>>, vector<16xf32>,
        %mul3A_1055 = arith.constant 1024 : i32
        %mul3A_1056 = arith.muli %scan3A_649, %mul3A_1055 : i32
        %add3A_1057 = arith.constant 768 : i32
        %add3A_1058 = arith.addi %mul3A_1056, %add3A_1057 : i32
        %add3A_1059 = arith.constant 16 : i32
        %add3A_1060 = arith.addi %add3A_1058, %add3A_1059 : i32
        %swap3A_1061 = arith.constant 1 : i32
        %swap3A_1062 = arith.index_cast %swap3A_1061 : i32 to index
        %swap3A_1063 = arith.index_cast %add3A_1060 : i32 to index
        %swap3A_1064 = tpu.vector_load %arg10[%swap3A_1062, %swap3A_1063] {strides = array<i32>} : memref<2x8192xf32, #tpu.memory_space<vmem>>, vector<16xf32>,
        tpu.vector_store %arg10[%swap3A_1062, %swap3A_1063], %gather3A_911 {strides = array<i32>} : memref<2x8192xf32, #tpu.memory_space<vmem>>, vector<16xf32>,
        %mul3A_1065 = arith.constant 1024 : i32
        %mul3A_1066 = arith.muli %scan3A_649, %mul3A_1065 : i32
        %add3A_1067 = arith.constant 896 : i32
        %add3A_1068 = arith.addi %mul3A_1066, %add3A_1067 : i32
        %add3A_1069 = arith.constant 16 : i32
        %add3A_1070 = arith.addi %add3A_1068, %add3A_1069 : i32
        %swap3A_1071 = arith.constant 1 : i32
        %swap3A_1072 = arith.index_cast %swap3A_1071 : i32 to index
        %swap3A_1073 = arith.index_cast %add3A_1070 : i32 to index
        %swap3A_1074 = tpu.vector_load %arg10[%swap3A_1072, %swap3A_1073] {strides = array<i32>} : memref<2x8192xf32, #tpu.memory_space<vmem>>, vector<16xf32>,
        tpu.vector_store %arg10[%swap3A_1072, %swap3A_1073], %gather3A_914 {strides = array<i32>} : memref<2x8192xf32, #tpu.memory_space<vmem>>, vector<16xf32>,
        %mul3A_1075 = arith.constant 128 : i32
        %mul3A_1076 = arith.muli %scan3A_649, %mul3A_1075 : i32
        %add3A_1077 = arith.constant 32 : i32
        %add3A_1078 = arith.addi %mul3A_1076, %add3A_1077 : i32
        %broadcast_in_dim3A_1079 = vector.broadcast %add3A_1078 : i32 to vector<16xi32>
        %add3A_1080 = arith.addi %broadcast_in_dim3A_1079, %iota3A : vector<16xi32>
        %broadcast_in_dim3A_1081 = arith.constant 0 : i32
        %broadcast_in_dim3A_1082 = vector.broadcast %broadcast_in_dim3A_1081 : i32 to vector<16xi32>
        %gather3A_1083 = tpu.vector_load_idx %arg8[%add3A_1080, %broadcast_in_dim3A_1082] : memref<1024x16xf32, #tpu.memory_space<vmem>>[vector<16xi32>, vector<16xi32>], vector<16xf32>,
        %broadcast_in_dim3A_1084 = arith.constant 1 : i32
        %broadcast_in_dim3A_1085 = vector.broadcast %broadcast_in_dim3A_1084 : i32 to vector<16xi32>
        %gather3A_1086 = tpu.vector_load_idx %arg8[%add3A_1080, %broadcast_in_dim3A_1085] : memref<1024x16xf32, #tpu.memory_space<vmem>>[vector<16xi32>, vector<16xi32>], vector<16xf32>,
        %broadcast_in_dim3A_1087 = arith.constant 2 : i32
        %broadcast_in_dim3A_1088 = vector.broadcast %broadcast_in_dim3A_1087 : i32 to vector<16xi32>
        %gather3A_1089 = tpu.vector_load_idx %arg8[%add3A_1080, %broadcast_in_dim3A_1088] : memref<1024x16xf32, #tpu.memory_space<vmem>>[vector<16xi32>, vector<16xi32>], vector<16xf32>,
        %broadcast_in_dim3A_1090 = arith.constant 3 : i32
        %broadcast_in_dim3A_1091 = vector.broadcast %broadcast_in_dim3A_1090 : i32 to vector<16xi32>
        %gather3A_1092 = tpu.vector_load_idx %arg8[%add3A_1080, %broadcast_in_dim3A_1091] : memref<1024x16xf32, #tpu.memory_space<vmem>>[vector<16xi32>, vector<16xi32>], vector<16xf32>,
        %broadcast_in_dim3A_1093 = arith.constant 4 : i32
        %broadcast_in_dim3A_1094 = vector.broadcast %broadcast_in_dim3A_1093 : i32 to vector<16xi32>
        %gather3A_1095 = tpu.vector_load_idx %arg8[%add3A_1080, %broadcast_in_dim3A_1094] : memref<1024x16xf32, #tpu.memory_space<vmem>>[vector<16xi32>, vector<16xi32>], vector<16xf32>,
        %broadcast_in_dim3A_1096 = arith.constant 5 : i32
        %broadcast_in_dim3A_1097 = vector.broadcast %broadcast_in_dim3A_1096 : i32 to vector<16xi32>
        %gather3A_1098 = tpu.vector_load_idx %arg8[%add3A_1080, %broadcast_in_dim3A_1097] : memref<1024x16xf32, #tpu.memory_space<vmem>>[vector<16xi32>, vector<16xi32>], vector<16xf32>,
        %broadcast_in_dim3A_1099 = arith.constant 6 : i32
        %broadcast_in_dim3A_1100 = vector.broadcast %broadcast_in_dim3A_1099 : i32 to vector<16xi32>
        %gather3A_1101 = tpu.vector_load_idx %arg8[%add3A_1080, %broadcast_in_dim3A_1100] : memref<1024x16xf32, #tpu.memory_space<vmem>>[vector<16xi32>, vector<16xi32>], vector<16xf32>,
        %broadcast_in_dim3A_1102 = arith.constant 7 : i32
        %broadcast_in_dim3A_1103 = vector.broadcast %broadcast_in_dim3A_1102 : i32 to vector<16xi32>
        %gather3A_1104 = tpu.vector_load_idx %arg8[%add3A_1080, %broadcast_in_dim3A_1103] : memref<1024x16xf32, #tpu.memory_space<vmem>>[vector<16xi32>, vector<16xi32>], vector<16xf32>,
        %broadcast_in_dim3A_1105 = arith.constant 8 : i32
        %broadcast_in_dim3A_1106 = vector.broadcast %broadcast_in_dim3A_1105 : i32 to vector<16xi32>
        %gather3A_1107 = tpu.vector_load_idx %arg8[%add3A_1080, %broadcast_in_dim3A_1106] : memref<1024x16xf32, #tpu.memory_space<vmem>>[vector<16xi32>, vector<16xi32>], vector<16xf32>,
        %broadcast_in_dim3A_1108 = arith.constant 9 : i32
        %broadcast_in_dim3A_1109 = vector.broadcast %broadcast_in_dim3A_1108 : i32 to vector<16xi32>
        %gather3A_1110 = tpu.vector_load_idx %arg8[%add3A_1080, %broadcast_in_dim3A_1109] : memref<1024x16xf32, #tpu.memory_space<vmem>>[vector<16xi32>, vector<16xi32>], vector<16xf32>,
        %broadcast_in_dim3A_1111 = arith.constant 10 : i32
        %broadcast_in_dim3A_1112 = vector.broadcast %broadcast_in_dim3A_1111 : i32 to vector<16xi32>
        %gather3A_1113 = tpu.vector_load_idx %arg8[%add3A_1080, %broadcast_in_dim3A_1112] : memref<1024x16xf32, #tpu.memory_space<vmem>>[vector<16xi32>, vector<16xi32>], vector<16xf32>,
        %broadcast_in_dim3A_1114 = arith.constant 11 : i32
        %broadcast_in_dim3A_1115 = vector.broadcast %broadcast_in_dim3A_1114 : i32 to vector<16xi32>
        %gather3A_1116 = tpu.vector_load_idx %arg8[%add3A_1080, %broadcast_in_dim3A_1115] : memref<1024x16xf32, #tpu.memory_space<vmem>>[vector<16xi32>, vector<16xi32>], vector<16xf32>,
        %broadcast_in_dim3A_1117 = arith.constant 12 : i32
        %broadcast_in_dim3A_1118 = vector.broadcast %broadcast_in_dim3A_1117 : i32 to vector<16xi32>
        %gather3A_1119 = tpu.vector_load_idx %arg8[%add3A_1080, %broadcast_in_dim3A_1118] : memref<1024x16xf32, #tpu.memory_space<vmem>>[vector<16xi32>, vector<16xi32>], vector<16xf32>,
        %broadcast_in_dim3A_1120 = arith.constant 13 : i32
        %broadcast_in_dim3A_1121 = vector.broadcast %broadcast_in_dim3A_1120 : i32 to vector<16xi32>
        %gather3A_1122 = tpu.vector_load_idx %arg8[%add3A_1080, %broadcast_in_dim3A_1121] : memref<1024x16xf32, #tpu.memory_space<vmem>>[vector<16xi32>, vector<16xi32>], vector<16xf32>,
        %broadcast_in_dim3A_1123 = arith.constant 14 : i32
        %broadcast_in_dim3A_1124 = vector.broadcast %broadcast_in_dim3A_1123 : i32 to vector<16xi32>
        %gather3A_1125 = tpu.vector_load_idx %arg8[%add3A_1080, %broadcast_in_dim3A_1124] : memref<1024x16xf32, #tpu.memory_space<vmem>>[vector<16xi32>, vector<16xi32>], vector<16xf32>,
        %broadcast_in_dim3A_1126 = arith.constant 15 : i32
        %broadcast_in_dim3A_1127 = vector.broadcast %broadcast_in_dim3A_1126 : i32 to vector<16xi32>
        %gather3A_1128 = tpu.vector_load_idx %arg8[%add3A_1080, %broadcast_in_dim3A_1127] : memref<1024x16xf32, #tpu.memory_space<vmem>>[vector<16xi32>, vector<16xi32>], vector<16xf32>,
        %mul3A_1129 = arith.constant 1024 : i32
        %mul3A_1130 = arith.muli %scan3A_649, %mul3A_1129 : i32
        %add3A_1131 = arith.constant 0 : i32
        %add3A_1132 = arith.addi %mul3A_1130, %add3A_1131 : i32
        %add3A_1133 = arith.constant 32 : i32
        %add3A_1134 = arith.addi %add3A_1132, %add3A_1133 : i32
        %swap3A_1135 = arith.constant 0 : i32
        %swap3A_1136 = arith.index_cast %swap3A_1135 : i32 to index
        %swap3A_1137 = arith.index_cast %add3A_1134 : i32 to index
        %swap3A_1138 = tpu.vector_load %arg10[%swap3A_1136, %swap3A_1137] {strides = array<i32>} : memref<2x8192xf32, #tpu.memory_space<vmem>>, vector<16xf32>,
        tpu.vector_store %arg10[%swap3A_1136, %swap3A_1137], %gather3A_1083 {strides = array<i32>} : memref<2x8192xf32, #tpu.memory_space<vmem>>, vector<16xf32>,
        %mul3A_1139 = arith.constant 1024 : i32
        %mul3A_1140 = arith.muli %scan3A_649, %mul3A_1139 : i32
        %add3A_1141 = arith.constant 128 : i32
        %add3A_1142 = arith.addi %mul3A_1140, %add3A_1141 : i32
        %add3A_1143 = arith.constant 32 : i32
        %add3A_1144 = arith.addi %add3A_1142, %add3A_1143 : i32
        %swap3A_1145 = arith.constant 0 : i32
        %swap3A_1146 = arith.index_cast %swap3A_1145 : i32 to index
        %swap3A_1147 = arith.index_cast %add3A_1144 : i32 to index
        %swap3A_1148 = tpu.vector_load %arg10[%swap3A_1146, %swap3A_1147] {strides = array<i32>} : memref<2x8192xf32, #tpu.memory_space<vmem>>, vector<16xf32>,
        tpu.vector_store %arg10[%swap3A_1146, %swap3A_1147], %gather3A_1086 {strides = array<i32>} : memref<2x8192xf32, #tpu.memory_space<vmem>>, vector<16xf32>,
        %mul3A_1149 = arith.constant 1024 : i32
        %mul3A_1150 = arith.muli %scan3A_649, %mul3A_1149 : i32
        %add3A_1151 = arith.constant 256 : i32
        %add3A_1152 = arith.addi %mul3A_1150, %add3A_1151 : i32
        %add3A_1153 = arith.constant 32 : i32
        %add3A_1154 = arith.addi %add3A_1152, %add3A_1153 : i32
        %swap3A_1155 = arith.constant 0 : i32
        %swap3A_1156 = arith.index_cast %swap3A_1155 : i32 to index
        %swap3A_1157 = arith.index_cast %add3A_1154 : i32 to index
        %swap3A_1158 = tpu.vector_load %arg10[%swap3A_1156, %swap3A_1157] {strides = array<i32>} : memref<2x8192xf32, #tpu.memory_space<vmem>>, vector<16xf32>,
        tpu.vector_store %arg10[%swap3A_1156, %swap3A_1157], %gather3A_1089 {strides = array<i32>} : memref<2x8192xf32, #tpu.memory_space<vmem>>, vector<16xf32>,
        %mul3A_1159 = arith.constant 1024 : i32
        %mul3A_1160 = arith.muli %scan3A_649, %mul3A_1159 : i32
        %add3A_1161 = arith.constant 384 : i32
        %add3A_1162 = arith.addi %mul3A_1160, %add3A_1161 : i32
        %add3A_1163 = arith.constant 32 : i32
        %add3A_1164 = arith.addi %add3A_1162, %add3A_1163 : i32
        %swap3A_1165 = arith.constant 0 : i32
        %swap3A_1166 = arith.index_cast %swap3A_1165 : i32 to index
        %swap3A_1167 = arith.index_cast %add3A_1164 : i32 to index
        %swap3A_1168 = tpu.vector_load %arg10[%swap3A_1166, %swap3A_1167] {strides = array<i32>} : memref<2x8192xf32, #tpu.memory_space<vmem>>, vector<16xf32>,
        tpu.vector_store %arg10[%swap3A_1166, %swap3A_1167], %gather3A_1092 {strides = array<i32>} : memref<2x8192xf32, #tpu.memory_space<vmem>>, vector<16xf32>,
        %mul3A_1169 = arith.constant 1024 : i32
        %mul3A_1170 = arith.muli %scan3A_649, %mul3A_1169 : i32
        %add3A_1171 = arith.constant 512 : i32
        %add3A_1172 = arith.addi %mul3A_1170, %add3A_1171 : i32
        %add3A_1173 = arith.constant 32 : i32
        %add3A_1174 = arith.addi %add3A_1172, %add3A_1173 : i32
        %swap3A_1175 = arith.constant 0 : i32
        %swap3A_1176 = arith.index_cast %swap3A_1175 : i32 to index
        %swap3A_1177 = arith.index_cast %add3A_1174 : i32 to index
        %swap3A_1178 = tpu.vector_load %arg10[%swap3A_1176, %swap3A_1177] {strides = array<i32>} : memref<2x8192xf32, #tpu.memory_space<vmem>>, vector<16xf32>,
        tpu.vector_store %arg10[%swap3A_1176, %swap3A_1177], %gather3A_1095 {strides = array<i32>} : memref<2x8192xf32, #tpu.memory_space<vmem>>, vector<16xf32>,
        %mul3A_1179 = arith.constant 1024 : i32
        %mul3A_1180 = arith.muli %scan3A_649, %mul3A_1179 : i32
        %add3A_1181 = arith.constant 640 : i32
        %add3A_1182 = arith.addi %mul3A_1180, %add3A_1181 : i32
        %add3A_1183 = arith.constant 32 : i32
        %add3A_1184 = arith.addi %add3A_1182, %add3A_1183 : i32
        %swap3A_1185 = arith.constant 0 : i32
        %swap3A_1186 = arith.index_cast %swap3A_1185 : i32 to index
        %swap3A_1187 = arith.index_cast %add3A_1184 : i32 to index
        %swap3A_1188 = tpu.vector_load %arg10[%swap3A_1186, %swap3A_1187] {strides = array<i32>} : memref<2x8192xf32, #tpu.memory_space<vmem>>, vector<16xf32>,
        tpu.vector_store %arg10[%swap3A_1186, %swap3A_1187], %gather3A_1098 {strides = array<i32>} : memref<2x8192xf32, #tpu.memory_space<vmem>>, vector<16xf32>,
        %mul3A_1189 = arith.constant 1024 : i32
        %mul3A_1190 = arith.muli %scan3A_649, %mul3A_1189 : i32
        %add3A_1191 = arith.constant 768 : i32
        %add3A_1192 = arith.addi %mul3A_1190, %add3A_1191 : i32
        %add3A_1193 = arith.constant 32 : i32
        %add3A_1194 = arith.addi %add3A_1192, %add3A_1193 : i32
        %swap3A_1195 = arith.constant 0 : i32
        %swap3A_1196 = arith.index_cast %swap3A_1195 : i32 to index
        %swap3A_1197 = arith.index_cast %add3A_1194 : i32 to index
        %swap3A_1198 = tpu.vector_load %arg10[%swap3A_1196, %swap3A_1197] {strides = array<i32>} : memref<2x8192xf32, #tpu.memory_space<vmem>>, vector<16xf32>,
        tpu.vector_store %arg10[%swap3A_1196, %swap3A_1197], %gather3A_1101 {strides = array<i32>} : memref<2x8192xf32, #tpu.memory_space<vmem>>, vector<16xf32>,
        %mul3A_1199 = arith.constant 1024 : i32
        %mul3A_1200 = arith.muli %scan3A_649, %mul3A_1199 : i32
        %add3A_1201 = arith.constant 896 : i32
        %add3A_1202 = arith.addi %mul3A_1200, %add3A_1201 : i32
        %add3A_1203 = arith.constant 32 : i32
        %add3A_1204 = arith.addi %add3A_1202, %add3A_1203 : i32
        %swap3A_1205 = arith.constant 0 : i32
        %swap3A_1206 = arith.index_cast %swap3A_1205 : i32 to index
        %swap3A_1207 = arith.index_cast %add3A_1204 : i32 to index
        %swap3A_1208 = tpu.vector_load %arg10[%swap3A_1206, %swap3A_1207] {strides = array<i32>} : memref<2x8192xf32, #tpu.memory_space<vmem>>, vector<16xf32>,
        tpu.vector_store %arg10[%swap3A_1206, %swap3A_1207], %gather3A_1104 {strides = array<i32>} : memref<2x8192xf32, #tpu.memory_space<vmem>>, vector<16xf32>,
        %mul3A_1209 = arith.constant 1024 : i32
        %mul3A_1210 = arith.muli %scan3A_649, %mul3A_1209 : i32
        %add3A_1211 = arith.constant 0 : i32
        %add3A_1212 = arith.addi %mul3A_1210, %add3A_1211 : i32
        %add3A_1213 = arith.constant 32 : i32
        %add3A_1214 = arith.addi %add3A_1212, %add3A_1213 : i32
        %swap3A_1215 = arith.constant 1 : i32
        %swap3A_1216 = arith.index_cast %swap3A_1215 : i32 to index
        %swap3A_1217 = arith.index_cast %add3A_1214 : i32 to index
        %swap3A_1218 = tpu.vector_load %arg10[%swap3A_1216, %swap3A_1217] {strides = array<i32>} : memref<2x8192xf32, #tpu.memory_space<vmem>>, vector<16xf32>,
        tpu.vector_store %arg10[%swap3A_1216, %swap3A_1217], %gather3A_1107 {strides = array<i32>} : memref<2x8192xf32, #tpu.memory_space<vmem>>, vector<16xf32>,
        %mul3A_1219 = arith.constant 1024 : i32
        %mul3A_1220 = arith.muli %scan3A_649, %mul3A_1219 : i32
        %add3A_1221 = arith.constant 128 : i32
        %add3A_1222 = arith.addi %mul3A_1220, %add3A_1221 : i32
        %add3A_1223 = arith.constant 32 : i32
        %add3A_1224 = arith.addi %add3A_1222, %add3A_1223 : i32
        %swap3A_1225 = arith.constant 1 : i32
        %swap3A_1226 = arith.index_cast %swap3A_1225 : i32 to index
        %swap3A_1227 = arith.index_cast %add3A_1224 : i32 to index
        %swap3A_1228 = tpu.vector_load %arg10[%swap3A_1226, %swap3A_1227] {strides = array<i32>} : memref<2x8192xf32, #tpu.memory_space<vmem>>, vector<16xf32>,
        tpu.vector_store %arg10[%swap3A_1226, %swap3A_1227], %gather3A_1110 {strides = array<i32>} : memref<2x8192xf32, #tpu.memory_space<vmem>>, vector<16xf32>,
        %mul3A_1229 = arith.constant 1024 : i32
        %mul3A_1230 = arith.muli %scan3A_649, %mul3A_1229 : i32
        %add3A_1231 = arith.constant 256 : i32
        %add3A_1232 = arith.addi %mul3A_1230, %add3A_1231 : i32
        %add3A_1233 = arith.constant 32 : i32
        %add3A_1234 = arith.addi %add3A_1232, %add3A_1233 : i32
        %swap3A_1235 = arith.constant 1 : i32
        %swap3A_1236 = arith.index_cast %swap3A_1235 : i32 to index
        %swap3A_1237 = arith.index_cast %add3A_1234 : i32 to index
        %swap3A_1238 = tpu.vector_load %arg10[%swap3A_1236, %swap3A_1237] {strides = array<i32>} : memref<2x8192xf32, #tpu.memory_space<vmem>>, vector<16xf32>,
        tpu.vector_store %arg10[%swap3A_1236, %swap3A_1237], %gather3A_1113 {strides = array<i32>} : memref<2x8192xf32, #tpu.memory_space<vmem>>, vector<16xf32>,
        %mul3A_1239 = arith.constant 1024 : i32
        %mul3A_1240 = arith.muli %scan3A_649, %mul3A_1239 : i32
        %add3A_1241 = arith.constant 384 : i32
        %add3A_1242 = arith.addi %mul3A_1240, %add3A_1241 : i32
        %add3A_1243 = arith.constant 32 : i32
        %add3A_1244 = arith.addi %add3A_1242, %add3A_1243 : i32
        %swap3A_1245 = arith.constant 1 : i32
        %swap3A_1246 = arith.index_cast %swap3A_1245 : i32 to index
        %swap3A_1247 = arith.index_cast %add3A_1244 : i32 to index
        %swap3A_1248 = tpu.vector_load %arg10[%swap3A_1246, %swap3A_1247] {strides = array<i32>} : memref<2x8192xf32, #tpu.memory_space<vmem>>, vector<16xf32>,
        tpu.vector_store %arg10[%swap3A_1246, %swap3A_1247], %gather3A_1116 {strides = array<i32>} : memref<2x8192xf32, #tpu.memory_space<vmem>>, vector<16xf32>,
        %mul3A_1249 = arith.constant 1024 : i32
        %mul3A_1250 = arith.muli %scan3A_649, %mul3A_1249 : i32
        %add3A_1251 = arith.constant 512 : i32
        %add3A_1252 = arith.addi %mul3A_1250, %add3A_1251 : i32
        %add3A_1253 = arith.constant 32 : i32
        %add3A_1254 = arith.addi %add3A_1252, %add3A_1253 : i32
        %swap3A_1255 = arith.constant 1 : i32
        %swap3A_1256 = arith.index_cast %swap3A_1255 : i32 to index
        %swap3A_1257 = arith.index_cast %add3A_1254 : i32 to index
        %swap3A_1258 = tpu.vector_load %arg10[%swap3A_1256, %swap3A_1257] {strides = array<i32>} : memref<2x8192xf32, #tpu.memory_space<vmem>>, vector<16xf32>,
        tpu.vector_store %arg10[%swap3A_1256, %swap3A_1257], %gather3A_1119 {strides = array<i32>} : memref<2x8192xf32, #tpu.memory_space<vmem>>, vector<16xf32>,
        %mul3A_1259 = arith.constant 1024 : i32
        %mul3A_1260 = arith.muli %scan3A_649, %mul3A_1259 : i32
        %add3A_1261 = arith.constant 640 : i32
        %add3A_1262 = arith.addi %mul3A_1260, %add3A_1261 : i32
        %add3A_1263 = arith.constant 32 : i32
        %add3A_1264 = arith.addi %add3A_1262, %add3A_1263 : i32
        %swap3A_1265 = arith.constant 1 : i32
        %swap3A_1266 = arith.index_cast %swap3A_1265 : i32 to index
        %swap3A_1267 = arith.index_cast %add3A_1264 : i32 to index
        %swap3A_1268 = tpu.vector_load %arg10[%swap3A_1266, %swap3A_1267] {strides = array<i32>} : memref<2x8192xf32, #tpu.memory_space<vmem>>, vector<16xf32>,
        tpu.vector_store %arg10[%swap3A_1266, %swap3A_1267], %gather3A_1122 {strides = array<i32>} : memref<2x8192xf32, #tpu.memory_space<vmem>>, vector<16xf32>,
        %mul3A_1269 = arith.constant 1024 : i32
        %mul3A_1270 = arith.muli %scan3A_649, %mul3A_1269 : i32
        %add3A_1271 = arith.constant 768 : i32
        %add3A_1272 = arith.addi %mul3A_1270, %add3A_1271 : i32
        %add3A_1273 = arith.constant 32 : i32
        %add3A_1274 = arith.addi %add3A_1272, %add3A_1273 : i32
        %swap3A_1275 = arith.constant 1 : i32
        %swap3A_1276 = arith.index_cast %swap3A_1275 : i32 to index
        %swap3A_1277 = arith.index_cast %add3A_1274 : i32 to index
        %swap3A_1278 = tpu.vector_load %arg10[%swap3A_1276, %swap3A_1277] {strides = array<i32>} : memref<2x8192xf32, #tpu.memory_space<vmem>>, vector<16xf32>,
        tpu.vector_store %arg10[%swap3A_1276, %swap3A_1277], %gather3A_1125 {strides = array<i32>} : memref<2x8192xf32, #tpu.memory_space<vmem>>, vector<16xf32>,
        %mul3A_1279 = arith.constant 1024 : i32
        %mul3A_1280 = arith.muli %scan3A_649, %mul3A_1279 : i32
        %add3A_1281 = arith.constant 896 : i32
        %add3A_1282 = arith.addi %mul3A_1280, %add3A_1281 : i32
        %add3A_1283 = arith.constant 32 : i32
        %add3A_1284 = arith.addi %add3A_1282, %add3A_1283 : i32
        %swap3A_1285 = arith.constant 1 : i32
        %swap3A_1286 = arith.index_cast %swap3A_1285 : i32 to index
        %swap3A_1287 = arith.index_cast %add3A_1284 : i32 to index
        %swap3A_1288 = tpu.vector_load %arg10[%swap3A_1286, %swap3A_1287] {strides = array<i32>} : memref<2x8192xf32, #tpu.memory_space<vmem>>, vector<16xf32>,
        tpu.vector_store %arg10[%swap3A_1286, %swap3A_1287], %gather3A_1128 {strides = array<i32>} : memref<2x8192xf32, #tpu.memory_space<vmem>>, vector<16xf32>,
        %mul3A_1289 = arith.constant 128 : i32
        %mul3A_1290 = arith.muli %scan3A_649, %mul3A_1289 : i32
        %add3A_1291 = arith.constant 48 : i32
        %add3A_1292 = arith.addi %mul3A_1290, %add3A_1291 : i32
        %broadcast_in_dim3A_1293 = vector.broadcast %add3A_1292 : i32 to vector<16xi32>
        %add3A_1294 = arith.addi %broadcast_in_dim3A_1293, %iota3A : vector<16xi32>
        %broadcast_in_dim3A_1295 = arith.constant 0 : i32
        %broadcast_in_dim3A_1296 = vector.broadcast %broadcast_in_dim3A_1295 : i32 to vector<16xi32>
        %gather3A_1297 = tpu.vector_load_idx %arg8[%add3A_1294, %broadcast_in_dim3A_1296] : memref<1024x16xf32, #tpu.memory_space<vmem>>[vector<16xi32>, vector<16xi32>], vector<16xf32>,
        %broadcast_in_dim3A_1298 = arith.constant 1 : i32
        %broadcast_in_dim3A_1299 = vector.broadcast %broadcast_in_dim3A_1298 : i32 to vector<16xi32>
        %gather3A_1300 = tpu.vector_load_idx %arg8[%add3A_1294, %broadcast_in_dim3A_1299] : memref<1024x16xf32, #tpu.memory_space<vmem>>[vector<16xi32>, vector<16xi32>], vector<16xf32>,
        %broadcast_in_dim3A_1301 = arith.constant 2 : i32
        %broadcast_in_dim3A_1302 = vector.broadcast %broadcast_in_dim3A_1301 : i32 to vector<16xi32>
        %gather3A_1303 = tpu.vector_load_idx %arg8[%add3A_1294, %broadcast_in_dim3A_1302] : memref<1024x16xf32, #tpu.memory_space<vmem>>[vector<16xi32>, vector<16xi32>], vector<16xf32>,
        %broadcast_in_dim3A_1304 = arith.constant 3 : i32
        %broadcast_in_dim3A_1305 = vector.broadcast %broadcast_in_dim3A_1304 : i32 to vector<16xi32>
        %gather3A_1306 = tpu.vector_load_idx %arg8[%add3A_1294, %broadcast_in_dim3A_1305] : memref<1024x16xf32, #tpu.memory_space<vmem>>[vector<16xi32>, vector<16xi32>], vector<16xf32>,
        %broadcast_in_dim3A_1307 = arith.constant 4 : i32
        %broadcast_in_dim3A_1308 = vector.broadcast %broadcast_in_dim3A_1307 : i32 to vector<16xi32>
        %gather3A_1309 = tpu.vector_load_idx %arg8[%add3A_1294, %broadcast_in_dim3A_1308] : memref<1024x16xf32, #tpu.memory_space<vmem>>[vector<16xi32>, vector<16xi32>], vector<16xf32>,
        %broadcast_in_dim3A_1310 = arith.constant 5 : i32
        %broadcast_in_dim3A_1311 = vector.broadcast %broadcast_in_dim3A_1310 : i32 to vector<16xi32>
        %gather3A_1312 = tpu.vector_load_idx %arg8[%add3A_1294, %broadcast_in_dim3A_1311] : memref<1024x16xf32, #tpu.memory_space<vmem>>[vector<16xi32>, vector<16xi32>], vector<16xf32>,
        %broadcast_in_dim3A_1313 = arith.constant 6 : i32
        %broadcast_in_dim3A_1314 = vector.broadcast %broadcast_in_dim3A_1313 : i32 to vector<16xi32>
        %gather3A_1315 = tpu.vector_load_idx %arg8[%add3A_1294, %broadcast_in_dim3A_1314] : memref<1024x16xf32, #tpu.memory_space<vmem>>[vector<16xi32>, vector<16xi32>], vector<16xf32>,
        %broadcast_in_dim3A_1316 = arith.constant 7 : i32
        %broadcast_in_dim3A_1317 = vector.broadcast %broadcast_in_dim3A_1316 : i32 to vector<16xi32>
        %gather3A_1318 = tpu.vector_load_idx %arg8[%add3A_1294, %broadcast_in_dim3A_1317] : memref<1024x16xf32, #tpu.memory_space<vmem>>[vector<16xi32>, vector<16xi32>], vector<16xf32>,
        %broadcast_in_dim3A_1319 = arith.constant 8 : i32
        %broadcast_in_dim3A_1320 = vector.broadcast %broadcast_in_dim3A_1319 : i32 to vector<16xi32>
        %gather3A_1321 = tpu.vector_load_idx %arg8[%add3A_1294, %broadcast_in_dim3A_1320] : memref<1024x16xf32, #tpu.memory_space<vmem>>[vector<16xi32>, vector<16xi32>], vector<16xf32>,
        %broadcast_in_dim3A_1322 = arith.constant 9 : i32
        %broadcast_in_dim3A_1323 = vector.broadcast %broadcast_in_dim3A_1322 : i32 to vector<16xi32>
        %gather3A_1324 = tpu.vector_load_idx %arg8[%add3A_1294, %broadcast_in_dim3A_1323] : memref<1024x16xf32, #tpu.memory_space<vmem>>[vector<16xi32>, vector<16xi32>], vector<16xf32>,
        %broadcast_in_dim3A_1325 = arith.constant 10 : i32
        %broadcast_in_dim3A_1326 = vector.broadcast %broadcast_in_dim3A_1325 : i32 to vector<16xi32>
        %gather3A_1327 = tpu.vector_load_idx %arg8[%add3A_1294, %broadcast_in_dim3A_1326] : memref<1024x16xf32, #tpu.memory_space<vmem>>[vector<16xi32>, vector<16xi32>], vector<16xf32>,
        %broadcast_in_dim3A_1328 = arith.constant 11 : i32
        %broadcast_in_dim3A_1329 = vector.broadcast %broadcast_in_dim3A_1328 : i32 to vector<16xi32>
        %gather3A_1330 = tpu.vector_load_idx %arg8[%add3A_1294, %broadcast_in_dim3A_1329] : memref<1024x16xf32, #tpu.memory_space<vmem>>[vector<16xi32>, vector<16xi32>], vector<16xf32>,
        %broadcast_in_dim3A_1331 = arith.constant 12 : i32
        %broadcast_in_dim3A_1332 = vector.broadcast %broadcast_in_dim3A_1331 : i32 to vector<16xi32>
        %gather3A_1333 = tpu.vector_load_idx %arg8[%add3A_1294, %broadcast_in_dim3A_1332] : memref<1024x16xf32, #tpu.memory_space<vmem>>[vector<16xi32>, vector<16xi32>], vector<16xf32>,
        %broadcast_in_dim3A_1334 = arith.constant 13 : i32
        %broadcast_in_dim3A_1335 = vector.broadcast %broadcast_in_dim3A_1334 : i32 to vector<16xi32>
        %gather3A_1336 = tpu.vector_load_idx %arg8[%add3A_1294, %broadcast_in_dim3A_1335] : memref<1024x16xf32, #tpu.memory_space<vmem>>[vector<16xi32>, vector<16xi32>], vector<16xf32>,
        %broadcast_in_dim3A_1337 = arith.constant 14 : i32
        %broadcast_in_dim3A_1338 = vector.broadcast %broadcast_in_dim3A_1337 : i32 to vector<16xi32>
        %gather3A_1339 = tpu.vector_load_idx %arg8[%add3A_1294, %broadcast_in_dim3A_1338] : memref<1024x16xf32, #tpu.memory_space<vmem>>[vector<16xi32>, vector<16xi32>], vector<16xf32>,
        %broadcast_in_dim3A_1340 = arith.constant 15 : i32
        %broadcast_in_dim3A_1341 = vector.broadcast %broadcast_in_dim3A_1340 : i32 to vector<16xi32>
        %gather3A_1342 = tpu.vector_load_idx %arg8[%add3A_1294, %broadcast_in_dim3A_1341] : memref<1024x16xf32, #tpu.memory_space<vmem>>[vector<16xi32>, vector<16xi32>], vector<16xf32>,
        %mul3A_1343 = arith.constant 1024 : i32
        %mul3A_1344 = arith.muli %scan3A_649, %mul3A_1343 : i32
        %add3A_1345 = arith.constant 0 : i32
        %add3A_1346 = arith.addi %mul3A_1344, %add3A_1345 : i32
        %add3A_1347 = arith.constant 48 : i32
        %add3A_1348 = arith.addi %add3A_1346, %add3A_1347 : i32
        %swap3A_1349 = arith.constant 0 : i32
        %swap3A_1350 = arith.index_cast %swap3A_1349 : i32 to index
        %swap3A_1351 = arith.index_cast %add3A_1348 : i32 to index
        %swap3A_1352 = tpu.vector_load %arg10[%swap3A_1350, %swap3A_1351] {strides = array<i32>} : memref<2x8192xf32, #tpu.memory_space<vmem>>, vector<16xf32>,
        tpu.vector_store %arg10[%swap3A_1350, %swap3A_1351], %gather3A_1297 {strides = array<i32>} : memref<2x8192xf32, #tpu.memory_space<vmem>>, vector<16xf32>,
        %mul3A_1353 = arith.constant 1024 : i32
        %mul3A_1354 = arith.muli %scan3A_649, %mul3A_1353 : i32
        %add3A_1355 = arith.constant 128 : i32
        %add3A_1356 = arith.addi %mul3A_1354, %add3A_1355 : i32
        %add3A_1357 = arith.constant 48 : i32
        %add3A_1358 = arith.addi %add3A_1356, %add3A_1357 : i32
        %swap3A_1359 = arith.constant 0 : i32
        %swap3A_1360 = arith.index_cast %swap3A_1359 : i32 to index
        %swap3A_1361 = arith.index_cast %add3A_1358 : i32 to index
        %swap3A_1362 = tpu.vector_load %arg10[%swap3A_1360, %swap3A_1361] {strides = array<i32>} : memref<2x8192xf32, #tpu.memory_space<vmem>>, vector<16xf32>,
        tpu.vector_store %arg10[%swap3A_1360, %swap3A_1361], %gather3A_1300 {strides = array<i32>} : memref<2x8192xf32, #tpu.memory_space<vmem>>, vector<16xf32>,
        %mul3A_1363 = arith.constant 1024 : i32
        %mul3A_1364 = arith.muli %scan3A_649, %mul3A_1363 : i32
        %add3A_1365 = arith.constant 256 : i32
        %add3A_1366 = arith.addi %mul3A_1364, %add3A_1365 : i32
        %add3A_1367 = arith.constant 48 : i32
        %add3A_1368 = arith.addi %add3A_1366, %add3A_1367 : i32
        %swap3A_1369 = arith.constant 0 : i32
        %swap3A_1370 = arith.index_cast %swap3A_1369 : i32 to index
        %swap3A_1371 = arith.index_cast %add3A_1368 : i32 to index
        %swap3A_1372 = tpu.vector_load %arg10[%swap3A_1370, %swap3A_1371] {strides = array<i32>} : memref<2x8192xf32, #tpu.memory_space<vmem>>, vector<16xf32>,
        tpu.vector_store %arg10[%swap3A_1370, %swap3A_1371], %gather3A_1303 {strides = array<i32>} : memref<2x8192xf32, #tpu.memory_space<vmem>>, vector<16xf32>,
        %mul3A_1373 = arith.constant 1024 : i32
        %mul3A_1374 = arith.muli %scan3A_649, %mul3A_1373 : i32
        %add3A_1375 = arith.constant 384 : i32
        %add3A_1376 = arith.addi %mul3A_1374, %add3A_1375 : i32
        %add3A_1377 = arith.constant 48 : i32
        %add3A_1378 = arith.addi %add3A_1376, %add3A_1377 : i32
        %swap3A_1379 = arith.constant 0 : i32
        %swap3A_1380 = arith.index_cast %swap3A_1379 : i32 to index
        %swap3A_1381 = arith.index_cast %add3A_1378 : i32 to index
        %swap3A_1382 = tpu.vector_load %arg10[%swap3A_1380, %swap3A_1381] {strides = array<i32>} : memref<2x8192xf32, #tpu.memory_space<vmem>>, vector<16xf32>,
        tpu.vector_store %arg10[%swap3A_1380, %swap3A_1381], %gather3A_1306 {strides = array<i32>} : memref<2x8192xf32, #tpu.memory_space<vmem>>, vector<16xf32>,
        %mul3A_1383 = arith.constant 1024 : i32
        %mul3A_1384 = arith.muli %scan3A_649, %mul3A_1383 : i32
        %add3A_1385 = arith.constant 512 : i32
        %add3A_1386 = arith.addi %mul3A_1384, %add3A_1385 : i32
        %add3A_1387 = arith.constant 48 : i32
        %add3A_1388 = arith.addi %add3A_1386, %add3A_1387 : i32
        %swap3A_1389 = arith.constant 0 : i32
        %swap3A_1390 = arith.index_cast %swap3A_1389 : i32 to index
        %swap3A_1391 = arith.index_cast %add3A_1388 : i32 to index
        %swap3A_1392 = tpu.vector_load %arg10[%swap3A_1390, %swap3A_1391] {strides = array<i32>} : memref<2x8192xf32, #tpu.memory_space<vmem>>, vector<16xf32>,
        tpu.vector_store %arg10[%swap3A_1390, %swap3A_1391], %gather3A_1309 {strides = array<i32>} : memref<2x8192xf32, #tpu.memory_space<vmem>>, vector<16xf32>,
        %mul3A_1393 = arith.constant 1024 : i32
        %mul3A_1394 = arith.muli %scan3A_649, %mul3A_1393 : i32
        %add3A_1395 = arith.constant 640 : i32
        %add3A_1396 = arith.addi %mul3A_1394, %add3A_1395 : i32
        %add3A_1397 = arith.constant 48 : i32
        %add3A_1398 = arith.addi %add3A_1396, %add3A_1397 : i32
        %swap3A_1399 = arith.constant 0 : i32
        %swap3A_1400 = arith.index_cast %swap3A_1399 : i32 to index
        %swap3A_1401 = arith.index_cast %add3A_1398 : i32 to index
        %swap3A_1402 = tpu.vector_load %arg10[%swap3A_1400, %swap3A_1401] {strides = array<i32>} : memref<2x8192xf32, #tpu.memory_space<vmem>>, vector<16xf32>,
        tpu.vector_store %arg10[%swap3A_1400, %swap3A_1401], %gather3A_1312 {strides = array<i32>} : memref<2x8192xf32, #tpu.memory_space<vmem>>, vector<16xf32>,
        %mul3A_1403 = arith.constant 1024 : i32
        %mul3A_1404 = arith.muli %scan3A_649, %mul3A_1403 : i32
        %add3A_1405 = arith.constant 768 : i32
        %add3A_1406 = arith.addi %mul3A_1404, %add3A_1405 : i32
        %add3A_1407 = arith.constant 48 : i32
        %add3A_1408 = arith.addi %add3A_1406, %add3A_1407 : i32
        %swap3A_1409 = arith.constant 0 : i32
        %swap3A_1410 = arith.index_cast %swap3A_1409 : i32 to index
        %swap3A_1411 = arith.index_cast %add3A_1408 : i32 to index
        %swap3A_1412 = tpu.vector_load %arg10[%swap3A_1410, %swap3A_1411] {strides = array<i32>} : memref<2x8192xf32, #tpu.memory_space<vmem>>, vector<16xf32>,
        tpu.vector_store %arg10[%swap3A_1410, %swap3A_1411], %gather3A_1315 {strides = array<i32>} : memref<2x8192xf32, #tpu.memory_space<vmem>>, vector<16xf32>,
        %mul3A_1413 = arith.constant 1024 : i32
        %mul3A_1414 = arith.muli %scan3A_649, %mul3A_1413 : i32
        %add3A_1415 = arith.constant 896 : i32
        %add3A_1416 = arith.addi %mul3A_1414, %add3A_1415 : i32
        %add3A_1417 = arith.constant 48 : i32
        %add3A_1418 = arith.addi %add3A_1416, %add3A_1417 : i32
        %swap3A_1419 = arith.constant 0 : i32
        %swap3A_1420 = arith.index_cast %swap3A_1419 : i32 to index
        %swap3A_1421 = arith.index_cast %add3A_1418 : i32 to index
        %swap3A_1422 = tpu.vector_load %arg10[%swap3A_1420, %swap3A_1421] {strides = array<i32>} : memref<2x8192xf32, #tpu.memory_space<vmem>>, vector<16xf32>,
        tpu.vector_store %arg10[%swap3A_1420, %swap3A_1421], %gather3A_1318 {strides = array<i32>} : memref<2x8192xf32, #tpu.memory_space<vmem>>, vector<16xf32>,
        %mul3A_1423 = arith.constant 1024 : i32
        %mul3A_1424 = arith.muli %scan3A_649, %mul3A_1423 : i32
        %add3A_1425 = arith.constant 0 : i32
        %add3A_1426 = arith.addi %mul3A_1424, %add3A_1425 : i32
        %add3A_1427 = arith.constant 48 : i32
        %add3A_1428 = arith.addi %add3A_1426, %add3A_1427 : i32
        %swap3A_1429 = arith.constant 1 : i32
        %swap3A_1430 = arith.index_cast %swap3A_1429 : i32 to index
        %swap3A_1431 = arith.index_cast %add3A_1428 : i32 to index
        %swap3A_1432 = tpu.vector_load %arg10[%swap3A_1430, %swap3A_1431] {strides = array<i32>} : memref<2x8192xf32, #tpu.memory_space<vmem>>, vector<16xf32>,
        tpu.vector_store %arg10[%swap3A_1430, %swap3A_1431], %gather3A_1321 {strides = array<i32>} : memref<2x8192xf32, #tpu.memory_space<vmem>>, vector<16xf32>,
        %mul3A_1433 = arith.constant 1024 : i32
        %mul3A_1434 = arith.muli %scan3A_649, %mul3A_1433 : i32
        %add3A_1435 = arith.constant 128 : i32
        %add3A_1436 = arith.addi %mul3A_1434, %add3A_1435 : i32
        %add3A_1437 = arith.constant 48 : i32
        %add3A_1438 = arith.addi %add3A_1436, %add3A_1437 : i32
        %swap3A_1439 = arith.constant 1 : i32
        %swap3A_1440 = arith.index_cast %swap3A_1439 : i32 to index
        %swap3A_1441 = arith.index_cast %add3A_1438 : i32 to index
        %swap3A_1442 = tpu.vector_load %arg10[%swap3A_1440, %swap3A_1441] {strides = array<i32>} : memref<2x8192xf32, #tpu.memory_space<vmem>>, vector<16xf32>,
        tpu.vector_store %arg10[%swap3A_1440, %swap3A_1441], %gather3A_1324 {strides = array<i32>} : memref<2x8192xf32, #tpu.memory_space<vmem>>, vector<16xf32>,
        %mul3A_1443 = arith.constant 1024 : i32
        %mul3A_1444 = arith.muli %scan3A_649, %mul3A_1443 : i32
        %add3A_1445 = arith.constant 256 : i32
        %add3A_1446 = arith.addi %mul3A_1444, %add3A_1445 : i32
        %add3A_1447 = arith.constant 48 : i32
        %add3A_1448 = arith.addi %add3A_1446, %add3A_1447 : i32
        %swap3A_1449 = arith.constant 1 : i32
        %swap3A_1450 = arith.index_cast %swap3A_1449 : i32 to index
        %swap3A_1451 = arith.index_cast %add3A_1448 : i32 to index
        %swap3A_1452 = tpu.vector_load %arg10[%swap3A_1450, %swap3A_1451] {strides = array<i32>} : memref<2x8192xf32, #tpu.memory_space<vmem>>, vector<16xf32>,
        tpu.vector_store %arg10[%swap3A_1450, %swap3A_1451], %gather3A_1327 {strides = array<i32>} : memref<2x8192xf32, #tpu.memory_space<vmem>>, vector<16xf32>,
        %mul3A_1453 = arith.constant 1024 : i32
        %mul3A_1454 = arith.muli %scan3A_649, %mul3A_1453 : i32
        %add3A_1455 = arith.constant 384 : i32
        %add3A_1456 = arith.addi %mul3A_1454, %add3A_1455 : i32
        %add3A_1457 = arith.constant 48 : i32
        %add3A_1458 = arith.addi %add3A_1456, %add3A_1457 : i32
        %swap3A_1459 = arith.constant 1 : i32
        %swap3A_1460 = arith.index_cast %swap3A_1459 : i32 to index
        %swap3A_1461 = arith.index_cast %add3A_1458 : i32 to index
        %swap3A_1462 = tpu.vector_load %arg10[%swap3A_1460, %swap3A_1461] {strides = array<i32>} : memref<2x8192xf32, #tpu.memory_space<vmem>>, vector<16xf32>,
        tpu.vector_store %arg10[%swap3A_1460, %swap3A_1461], %gather3A_1330 {strides = array<i32>} : memref<2x8192xf32, #tpu.memory_space<vmem>>, vector<16xf32>,
        %mul3A_1463 = arith.constant 1024 : i32
        %mul3A_1464 = arith.muli %scan3A_649, %mul3A_1463 : i32
        %add3A_1465 = arith.constant 512 : i32
        %add3A_1466 = arith.addi %mul3A_1464, %add3A_1465 : i32
        %add3A_1467 = arith.constant 48 : i32
        %add3A_1468 = arith.addi %add3A_1466, %add3A_1467 : i32
        %swap3A_1469 = arith.constant 1 : i32
        %swap3A_1470 = arith.index_cast %swap3A_1469 : i32 to index
        %swap3A_1471 = arith.index_cast %add3A_1468 : i32 to index
        %swap3A_1472 = tpu.vector_load %arg10[%swap3A_1470, %swap3A_1471] {strides = array<i32>} : memref<2x8192xf32, #tpu.memory_space<vmem>>, vector<16xf32>,
        tpu.vector_store %arg10[%swap3A_1470, %swap3A_1471], %gather3A_1333 {strides = array<i32>} : memref<2x8192xf32, #tpu.memory_space<vmem>>, vector<16xf32>,
        %mul3A_1473 = arith.constant 1024 : i32
        %mul3A_1474 = arith.muli %scan3A_649, %mul3A_1473 : i32
        %add3A_1475 = arith.constant 640 : i32
        %add3A_1476 = arith.addi %mul3A_1474, %add3A_1475 : i32
        %add3A_1477 = arith.constant 48 : i32
        %add3A_1478 = arith.addi %add3A_1476, %add3A_1477 : i32
        %swap3A_1479 = arith.constant 1 : i32
        %swap3A_1480 = arith.index_cast %swap3A_1479 : i32 to index
        %swap3A_1481 = arith.index_cast %add3A_1478 : i32 to index
        %swap3A_1482 = tpu.vector_load %arg10[%swap3A_1480, %swap3A_1481] {strides = array<i32>} : memref<2x8192xf32, #tpu.memory_space<vmem>>, vector<16xf32>,
        tpu.vector_store %arg10[%swap3A_1480, %swap3A_1481], %gather3A_1336 {strides = array<i32>} : memref<2x8192xf32, #tpu.memory_space<vmem>>, vector<16xf32>,
        %mul3A_1483 = arith.constant 1024 : i32
        %mul3A_1484 = arith.muli %scan3A_649, %mul3A_1483 : i32
        %add3A_1485 = arith.constant 768 : i32
        %add3A_1486 = arith.addi %mul3A_1484, %add3A_1485 : i32
        %add3A_1487 = arith.constant 48 : i32
        %add3A_1488 = arith.addi %add3A_1486, %add3A_1487 : i32
        %swap3A_1489 = arith.constant 1 : i32
        %swap3A_1490 = arith.index_cast %swap3A_1489 : i32 to index
        %swap3A_1491 = arith.index_cast %add3A_1488 : i32 to index
        %swap3A_1492 = tpu.vector_load %arg10[%swap3A_1490, %swap3A_1491] {strides = array<i32>} : memref<2x8192xf32, #tpu.memory_space<vmem>>, vector<16xf32>,
        tpu.vector_store %arg10[%swap3A_1490, %swap3A_1491], %gather3A_1339 {strides = array<i32>} : memref<2x8192xf32, #tpu.memory_space<vmem>>, vector<16xf32>,
        %mul3A_1493 = arith.constant 1024 : i32
        %mul3A_1494 = arith.muli %scan3A_649, %mul3A_1493 : i32
        %add3A_1495 = arith.constant 896 : i32
        %add3A_1496 = arith.addi %mul3A_1494, %add3A_1495 : i32
        %add3A_1497 = arith.constant 48 : i32
        %add3A_1498 = arith.addi %add3A_1496, %add3A_1497 : i32
        %swap3A_1499 = arith.constant 1 : i32
        %swap3A_1500 = arith.index_cast %swap3A_1499 : i32 to index
        %swap3A_1501 = arith.index_cast %add3A_1498 : i32 to index
        %swap3A_1502 = tpu.vector_load %arg10[%swap3A_1500, %swap3A_1501] {strides = array<i32>} : memref<2x8192xf32, #tpu.memory_space<vmem>>, vector<16xf32>,
        tpu.vector_store %arg10[%swap3A_1500, %swap3A_1501], %gather3A_1342 {strides = array<i32>} : memref<2x8192xf32, #tpu.memory_space<vmem>>, vector<16xf32>,
        %mul3A_1503 = arith.constant 128 : i32
        %mul3A_1504 = arith.muli %scan3A_649, %mul3A_1503 : i32
        %add3A_1505 = arith.constant 64 : i32
        %add3A_1506 = arith.addi %mul3A_1504, %add3A_1505 : i32
        %broadcast_in_dim3A_1507 = vector.broadcast %add3A_1506 : i32 to vector<16xi32>
        %add3A_1508 = arith.addi %broadcast_in_dim3A_1507, %iota3A : vector<16xi32>
        %broadcast_in_dim3A_1509 = arith.constant 0 : i32
        %broadcast_in_dim3A_1510 = vector.broadcast %broadcast_in_dim3A_1509 : i32 to vector<16xi32>
        %gather3A_1511 = tpu.vector_load_idx %arg8[%add3A_1508, %broadcast_in_dim3A_1510] : memref<1024x16xf32, #tpu.memory_space<vmem>>[vector<16xi32>, vector<16xi32>], vector<16xf32>,
        %broadcast_in_dim3A_1512 = arith.constant 1 : i32
        %broadcast_in_dim3A_1513 = vector.broadcast %broadcast_in_dim3A_1512 : i32 to vector<16xi32>
        %gather3A_1514 = tpu.vector_load_idx %arg8[%add3A_1508, %broadcast_in_dim3A_1513] : memref<1024x16xf32, #tpu.memory_space<vmem>>[vector<16xi32>, vector<16xi32>], vector<16xf32>,
        %broadcast_in_dim3A_1515 = arith.constant 2 : i32
        %broadcast_in_dim3A_1516 = vector.broadcast %broadcast_in_dim3A_1515 : i32 to vector<16xi32>
        %gather3A_1517 = tpu.vector_load_idx %arg8[%add3A_1508, %broadcast_in_dim3A_1516] : memref<1024x16xf32, #tpu.memory_space<vmem>>[vector<16xi32>, vector<16xi32>], vector<16xf32>,
        %broadcast_in_dim3A_1518 = arith.constant 3 : i32
        %broadcast_in_dim3A_1519 = vector.broadcast %broadcast_in_dim3A_1518 : i32 to vector<16xi32>
        %gather3A_1520 = tpu.vector_load_idx %arg8[%add3A_1508, %broadcast_in_dim3A_1519] : memref<1024x16xf32, #tpu.memory_space<vmem>>[vector<16xi32>, vector<16xi32>], vector<16xf32>,
        %broadcast_in_dim3A_1521 = arith.constant 4 : i32
        %broadcast_in_dim3A_1522 = vector.broadcast %broadcast_in_dim3A_1521 : i32 to vector<16xi32>
        %gather3A_1523 = tpu.vector_load_idx %arg8[%add3A_1508, %broadcast_in_dim3A_1522] : memref<1024x16xf32, #tpu.memory_space<vmem>>[vector<16xi32>, vector<16xi32>], vector<16xf32>,
        %broadcast_in_dim3A_1524 = arith.constant 5 : i32
        %broadcast_in_dim3A_1525 = vector.broadcast %broadcast_in_dim3A_1524 : i32 to vector<16xi32>
        %gather3A_1526 = tpu.vector_load_idx %arg8[%add3A_1508, %broadcast_in_dim3A_1525] : memref<1024x16xf32, #tpu.memory_space<vmem>>[vector<16xi32>, vector<16xi32>], vector<16xf32>,
        %broadcast_in_dim3A_1527 = arith.constant 6 : i32
        %broadcast_in_dim3A_1528 = vector.broadcast %broadcast_in_dim3A_1527 : i32 to vector<16xi32>
        %gather3A_1529 = tpu.vector_load_idx %arg8[%add3A_1508, %broadcast_in_dim3A_1528] : memref<1024x16xf32, #tpu.memory_space<vmem>>[vector<16xi32>, vector<16xi32>], vector<16xf32>,
        %broadcast_in_dim3A_1530 = arith.constant 7 : i32
        %broadcast_in_dim3A_1531 = vector.broadcast %broadcast_in_dim3A_1530 : i32 to vector<16xi32>
        %gather3A_1532 = tpu.vector_load_idx %arg8[%add3A_1508, %broadcast_in_dim3A_1531] : memref<1024x16xf32, #tpu.memory_space<vmem>>[vector<16xi32>, vector<16xi32>], vector<16xf32>,
        %broadcast_in_dim3A_1533 = arith.constant 8 : i32
        %broadcast_in_dim3A_1534 = vector.broadcast %broadcast_in_dim3A_1533 : i32 to vector<16xi32>
        %gather3A_1535 = tpu.vector_load_idx %arg8[%add3A_1508, %broadcast_in_dim3A_1534] : memref<1024x16xf32, #tpu.memory_space<vmem>>[vector<16xi32>, vector<16xi32>], vector<16xf32>,
        %broadcast_in_dim3A_1536 = arith.constant 9 : i32
        %broadcast_in_dim3A_1537 = vector.broadcast %broadcast_in_dim3A_1536 : i32 to vector<16xi32>
        %gather3A_1538 = tpu.vector_load_idx %arg8[%add3A_1508, %broadcast_in_dim3A_1537] : memref<1024x16xf32, #tpu.memory_space<vmem>>[vector<16xi32>, vector<16xi32>], vector<16xf32>,
        %broadcast_in_dim3A_1539 = arith.constant 10 : i32
        %broadcast_in_dim3A_1540 = vector.broadcast %broadcast_in_dim3A_1539 : i32 to vector<16xi32>
        %gather3A_1541 = tpu.vector_load_idx %arg8[%add3A_1508, %broadcast_in_dim3A_1540] : memref<1024x16xf32, #tpu.memory_space<vmem>>[vector<16xi32>, vector<16xi32>], vector<16xf32>,
        %broadcast_in_dim3A_1542 = arith.constant 11 : i32
        %broadcast_in_dim3A_1543 = vector.broadcast %broadcast_in_dim3A_1542 : i32 to vector<16xi32>
        %gather3A_1544 = tpu.vector_load_idx %arg8[%add3A_1508, %broadcast_in_dim3A_1543] : memref<1024x16xf32, #tpu.memory_space<vmem>>[vector<16xi32>, vector<16xi32>], vector<16xf32>,
        %broadcast_in_dim3A_1545 = arith.constant 12 : i32
        %broadcast_in_dim3A_1546 = vector.broadcast %broadcast_in_dim3A_1545 : i32 to vector<16xi32>
        %gather3A_1547 = tpu.vector_load_idx %arg8[%add3A_1508, %broadcast_in_dim3A_1546] : memref<1024x16xf32, #tpu.memory_space<vmem>>[vector<16xi32>, vector<16xi32>], vector<16xf32>,
        %broadcast_in_dim3A_1548 = arith.constant 13 : i32
        %broadcast_in_dim3A_1549 = vector.broadcast %broadcast_in_dim3A_1548 : i32 to vector<16xi32>
        %gather3A_1550 = tpu.vector_load_idx %arg8[%add3A_1508, %broadcast_in_dim3A_1549] : memref<1024x16xf32, #tpu.memory_space<vmem>>[vector<16xi32>, vector<16xi32>], vector<16xf32>,
        %broadcast_in_dim3A_1551 = arith.constant 14 : i32
        %broadcast_in_dim3A_1552 = vector.broadcast %broadcast_in_dim3A_1551 : i32 to vector<16xi32>
        %gather3A_1553 = tpu.vector_load_idx %arg8[%add3A_1508, %broadcast_in_dim3A_1552] : memref<1024x16xf32, #tpu.memory_space<vmem>>[vector<16xi32>, vector<16xi32>], vector<16xf32>,
        %broadcast_in_dim3A_1554 = arith.constant 15 : i32
        %broadcast_in_dim3A_1555 = vector.broadcast %broadcast_in_dim3A_1554 : i32 to vector<16xi32>
        %gather3A_1556 = tpu.vector_load_idx %arg8[%add3A_1508, %broadcast_in_dim3A_1555] : memref<1024x16xf32, #tpu.memory_space<vmem>>[vector<16xi32>, vector<16xi32>], vector<16xf32>,
        %mul3A_1557 = arith.constant 1024 : i32
        %mul3A_1558 = arith.muli %scan3A_649, %mul3A_1557 : i32
        %add3A_1559 = arith.constant 0 : i32
        %add3A_1560 = arith.addi %mul3A_1558, %add3A_1559 : i32
        %add3A_1561 = arith.constant 64 : i32
        %add3A_1562 = arith.addi %add3A_1560, %add3A_1561 : i32
        %swap3A_1563 = arith.constant 0 : i32
        %swap3A_1564 = arith.index_cast %swap3A_1563 : i32 to index
        %swap3A_1565 = arith.index_cast %add3A_1562 : i32 to index
        %swap3A_1566 = tpu.vector_load %arg10[%swap3A_1564, %swap3A_1565] {strides = array<i32>} : memref<2x8192xf32, #tpu.memory_space<vmem>>, vector<16xf32>,
        tpu.vector_store %arg10[%swap3A_1564, %swap3A_1565], %gather3A_1511 {strides = array<i32>} : memref<2x8192xf32, #tpu.memory_space<vmem>>, vector<16xf32>,
        %mul3A_1567 = arith.constant 1024 : i32
        %mul3A_1568 = arith.muli %scan3A_649, %mul3A_1567 : i32
        %add3A_1569 = arith.constant 128 : i32
        %add3A_1570 = arith.addi %mul3A_1568, %add3A_1569 : i32
        %add3A_1571 = arith.constant 64 : i32
        %add3A_1572 = arith.addi %add3A_1570, %add3A_1571 : i32
        %swap3A_1573 = arith.constant 0 : i32
        %swap3A_1574 = arith.index_cast %swap3A_1573 : i32 to index
        %swap3A_1575 = arith.index_cast %add3A_1572 : i32 to index
        %swap3A_1576 = tpu.vector_load %arg10[%swap3A_1574, %swap3A_1575] {strides = array<i32>} : memref<2x8192xf32, #tpu.memory_space<vmem>>, vector<16xf32>,
        tpu.vector_store %arg10[%swap3A_1574, %swap3A_1575], %gather3A_1514 {strides = array<i32>} : memref<2x8192xf32, #tpu.memory_space<vmem>>, vector<16xf32>,
        %mul3A_1577 = arith.constant 1024 : i32
        %mul3A_1578 = arith.muli %scan3A_649, %mul3A_1577 : i32
        %add3A_1579 = arith.constant 256 : i32
        %add3A_1580 = arith.addi %mul3A_1578, %add3A_1579 : i32
        %add3A_1581 = arith.constant 64 : i32
        %add3A_1582 = arith.addi %add3A_1580, %add3A_1581 : i32
        %swap3A_1583 = arith.constant 0 : i32
        %swap3A_1584 = arith.index_cast %swap3A_1583 : i32 to index
        %swap3A_1585 = arith.index_cast %add3A_1582 : i32 to index
        %swap3A_1586 = tpu.vector_load %arg10[%swap3A_1584, %swap3A_1585] {strides = array<i32>} : memref<2x8192xf32, #tpu.memory_space<vmem>>, vector<16xf32>,
        tpu.vector_store %arg10[%swap3A_1584, %swap3A_1585], %gather3A_1517 {strides = array<i32>} : memref<2x8192xf32, #tpu.memory_space<vmem>>, vector<16xf32>,
        %mul3A_1587 = arith.constant 1024 : i32
        %mul3A_1588 = arith.muli %scan3A_649, %mul3A_1587 : i32
        %add3A_1589 = arith.constant 384 : i32
        %add3A_1590 = arith.addi %mul3A_1588, %add3A_1589 : i32
        %add3A_1591 = arith.constant 64 : i32
        %add3A_1592 = arith.addi %add3A_1590, %add3A_1591 : i32
        %swap3A_1593 = arith.constant 0 : i32
        %swap3A_1594 = arith.index_cast %swap3A_1593 : i32 to index
        %swap3A_1595 = arith.index_cast %add3A_1592 : i32 to index
        %swap3A_1596 = tpu.vector_load %arg10[%swap3A_1594, %swap3A_1595] {strides = array<i32>} : memref<2x8192xf32, #tpu.memory_space<vmem>>, vector<16xf32>,
        tpu.vector_store %arg10[%swap3A_1594, %swap3A_1595], %gather3A_1520 {strides = array<i32>} : memref<2x8192xf32, #tpu.memory_space<vmem>>, vector<16xf32>,
        %mul3A_1597 = arith.constant 1024 : i32
        %mul3A_1598 = arith.muli %scan3A_649, %mul3A_1597 : i32
        %add3A_1599 = arith.constant 512 : i32
        %add3A_1600 = arith.addi %mul3A_1598, %add3A_1599 : i32
        %add3A_1601 = arith.constant 64 : i32
        %add3A_1602 = arith.addi %add3A_1600, %add3A_1601 : i32
        %swap3A_1603 = arith.constant 0 : i32
        %swap3A_1604 = arith.index_cast %swap3A_1603 : i32 to index
        %swap3A_1605 = arith.index_cast %add3A_1602 : i32 to index
        %swap3A_1606 = tpu.vector_load %arg10[%swap3A_1604, %swap3A_1605] {strides = array<i32>} : memref<2x8192xf32, #tpu.memory_space<vmem>>, vector<16xf32>,
        tpu.vector_store %arg10[%swap3A_1604, %swap3A_1605], %gather3A_1523 {strides = array<i32>} : memref<2x8192xf32, #tpu.memory_space<vmem>>, vector<16xf32>,
        %mul3A_1607 = arith.constant 1024 : i32
        %mul3A_1608 = arith.muli %scan3A_649, %mul3A_1607 : i32
        %add3A_1609 = arith.constant 640 : i32
        %add3A_1610 = arith.addi %mul3A_1608, %add3A_1609 : i32
        %add3A_1611 = arith.constant 64 : i32
        %add3A_1612 = arith.addi %add3A_1610, %add3A_1611 : i32
        %swap3A_1613 = arith.constant 0 : i32
        %swap3A_1614 = arith.index_cast %swap3A_1613 : i32 to index
        %swap3A_1615 = arith.index_cast %add3A_1612 : i32 to index
        %swap3A_1616 = tpu.vector_load %arg10[%swap3A_1614, %swap3A_1615] {strides = array<i32>} : memref<2x8192xf32, #tpu.memory_space<vmem>>, vector<16xf32>,
        tpu.vector_store %arg10[%swap3A_1614, %swap3A_1615], %gather3A_1526 {strides = array<i32>} : memref<2x8192xf32, #tpu.memory_space<vmem>>, vector<16xf32>,
        %mul3A_1617 = arith.constant 1024 : i32
        %mul3A_1618 = arith.muli %scan3A_649, %mul3A_1617 : i32
        %add3A_1619 = arith.constant 768 : i32
        %add3A_1620 = arith.addi %mul3A_1618, %add3A_1619 : i32
        %add3A_1621 = arith.constant 64 : i32
        %add3A_1622 = arith.addi %add3A_1620, %add3A_1621 : i32
        %swap3A_1623 = arith.constant 0 : i32
        %swap3A_1624 = arith.index_cast %swap3A_1623 : i32 to index
        %swap3A_1625 = arith.index_cast %add3A_1622 : i32 to index
        %swap3A_1626 = tpu.vector_load %arg10[%swap3A_1624, %swap3A_1625] {strides = array<i32>} : memref<2x8192xf32, #tpu.memory_space<vmem>>, vector<16xf32>,
        tpu.vector_store %arg10[%swap3A_1624, %swap3A_1625], %gather3A_1529 {strides = array<i32>} : memref<2x8192xf32, #tpu.memory_space<vmem>>, vector<16xf32>,
        %mul3A_1627 = arith.constant 1024 : i32
        %mul3A_1628 = arith.muli %scan3A_649, %mul3A_1627 : i32
        %add3A_1629 = arith.constant 896 : i32
        %add3A_1630 = arith.addi %mul3A_1628, %add3A_1629 : i32
        %add3A_1631 = arith.constant 64 : i32
        %add3A_1632 = arith.addi %add3A_1630, %add3A_1631 : i32
        %swap3A_1633 = arith.constant 0 : i32
        %swap3A_1634 = arith.index_cast %swap3A_1633 : i32 to index
        %swap3A_1635 = arith.index_cast %add3A_1632 : i32 to index
        %swap3A_1636 = tpu.vector_load %arg10[%swap3A_1634, %swap3A_1635] {strides = array<i32>} : memref<2x8192xf32, #tpu.memory_space<vmem>>, vector<16xf32>,
        tpu.vector_store %arg10[%swap3A_1634, %swap3A_1635], %gather3A_1532 {strides = array<i32>} : memref<2x8192xf32, #tpu.memory_space<vmem>>, vector<16xf32>,
        %mul3A_1637 = arith.constant 1024 : i32
        %mul3A_1638 = arith.muli %scan3A_649, %mul3A_1637 : i32
        %add3A_1639 = arith.constant 0 : i32
        %add3A_1640 = arith.addi %mul3A_1638, %add3A_1639 : i32
        %add3A_1641 = arith.constant 64 : i32
        %add3A_1642 = arith.addi %add3A_1640, %add3A_1641 : i32
        %swap3A_1643 = arith.constant 1 : i32
        %swap3A_1644 = arith.index_cast %swap3A_1643 : i32 to index
        %swap3A_1645 = arith.index_cast %add3A_1642 : i32 to index
        %swap3A_1646 = tpu.vector_load %arg10[%swap3A_1644, %swap3A_1645] {strides = array<i32>} : memref<2x8192xf32, #tpu.memory_space<vmem>>, vector<16xf32>,
        tpu.vector_store %arg10[%swap3A_1644, %swap3A_1645], %gather3A_1535 {strides = array<i32>} : memref<2x8192xf32, #tpu.memory_space<vmem>>, vector<16xf32>,
        %mul3A_1647 = arith.constant 1024 : i32
        %mul3A_1648 = arith.muli %scan3A_649, %mul3A_1647 : i32
        %add3A_1649 = arith.constant 128 : i32
        %add3A_1650 = arith.addi %mul3A_1648, %add3A_1649 : i32
        %add3A_1651 = arith.constant 64 : i32
        %add3A_1652 = arith.addi %add3A_1650, %add3A_1651 : i32
        %swap3A_1653 = arith.constant 1 : i32
        %swap3A_1654 = arith.index_cast %swap3A_1653 : i32 to index
        %swap3A_1655 = arith.index_cast %add3A_1652 : i32 to index
        %swap3A_1656 = tpu.vector_load %arg10[%swap3A_1654, %swap3A_1655] {strides = array<i32>} : memref<2x8192xf32, #tpu.memory_space<vmem>>, vector<16xf32>,
        tpu.vector_store %arg10[%swap3A_1654, %swap3A_1655], %gather3A_1538 {strides = array<i32>} : memref<2x8192xf32, #tpu.memory_space<vmem>>, vector<16xf32>,
        %mul3A_1657 = arith.constant 1024 : i32
        %mul3A_1658 = arith.muli %scan3A_649, %mul3A_1657 : i32
        %add3A_1659 = arith.constant 256 : i32
        %add3A_1660 = arith.addi %mul3A_1658, %add3A_1659 : i32
        %add3A_1661 = arith.constant 64 : i32
        %add3A_1662 = arith.addi %add3A_1660, %add3A_1661 : i32
        %swap3A_1663 = arith.constant 1 : i32
        %swap3A_1664 = arith.index_cast %swap3A_1663 : i32 to index
        %swap3A_1665 = arith.index_cast %add3A_1662 : i32 to index
        %swap3A_1666 = tpu.vector_load %arg10[%swap3A_1664, %swap3A_1665] {strides = array<i32>} : memref<2x8192xf32, #tpu.memory_space<vmem>>, vector<16xf32>,
        tpu.vector_store %arg10[%swap3A_1664, %swap3A_1665], %gather3A_1541 {strides = array<i32>} : memref<2x8192xf32, #tpu.memory_space<vmem>>, vector<16xf32>,
        %mul3A_1667 = arith.constant 1024 : i32
        %mul3A_1668 = arith.muli %scan3A_649, %mul3A_1667 : i32
        %add3A_1669 = arith.constant 384 : i32
        %add3A_1670 = arith.addi %mul3A_1668, %add3A_1669 : i32
        %add3A_1671 = arith.constant 64 : i32
        %add3A_1672 = arith.addi %add3A_1670, %add3A_1671 : i32
        %swap3A_1673 = arith.constant 1 : i32
        %swap3A_1674 = arith.index_cast %swap3A_1673 : i32 to index
        %swap3A_1675 = arith.index_cast %add3A_1672 : i32 to index
        %swap3A_1676 = tpu.vector_load %arg10[%swap3A_1674, %swap3A_1675] {strides = array<i32>} : memref<2x8192xf32, #tpu.memory_space<vmem>>, vector<16xf32>,
        tpu.vector_store %arg10[%swap3A_1674, %swap3A_1675], %gather3A_1544 {strides = array<i32>} : memref<2x8192xf32, #tpu.memory_space<vmem>>, vector<16xf32>,
        %mul3A_1677 = arith.constant 1024 : i32
        %mul3A_1678 = arith.muli %scan3A_649, %mul3A_1677 : i32
        %add3A_1679 = arith.constant 512 : i32
        %add3A_1680 = arith.addi %mul3A_1678, %add3A_1679 : i32
        %add3A_1681 = arith.constant 64 : i32
        %add3A_1682 = arith.addi %add3A_1680, %add3A_1681 : i32
        %swap3A_1683 = arith.constant 1 : i32
        %swap3A_1684 = arith.index_cast %swap3A_1683 : i32 to index
        %swap3A_1685 = arith.index_cast %add3A_1682 : i32 to index
        %swap3A_1686 = tpu.vector_load %arg10[%swap3A_1684, %swap3A_1685] {strides = array<i32>} : memref<2x8192xf32, #tpu.memory_space<vmem>>, vector<16xf32>,
        tpu.vector_store %arg10[%swap3A_1684, %swap3A_1685], %gather3A_1547 {strides = array<i32>} : memref<2x8192xf32, #tpu.memory_space<vmem>>, vector<16xf32>,
        %mul3A_1687 = arith.constant 1024 : i32
        %mul3A_1688 = arith.muli %scan3A_649, %mul3A_1687 : i32
        %add3A_1689 = arith.constant 640 : i32
        %add3A_1690 = arith.addi %mul3A_1688, %add3A_1689 : i32
        %add3A_1691 = arith.constant 64 : i32
        %add3A_1692 = arith.addi %add3A_1690, %add3A_1691 : i32
        %swap3A_1693 = arith.constant 1 : i32
        %swap3A_1694 = arith.index_cast %swap3A_1693 : i32 to index
        %swap3A_1695 = arith.index_cast %add3A_1692 : i32 to index
        %swap3A_1696 = tpu.vector_load %arg10[%swap3A_1694, %swap3A_1695] {strides = array<i32>} : memref<2x8192xf32, #tpu.memory_space<vmem>>, vector<16xf32>,
        tpu.vector_store %arg10[%swap3A_1694, %swap3A_1695], %gather3A_1550 {strides = array<i32>} : memref<2x8192xf32, #tpu.memory_space<vmem>>, vector<16xf32>,
        %mul3A_1697 = arith.constant 1024 : i32
        %mul3A_1698 = arith.muli %scan3A_649, %mul3A_1697 : i32
        %add3A_1699 = arith.constant 768 : i32
        %add3A_1700 = arith.addi %mul3A_1698, %add3A_1699 : i32
        %add3A_1701 = arith.constant 64 : i32
        %add3A_1702 = arith.addi %add3A_1700, %add3A_1701 : i32
        %swap3A_1703 = arith.constant 1 : i32
        %swap3A_1704 = arith.index_cast %swap3A_1703 : i32 to index
        %swap3A_1705 = arith.index_cast %add3A_1702 : i32 to index
        %swap3A_1706 = tpu.vector_load %arg10[%swap3A_1704, %swap3A_1705] {strides = array<i32>} : memref<2x8192xf32, #tpu.memory_space<vmem>>, vector<16xf32>,
        tpu.vector_store %arg10[%swap3A_1704, %swap3A_1705], %gather3A_1553 {strides = array<i32>} : memref<2x8192xf32, #tpu.memory_space<vmem>>, vector<16xf32>,
        %mul3A_1707 = arith.constant 1024 : i32
        %mul3A_1708 = arith.muli %scan3A_649, %mul3A_1707 : i32
        %add3A_1709 = arith.constant 896 : i32
        %add3A_1710 = arith.addi %mul3A_1708, %add3A_1709 : i32
        %add3A_1711 = arith.constant 64 : i32
        %add3A_1712 = arith.addi %add3A_1710, %add3A_1711 : i32
        %swap3A_1713 = arith.constant 1 : i32
        %swap3A_1714 = arith.index_cast %swap3A_1713 : i32 to index
        %swap3A_1715 = arith.index_cast %add3A_1712 : i32 to index
        %swap3A_1716 = tpu.vector_load %arg10[%swap3A_1714, %swap3A_1715] {strides = array<i32>} : memref<2x8192xf32, #tpu.memory_space<vmem>>, vector<16xf32>,
        tpu.vector_store %arg10[%swap3A_1714, %swap3A_1715], %gather3A_1556 {strides = array<i32>} : memref<2x8192xf32, #tpu.memory_space<vmem>>, vector<16xf32>,
        %mul3A_1717 = arith.constant 128 : i32
        %mul3A_1718 = arith.muli %scan3A_649, %mul3A_1717 : i32
        %add3A_1719 = arith.constant 80 : i32
        %add3A_1720 = arith.addi %mul3A_1718, %add3A_1719 : i32
        %broadcast_in_dim3A_1721 = vector.broadcast %add3A_1720 : i32 to vector<16xi32>
        %add3A_1722 = arith.addi %broadcast_in_dim3A_1721, %iota3A : vector<16xi32>
        %broadcast_in_dim3A_1723 = arith.constant 0 : i32
        %broadcast_in_dim3A_1724 = vector.broadcast %broadcast_in_dim3A_1723 : i32 to vector<16xi32>
        %gather3A_1725 = tpu.vector_load_idx %arg8[%add3A_1722, %broadcast_in_dim3A_1724] : memref<1024x16xf32, #tpu.memory_space<vmem>>[vector<16xi32>, vector<16xi32>], vector<16xf32>,
        %broadcast_in_dim3A_1726 = arith.constant 1 : i32
        %broadcast_in_dim3A_1727 = vector.broadcast %broadcast_in_dim3A_1726 : i32 to vector<16xi32>
        %gather3A_1728 = tpu.vector_load_idx %arg8[%add3A_1722, %broadcast_in_dim3A_1727] : memref<1024x16xf32, #tpu.memory_space<vmem>>[vector<16xi32>, vector<16xi32>], vector<16xf32>,
        %broadcast_in_dim3A_1729 = arith.constant 2 : i32
        %broadcast_in_dim3A_1730 = vector.broadcast %broadcast_in_dim3A_1729 : i32 to vector<16xi32>
        %gather3A_1731 = tpu.vector_load_idx %arg8[%add3A_1722, %broadcast_in_dim3A_1730] : memref<1024x16xf32, #tpu.memory_space<vmem>>[vector<16xi32>, vector<16xi32>], vector<16xf32>,
        %broadcast_in_dim3A_1732 = arith.constant 3 : i32
        %broadcast_in_dim3A_1733 = vector.broadcast %broadcast_in_dim3A_1732 : i32 to vector<16xi32>
        %gather3A_1734 = tpu.vector_load_idx %arg8[%add3A_1722, %broadcast_in_dim3A_1733] : memref<1024x16xf32, #tpu.memory_space<vmem>>[vector<16xi32>, vector<16xi32>], vector<16xf32>,
        %broadcast_in_dim3A_1735 = arith.constant 4 : i32
        %broadcast_in_dim3A_1736 = vector.broadcast %broadcast_in_dim3A_1735 : i32 to vector<16xi32>
        %gather3A_1737 = tpu.vector_load_idx %arg8[%add3A_1722, %broadcast_in_dim3A_1736] : memref<1024x16xf32, #tpu.memory_space<vmem>>[vector<16xi32>, vector<16xi32>], vector<16xf32>,
        %broadcast_in_dim3A_1738 = arith.constant 5 : i32
        %broadcast_in_dim3A_1739 = vector.broadcast %broadcast_in_dim3A_1738 : i32 to vector<16xi32>
        %gather3A_1740 = tpu.vector_load_idx %arg8[%add3A_1722, %broadcast_in_dim3A_1739] : memref<1024x16xf32, #tpu.memory_space<vmem>>[vector<16xi32>, vector<16xi32>], vector<16xf32>,
        %broadcast_in_dim3A_1741 = arith.constant 6 : i32
        %broadcast_in_dim3A_1742 = vector.broadcast %broadcast_in_dim3A_1741 : i32 to vector<16xi32>
        %gather3A_1743 = tpu.vector_load_idx %arg8[%add3A_1722, %broadcast_in_dim3A_1742] : memref<1024x16xf32, #tpu.memory_space<vmem>>[vector<16xi32>, vector<16xi32>], vector<16xf32>,
        %broadcast_in_dim3A_1744 = arith.constant 7 : i32
        %broadcast_in_dim3A_1745 = vector.broadcast %broadcast_in_dim3A_1744 : i32 to vector<16xi32>
        %gather3A_1746 = tpu.vector_load_idx %arg8[%add3A_1722, %broadcast_in_dim3A_1745] : memref<1024x16xf32, #tpu.memory_space<vmem>>[vector<16xi32>, vector<16xi32>], vector<16xf32>,
        %broadcast_in_dim3A_1747 = arith.constant 8 : i32
        %broadcast_in_dim3A_1748 = vector.broadcast %broadcast_in_dim3A_1747 : i32 to vector<16xi32>
        %gather3A_1749 = tpu.vector_load_idx %arg8[%add3A_1722, %broadcast_in_dim3A_1748] : memref<1024x16xf32, #tpu.memory_space<vmem>>[vector<16xi32>, vector<16xi32>], vector<16xf32>,
        %broadcast_in_dim3A_1750 = arith.constant 9 : i32
        %broadcast_in_dim3A_1751 = vector.broadcast %broadcast_in_dim3A_1750 : i32 to vector<16xi32>
        %gather3A_1752 = tpu.vector_load_idx %arg8[%add3A_1722, %broadcast_in_dim3A_1751] : memref<1024x16xf32, #tpu.memory_space<vmem>>[vector<16xi32>, vector<16xi32>], vector<16xf32>,
        %broadcast_in_dim3A_1753 = arith.constant 10 : i32
        %broadcast_in_dim3A_1754 = vector.broadcast %broadcast_in_dim3A_1753 : i32 to vector<16xi32>
        %gather3A_1755 = tpu.vector_load_idx %arg8[%add3A_1722, %broadcast_in_dim3A_1754] : memref<1024x16xf32, #tpu.memory_space<vmem>>[vector<16xi32>, vector<16xi32>], vector<16xf32>,
        %broadcast_in_dim3A_1756 = arith.constant 11 : i32
        %broadcast_in_dim3A_1757 = vector.broadcast %broadcast_in_dim3A_1756 : i32 to vector<16xi32>
        %gather3A_1758 = tpu.vector_load_idx %arg8[%add3A_1722, %broadcast_in_dim3A_1757] : memref<1024x16xf32, #tpu.memory_space<vmem>>[vector<16xi32>, vector<16xi32>], vector<16xf32>,
        %broadcast_in_dim3A_1759 = arith.constant 12 : i32
        %broadcast_in_dim3A_1760 = vector.broadcast %broadcast_in_dim3A_1759 : i32 to vector<16xi32>
        %gather3A_1761 = tpu.vector_load_idx %arg8[%add3A_1722, %broadcast_in_dim3A_1760] : memref<1024x16xf32, #tpu.memory_space<vmem>>[vector<16xi32>, vector<16xi32>], vector<16xf32>,
        %broadcast_in_dim3A_1762 = arith.constant 13 : i32
        %broadcast_in_dim3A_1763 = vector.broadcast %broadcast_in_dim3A_1762 : i32 to vector<16xi32>
        %gather3A_1764 = tpu.vector_load_idx %arg8[%add3A_1722, %broadcast_in_dim3A_1763] : memref<1024x16xf32, #tpu.memory_space<vmem>>[vector<16xi32>, vector<16xi32>], vector<16xf32>,
        %broadcast_in_dim3A_1765 = arith.constant 14 : i32
        %broadcast_in_dim3A_1766 = vector.broadcast %broadcast_in_dim3A_1765 : i32 to vector<16xi32>
        %gather3A_1767 = tpu.vector_load_idx %arg8[%add3A_1722, %broadcast_in_dim3A_1766] : memref<1024x16xf32, #tpu.memory_space<vmem>>[vector<16xi32>, vector<16xi32>], vector<16xf32>,
        %broadcast_in_dim3A_1768 = arith.constant 15 : i32
        %broadcast_in_dim3A_1769 = vector.broadcast %broadcast_in_dim3A_1768 : i32 to vector<16xi32>
        %gather3A_1770 = tpu.vector_load_idx %arg8[%add3A_1722, %broadcast_in_dim3A_1769] : memref<1024x16xf32, #tpu.memory_space<vmem>>[vector<16xi32>, vector<16xi32>], vector<16xf32>,
        %mul3A_1771 = arith.constant 1024 : i32
        %mul3A_1772 = arith.muli %scan3A_649, %mul3A_1771 : i32
        %add3A_1773 = arith.constant 0 : i32
        %add3A_1774 = arith.addi %mul3A_1772, %add3A_1773 : i32
        %add3A_1775 = arith.constant 80 : i32
        %add3A_1776 = arith.addi %add3A_1774, %add3A_1775 : i32
        %swap3A_1777 = arith.constant 0 : i32
        %swap3A_1778 = arith.index_cast %swap3A_1777 : i32 to index
        %swap3A_1779 = arith.index_cast %add3A_1776 : i32 to index
        %swap3A_1780 = tpu.vector_load %arg10[%swap3A_1778, %swap3A_1779] {strides = array<i32>} : memref<2x8192xf32, #tpu.memory_space<vmem>>, vector<16xf32>,
        tpu.vector_store %arg10[%swap3A_1778, %swap3A_1779], %gather3A_1725 {strides = array<i32>} : memref<2x8192xf32, #tpu.memory_space<vmem>>, vector<16xf32>,
        %mul3A_1781 = arith.constant 1024 : i32
        %mul3A_1782 = arith.muli %scan3A_649, %mul3A_1781 : i32
        %add3A_1783 = arith.constant 128 : i32
        %add3A_1784 = arith.addi %mul3A_1782, %add3A_1783 : i32
        %add3A_1785 = arith.constant 80 : i32
        %add3A_1786 = arith.addi %add3A_1784, %add3A_1785 : i32
        %swap3A_1787 = arith.constant 0 : i32
        %swap3A_1788 = arith.index_cast %swap3A_1787 : i32 to index
        %swap3A_1789 = arith.index_cast %add3A_1786 : i32 to index
        %swap3A_1790 = tpu.vector_load %arg10[%swap3A_1788, %swap3A_1789] {strides = array<i32>} : memref<2x8192xf32, #tpu.memory_space<vmem>>, vector<16xf32>,
        tpu.vector_store %arg10[%swap3A_1788, %swap3A_1789], %gather3A_1728 {strides = array<i32>} : memref<2x8192xf32, #tpu.memory_space<vmem>>, vector<16xf32>,
        %mul3A_1791 = arith.constant 1024 : i32
        %mul3A_1792 = arith.muli %scan3A_649, %mul3A_1791 : i32
        %add3A_1793 = arith.constant 256 : i32
        %add3A_1794 = arith.addi %mul3A_1792, %add3A_1793 : i32
        %add3A_1795 = arith.constant 80 : i32
        %add3A_1796 = arith.addi %add3A_1794, %add3A_1795 : i32
        %swap3A_1797 = arith.constant 0 : i32
        %swap3A_1798 = arith.index_cast %swap3A_1797 : i32 to index
        %swap3A_1799 = arith.index_cast %add3A_1796 : i32 to index
        %swap3A_1800 = tpu.vector_load %arg10[%swap3A_1798, %swap3A_1799] {strides = array<i32>} : memref<2x8192xf32, #tpu.memory_space<vmem>>, vector<16xf32>,
        tpu.vector_store %arg10[%swap3A_1798, %swap3A_1799], %gather3A_1731 {strides = array<i32>} : memref<2x8192xf32, #tpu.memory_space<vmem>>, vector<16xf32>,
        %mul3A_1801 = arith.constant 1024 : i32
        %mul3A_1802 = arith.muli %scan3A_649, %mul3A_1801 : i32
        %add3A_1803 = arith.constant 384 : i32
        %add3A_1804 = arith.addi %mul3A_1802, %add3A_1803 : i32
        %add3A_1805 = arith.constant 80 : i32
        %add3A_1806 = arith.addi %add3A_1804, %add3A_1805 : i32
        %swap3A_1807 = arith.constant 0 : i32
        %swap3A_1808 = arith.index_cast %swap3A_1807 : i32 to index
        %swap3A_1809 = arith.index_cast %add3A_1806 : i32 to index
        %swap3A_1810 = tpu.vector_load %arg10[%swap3A_1808, %swap3A_1809] {strides = array<i32>} : memref<2x8192xf32, #tpu.memory_space<vmem>>, vector<16xf32>,
        tpu.vector_store %arg10[%swap3A_1808, %swap3A_1809], %gather3A_1734 {strides = array<i32>} : memref<2x8192xf32, #tpu.memory_space<vmem>>, vector<16xf32>,
        %mul3A_1811 = arith.constant 1024 : i32
        %mul3A_1812 = arith.muli %scan3A_649, %mul3A_1811 : i32
        %add3A_1813 = arith.constant 512 : i32
        %add3A_1814 = arith.addi %mul3A_1812, %add3A_1813 : i32
        %add3A_1815 = arith.constant 80 : i32
        %add3A_1816 = arith.addi %add3A_1814, %add3A_1815 : i32
        %swap3A_1817 = arith.constant 0 : i32
        %swap3A_1818 = arith.index_cast %swap3A_1817 : i32 to index
        %swap3A_1819 = arith.index_cast %add3A_1816 : i32 to index
        %swap3A_1820 = tpu.vector_load %arg10[%swap3A_1818, %swap3A_1819] {strides = array<i32>} : memref<2x8192xf32, #tpu.memory_space<vmem>>, vector<16xf32>,
        tpu.vector_store %arg10[%swap3A_1818, %swap3A_1819], %gather3A_1737 {strides = array<i32>} : memref<2x8192xf32, #tpu.memory_space<vmem>>, vector<16xf32>,
        %mul3A_1821 = arith.constant 1024 : i32
        %mul3A_1822 = arith.muli %scan3A_649, %mul3A_1821 : i32
        %add3A_1823 = arith.constant 640 : i32
        %add3A_1824 = arith.addi %mul3A_1822, %add3A_1823 : i32
        %add3A_1825 = arith.constant 80 : i32
        %add3A_1826 = arith.addi %add3A_1824, %add3A_1825 : i32
        %swap3A_1827 = arith.constant 0 : i32
        %swap3A_1828 = arith.index_cast %swap3A_1827 : i32 to index
        %swap3A_1829 = arith.index_cast %add3A_1826 : i32 to index
        %swap3A_1830 = tpu.vector_load %arg10[%swap3A_1828, %swap3A_1829] {strides = array<i32>} : memref<2x8192xf32, #tpu.memory_space<vmem>>, vector<16xf32>,
        tpu.vector_store %arg10[%swap3A_1828, %swap3A_1829], %gather3A_1740 {strides = array<i32>} : memref<2x8192xf32, #tpu.memory_space<vmem>>, vector<16xf32>,
        %mul3A_1831 = arith.constant 1024 : i32
        %mul3A_1832 = arith.muli %scan3A_649, %mul3A_1831 : i32
        %add3A_1833 = arith.constant 768 : i32
        %add3A_1834 = arith.addi %mul3A_1832, %add3A_1833 : i32
        %add3A_1835 = arith.constant 80 : i32
        %add3A_1836 = arith.addi %add3A_1834, %add3A_1835 : i32
        %swap3A_1837 = arith.constant 0 : i32
        %swap3A_1838 = arith.index_cast %swap3A_1837 : i32 to index
        %swap3A_1839 = arith.index_cast %add3A_1836 : i32 to index
        %swap3A_1840 = tpu.vector_load %arg10[%swap3A_1838, %swap3A_1839] {strides = array<i32>} : memref<2x8192xf32, #tpu.memory_space<vmem>>, vector<16xf32>,
        tpu.vector_store %arg10[%swap3A_1838, %swap3A_1839], %gather3A_1743 {strides = array<i32>} : memref<2x8192xf32, #tpu.memory_space<vmem>>, vector<16xf32>,
        %mul3A_1841 = arith.constant 1024 : i32
        %mul3A_1842 = arith.muli %scan3A_649, %mul3A_1841 : i32
        %add3A_1843 = arith.constant 896 : i32
        %add3A_1844 = arith.addi %mul3A_1842, %add3A_1843 : i32
        %add3A_1845 = arith.constant 80 : i32
        %add3A_1846 = arith.addi %add3A_1844, %add3A_1845 : i32
        %swap3A_1847 = arith.constant 0 : i32
        %swap3A_1848 = arith.index_cast %swap3A_1847 : i32 to index
        %swap3A_1849 = arith.index_cast %add3A_1846 : i32 to index
        %swap3A_1850 = tpu.vector_load %arg10[%swap3A_1848, %swap3A_1849] {strides = array<i32>} : memref<2x8192xf32, #tpu.memory_space<vmem>>, vector<16xf32>,
        tpu.vector_store %arg10[%swap3A_1848, %swap3A_1849], %gather3A_1746 {strides = array<i32>} : memref<2x8192xf32, #tpu.memory_space<vmem>>, vector<16xf32>,
        %mul3A_1851 = arith.constant 1024 : i32
        %mul3A_1852 = arith.muli %scan3A_649, %mul3A_1851 : i32
        %add3A_1853 = arith.constant 0 : i32
        %add3A_1854 = arith.addi %mul3A_1852, %add3A_1853 : i32
        %add3A_1855 = arith.constant 80 : i32
        %add3A_1856 = arith.addi %add3A_1854, %add3A_1855 : i32
        %swap3A_1857 = arith.constant 1 : i32
        %swap3A_1858 = arith.index_cast %swap3A_1857 : i32 to index
        %swap3A_1859 = arith.index_cast %add3A_1856 : i32 to index
        %swap3A_1860 = tpu.vector_load %arg10[%swap3A_1858, %swap3A_1859] {strides = array<i32>} : memref<2x8192xf32, #tpu.memory_space<vmem>>, vector<16xf32>,
        tpu.vector_store %arg10[%swap3A_1858, %swap3A_1859], %gather3A_1749 {strides = array<i32>} : memref<2x8192xf32, #tpu.memory_space<vmem>>, vector<16xf32>,
        %mul3A_1861 = arith.constant 1024 : i32
        %mul3A_1862 = arith.muli %scan3A_649, %mul3A_1861 : i32
        %add3A_1863 = arith.constant 128 : i32
        %add3A_1864 = arith.addi %mul3A_1862, %add3A_1863 : i32
        %add3A_1865 = arith.constant 80 : i32
        %add3A_1866 = arith.addi %add3A_1864, %add3A_1865 : i32
        %swap3A_1867 = arith.constant 1 : i32
        %swap3A_1868 = arith.index_cast %swap3A_1867 : i32 to index
        %swap3A_1869 = arith.index_cast %add3A_1866 : i32 to index
        %swap3A_1870 = tpu.vector_load %arg10[%swap3A_1868, %swap3A_1869] {strides = array<i32>} : memref<2x8192xf32, #tpu.memory_space<vmem>>, vector<16xf32>,
        tpu.vector_store %arg10[%swap3A_1868, %swap3A_1869], %gather3A_1752 {strides = array<i32>} : memref<2x8192xf32, #tpu.memory_space<vmem>>, vector<16xf32>,
        %mul3A_1871 = arith.constant 1024 : i32
        %mul3A_1872 = arith.muli %scan3A_649, %mul3A_1871 : i32
        %add3A_1873 = arith.constant 256 : i32
        %add3A_1874 = arith.addi %mul3A_1872, %add3A_1873 : i32
        %add3A_1875 = arith.constant 80 : i32
        %add3A_1876 = arith.addi %add3A_1874, %add3A_1875 : i32
        %swap3A_1877 = arith.constant 1 : i32
        %swap3A_1878 = arith.index_cast %swap3A_1877 : i32 to index
        %swap3A_1879 = arith.index_cast %add3A_1876 : i32 to index
        %swap3A_1880 = tpu.vector_load %arg10[%swap3A_1878, %swap3A_1879] {strides = array<i32>} : memref<2x8192xf32, #tpu.memory_space<vmem>>, vector<16xf32>,
        tpu.vector_store %arg10[%swap3A_1878, %swap3A_1879], %gather3A_1755 {strides = array<i32>} : memref<2x8192xf32, #tpu.memory_space<vmem>>, vector<16xf32>,
        %mul3A_1881 = arith.constant 1024 : i32
        %mul3A_1882 = arith.muli %scan3A_649, %mul3A_1881 : i32
        %add3A_1883 = arith.constant 384 : i32
        %add3A_1884 = arith.addi %mul3A_1882, %add3A_1883 : i32
        %add3A_1885 = arith.constant 80 : i32
        %add3A_1886 = arith.addi %add3A_1884, %add3A_1885 : i32
        %swap3A_1887 = arith.constant 1 : i32
        %swap3A_1888 = arith.index_cast %swap3A_1887 : i32 to index
        %swap3A_1889 = arith.index_cast %add3A_1886 : i32 to index
        %swap3A_1890 = tpu.vector_load %arg10[%swap3A_1888, %swap3A_1889] {strides = array<i32>} : memref<2x8192xf32, #tpu.memory_space<vmem>>, vector<16xf32>,
        tpu.vector_store %arg10[%swap3A_1888, %swap3A_1889], %gather3A_1758 {strides = array<i32>} : memref<2x8192xf32, #tpu.memory_space<vmem>>, vector<16xf32>,
        %mul3A_1891 = arith.constant 1024 : i32
        %mul3A_1892 = arith.muli %scan3A_649, %mul3A_1891 : i32
        %add3A_1893 = arith.constant 512 : i32
        %add3A_1894 = arith.addi %mul3A_1892, %add3A_1893 : i32
        %add3A_1895 = arith.constant 80 : i32
        %add3A_1896 = arith.addi %add3A_1894, %add3A_1895 : i32
        %swap3A_1897 = arith.constant 1 : i32
        %swap3A_1898 = arith.index_cast %swap3A_1897 : i32 to index
        %swap3A_1899 = arith.index_cast %add3A_1896 : i32 to index
        %swap3A_1900 = tpu.vector_load %arg10[%swap3A_1898, %swap3A_1899] {strides = array<i32>} : memref<2x8192xf32, #tpu.memory_space<vmem>>, vector<16xf32>,
        tpu.vector_store %arg10[%swap3A_1898, %swap3A_1899], %gather3A_1761 {strides = array<i32>} : memref<2x8192xf32, #tpu.memory_space<vmem>>, vector<16xf32>,
        %mul3A_1901 = arith.constant 1024 : i32
        %mul3A_1902 = arith.muli %scan3A_649, %mul3A_1901 : i32
        %add3A_1903 = arith.constant 640 : i32
        %add3A_1904 = arith.addi %mul3A_1902, %add3A_1903 : i32
        %add3A_1905 = arith.constant 80 : i32
        %add3A_1906 = arith.addi %add3A_1904, %add3A_1905 : i32
        %swap3A_1907 = arith.constant 1 : i32
        %swap3A_1908 = arith.index_cast %swap3A_1907 : i32 to index
        %swap3A_1909 = arith.index_cast %add3A_1906 : i32 to index
        %swap3A_1910 = tpu.vector_load %arg10[%swap3A_1908, %swap3A_1909] {strides = array<i32>} : memref<2x8192xf32, #tpu.memory_space<vmem>>, vector<16xf32>,
        tpu.vector_store %arg10[%swap3A_1908, %swap3A_1909], %gather3A_1764 {strides = array<i32>} : memref<2x8192xf32, #tpu.memory_space<vmem>>, vector<16xf32>,
        %mul3A_1911 = arith.constant 1024 : i32
        %mul3A_1912 = arith.muli %scan3A_649, %mul3A_1911 : i32
        %add3A_1913 = arith.constant 768 : i32
        %add3A_1914 = arith.addi %mul3A_1912, %add3A_1913 : i32
        %add3A_1915 = arith.constant 80 : i32
        %add3A_1916 = arith.addi %add3A_1914, %add3A_1915 : i32
        %swap3A_1917 = arith.constant 1 : i32
        %swap3A_1918 = arith.index_cast %swap3A_1917 : i32 to index
        %swap3A_1919 = arith.index_cast %add3A_1916 : i32 to index
        %swap3A_1920 = tpu.vector_load %arg10[%swap3A_1918, %swap3A_1919] {strides = array<i32>} : memref<2x8192xf32, #tpu.memory_space<vmem>>, vector<16xf32>,
        tpu.vector_store %arg10[%swap3A_1918, %swap3A_1919], %gather3A_1767 {strides = array<i32>} : memref<2x8192xf32, #tpu.memory_space<vmem>>, vector<16xf32>,
        %mul3A_1921 = arith.constant 1024 : i32
        %mul3A_1922 = arith.muli %scan3A_649, %mul3A_1921 : i32
        %add3A_1923 = arith.constant 896 : i32
        %add3A_1924 = arith.addi %mul3A_1922, %add3A_1923 : i32
        %add3A_1925 = arith.constant 80 : i32
        %add3A_1926 = arith.addi %add3A_1924, %add3A_1925 : i32
        %swap3A_1927 = arith.constant 1 : i32
        %swap3A_1928 = arith.index_cast %swap3A_1927 : i32 to index
        %swap3A_1929 = arith.index_cast %add3A_1926 : i32 to index
        %swap3A_1930 = tpu.vector_load %arg10[%swap3A_1928, %swap3A_1929] {strides = array<i32>} : memref<2x8192xf32, #tpu.memory_space<vmem>>, vector<16xf32>,
        tpu.vector_store %arg10[%swap3A_1928, %swap3A_1929], %gather3A_1770 {strides = array<i32>} : memref<2x8192xf32, #tpu.memory_space<vmem>>, vector<16xf32>,
        %mul3A_1931 = arith.constant 128 : i32
        %mul3A_1932 = arith.muli %scan3A_649, %mul3A_1931 : i32
        %add3A_1933 = arith.constant 96 : i32
        %add3A_1934 = arith.addi %mul3A_1932, %add3A_1933 : i32
        %broadcast_in_dim3A_1935 = vector.broadcast %add3A_1934 : i32 to vector<16xi32>
        %add3A_1936 = arith.addi %broadcast_in_dim3A_1935, %iota3A : vector<16xi32>
        %broadcast_in_dim3A_1937 = arith.constant 0 : i32
        %broadcast_in_dim3A_1938 = vector.broadcast %broadcast_in_dim3A_1937 : i32 to vector<16xi32>
        %gather3A_1939 = tpu.vector_load_idx %arg8[%add3A_1936, %broadcast_in_dim3A_1938] : memref<1024x16xf32, #tpu.memory_space<vmem>>[vector<16xi32>, vector<16xi32>], vector<16xf32>,
        %broadcast_in_dim3A_1940 = arith.constant 1 : i32
        %broadcast_in_dim3A_1941 = vector.broadcast %broadcast_in_dim3A_1940 : i32 to vector<16xi32>
        %gather3A_1942 = tpu.vector_load_idx %arg8[%add3A_1936, %broadcast_in_dim3A_1941] : memref<1024x16xf32, #tpu.memory_space<vmem>>[vector<16xi32>, vector<16xi32>], vector<16xf32>,
        %broadcast_in_dim3A_1943 = arith.constant 2 : i32
        %broadcast_in_dim3A_1944 = vector.broadcast %broadcast_in_dim3A_1943 : i32 to vector<16xi32>
        %gather3A_1945 = tpu.vector_load_idx %arg8[%add3A_1936, %broadcast_in_dim3A_1944] : memref<1024x16xf32, #tpu.memory_space<vmem>>[vector<16xi32>, vector<16xi32>], vector<16xf32>,
        %broadcast_in_dim3A_1946 = arith.constant 3 : i32
        %broadcast_in_dim3A_1947 = vector.broadcast %broadcast_in_dim3A_1946 : i32 to vector<16xi32>
        %gather3A_1948 = tpu.vector_load_idx %arg8[%add3A_1936, %broadcast_in_dim3A_1947] : memref<1024x16xf32, #tpu.memory_space<vmem>>[vector<16xi32>, vector<16xi32>], vector<16xf32>,
        %broadcast_in_dim3A_1949 = arith.constant 4 : i32
        %broadcast_in_dim3A_1950 = vector.broadcast %broadcast_in_dim3A_1949 : i32 to vector<16xi32>
        %gather3A_1951 = tpu.vector_load_idx %arg8[%add3A_1936, %broadcast_in_dim3A_1950] : memref<1024x16xf32, #tpu.memory_space<vmem>>[vector<16xi32>, vector<16xi32>], vector<16xf32>,
        %broadcast_in_dim3A_1952 = arith.constant 5 : i32
        %broadcast_in_dim3A_1953 = vector.broadcast %broadcast_in_dim3A_1952 : i32 to vector<16xi32>
        %gather3A_1954 = tpu.vector_load_idx %arg8[%add3A_1936, %broadcast_in_dim3A_1953] : memref<1024x16xf32, #tpu.memory_space<vmem>>[vector<16xi32>, vector<16xi32>], vector<16xf32>,
        %broadcast_in_dim3A_1955 = arith.constant 6 : i32
        %broadcast_in_dim3A_1956 = vector.broadcast %broadcast_in_dim3A_1955 : i32 to vector<16xi32>
        %gather3A_1957 = tpu.vector_load_idx %arg8[%add3A_1936, %broadcast_in_dim3A_1956] : memref<1024x16xf32, #tpu.memory_space<vmem>>[vector<16xi32>, vector<16xi32>], vector<16xf32>,
        %broadcast_in_dim3A_1958 = arith.constant 7 : i32
        %broadcast_in_dim3A_1959 = vector.broadcast %broadcast_in_dim3A_1958 : i32 to vector<16xi32>
        %gather3A_1960 = tpu.vector_load_idx %arg8[%add3A_1936, %broadcast_in_dim3A_1959] : memref<1024x16xf32, #tpu.memory_space<vmem>>[vector<16xi32>, vector<16xi32>], vector<16xf32>,
        %broadcast_in_dim3A_1961 = arith.constant 8 : i32
        %broadcast_in_dim3A_1962 = vector.broadcast %broadcast_in_dim3A_1961 : i32 to vector<16xi32>
        %gather3A_1963 = tpu.vector_load_idx %arg8[%add3A_1936, %broadcast_in_dim3A_1962] : memref<1024x16xf32, #tpu.memory_space<vmem>>[vector<16xi32>, vector<16xi32>], vector<16xf32>,
        %broadcast_in_dim3A_1964 = arith.constant 9 : i32
        %broadcast_in_dim3A_1965 = vector.broadcast %broadcast_in_dim3A_1964 : i32 to vector<16xi32>
        %gather3A_1966 = tpu.vector_load_idx %arg8[%add3A_1936, %broadcast_in_dim3A_1965] : memref<1024x16xf32, #tpu.memory_space<vmem>>[vector<16xi32>, vector<16xi32>], vector<16xf32>,
        %broadcast_in_dim3A_1967 = arith.constant 10 : i32
        %broadcast_in_dim3A_1968 = vector.broadcast %broadcast_in_dim3A_1967 : i32 to vector<16xi32>
        %gather3A_1969 = tpu.vector_load_idx %arg8[%add3A_1936, %broadcast_in_dim3A_1968] : memref<1024x16xf32, #tpu.memory_space<vmem>>[vector<16xi32>, vector<16xi32>], vector<16xf32>,
        %broadcast_in_dim3A_1970 = arith.constant 11 : i32
        %broadcast_in_dim3A_1971 = vector.broadcast %broadcast_in_dim3A_1970 : i32 to vector<16xi32>
        %gather3A_1972 = tpu.vector_load_idx %arg8[%add3A_1936, %broadcast_in_dim3A_1971] : memref<1024x16xf32, #tpu.memory_space<vmem>>[vector<16xi32>, vector<16xi32>], vector<16xf32>,
        %broadcast_in_dim3A_1973 = arith.constant 12 : i32
        %broadcast_in_dim3A_1974 = vector.broadcast %broadcast_in_dim3A_1973 : i32 to vector<16xi32>
        %gather3A_1975 = tpu.vector_load_idx %arg8[%add3A_1936, %broadcast_in_dim3A_1974] : memref<1024x16xf32, #tpu.memory_space<vmem>>[vector<16xi32>, vector<16xi32>], vector<16xf32>,
        %broadcast_in_dim3A_1976 = arith.constant 13 : i32
        %broadcast_in_dim3A_1977 = vector.broadcast %broadcast_in_dim3A_1976 : i32 to vector<16xi32>
        %gather3A_1978 = tpu.vector_load_idx %arg8[%add3A_1936, %broadcast_in_dim3A_1977] : memref<1024x16xf32, #tpu.memory_space<vmem>>[vector<16xi32>, vector<16xi32>], vector<16xf32>,
        %broadcast_in_dim3A_1979 = arith.constant 14 : i32
        %broadcast_in_dim3A_1980 = vector.broadcast %broadcast_in_dim3A_1979 : i32 to vector<16xi32>
        %gather3A_1981 = tpu.vector_load_idx %arg8[%add3A_1936, %broadcast_in_dim3A_1980] : memref<1024x16xf32, #tpu.memory_space<vmem>>[vector<16xi32>, vector<16xi32>], vector<16xf32>,
        %broadcast_in_dim3A_1982 = arith.constant 15 : i32
        %broadcast_in_dim3A_1983 = vector.broadcast %broadcast_in_dim3A_1982 : i32 to vector<16xi32>
        %gather3A_1984 = tpu.vector_load_idx %arg8[%add3A_1936, %broadcast_in_dim3A_1983] : memref<1024x16xf32, #tpu.memory_space<vmem>>[vector<16xi32>, vector<16xi32>], vector<16xf32>,
        %mul3A_1985 = arith.constant 1024 : i32
        %mul3A_1986 = arith.muli %scan3A_649, %mul3A_1985 : i32
        %add3A_1987 = arith.constant 0 : i32
        %add3A_1988 = arith.addi %mul3A_1986, %add3A_1987 : i32
        %add3A_1989 = arith.constant 96 : i32
        %add3A_1990 = arith.addi %add3A_1988, %add3A_1989 : i32
        %swap3A_1991 = arith.constant 0 : i32
        %swap3A_1992 = arith.index_cast %swap3A_1991 : i32 to index
        %swap3A_1993 = arith.index_cast %add3A_1990 : i32 to index
        %swap3A_1994 = tpu.vector_load %arg10[%swap3A_1992, %swap3A_1993] {strides = array<i32>} : memref<2x8192xf32, #tpu.memory_space<vmem>>, vector<16xf32>,
        tpu.vector_store %arg10[%swap3A_1992, %swap3A_1993], %gather3A_1939 {strides = array<i32>} : memref<2x8192xf32, #tpu.memory_space<vmem>>, vector<16xf32>,
        %mul3A_1995 = arith.constant 1024 : i32
        %mul3A_1996 = arith.muli %scan3A_649, %mul3A_1995 : i32
        %add3A_1997 = arith.constant 128 : i32
        %add3A_1998 = arith.addi %mul3A_1996, %add3A_1997 : i32
        %add3A_1999 = arith.constant 96 : i32
        %add3A_2000 = arith.addi %add3A_1998, %add3A_1999 : i32
        %swap3A_2001 = arith.constant 0 : i32
        %swap3A_2002 = arith.index_cast %swap3A_2001 : i32 to index
        %swap3A_2003 = arith.index_cast %add3A_2000 : i32 to index
        %swap3A_2004 = tpu.vector_load %arg10[%swap3A_2002, %swap3A_2003] {strides = array<i32>} : memref<2x8192xf32, #tpu.memory_space<vmem>>, vector<16xf32>,
        tpu.vector_store %arg10[%swap3A_2002, %swap3A_2003], %gather3A_1942 {strides = array<i32>} : memref<2x8192xf32, #tpu.memory_space<vmem>>, vector<16xf32>,
        %mul3A_2005 = arith.constant 1024 : i32
        %mul3A_2006 = arith.muli %scan3A_649, %mul3A_2005 : i32
        %add3A_2007 = arith.constant 256 : i32
        %add3A_2008 = arith.addi %mul3A_2006, %add3A_2007 : i32
        %add3A_2009 = arith.constant 96 : i32
        %add3A_2010 = arith.addi %add3A_2008, %add3A_2009 : i32
        %swap3A_2011 = arith.constant 0 : i32
        %swap3A_2012 = arith.index_cast %swap3A_2011 : i32 to index
        %swap3A_2013 = arith.index_cast %add3A_2010 : i32 to index
        %swap3A_2014 = tpu.vector_load %arg10[%swap3A_2012, %swap3A_2013] {strides = array<i32>} : memref<2x8192xf32, #tpu.memory_space<vmem>>, vector<16xf32>,
        tpu.vector_store %arg10[%swap3A_2012, %swap3A_2013], %gather3A_1945 {strides = array<i32>} : memref<2x8192xf32, #tpu.memory_space<vmem>>, vector<16xf32>,
        %mul3A_2015 = arith.constant 1024 : i32
        %mul3A_2016 = arith.muli %scan3A_649, %mul3A_2015 : i32
        %add3A_2017 = arith.constant 384 : i32
        %add3A_2018 = arith.addi %mul3A_2016, %add3A_2017 : i32
        %add3A_2019 = arith.constant 96 : i32
        %add3A_2020 = arith.addi %add3A_2018, %add3A_2019 : i32
        %swap3A_2021 = arith.constant 0 : i32
        %swap3A_2022 = arith.index_cast %swap3A_2021 : i32 to index
        %swap3A_2023 = arith.index_cast %add3A_2020 : i32 to index
        %swap3A_2024 = tpu.vector_load %arg10[%swap3A_2022, %swap3A_2023] {strides = array<i32>} : memref<2x8192xf32, #tpu.memory_space<vmem>>, vector<16xf32>,
        tpu.vector_store %arg10[%swap3A_2022, %swap3A_2023], %gather3A_1948 {strides = array<i32>} : memref<2x8192xf32, #tpu.memory_space<vmem>>, vector<16xf32>,
        %mul3A_2025 = arith.constant 1024 : i32
        %mul3A_2026 = arith.muli %scan3A_649, %mul3A_2025 : i32
        %add3A_2027 = arith.constant 512 : i32
        %add3A_2028 = arith.addi %mul3A_2026, %add3A_2027 : i32
        %add3A_2029 = arith.constant 96 : i32
        %add3A_2030 = arith.addi %add3A_2028, %add3A_2029 : i32
        %swap3A_2031 = arith.constant 0 : i32
        %swap3A_2032 = arith.index_cast %swap3A_2031 : i32 to index
        %swap3A_2033 = arith.index_cast %add3A_2030 : i32 to index
        %swap3A_2034 = tpu.vector_load %arg10[%swap3A_2032, %swap3A_2033] {strides = array<i32>} : memref<2x8192xf32, #tpu.memory_space<vmem>>, vector<16xf32>,
        tpu.vector_store %arg10[%swap3A_2032, %swap3A_2033], %gather3A_1951 {strides = array<i32>} : memref<2x8192xf32, #tpu.memory_space<vmem>>, vector<16xf32>,
        %mul3A_2035 = arith.constant 1024 : i32
        %mul3A_2036 = arith.muli %scan3A_649, %mul3A_2035 : i32
        %add3A_2037 = arith.constant 640 : i32
        %add3A_2038 = arith.addi %mul3A_2036, %add3A_2037 : i32
        %add3A_2039 = arith.constant 96 : i32
        %add3A_2040 = arith.addi %add3A_2038, %add3A_2039 : i32
        %swap3A_2041 = arith.constant 0 : i32
        %swap3A_2042 = arith.index_cast %swap3A_2041 : i32 to index
        %swap3A_2043 = arith.index_cast %add3A_2040 : i32 to index
        %swap3A_2044 = tpu.vector_load %arg10[%swap3A_2042, %swap3A_2043] {strides = array<i32>} : memref<2x8192xf32, #tpu.memory_space<vmem>>, vector<16xf32>,
        tpu.vector_store %arg10[%swap3A_2042, %swap3A_2043], %gather3A_1954 {strides = array<i32>} : memref<2x8192xf32, #tpu.memory_space<vmem>>, vector<16xf32>,
        %mul3A_2045 = arith.constant 1024 : i32
        %mul3A_2046 = arith.muli %scan3A_649, %mul3A_2045 : i32
        %add3A_2047 = arith.constant 768 : i32
        %add3A_2048 = arith.addi %mul3A_2046, %add3A_2047 : i32
        %add3A_2049 = arith.constant 96 : i32
        %add3A_2050 = arith.addi %add3A_2048, %add3A_2049 : i32
        %swap3A_2051 = arith.constant 0 : i32
        %swap3A_2052 = arith.index_cast %swap3A_2051 : i32 to index
        %swap3A_2053 = arith.index_cast %add3A_2050 : i32 to index
        %swap3A_2054 = tpu.vector_load %arg10[%swap3A_2052, %swap3A_2053] {strides = array<i32>} : memref<2x8192xf32, #tpu.memory_space<vmem>>, vector<16xf32>,
        tpu.vector_store %arg10[%swap3A_2052, %swap3A_2053], %gather3A_1957 {strides = array<i32>} : memref<2x8192xf32, #tpu.memory_space<vmem>>, vector<16xf32>,
        %mul3A_2055 = arith.constant 1024 : i32
        %mul3A_2056 = arith.muli %scan3A_649, %mul3A_2055 : i32
        %add3A_2057 = arith.constant 896 : i32
        %add3A_2058 = arith.addi %mul3A_2056, %add3A_2057 : i32
        %add3A_2059 = arith.constant 96 : i32
        %add3A_2060 = arith.addi %add3A_2058, %add3A_2059 : i32
        %swap3A_2061 = arith.constant 0 : i32
        %swap3A_2062 = arith.index_cast %swap3A_2061 : i32 to index
        %swap3A_2063 = arith.index_cast %add3A_2060 : i32 to index
        %swap3A_2064 = tpu.vector_load %arg10[%swap3A_2062, %swap3A_2063] {strides = array<i32>} : memref<2x8192xf32, #tpu.memory_space<vmem>>, vector<16xf32>,
        tpu.vector_store %arg10[%swap3A_2062, %swap3A_2063], %gather3A_1960 {strides = array<i32>} : memref<2x8192xf32, #tpu.memory_space<vmem>>, vector<16xf32>,
        %mul3A_2065 = arith.constant 1024 : i32
        %mul3A_2066 = arith.muli %scan3A_649, %mul3A_2065 : i32
        %add3A_2067 = arith.constant 0 : i32
        %add3A_2068 = arith.addi %mul3A_2066, %add3A_2067 : i32
        %add3A_2069 = arith.constant 96 : i32
        %add3A_2070 = arith.addi %add3A_2068, %add3A_2069 : i32
        %swap3A_2071 = arith.constant 1 : i32
        %swap3A_2072 = arith.index_cast %swap3A_2071 : i32 to index
        %swap3A_2073 = arith.index_cast %add3A_2070 : i32 to index
        %swap3A_2074 = tpu.vector_load %arg10[%swap3A_2072, %swap3A_2073] {strides = array<i32>} : memref<2x8192xf32, #tpu.memory_space<vmem>>, vector<16xf32>,
        tpu.vector_store %arg10[%swap3A_2072, %swap3A_2073], %gather3A_1963 {strides = array<i32>} : memref<2x8192xf32, #tpu.memory_space<vmem>>, vector<16xf32>,
        %mul3A_2075 = arith.constant 1024 : i32
        %mul3A_2076 = arith.muli %scan3A_649, %mul3A_2075 : i32
        %add3A_2077 = arith.constant 128 : i32
        %add3A_2078 = arith.addi %mul3A_2076, %add3A_2077 : i32
        %add3A_2079 = arith.constant 96 : i32
        %add3A_2080 = arith.addi %add3A_2078, %add3A_2079 : i32
        %swap3A_2081 = arith.constant 1 : i32
        %swap3A_2082 = arith.index_cast %swap3A_2081 : i32 to index
        %swap3A_2083 = arith.index_cast %add3A_2080 : i32 to index
        %swap3A_2084 = tpu.vector_load %arg10[%swap3A_2082, %swap3A_2083] {strides = array<i32>} : memref<2x8192xf32, #tpu.memory_space<vmem>>, vector<16xf32>,
        tpu.vector_store %arg10[%swap3A_2082, %swap3A_2083], %gather3A_1966 {strides = array<i32>} : memref<2x8192xf32, #tpu.memory_space<vmem>>, vector<16xf32>,
        %mul3A_2085 = arith.constant 1024 : i32
        %mul3A_2086 = arith.muli %scan3A_649, %mul3A_2085 : i32
        %add3A_2087 = arith.constant 256 : i32
        %add3A_2088 = arith.addi %mul3A_2086, %add3A_2087 : i32
        %add3A_2089 = arith.constant 96 : i32
        %add3A_2090 = arith.addi %add3A_2088, %add3A_2089 : i32
        %swap3A_2091 = arith.constant 1 : i32
        %swap3A_2092 = arith.index_cast %swap3A_2091 : i32 to index
        %swap3A_2093 = arith.index_cast %add3A_2090 : i32 to index
        %swap3A_2094 = tpu.vector_load %arg10[%swap3A_2092, %swap3A_2093] {strides = array<i32>} : memref<2x8192xf32, #tpu.memory_space<vmem>>, vector<16xf32>,
        tpu.vector_store %arg10[%swap3A_2092, %swap3A_2093], %gather3A_1969 {strides = array<i32>} : memref<2x8192xf32, #tpu.memory_space<vmem>>, vector<16xf32>,
        %mul3A_2095 = arith.constant 1024 : i32
        %mul3A_2096 = arith.muli %scan3A_649, %mul3A_2095 : i32
        %add3A_2097 = arith.constant 384 : i32
        %add3A_2098 = arith.addi %mul3A_2096, %add3A_2097 : i32
        %add3A_2099 = arith.constant 96 : i32
        %add3A_2100 = arith.addi %add3A_2098, %add3A_2099 : i32
        %swap3A_2101 = arith.constant 1 : i32
        %swap3A_2102 = arith.index_cast %swap3A_2101 : i32 to index
        %swap3A_2103 = arith.index_cast %add3A_2100 : i32 to index
        %swap3A_2104 = tpu.vector_load %arg10[%swap3A_2102, %swap3A_2103] {strides = array<i32>} : memref<2x8192xf32, #tpu.memory_space<vmem>>, vector<16xf32>,
        tpu.vector_store %arg10[%swap3A_2102, %swap3A_2103], %gather3A_1972 {strides = array<i32>} : memref<2x8192xf32, #tpu.memory_space<vmem>>, vector<16xf32>,
        %mul3A_2105 = arith.constant 1024 : i32
        %mul3A_2106 = arith.muli %scan3A_649, %mul3A_2105 : i32
        %add3A_2107 = arith.constant 512 : i32
        %add3A_2108 = arith.addi %mul3A_2106, %add3A_2107 : i32
        %add3A_2109 = arith.constant 96 : i32
        %add3A_2110 = arith.addi %add3A_2108, %add3A_2109 : i32
        %swap3A_2111 = arith.constant 1 : i32
        %swap3A_2112 = arith.index_cast %swap3A_2111 : i32 to index
        %swap3A_2113 = arith.index_cast %add3A_2110 : i32 to index
        %swap3A_2114 = tpu.vector_load %arg10[%swap3A_2112, %swap3A_2113] {strides = array<i32>} : memref<2x8192xf32, #tpu.memory_space<vmem>>, vector<16xf32>,
        tpu.vector_store %arg10[%swap3A_2112, %swap3A_2113], %gather3A_1975 {strides = array<i32>} : memref<2x8192xf32, #tpu.memory_space<vmem>>, vector<16xf32>,
        %mul3A_2115 = arith.constant 1024 : i32
        %mul3A_2116 = arith.muli %scan3A_649, %mul3A_2115 : i32
        %add3A_2117 = arith.constant 640 : i32
        %add3A_2118 = arith.addi %mul3A_2116, %add3A_2117 : i32
        %add3A_2119 = arith.constant 96 : i32
        %add3A_2120 = arith.addi %add3A_2118, %add3A_2119 : i32
        %swap3A_2121 = arith.constant 1 : i32
        %swap3A_2122 = arith.index_cast %swap3A_2121 : i32 to index
        %swap3A_2123 = arith.index_cast %add3A_2120 : i32 to index
        %swap3A_2124 = tpu.vector_load %arg10[%swap3A_2122, %swap3A_2123] {strides = array<i32>} : memref<2x8192xf32, #tpu.memory_space<vmem>>, vector<16xf32>,
        tpu.vector_store %arg10[%swap3A_2122, %swap3A_2123], %gather3A_1978 {strides = array<i32>} : memref<2x8192xf32, #tpu.memory_space<vmem>>, vector<16xf32>,
        %mul3A_2125 = arith.constant 1024 : i32
        %mul3A_2126 = arith.muli %scan3A_649, %mul3A_2125 : i32
        %add3A_2127 = arith.constant 768 : i32
        %add3A_2128 = arith.addi %mul3A_2126, %add3A_2127 : i32
        %add3A_2129 = arith.constant 96 : i32
        %add3A_2130 = arith.addi %add3A_2128, %add3A_2129 : i32
        %swap3A_2131 = arith.constant 1 : i32
        %swap3A_2132 = arith.index_cast %swap3A_2131 : i32 to index
        %swap3A_2133 = arith.index_cast %add3A_2130 : i32 to index
        %swap3A_2134 = tpu.vector_load %arg10[%swap3A_2132, %swap3A_2133] {strides = array<i32>} : memref<2x8192xf32, #tpu.memory_space<vmem>>, vector<16xf32>,
        tpu.vector_store %arg10[%swap3A_2132, %swap3A_2133], %gather3A_1981 {strides = array<i32>} : memref<2x8192xf32, #tpu.memory_space<vmem>>, vector<16xf32>,
        %mul3A_2135 = arith.constant 1024 : i32
        %mul3A_2136 = arith.muli %scan3A_649, %mul3A_2135 : i32
        %add3A_2137 = arith.constant 896 : i32
        %add3A_2138 = arith.addi %mul3A_2136, %add3A_2137 : i32
        %add3A_2139 = arith.constant 96 : i32
        %add3A_2140 = arith.addi %add3A_2138, %add3A_2139 : i32
        %swap3A_2141 = arith.constant 1 : i32
        %swap3A_2142 = arith.index_cast %swap3A_2141 : i32 to index
        %swap3A_2143 = arith.index_cast %add3A_2140 : i32 to index
        %swap3A_2144 = tpu.vector_load %arg10[%swap3A_2142, %swap3A_2143] {strides = array<i32>} : memref<2x8192xf32, #tpu.memory_space<vmem>>, vector<16xf32>,
        tpu.vector_store %arg10[%swap3A_2142, %swap3A_2143], %gather3A_1984 {strides = array<i32>} : memref<2x8192xf32, #tpu.memory_space<vmem>>, vector<16xf32>,
        %mul3A_2145 = arith.constant 128 : i32
        %mul3A_2146 = arith.muli %scan3A_649, %mul3A_2145 : i32
        %add3A_2147 = arith.constant 112 : i32
        %add3A_2148 = arith.addi %mul3A_2146, %add3A_2147 : i32
        %broadcast_in_dim3A_2149 = vector.broadcast %add3A_2148 : i32 to vector<16xi32>
        %add3A_2150 = arith.addi %broadcast_in_dim3A_2149, %iota3A : vector<16xi32>
        %broadcast_in_dim3A_2151 = arith.constant 0 : i32
        %broadcast_in_dim3A_2152 = vector.broadcast %broadcast_in_dim3A_2151 : i32 to vector<16xi32>
        %gather3A_2153 = tpu.vector_load_idx %arg8[%add3A_2150, %broadcast_in_dim3A_2152] : memref<1024x16xf32, #tpu.memory_space<vmem>>[vector<16xi32>, vector<16xi32>], vector<16xf32>,
        %broadcast_in_dim3A_2154 = arith.constant 1 : i32
        %broadcast_in_dim3A_2155 = vector.broadcast %broadcast_in_dim3A_2154 : i32 to vector<16xi32>
        %gather3A_2156 = tpu.vector_load_idx %arg8[%add3A_2150, %broadcast_in_dim3A_2155] : memref<1024x16xf32, #tpu.memory_space<vmem>>[vector<16xi32>, vector<16xi32>], vector<16xf32>,
        %broadcast_in_dim3A_2157 = arith.constant 2 : i32
        %broadcast_in_dim3A_2158 = vector.broadcast %broadcast_in_dim3A_2157 : i32 to vector<16xi32>
        %gather3A_2159 = tpu.vector_load_idx %arg8[%add3A_2150, %broadcast_in_dim3A_2158] : memref<1024x16xf32, #tpu.memory_space<vmem>>[vector<16xi32>, vector<16xi32>], vector<16xf32>,
        %broadcast_in_dim3A_2160 = arith.constant 3 : i32
        %broadcast_in_dim3A_2161 = vector.broadcast %broadcast_in_dim3A_2160 : i32 to vector<16xi32>
        %gather3A_2162 = tpu.vector_load_idx %arg8[%add3A_2150, %broadcast_in_dim3A_2161] : memref<1024x16xf32, #tpu.memory_space<vmem>>[vector<16xi32>, vector<16xi32>], vector<16xf32>,
        %broadcast_in_dim3A_2163 = arith.constant 4 : i32
        %broadcast_in_dim3A_2164 = vector.broadcast %broadcast_in_dim3A_2163 : i32 to vector<16xi32>
        %gather3A_2165 = tpu.vector_load_idx %arg8[%add3A_2150, %broadcast_in_dim3A_2164] : memref<1024x16xf32, #tpu.memory_space<vmem>>[vector<16xi32>, vector<16xi32>], vector<16xf32>,
        %broadcast_in_dim3A_2166 = arith.constant 5 : i32
        %broadcast_in_dim3A_2167 = vector.broadcast %broadcast_in_dim3A_2166 : i32 to vector<16xi32>
        %gather3A_2168 = tpu.vector_load_idx %arg8[%add3A_2150, %broadcast_in_dim3A_2167] : memref<1024x16xf32, #tpu.memory_space<vmem>>[vector<16xi32>, vector<16xi32>], vector<16xf32>,
        %broadcast_in_dim3A_2169 = arith.constant 6 : i32
        %broadcast_in_dim3A_2170 = vector.broadcast %broadcast_in_dim3A_2169 : i32 to vector<16xi32>
        %gather3A_2171 = tpu.vector_load_idx %arg8[%add3A_2150, %broadcast_in_dim3A_2170] : memref<1024x16xf32, #tpu.memory_space<vmem>>[vector<16xi32>, vector<16xi32>], vector<16xf32>,
        %broadcast_in_dim3A_2172 = arith.constant 7 : i32
        %broadcast_in_dim3A_2173 = vector.broadcast %broadcast_in_dim3A_2172 : i32 to vector<16xi32>
        %gather3A_2174 = tpu.vector_load_idx %arg8[%add3A_2150, %broadcast_in_dim3A_2173] : memref<1024x16xf32, #tpu.memory_space<vmem>>[vector<16xi32>, vector<16xi32>], vector<16xf32>,
        %broadcast_in_dim3A_2175 = arith.constant 8 : i32
        %broadcast_in_dim3A_2176 = vector.broadcast %broadcast_in_dim3A_2175 : i32 to vector<16xi32>
        %gather3A_2177 = tpu.vector_load_idx %arg8[%add3A_2150, %broadcast_in_dim3A_2176] : memref<1024x16xf32, #tpu.memory_space<vmem>>[vector<16xi32>, vector<16xi32>], vector<16xf32>,
        %broadcast_in_dim3A_2178 = arith.constant 9 : i32
        %broadcast_in_dim3A_2179 = vector.broadcast %broadcast_in_dim3A_2178 : i32 to vector<16xi32>
        %gather3A_2180 = tpu.vector_load_idx %arg8[%add3A_2150, %broadcast_in_dim3A_2179] : memref<1024x16xf32, #tpu.memory_space<vmem>>[vector<16xi32>, vector<16xi32>], vector<16xf32>,
        %broadcast_in_dim3A_2181 = arith.constant 10 : i32
        %broadcast_in_dim3A_2182 = vector.broadcast %broadcast_in_dim3A_2181 : i32 to vector<16xi32>
        %gather3A_2183 = tpu.vector_load_idx %arg8[%add3A_2150, %broadcast_in_dim3A_2182] : memref<1024x16xf32, #tpu.memory_space<vmem>>[vector<16xi32>, vector<16xi32>], vector<16xf32>,
        %broadcast_in_dim3A_2184 = arith.constant 11 : i32
        %broadcast_in_dim3A_2185 = vector.broadcast %broadcast_in_dim3A_2184 : i32 to vector<16xi32>
        %gather3A_2186 = tpu.vector_load_idx %arg8[%add3A_2150, %broadcast_in_dim3A_2185] : memref<1024x16xf32, #tpu.memory_space<vmem>>[vector<16xi32>, vector<16xi32>], vector<16xf32>,
        %broadcast_in_dim3A_2187 = arith.constant 12 : i32
        %broadcast_in_dim3A_2188 = vector.broadcast %broadcast_in_dim3A_2187 : i32 to vector<16xi32>
        %gather3A_2189 = tpu.vector_load_idx %arg8[%add3A_2150, %broadcast_in_dim3A_2188] : memref<1024x16xf32, #tpu.memory_space<vmem>>[vector<16xi32>, vector<16xi32>], vector<16xf32>,
        %broadcast_in_dim3A_2190 = arith.constant 13 : i32
        %broadcast_in_dim3A_2191 = vector.broadcast %broadcast_in_dim3A_2190 : i32 to vector<16xi32>
        %gather3A_2192 = tpu.vector_load_idx %arg8[%add3A_2150, %broadcast_in_dim3A_2191] : memref<1024x16xf32, #tpu.memory_space<vmem>>[vector<16xi32>, vector<16xi32>], vector<16xf32>,
        %broadcast_in_dim3A_2193 = arith.constant 14 : i32
        %broadcast_in_dim3A_2194 = vector.broadcast %broadcast_in_dim3A_2193 : i32 to vector<16xi32>
        %gather3A_2195 = tpu.vector_load_idx %arg8[%add3A_2150, %broadcast_in_dim3A_2194] : memref<1024x16xf32, #tpu.memory_space<vmem>>[vector<16xi32>, vector<16xi32>], vector<16xf32>,
        %broadcast_in_dim3A_2196 = arith.constant 15 : i32
        %broadcast_in_dim3A_2197 = vector.broadcast %broadcast_in_dim3A_2196 : i32 to vector<16xi32>
        %gather3A_2198 = tpu.vector_load_idx %arg8[%add3A_2150, %broadcast_in_dim3A_2197] : memref<1024x16xf32, #tpu.memory_space<vmem>>[vector<16xi32>, vector<16xi32>], vector<16xf32>,
        %mul3A_2199 = arith.constant 1024 : i32
        %mul3A_2200 = arith.muli %scan3A_649, %mul3A_2199 : i32
        %add3A_2201 = arith.constant 0 : i32
        %add3A_2202 = arith.addi %mul3A_2200, %add3A_2201 : i32
        %add3A_2203 = arith.constant 112 : i32
        %add3A_2204 = arith.addi %add3A_2202, %add3A_2203 : i32
        %swap3A_2205 = arith.constant 0 : i32
        %swap3A_2206 = arith.index_cast %swap3A_2205 : i32 to index
        %swap3A_2207 = arith.index_cast %add3A_2204 : i32 to index
        %swap3A_2208 = tpu.vector_load %arg10[%swap3A_2206, %swap3A_2207] {strides = array<i32>} : memref<2x8192xf32, #tpu.memory_space<vmem>>, vector<16xf32>,
        tpu.vector_store %arg10[%swap3A_2206, %swap3A_2207], %gather3A_2153 {strides = array<i32>} : memref<2x8192xf32, #tpu.memory_space<vmem>>, vector<16xf32>,
        %mul3A_2209 = arith.constant 1024 : i32
        %mul3A_2210 = arith.muli %scan3A_649, %mul3A_2209 : i32
        %add3A_2211 = arith.constant 128 : i32
        %add3A_2212 = arith.addi %mul3A_2210, %add3A_2211 : i32
        %add3A_2213 = arith.constant 112 : i32
        %add3A_2214 = arith.addi %add3A_2212, %add3A_2213 : i32
        %swap3A_2215 = arith.constant 0 : i32
        %swap3A_2216 = arith.index_cast %swap3A_2215 : i32 to index
        %swap3A_2217 = arith.index_cast %add3A_2214 : i32 to index
        %swap3A_2218 = tpu.vector_load %arg10[%swap3A_2216, %swap3A_2217] {strides = array<i32>} : memref<2x8192xf32, #tpu.memory_space<vmem>>, vector<16xf32>,
        tpu.vector_store %arg10[%swap3A_2216, %swap3A_2217], %gather3A_2156 {strides = array<i32>} : memref<2x8192xf32, #tpu.memory_space<vmem>>, vector<16xf32>,
        %mul3A_2219 = arith.constant 1024 : i32
        %mul3A_2220 = arith.muli %scan3A_649, %mul3A_2219 : i32
        %add3A_2221 = arith.constant 256 : i32
        %add3A_2222 = arith.addi %mul3A_2220, %add3A_2221 : i32
        %add3A_2223 = arith.constant 112 : i32
        %add3A_2224 = arith.addi %add3A_2222, %add3A_2223 : i32
        %swap3A_2225 = arith.constant 0 : i32
        %swap3A_2226 = arith.index_cast %swap3A_2225 : i32 to index
        %swap3A_2227 = arith.index_cast %add3A_2224 : i32 to index
        %swap3A_2228 = tpu.vector_load %arg10[%swap3A_2226, %swap3A_2227] {strides = array<i32>} : memref<2x8192xf32, #tpu.memory_space<vmem>>, vector<16xf32>,
        tpu.vector_store %arg10[%swap3A_2226, %swap3A_2227], %gather3A_2159 {strides = array<i32>} : memref<2x8192xf32, #tpu.memory_space<vmem>>, vector<16xf32>,
        %mul3A_2229 = arith.constant 1024 : i32
        %mul3A_2230 = arith.muli %scan3A_649, %mul3A_2229 : i32
        %add3A_2231 = arith.constant 384 : i32
        %add3A_2232 = arith.addi %mul3A_2230, %add3A_2231 : i32
        %add3A_2233 = arith.constant 112 : i32
        %add3A_2234 = arith.addi %add3A_2232, %add3A_2233 : i32
        %swap3A_2235 = arith.constant 0 : i32
        %swap3A_2236 = arith.index_cast %swap3A_2235 : i32 to index
        %swap3A_2237 = arith.index_cast %add3A_2234 : i32 to index
        %swap3A_2238 = tpu.vector_load %arg10[%swap3A_2236, %swap3A_2237] {strides = array<i32>} : memref<2x8192xf32, #tpu.memory_space<vmem>>, vector<16xf32>,
        tpu.vector_store %arg10[%swap3A_2236, %swap3A_2237], %gather3A_2162 {strides = array<i32>} : memref<2x8192xf32, #tpu.memory_space<vmem>>, vector<16xf32>,
        %mul3A_2239 = arith.constant 1024 : i32
        %mul3A_2240 = arith.muli %scan3A_649, %mul3A_2239 : i32
        %add3A_2241 = arith.constant 512 : i32
        %add3A_2242 = arith.addi %mul3A_2240, %add3A_2241 : i32
        %add3A_2243 = arith.constant 112 : i32
        %add3A_2244 = arith.addi %add3A_2242, %add3A_2243 : i32
        %swap3A_2245 = arith.constant 0 : i32
        %swap3A_2246 = arith.index_cast %swap3A_2245 : i32 to index
        %swap3A_2247 = arith.index_cast %add3A_2244 : i32 to index
        %swap3A_2248 = tpu.vector_load %arg10[%swap3A_2246, %swap3A_2247] {strides = array<i32>} : memref<2x8192xf32, #tpu.memory_space<vmem>>, vector<16xf32>,
        tpu.vector_store %arg10[%swap3A_2246, %swap3A_2247], %gather3A_2165 {strides = array<i32>} : memref<2x8192xf32, #tpu.memory_space<vmem>>, vector<16xf32>,
        %mul3A_2249 = arith.constant 1024 : i32
        %mul3A_2250 = arith.muli %scan3A_649, %mul3A_2249 : i32
        %add3A_2251 = arith.constant 640 : i32
        %add3A_2252 = arith.addi %mul3A_2250, %add3A_2251 : i32
        %add3A_2253 = arith.constant 112 : i32
        %add3A_2254 = arith.addi %add3A_2252, %add3A_2253 : i32
        %swap3A_2255 = arith.constant 0 : i32
        %swap3A_2256 = arith.index_cast %swap3A_2255 : i32 to index
        %swap3A_2257 = arith.index_cast %add3A_2254 : i32 to index
        %swap3A_2258 = tpu.vector_load %arg10[%swap3A_2256, %swap3A_2257] {strides = array<i32>} : memref<2x8192xf32, #tpu.memory_space<vmem>>, vector<16xf32>,
        tpu.vector_store %arg10[%swap3A_2256, %swap3A_2257], %gather3A_2168 {strides = array<i32>} : memref<2x8192xf32, #tpu.memory_space<vmem>>, vector<16xf32>,
        %mul3A_2259 = arith.constant 1024 : i32
        %mul3A_2260 = arith.muli %scan3A_649, %mul3A_2259 : i32
        %add3A_2261 = arith.constant 768 : i32
        %add3A_2262 = arith.addi %mul3A_2260, %add3A_2261 : i32
        %add3A_2263 = arith.constant 112 : i32
        %add3A_2264 = arith.addi %add3A_2262, %add3A_2263 : i32
        %swap3A_2265 = arith.constant 0 : i32
        %swap3A_2266 = arith.index_cast %swap3A_2265 : i32 to index
        %swap3A_2267 = arith.index_cast %add3A_2264 : i32 to index
        %swap3A_2268 = tpu.vector_load %arg10[%swap3A_2266, %swap3A_2267] {strides = array<i32>} : memref<2x8192xf32, #tpu.memory_space<vmem>>, vector<16xf32>,
        tpu.vector_store %arg10[%swap3A_2266, %swap3A_2267], %gather3A_2171 {strides = array<i32>} : memref<2x8192xf32, #tpu.memory_space<vmem>>, vector<16xf32>,
        %mul3A_2269 = arith.constant 1024 : i32
        %mul3A_2270 = arith.muli %scan3A_649, %mul3A_2269 : i32
        %add3A_2271 = arith.constant 896 : i32
        %add3A_2272 = arith.addi %mul3A_2270, %add3A_2271 : i32
        %add3A_2273 = arith.constant 112 : i32
        %add3A_2274 = arith.addi %add3A_2272, %add3A_2273 : i32
        %swap3A_2275 = arith.constant 0 : i32
        %swap3A_2276 = arith.index_cast %swap3A_2275 : i32 to index
        %swap3A_2277 = arith.index_cast %add3A_2274 : i32 to index
        %swap3A_2278 = tpu.vector_load %arg10[%swap3A_2276, %swap3A_2277] {strides = array<i32>} : memref<2x8192xf32, #tpu.memory_space<vmem>>, vector<16xf32>,
        tpu.vector_store %arg10[%swap3A_2276, %swap3A_2277], %gather3A_2174 {strides = array<i32>} : memref<2x8192xf32, #tpu.memory_space<vmem>>, vector<16xf32>,
        %mul3A_2279 = arith.constant 1024 : i32
        %mul3A_2280 = arith.muli %scan3A_649, %mul3A_2279 : i32
        %add3A_2281 = arith.constant 0 : i32
        %add3A_2282 = arith.addi %mul3A_2280, %add3A_2281 : i32
        %add3A_2283 = arith.constant 112 : i32
        %add3A_2284 = arith.addi %add3A_2282, %add3A_2283 : i32
        %swap3A_2285 = arith.constant 1 : i32
        %swap3A_2286 = arith.index_cast %swap3A_2285 : i32 to index
        %swap3A_2287 = arith.index_cast %add3A_2284 : i32 to index
        %swap3A_2288 = tpu.vector_load %arg10[%swap3A_2286, %swap3A_2287] {strides = array<i32>} : memref<2x8192xf32, #tpu.memory_space<vmem>>, vector<16xf32>,
        tpu.vector_store %arg10[%swap3A_2286, %swap3A_2287], %gather3A_2177 {strides = array<i32>} : memref<2x8192xf32, #tpu.memory_space<vmem>>, vector<16xf32>,
        %mul3A_2289 = arith.constant 1024 : i32
        %mul3A_2290 = arith.muli %scan3A_649, %mul3A_2289 : i32
        %add3A_2291 = arith.constant 128 : i32
        %add3A_2292 = arith.addi %mul3A_2290, %add3A_2291 : i32
        %add3A_2293 = arith.constant 112 : i32
        %add3A_2294 = arith.addi %add3A_2292, %add3A_2293 : i32
        %swap3A_2295 = arith.constant 1 : i32
        %swap3A_2296 = arith.index_cast %swap3A_2295 : i32 to index
        %swap3A_2297 = arith.index_cast %add3A_2294 : i32 to index
        %swap3A_2298 = tpu.vector_load %arg10[%swap3A_2296, %swap3A_2297] {strides = array<i32>} : memref<2x8192xf32, #tpu.memory_space<vmem>>, vector<16xf32>,
        tpu.vector_store %arg10[%swap3A_2296, %swap3A_2297], %gather3A_2180 {strides = array<i32>} : memref<2x8192xf32, #tpu.memory_space<vmem>>, vector<16xf32>,
        %mul3A_2299 = arith.constant 1024 : i32
        %mul3A_2300 = arith.muli %scan3A_649, %mul3A_2299 : i32
        %add3A_2301 = arith.constant 256 : i32
        %add3A_2302 = arith.addi %mul3A_2300, %add3A_2301 : i32
        %add3A_2303 = arith.constant 112 : i32
        %add3A_2304 = arith.addi %add3A_2302, %add3A_2303 : i32
        %swap3A_2305 = arith.constant 1 : i32
        %swap3A_2306 = arith.index_cast %swap3A_2305 : i32 to index
        %swap3A_2307 = arith.index_cast %add3A_2304 : i32 to index
        %swap3A_2308 = tpu.vector_load %arg10[%swap3A_2306, %swap3A_2307] {strides = array<i32>} : memref<2x8192xf32, #tpu.memory_space<vmem>>, vector<16xf32>,
        tpu.vector_store %arg10[%swap3A_2306, %swap3A_2307], %gather3A_2183 {strides = array<i32>} : memref<2x8192xf32, #tpu.memory_space<vmem>>, vector<16xf32>,
        %mul3A_2309 = arith.constant 1024 : i32
        %mul3A_2310 = arith.muli %scan3A_649, %mul3A_2309 : i32
        %add3A_2311 = arith.constant 384 : i32
        %add3A_2312 = arith.addi %mul3A_2310, %add3A_2311 : i32
        %add3A_2313 = arith.constant 112 : i32
        %add3A_2314 = arith.addi %add3A_2312, %add3A_2313 : i32
        %swap3A_2315 = arith.constant 1 : i32
        %swap3A_2316 = arith.index_cast %swap3A_2315 : i32 to index
        %swap3A_2317 = arith.index_cast %add3A_2314 : i32 to index
        %swap3A_2318 = tpu.vector_load %arg10[%swap3A_2316, %swap3A_2317] {strides = array<i32>} : memref<2x8192xf32, #tpu.memory_space<vmem>>, vector<16xf32>,
        tpu.vector_store %arg10[%swap3A_2316, %swap3A_2317], %gather3A_2186 {strides = array<i32>} : memref<2x8192xf32, #tpu.memory_space<vmem>>, vector<16xf32>,
        %mul3A_2319 = arith.constant 1024 : i32
        %mul3A_2320 = arith.muli %scan3A_649, %mul3A_2319 : i32
        %add3A_2321 = arith.constant 512 : i32
        %add3A_2322 = arith.addi %mul3A_2320, %add3A_2321 : i32
        %add3A_2323 = arith.constant 112 : i32
        %add3A_2324 = arith.addi %add3A_2322, %add3A_2323 : i32
        %swap3A_2325 = arith.constant 1 : i32
        %swap3A_2326 = arith.index_cast %swap3A_2325 : i32 to index
        %swap3A_2327 = arith.index_cast %add3A_2324 : i32 to index
        %swap3A_2328 = tpu.vector_load %arg10[%swap3A_2326, %swap3A_2327] {strides = array<i32>} : memref<2x8192xf32, #tpu.memory_space<vmem>>, vector<16xf32>,
        tpu.vector_store %arg10[%swap3A_2326, %swap3A_2327], %gather3A_2189 {strides = array<i32>} : memref<2x8192xf32, #tpu.memory_space<vmem>>, vector<16xf32>,
        %mul3A_2329 = arith.constant 1024 : i32
        %mul3A_2330 = arith.muli %scan3A_649, %mul3A_2329 : i32
        %add3A_2331 = arith.constant 640 : i32
        %add3A_2332 = arith.addi %mul3A_2330, %add3A_2331 : i32
        %add3A_2333 = arith.constant 112 : i32
        %add3A_2334 = arith.addi %add3A_2332, %add3A_2333 : i32
        %swap3A_2335 = arith.constant 1 : i32
        %swap3A_2336 = arith.index_cast %swap3A_2335 : i32 to index
        %swap3A_2337 = arith.index_cast %add3A_2334 : i32 to index
        %swap3A_2338 = tpu.vector_load %arg10[%swap3A_2336, %swap3A_2337] {strides = array<i32>} : memref<2x8192xf32, #tpu.memory_space<vmem>>, vector<16xf32>,
        tpu.vector_store %arg10[%swap3A_2336, %swap3A_2337], %gather3A_2192 {strides = array<i32>} : memref<2x8192xf32, #tpu.memory_space<vmem>>, vector<16xf32>,
        %mul3A_2339 = arith.constant 1024 : i32
        %mul3A_2340 = arith.muli %scan3A_649, %mul3A_2339 : i32
        %add3A_2341 = arith.constant 768 : i32
        %add3A_2342 = arith.addi %mul3A_2340, %add3A_2341 : i32
        %add3A_2343 = arith.constant 112 : i32
        %add3A_2344 = arith.addi %add3A_2342, %add3A_2343 : i32
        %swap3A_2345 = arith.constant 1 : i32
        %swap3A_2346 = arith.index_cast %swap3A_2345 : i32 to index
        %swap3A_2347 = arith.index_cast %add3A_2344 : i32 to index
        %swap3A_2348 = tpu.vector_load %arg10[%swap3A_2346, %swap3A_2347] {strides = array<i32>} : memref<2x8192xf32, #tpu.memory_space<vmem>>, vector<16xf32>,
        tpu.vector_store %arg10[%swap3A_2346, %swap3A_2347], %gather3A_2195 {strides = array<i32>} : memref<2x8192xf32, #tpu.memory_space<vmem>>, vector<16xf32>,
        %mul3A_2349 = arith.constant 1024 : i32
        %mul3A_2350 = arith.muli %scan3A_649, %mul3A_2349 : i32
        %add3A_2351 = arith.constant 896 : i32
        %add3A_2352 = arith.addi %mul3A_2350, %add3A_2351 : i32
        %add3A_2353 = arith.constant 112 : i32
        %add3A_2354 = arith.addi %add3A_2352, %add3A_2353 : i32
        %swap3A_2355 = arith.constant 1 : i32
        %swap3A_2356 = arith.index_cast %swap3A_2355 : i32 to index
        %swap3A_2357 = arith.index_cast %add3A_2354 : i32 to index
        %swap3A_2358 = tpu.vector_load %arg10[%swap3A_2356, %swap3A_2357] {strides = array<i32>} : memref<2x8192xf32, #tpu.memory_space<vmem>>, vector<16xf32>,
        tpu.vector_store %arg10[%swap3A_2356, %swap3A_2357], %gather3A_2198 {strides = array<i32>} : memref<2x8192xf32, #tpu.memory_space<vmem>>, vector<16xf32>,
      }
      %scan3A_523 = arith.constant 8 : i32
      %mul3A_524 = arith.constant 25 : i32
      %mul3A_525 = arith.muli %add3A, %mul3A_524 : i32
      %jit3A_526 = arith.constant 4 : i32
      %div3A_527 = arith.divsi %add3A_405, %jit3A_526 : i32
      %sign3A_528 = arith.constant 0 : i32
      %sign3A_529 = arith.cmpi sgt, %add3A_405, %sign3A_528 : i32
      %sign3A_530 = arith.extui %sign3A_529 : i1 to i32
      %sign3A_531 = arith.constant 0 : i32
      %sign3A_532 = arith.cmpi slt, %add3A_405, %sign3A_531 : i32
      %sign3A_533 = arith.extui %sign3A_532 : i1 to i32
      %sign3A_534 = arith.subi %sign3A_530, %sign3A_533 : i32
      %sign3A_535 = arith.constant 0 : i32
      %sign3A_536 = arith.cmpi sgt, %jit3A_526, %sign3A_535 : i32
      %sign3A_537 = arith.extui %sign3A_536 : i1 to i32
      %sign3A_538 = arith.constant 0 : i32
      %sign3A_539 = arith.cmpi slt, %jit3A_526, %sign3A_538 : i32
      %sign3A_540 = arith.extui %sign3A_539 : i1 to i32
      %sign3A_541 = arith.subi %sign3A_537, %sign3A_540 : i32
      %ne3A_542 = arith.cmpi ne, %sign3A_534, %sign3A_541 : i32
      %rem3A_543 = arith.remsi %add3A_405, %jit3A_526 : i32
      %ne3A_544 = arith.constant 0 : i32
      %ne3A_545 = arith.cmpi ne, %rem3A_543, %ne3A_544 : i32
      %and3A_546 = arith.andi %ne3A_542, %ne3A_545 : i1
      %sub3A_547 = arith.constant 1 : i32
      %sub3A_548 = arith.subi %div3A_527, %sub3A_547 : i32
      %select_n3A_549 = arith.select %and3A_546, %sub3A_548, %div3A_527 : i32
      %add3A_550 = arith.addi %mul3A_525, %select_n3A_549 : i32
      %jit3A_551 = arith.constant 4 : i32
      %eq3A_552 = arith.constant 0 : i32
      %eq3A_553 = arith.cmpi eq, %jit3A_551, %eq3A_552 : i32
      %jit3A_554 = arith.constant 1 : i32
      %select_n3A_555 = arith.select %eq3A_553, %jit3A_554, %jit3A_551 : i32
      %rem3A_556 = arith.remsi %add3A_405, %select_n3A_555 : i32
      %ne3A_557 = arith.constant 0 : i32
      %ne3A_558 = arith.cmpi ne, %rem3A_556, %ne3A_557 : i32
      %lt3A_559 = arith.constant 0 : i32
      %lt3A_560 = arith.cmpi slt, %rem3A_556, %lt3A_559 : i32
      %lt3A_561 = arith.constant 0 : i32
      %lt3A_562 = arith.cmpi slt, %select_n3A_555, %lt3A_561 : i32
      %ne3A_563 = arith.xori %lt3A_560, %lt3A_562 : i1
      %and3A_564 = arith.andi %ne3A_563, %ne3A_558 : i1
      %add3A_565 = arith.addi %rem3A_556, %select_n3A_555 : i32
      %select_n3A_566 = arith.select %and3A_564, %add3A_565, %rem3A_556 : i32
      %jit3A_567 = arith.constant 16 : i32
      %div3A_568 = arith.divsi %add3A_550, %jit3A_567 : i32
      %sign3A_569 = arith.constant 0 : i32
      %sign3A_570 = arith.cmpi sgt, %add3A_550, %sign3A_569 : i32
      %sign3A_571 = arith.extui %sign3A_570 : i1 to i32
      %sign3A_572 = arith.constant 0 : i32
      %sign3A_573 = arith.cmpi slt, %add3A_550, %sign3A_572 : i32
      %sign3A_574 = arith.extui %sign3A_573 : i1 to i32
      %sign3A_575 = arith.subi %sign3A_571, %sign3A_574 : i32
      %sign3A_576 = arith.constant 0 : i32
      %sign3A_577 = arith.cmpi sgt, %jit3A_567, %sign3A_576 : i32
      %sign3A_578 = arith.extui %sign3A_577 : i1 to i32
      %sign3A_579 = arith.constant 0 : i32
      %sign3A_580 = arith.cmpi slt, %jit3A_567, %sign3A_579 : i32
      %sign3A_581 = arith.extui %sign3A_580 : i1 to i32
      %sign3A_582 = arith.subi %sign3A_578, %sign3A_581 : i32
      %ne3A_583 = arith.cmpi ne, %sign3A_575, %sign3A_582 : i32
      %rem3A_584 = arith.remsi %add3A_550, %jit3A_567 : i32
      %ne3A_585 = arith.constant 0 : i32
      %ne3A_586 = arith.cmpi ne, %rem3A_584, %ne3A_585 : i32
      %and3A_587 = arith.andi %ne3A_583, %ne3A_586 : i1
      %sub3A_588 = arith.constant 1 : i32
      %sub3A_589 = arith.subi %div3A_568, %sub3A_588 : i32
      %select_n3A_590 = arith.select %and3A_587, %sub3A_589, %div3A_568 : i32
      %jit3A_591 = arith.constant 16 : i32
      %eq3A_592 = arith.constant 0 : i32
      %eq3A_593 = arith.cmpi eq, %jit3A_591, %eq3A_592 : i32
      %jit3A_594 = arith.constant 1 : i32
      %select_n3A_595 = arith.select %eq3A_593, %jit3A_594, %jit3A_591 : i32
      %rem3A_596 = arith.remsi %add3A_550, %select_n3A_595 : i32
      %ne3A_597 = arith.constant 0 : i32
      %ne3A_598 = arith.cmpi ne, %rem3A_596, %ne3A_597 : i32
      %lt3A_599 = arith.constant 0 : i32
      %lt3A_600 = arith.cmpi slt, %rem3A_596, %lt3A_599 : i32
      %lt3A_601 = arith.constant 0 : i32
      %lt3A_602 = arith.cmpi slt, %select_n3A_595, %lt3A_601 : i32
      %ne3A_603 = arith.xori %lt3A_600, %lt3A_602 : i1
      %and3A_604 = arith.andi %ne3A_603, %ne3A_598 : i1
      %add3A_605 = arith.addi %rem3A_596, %select_n3A_595 : i32
      %select_n3A_606 = arith.select %and3A_604, %add3A_605, %rem3A_596 : i32
      %mul3A_607 = arith.constant 2 : i32
      %mul3A_608 = arith.muli %select_n3A_566, %mul3A_607 : i32
      %add3A_609 = arith.constant 0 : i32
      %add3A_610 = arith.addi %mul3A_608, %add3A_609 : i32
      %mul3A_611 = arith.constant 1048576 : i32
      %mul3A_612 = arith.muli %select_n3A_590, %mul3A_611 : i32
      %mul3A_613 = arith.constant 131072 : i32
      %mul3A_614 = arith.muli %add3A_610, %mul3A_613 : i32
      %add3A_615 = arith.addi %mul3A_612, %mul3A_614 : i32
      %mul3A_616 = arith.constant 8192 : i32
      %mul3A_617 = arith.muli %select_n3A_606, %mul3A_616 : i32
      %add3A_618 = arith.addi %add3A_615, %mul3A_617 : i32
      %dma_start3A_619 = arith.constant 0 : i32
      %dma_start3A_620 = arith.constant 0 : i32
      %dma_start3A_621 = tpu.memref_slice %arg10[%dma_start3A_619, %dma_start3A_620] : memref<2x8192xf32, #tpu.memory_space<vmem>> -> memref<1x8192xf32, #tpu.memory_space<vmem>>
      %dma_start3A_622 = tpu.memref_squeeze %dma_start3A_621 : memref<1x8192xf32, #tpu.memory_space<vmem>> -> memref<8192xf32, #tpu.memory_space<vmem>>
      %dma_start3A_623 = tpu.memref_slice %arg4[%add3A_618] : memref<52428800xf32, #tpu.memory_space<hbm>> -> memref<8192xf32, #tpu.memory_space<hbm>>
      %dma_start3A_624 = tpu.memref_slice %arg4[%add3A_618] : memref<52428800xf32, #tpu.memory_space<hbm>> -> memref<8192xf32, #tpu.memory_space<hbm>>
      %dma_start3A_625 = arith.constant 0 : i32
      %dma_start3A_626 = tpu.memref_slice %arg10[%dma_start3A_619, %dma_start3A_625] : memref<2x8192xf32, #tpu.memory_space<vmem>> -> memref<1x8192xf32, #tpu.memory_space<vmem>>
      %dma_start3A_627 = tpu.memref_squeeze %dma_start3A_626 : memref<1x8192xf32, #tpu.memory_space<vmem>> -> memref<8192xf32, #tpu.memory_space<vmem>>
      tpu.enqueue_dma source(%dma_start3A_627 : memref<8192xf32, #tpu.memory_space<vmem>>) target(%dma_start3A_624 : memref<8192xf32, #tpu.memory_space<hbm>>) target_semaphore(%arg14 : memref<!tpu.dma_semaphore, #tpu.memory_space<semaphore_mem>>)
      %mul3A_628 = arith.constant 2 : i32
      %mul3A_629 = arith.muli %select_n3A_566, %mul3A_628 : i32
      %add3A_630 = arith.constant 1 : i32
      %add3A_631 = arith.addi %mul3A_629, %add3A_630 : i32
      %mul3A_632 = arith.constant 1048576 : i32
      %mul3A_633 = arith.muli %select_n3A_590, %mul3A_632 : i32
      %mul3A_634 = arith.constant 131072 : i32
      %mul3A_635 = arith.muli %add3A_631, %mul3A_634 : i32
      %add3A_636 = arith.addi %mul3A_633, %mul3A_635 : i32
      %mul3A_637 = arith.constant 8192 : i32
      %mul3A_638 = arith.muli %select_n3A_606, %mul3A_637 : i32
      %add3A_639 = arith.addi %add3A_636, %mul3A_638 : i32
      %dma_start3A_640 = arith.constant 1 : i32
      %dma_start3A_641 = arith.constant 0 : i32
      %dma_start3A_642 = tpu.memref_slice %arg10[%dma_start3A_640, %dma_start3A_641] : memref<2x8192xf32, #tpu.memory_space<vmem>> -> memref<1x8192xf32, #tpu.memory_space<vmem>>
      %dma_start3A_643 = tpu.memref_squeeze %dma_start3A_642 : memref<1x8192xf32, #tpu.memory_space<vmem>> -> memref<8192xf32, #tpu.memory_space<vmem>>
      %dma_start3A_644 = tpu.memref_slice %arg4[%add3A_639] : memref<52428800xf32, #tpu.memory_space<hbm>> -> memref<8192xf32, #tpu.memory_space<hbm>>
      %dma_start3A_645 = tpu.memref_slice %arg4[%add3A_639] : memref<52428800xf32, #tpu.memory_space<hbm>> -> memref<8192xf32, #tpu.memory_space<hbm>>
      %dma_start3A_646 = arith.constant 0 : i32
      %dma_start3A_647 = tpu.memref_slice %arg10[%dma_start3A_640, %dma_start3A_646] : memref<2x8192xf32, #tpu.memory_space<vmem>> -> memref<1x8192xf32, #tpu.memory_space<vmem>>
      %dma_start3A_648 = tpu.memref_squeeze %dma_start3A_647 : memref<1x8192xf32, #tpu.memory_space<vmem>> -> memref<8192xf32, #tpu.memory_space<vmem>>
      tpu.enqueue_dma source(%dma_start3A_648 : memref<8192xf32, #tpu.memory_space<vmem>>) target(%dma_start3A_645 : memref<8192xf32, #tpu.memory_space<hbm>>) target_semaphore(%arg14 : memref<!tpu.dma_semaphore, #tpu.memory_space<semaphore_mem>>)
    }
    %scan3A_106 = arith.constant 50 : i32
    %dma_wait3A_107 = arith.constant 0 : i32
    %dma_wait3A_108 = arith.constant 0 : i32
    %dma_wait3A_109 = tpu.memref_slice %arg2[%dma_wait3A_107, %dma_wait3A_108] : memref<32768x16xf32, #tpu.memory_space<hbm>> -> memref<32768x16xf32, #tpu.memory_space<hbm>>
    tpu.wait_indirect_dma semaphore(%arg11 : memref<!tpu.dma_semaphore, #tpu.memory_space<semaphore_mem>>) src(%dma_wait3A_109 : memref<32768x16xf32, #tpu.memory_space<hbm>>) dst(%arg7 : memref<1024x16xf32, #tpu.memory_space<vmem>>)
    %dma_wait3A_110 = arith.constant 0 : i32
    %dma_wait3A_111 = tpu.memref_slice %arg3[%dma_wait3A_110] : memref<3276800xi32, #tpu.memory_space<hbm>> -> memref<1024xi32, #tpu.memory_space<hbm>>
    %dma_wait3A_112 = arith.constant 0 : i32
    %dma_wait3A_113 = tpu.memref_slice %arg3[%dma_wait3A_112] : memref<3276800xi32, #tpu.memory_space<hbm>> -> memref<1024xi32, #tpu.memory_space<hbm>>
    tpu.wait_dma2 semaphore(%arg16 : memref<!tpu.dma_semaphore, #tpu.memory_space<semaphore_mem>>) src(%dma_wait3A_113 : memref<1024xi32, #tpu.memory_space<hbm>>) dst(%arg6 : memref<1024xi32, #tpu.memory_space<vmem>>)
    %dma_wait3A_114 = arith.constant 0 : i32
    %dma_wait3A_115 = arith.constant 0 : i32
    %dma_wait3A_116 = tpu.memref_slice %arg9[%dma_wait3A_114, %dma_wait3A_115] : memref<2x8192xf32, #tpu.memory_space<vmem>> -> memref<1x8192xf32, #tpu.memory_space<vmem>>
    %dma_wait3A_117 = tpu.memref_squeeze %dma_wait3A_116 : memref<1x8192xf32, #tpu.memory_space<vmem>> -> memref<8192xf32, #tpu.memory_space<vmem>>
    %dma_wait3A_118 = arith.constant 0 : i32
    %dma_wait3A_119 = tpu.memref_slice %arg4[%dma_wait3A_118] : memref<52428800xf32, #tpu.memory_space<hbm>> -> memref<8192xf32, #tpu.memory_space<hbm>>
    %dma_wait3A_120 = arith.constant 0 : i32
    %dma_wait3A_121 = tpu.memref_slice %arg4[%dma_wait3A_120] : memref<52428800xf32, #tpu.memory_space<hbm>> -> memref<8192xf32, #tpu.memory_space<hbm>>
    %dma_wait3A_122 = arith.constant 0 : i32
    %dma_wait3A_123 = tpu.memref_slice %arg9[%dma_wait3A_114, %dma_wait3A_122] : memref<2x8192xf32, #tpu.memory_space<vmem>> -> memref<1x8192xf32, #tpu.memory_space<vmem>>
    %dma_wait3A_124 = tpu.memref_squeeze %dma_wait3A_123 : memref<1x8192xf32, #tpu.memory_space<vmem>> -> memref<8192xf32, #tpu.memory_space<vmem>>
    tpu.wait_dma2 semaphore(%arg13 : memref<!tpu.dma_semaphore, #tpu.memory_space<semaphore_mem>>) src(%dma_wait3A_124 : memref<8192xf32, #tpu.memory_space<vmem>>) dst(%dma_wait3A_121 : memref<8192xf32, #tpu.memory_space<hbm>>)
    %dma_wait3A_125 = arith.constant 1 : i32
    %dma_wait3A_126 = arith.constant 0 : i32
    %dma_wait3A_127 = tpu.memref_slice %arg9[%dma_wait3A_125, %dma_wait3A_126] : memref<2x8192xf32, #tpu.memory_space<vmem>> -> memref<1x8192xf32, #tpu.memory_space<vmem>>
    %dma_wait3A_128 = tpu.memref_squeeze %dma_wait3A_127 : memref<1x8192xf32, #tpu.memory_space<vmem>> -> memref<8192xf32, #tpu.memory_space<vmem>>
    %dma_wait3A_129 = arith.constant 0 : i32
    %dma_wait3A_130 = tpu.memref_slice %arg4[%dma_wait3A_129] : memref<52428800xf32, #tpu.memory_space<hbm>> -> memref<8192xf32, #tpu.memory_space<hbm>>
    %dma_wait3A_131 = arith.constant 0 : i32
    %dma_wait3A_132 = tpu.memref_slice %arg4[%dma_wait3A_131] : memref<52428800xf32, #tpu.memory_space<hbm>> -> memref<8192xf32, #tpu.memory_space<hbm>>
    %dma_wait3A_133 = arith.constant 0 : i32
    %dma_wait3A_134 = tpu.memref_slice %arg9[%dma_wait3A_125, %dma_wait3A_133] : memref<2x8192xf32, #tpu.memory_space<vmem>> -> memref<1x8192xf32, #tpu.memory_space<vmem>>
    %dma_wait3A_135 = tpu.memref_squeeze %dma_wait3A_134 : memref<1x8192xf32, #tpu.memory_space<vmem>> -> memref<8192xf32, #tpu.memory_space<vmem>>
    tpu.wait_dma2 semaphore(%arg13 : memref<!tpu.dma_semaphore, #tpu.memory_space<semaphore_mem>>) src(%dma_wait3A_135 : memref<8192xf32, #tpu.memory_space<vmem>>) dst(%dma_wait3A_132 : memref<8192xf32, #tpu.memory_space<hbm>>)
    %dma_wait3A_136 = arith.constant 0 : i32
    %dma_wait3A_137 = arith.constant 0 : i32
    %dma_wait3A_138 = tpu.memref_slice %arg10[%dma_wait3A_136, %dma_wait3A_137] : memref<2x8192xf32, #tpu.memory_space<vmem>> -> memref<1x8192xf32, #tpu.memory_space<vmem>>
    %dma_wait3A_139 = tpu.memref_squeeze %dma_wait3A_138 : memref<1x8192xf32, #tpu.memory_space<vmem>> -> memref<8192xf32, #tpu.memory_space<vmem>>
    %dma_wait3A_140 = arith.constant 0 : i32
    %dma_wait3A_141 = tpu.memref_slice %arg4[%dma_wait3A_140] : memref<52428800xf32, #tpu.memory_space<hbm>> -> memref<8192xf32, #tpu.memory_space<hbm>>
    %dma_wait3A_142 = arith.constant 0 : i32
    %dma_wait3A_143 = tpu.memref_slice %arg4[%dma_wait3A_142] : memref<52428800xf32, #tpu.memory_space<hbm>> -> memref<8192xf32, #tpu.memory_space<hbm>>
    %dma_wait3A_144 = arith.constant 0 : i32
    %dma_wait3A_145 = tpu.memref_slice %arg10[%dma_wait3A_136, %dma_wait3A_144] : memref<2x8192xf32, #tpu.memory_space<vmem>> -> memref<1x8192xf32, #tpu.memory_space<vmem>>
    %dma_wait3A_146 = tpu.memref_squeeze %dma_wait3A_145 : memref<1x8192xf32, #tpu.memory_space<vmem>> -> memref<8192xf32, #tpu.memory_space<vmem>>
    tpu.wait_dma2 semaphore(%arg14 : memref<!tpu.dma_semaphore, #tpu.memory_space<semaphore_mem>>) src(%dma_wait3A_146 : memref<8192xf32, #tpu.memory_space<vmem>>) dst(%dma_wait3A_143 : memref<8192xf32, #tpu.memory_space<hbm>>)
    %dma_wait3A_147 = arith.constant 1 : i32
    %dma_wait3A_148 = arith.constant 0 : i32
    %dma_wait3A_149 = tpu.memref_slice %arg10[%dma_wait3A_147, %dma_wait3A_148] : memref<2x8192xf32, #tpu.memory_space<vmem>> -> memref<1x8192xf32, #tpu.memory_space<vmem>>
    %dma_wait3A_150 = tpu.memref_squeeze %dma_wait3A_149 : memref<1x8192xf32, #tpu.memory_space<vmem>> -> memref<8192xf32, #tpu.memory_space<vmem>>
    %dma_wait3A_151 = arith.constant 0 : i32
    %dma_wait3A_152 = tpu.memref_slice %arg4[%dma_wait3A_151] : memref<52428800xf32, #tpu.memory_space<hbm>> -> memref<8192xf32, #tpu.memory_space<hbm>>
    %dma_wait3A_153 = arith.constant 0 : i32
    %dma_wait3A_154 = tpu.memref_slice %arg4[%dma_wait3A_153] : memref<52428800xf32, #tpu.memory_space<hbm>> -> memref<8192xf32, #tpu.memory_space<hbm>>
    %dma_wait3A_155 = arith.constant 0 : i32
    %dma_wait3A_156 = tpu.memref_slice %arg10[%dma_wait3A_147, %dma_wait3A_155] : memref<2x8192xf32, #tpu.memory_space<vmem>> -> memref<1x8192xf32, #tpu.memory_space<vmem>>
    %dma_wait3A_157 = tpu.memref_squeeze %dma_wait3A_156 : memref<1x8192xf32, #tpu.memory_space<vmem>> -> memref<8192xf32, #tpu.memory_space<vmem>>
    tpu.wait_dma2 semaphore(%arg14 : memref<!tpu.dma_semaphore, #tpu.memory_space<semaphore_mem>>) src(%dma_wait3A_157 : memref<8192xf32, #tpu.memory_space<vmem>>) dst(%dma_wait3A_154 : memref<8192xf32, #tpu.memory_space<hbm>>)
    return
  }
}

</mosaic_0001>

<sc_bundles>
// kernel: kernel.3.cloned.1.call-start
scs
__scs_entry_jumppad:
0x0: {  	(pc) =	sbr.rel $0x88, $3  }
0x1: {  	(tag) =	ssettag $0x0;
	lr =	simm.s32 $0x1  }
0x2: {  	[smem:$0x3F9F] =	sst lr;
	_ =	strace $0xD0000000  }
0x3: {  	_ = 	snop  }
0x4: {  	_ = 	snop  }
0x5: {  	_ = 	snop  }
0x6: {  	_ = 	snop  }
0x7: {  	_ = 	snop  }
__scs_overlays_trampoline_lowered:
0x8: {  	[smem:$0x3FAE] =	sst s0  }
0x9: {  	[smem:$0x3FAF] =	sst s1  }
0xa: {  	[smem:$0x3FB0] =	sst s2  }
0xb: {  	[smem:$0x3FB1] =	sst s3  }
0xc: {  	[smem:$0x3FB2] =	sst s4  }
0xd: {  	[smem:$0x3FB3] =	sst s5  }
0xe: {  	[smem:$0x3FB4] =	sst s6  }
0xf: {  	[smem:$0x3FB5] =	sst s7  }
0x10: {  	[smem:$0x3FB6] =	sst s8  }
0x11: {  	[smem:$0x3FB7] =	sst s9;
	s0 =	simm.s32 @!p0 $0x0  }
0x12: {  	s1 =	sld [smem:$0x3F9D];
	s0 =	simm.s32 @p0 $0x1  }
0x13: {  	[smem:$0x3FB8] =	sst s0;
	s0 =	simm.s32 @!p1 $0x0  }
0x14: {  	s2 =	sld [smem:$0x3F9C];
	s0 =	simm.s32 @p1 $0x1  }
0x15: {  	[smem:$0x3FB9] =	sst s0;
	s0 =	simm.s32 @!p2 $0x0  }
0x16: {  	s3 =	sld [smem:$0x3FDB];
	s0 =	simm.s32 @p2 $0x1  }
0x17: {  	s4 =	simm.s32 $0x1BF5;
	[smem:$0x3FBB] =	sst s0  }
0x18: {  	s0 =	sld [smem:$0x3F9E];
	_ =	swait.ge [sflag:s4], $0x0  }
0x19: {  	s7 =	sld [smem:$0x3F9F]  }
0x1a: {  	s8 =	sadd.s32 $0xFFFFE003, lr  }
0x1b: {  	s9 =	sadd.s32 $0xFFFFFEF7, lr;
	s5 =	simm.s32 $0xFFFFFFFF;
	p2 =	slt.u32 s8, $0xFFFFF086  }
0x1c: {  	p1 =	slt.u32 s9, $0xF7A;
	s5 =	simm.s32 @!p2 $0x0  }
0x1d: {  	s5 =	simm.s32 @p1 $0x1;
	p0 =	seq.s32 s7, s2  }
0x1e: {  	s7 =	smul.u32 @!p0 $0xF7A, s2;
	p2 =	seq.s32 @!p0 s5, $0x0  }
0x1f: {  	s9 =	smul.u32 $0xF7A, s1;
	s8 =	simm.s32 @!p0 $0x1BF5;
	p2 =	por !p2, p0  }
0x20: {  	[sflag:s8] =	ssyncset.s32 @!p0 $0xFFFFF086;
	s6 =	sadd.s32 @!p0 s3, s7;
	s7 =	simm.s32 @!p0 $0x108  }
0x21: {  	s3 =	sadd.s32 s3, s9;
	s6 =	sadd.s32 @!p0 $0x88, s6;
	s7 =	simm.s32 @p2 $0x1082  }
0x22: {  	[simem:s7], [sflag:s8] =	dma.local @!p0 [hbm:s6], $0xF7A  }
0x23: {  	s9 =	sor.u32 $0xD0000000, s2;
	s6 =	simm.s32 $0x108;
	_ =	swait.ge @!p0 [sflag:s8], $0x0  }
0x24: {  	s3 =	sadd.s32 $0x88, s3;
	s6 =	simm.s32 @!p1 $0x1082;
	[sflag:s4] =	ssyncset.s32 $0xFFFFF086  }
0x25: {  	[simem:s6], [sflag:s4] =	dma.local [hbm:s3], $0xF7A  }
0x26: {  	[smem:$0x3F9F] =	sst s1;
	(tag) =	ssettag s2;
	_ =	strace s9  }
0x27: {  	s1 =	sld [smem:$0x3FAF]  }
0x28: {  	s2 =	sld [smem:$0x3FB0]  }
0x29: {  	s4 =	sld [smem:$0x3FB2]  }
0x2a: {  	p0 =	seq.s32 s5, $0x0;
	s5 =	sld [smem:$0x3FB3]  }
0x2b: {  	s6 =	sld [smem:$0x3FB4]  }
0x2c: {  	s7 =	sld [smem:$0x3FB5]  }
0x2d: {  	s3 =	simm.s32 $0x108;
	s8 =	sld [smem:$0x3FB6]  }
0x2e: {  	s3 =	simm.s32 @!p0 $0x1082;
	s9 =	sld [smem:$0x3FB7]  }
0x2f: {  	lr =	sadd.s32 s0, s3;
	s0 =	sld [smem:$0x3FAE]  }
0x30: {  	s3 =	sld [smem:$0x3FB1]  }
0x31: {  	[smem:$0x3FBA] =	sst s10  }
0x32: {  	s10 =	sld [smem:$0x3FB8];
	_ =	sdelay $0x3  }
0x33: {  	p0 =	seq.s32 s10, $0x1;
	s10 =	sld [smem:$0x3FBA];
	_ =	sdelay $0x3  }
0x34: {  	[smem:$0x3FBA] =	sst s10  }
0x35: {  	s10 =	sld [smem:$0x3FB9];
	_ =	sdelay $0x3  }
0x36: {  	p1 =	seq.s32 s10, $0x1;
	s10 =	sld [smem:$0x3FBA];
	_ =	sdelay $0x3  }
0x37: {  	[smem:$0x3FBA] =	sst s10  }
0x38: {  	s10 =	sld [smem:$0x3FBB]  }
0x39: {  	_ = 	snop;
	(pc) =	sbr.ind lr, $3  }
0x3a: {  	_ = 	snop  }
0x3b: {  	_ = 	snop  }
0x3c: {  	p2 =	seq.s32 s10, $0x1;
	s10 =	sld [smem:$0x3FBA]  }
0x3d: {  	_ =	shalt  }
0x3e: {  	_ =	shalt  }
0x3f: {  	_ =	shalt  }
0x40: {  	_ =	shalt  }
0x41: {  	_ =	shalt  }
0x42: {  	_ =	shalt  }
0x43: {  	_ =	shalt  }
0x44: {  	_ =	shalt  }
0x45: {  	_ =	shalt  }
0x46: {  	_ =	shalt  }
0x47: {  	_ =	shalt  }
0x48: {  	_ =	shalt  }
0x49: {  	_ =	shalt  }
0x4a: {  	_ =	shalt  }
0x4b: {  	_ =	shalt  }
0x4c: {  	_ =	shalt  }
0x4d: {  	_ =	shalt  }
0x4e: {  	_ =	shalt  }
0x4f: {  	_ =	shalt  }
0x50: {  	_ =	shalt  }
0x51: {  	_ =	shalt  }
0x52: {  	_ =	shalt  }
0x53: {  	_ =	shalt  }
0x54: {  	_ =	shalt  }
0x55: {  	_ =	shalt  }
0x56: {  	_ =	shalt  }
0x57: {  	_ =	shalt  }
0x58: {  	_ =	shalt  }
0x59: {  	_ =	shalt  }
0x5a: {  	_ =	shalt  }
0x5b: {  	_ =	shalt  }
0x5c: {  	_ =	shalt  }
0x5d: {  	_ =	shalt  }
0x5e: {  	_ =	shalt  }
0x5f: {  	_ =	shalt  }
0x60: {  	_ =	shalt  }
0x61: {  	_ =	shalt  }
0x62: {  	_ =	shalt  }
0x63: {  	_ =	shalt  }
0x64: {  	_ =	shalt  }
0x65: {  	_ =	shalt  }
0x66: {  	_ =	shalt  }
0x67: {  	_ =	shalt  }
0x68: {  	_ =	shalt  }
0x69: {  	_ =	shalt  }
0x6a: {  	_ =	shalt  }
0x6b: {  	_ =	shalt  }
0x6c: {  	_ =	shalt  }
0x6d: {  	_ =	shalt  }
0x6e: {  	_ =	shalt  }
0x6f: {  	_ =	shalt  }
0x70: {  	_ =	shalt  }
0x71: {  	_ =	shalt  }
0x72: {  	_ =	shalt  }
0x73: {  	_ =	shalt  }
0x74: {  	_ =	shalt  }
0x75: {  	_ =	shalt  }
0x76: {  	_ =	shalt  }
0x77: {  	_ =	shalt  }
0x78: {  	_ =	shalt  }
0x79: {  	_ =	shalt  }
0x7a: {  	_ =	shalt  }
0x7b: {  	_ =	shalt  }
0x7c: {  	_ =	shalt  }
0x7d: {  	_ =	shalt  }
0x7e: {  	_ =	shalt  }
0x7f: {  	_ =	shalt  }
0x80: {  	_ =	shalt  }
0x81: {  	_ =	shalt  }
0x82: {  	_ =	shalt  }
0x83: {  	_ =	shalt  }
0x84: {  	_ =	shalt  }
0x85: {  	_ =	shalt  }
0x86: {  	_ =	shalt  }
0x87: {  	_ =	shalt  }
.Lfunc_end0:
.L_simem_size_0:
called_computation_lowered:
.L_overlay_start_0:
0x88: {  	s2 =	sld [smem:$0x3FD9]  }
0x89: {  	s3 =	sld [smem:$0x3FFE];
	_ =	sdelay $0x1  }
0x8a: {  	s1 =	srdreg.scid  }
0x8b: {  	s0 =	sand.u32 $0x1, s1  }
0x8c: {  	s17 =	sshll.u32 s0, $0xA;
	s2 =	sadd.s32 s3, s2  }
0x8d: {  	s2 =	sadd.s32 s2, s17  }
0x8e: {  	[smem:$0x3FC6] =	sst s2  }
0x8f: {  	_ = 	snop  }
0x90: {  	s2 =	sld [smem:$0x3FD0];
	(tm) =	ssettm $0x1  }
0x91: {  	s18 =	sld [smem:$0x3FFB];
	_ =	sdelay $0x3  }
0x92: {  	_ =	strace s18  }
0x93: {  	s3 =	sld [smem:$0x3FFC];
	_ =	sdelay $0x3  }
0x94: {  	_ =	strace s3  }
0x95: {  	s3 =	sld [smem:$0x3FFD];
	_ =	sdelay $0x3  }
0x96: {  	_ =	strace s3  }
0x97: {  	_ =	strace $0x8FFFFFFF  }
0x98: {  	s19 =	sld [smem:$0x3FDB];
	_ =	sdelay $0x1  }
0x99: {  	s4 =	simm.s32 $_scs_section_size  }
0x9a: {  	s5 =	simm.s32 $_size__tile_overlayer_lowered;
	s6 =	simm.s32 $_tile_overlayer_lowered  }
0x9b: {  	s22 =	simm.s32 $0x1BFF;
	s21 =	sshll.u32 s6, $0x1;
	s3 =	sadd.s32 s4, s19  }
0x9c: {  	s7 =	simm.s32 $0x0;
	s20 =	sshll.u32 s5, $0x1;
	s5 =	sadd.s32 s21, s3  }
0x9d: {  	[timem:s7], [sflag:s22] =	dma.local [hbm:s5], s20  }
0x9e: {  	_ =	swait.ge [sflag:s22], s20  }
0x9f: {  	s4 =	ssub.s32 $0x0, s20;
	[sflag:s22] =	ssyncset.done $0x0  }
0xa0: {  	[sflag:s22] =	ssyncadd.s32 s4;
	_ =	sdelay $0x1  }
0xa1: {  	s23 =	simm.s32 $0x1B8B  }
0xa2: {  	_ =	swait.ge [sflag:s23], $0x1  }
0xa3: {  	[sflag:s23] =	ssyncset.done $0x0  }
0xa4: {  	s25 =	simm.s32 $0x1B8E;
	s24 =	sld [smem:$0x3FFE];
	[sflag:s23] =	ssyncadd.s32 $0xFFFFFFFF  }
0xa5: {  	s26 =	simm.s32 $execute0_lowered;
	[smem:$0x3FD2] =	sst s25  }
0xa6: {  	s5 =	sshll.u32 s26, $0x1;
	_ =	strace $0x80000046;
	[dreg:$0x1] =	wrdreg $0xFFFFFFFF  }
0xa7: {  	s28 =	simm.s32 $_size_execute0_lowered;
	s3 =	sadd.s32 s3, s5;
	[dreg:$0x0] =	wrdreg $0x0  }
0xa8: {  	s5 =	sshll.u32 s28, $0x1;
	[dreg:$0x2] =	wrdreg s3  }
0xa9: {  	[dreg:$0x3] =	wrdreg s5  }
0xaa: {  	[dreg:$0x4] =	wrdreg $0xC0  }
0xab: {  	_ =	task [dreg:s7], $0x5FFFF  }
0xac: {  	[dreg:$0x1] =	wrdreg $0xFFFFFFFF  }
0xad: {  	[dreg:$0x0] =	wrdreg $0x60  }
0xae: {  	[dreg:$0x2] =	wrdreg s24  }
0xaf: {  	[dreg:$0x3] =	wrdreg s2  }
0xb0: {  	[dreg:$0x4] =	wrdreg $0x9  }
0xb1: {  	_ =	task.clear_ibuf [dreg:s7], $0x5FFFF;
	_ =	strace $0x90000046  }
0xb2: {  	s29 =	simm.s32 $0x9;
	_ =	strace $0x80000048  }
0xb3: {  	_ =	swait.ge [sflag:s29], $0x1  }
0xb4: {  	[sflag:s29] =	ssyncadd.s32 $0xFFFFFFFF  }
0xb5: {  	_ =	strace $0x90000048  }
0xb6: {  	_ =	sfence  }
0xb7: {  	s30 =	sld [smem:$0x0];
	_ =	sdelay $0x2  }
0xb8: {  	s31 =	sshll.u32 s1, $0xD;
	s1 =	sshrl.u32 s1, $0x2  }
0xb9: {  	s3 =	sand.u32 $0x4000, s31;
	s1 =	sadd.s32 s1, s30  }
0xba: {  	s0 =	sor.u32 s3, s0;
	s1 =	sshll.u32 s1, $0x11  }
0xbb: {  	s0 =	sor.u32 s1, s0  }
0xbc: {  	s0 =	sadd.s32 $0x8F2B, s0  }
0xbd: {  	[sflag:s0] =	ssyncadd.remote.s32 $0x1  }
0xbe: {  	_ =	sfence.sel $0xFFFF  }
0xbf: {  	[dreg:$0x0] =	wrdreg $0xFFFFFFFF;
	(pc) =	sbr.abs _section_cstart, $3  }
0xc0: {  	[dreg:$0x1] =	wrdreg $0xFFFFFFFF  }
0xc1: {  	_ =	task.clear_ibuf [dreg:s7], $0x2FFFF;
	_ =	strace $0x9FFFFFFF  }
0xc2: {  	(tm) =	ssettm $0x7FFFFFFF  }
0xc3: {  	_ =	shalt  }
tec
execute0_lowered:
.L_overlay_start_1:
0x0: {  	(tag) =	ssettag $0x1  }
0x1: {  	s1 =	srdreg.scid  }
0x2: {  	s0 =	stileid.u32;
	s6 =	rddreg [dreg:$0x0]  }
0x3: {  	s2 =	rddreg [dreg:$0x1];
	s3 =	simm.s32 $0x0;
	s11 =	simm.s32 $0x400  }
0x4: {  	s12 =	simm.s32 $0x800;
	s13 =	simm.s32 $0x6;
	s14 =	simm.s32 $0x4800  }
0x5: {  	s15 =	simm.s32 $0x1;
	s16 =	simm.s32 $0x8800;
	s17 =	simm.s32 $0xA800  }
0x6: {  	s18 =	simm.s32 $0x2;
	s5 =	sand.u32 $0x1, s1;
	s30 =	sshll.u32 s0, $0x1  }
0x7: {  	s19 =	simm.s32 $0xC800;
	s20 =	simm.s32 $0xE800;
	s7 =	sor.u32 s5, s30  }
0x8: {  	s21 =	simm.s32 $0x3;
	s22 =	simm.s32 $0x4;
	s4 =	smul.u32 $0x6400, s7  }
0x9: {  	s23 =	simm.s32 $0x0;
	[smem:$0x7FF] =	sst s3;
	s8 =	smul.u32 $0x2400, s7  }
0xa: {  	s1 =	rddreg [dreg:$0x2];
	_ =	strace $0x80000047;
	s10 =	ssub.s32 $0x2, s5  }
0xb: {  	s31 =	sshrl.u32 s10, $0x1;
	s9 =	sand.u32 $0xFC000, s4;
	s8 =	sand.u32 $0x3C00, s8  }
0xc: {  	s5 =	sadd.s32 $0x600, s6;
	s10 =	ssub.s32 s10, s31;
	s8 =	sor.u32 s8, s9  }
0xd: {  	s4 =	sadd.s32 $0x64600, s6;
	s9 =	sadd.s32 $0xC8000, s8;
	s8 =	sshrl.u32 s8, $0x3  }
0xe: {  	v0 =	vlaneseq.u32;
	s6 =	smul.u32 $0x19, s7;
	s9 =	sshrl.u32 s9, $0x3;
	s7 =	sadd.s32 s5, s8  }
0xf: {  	v0 =	vmul.u32 $0x10, v0;
	s8 =	sadd.s32 s5, s9;
	s9 =	smax.u32 s10, $0x1;
	s10 =	simm.s32 $0x5  }
.LBB2_1:
0x10: {  	[tilespmem:s3], [sflag:$0x5] =	stream.linear.gather [hbm4b:s7+s3], $0x400, $0x38;
	[tilespmem:$0x10800] =	vst v63  }
0x11: {  	_ =	swait.ge [sflag:s10], $0x400  }
0x12: {  	[sflag:s10] =	ssyncset.done $0x0  }
0x13: {  	[sflag:s10] =	ssyncadd.s32 $0xFFFFFC00  }
0x14: {  	[tilespmem:s12], [sflag:$0x1] =	stream.indirect.gather [hbm4b:s4+s11], $0x10, s3, s11, $0xb8;
	[tilespmem:$0x10800] =	vst v63  }
0x15: {  	s24 =	simm.s32 $0x0  }
0x16: {  	[tilespmem:s11], [sflag:$0x6] =	stream.linear.gather [hbm4b:s8+s3], $0x400, $0x38;
	[tilespmem:$0x10800] =	vst v63  }
.LBB2_2:
0x17: {  	_ =	swait.ge [sflag:s13], $0x400;
	s25 =	sshll.u32 s24, $0x1  }
0x18: {  	[sflag:s13] =	ssyncset.done $0x0;
	s26 =	smin.u32 s25, $0x61  }
0x19: {  	[sflag:s13] =	ssyncadd.s32 $0xFFFFFC00;
	s26 =	sadd.s32 $0x2, s26  }
0x1a: {  	[tilespmem:s14], [sflag:$0x2] =	stream.indirect.gather [hbm4b:s4+s11], $0x10, s11, s11, $0xb8;
	[tilespmem:$0x10800] =	vst v63  }
0x1b: {  	s28 =	sand.u32 $0x3, s26;
	s26 =	sshrl.u32 s26, $0x2  }
0x1c: {  	s28 =	smul.u32 $0x32, s28;
	s26 =	sadd.s32 s6, s26  }
0x1d: {  	s29 =	sshrl.u32 s26, $0x4  }
0x1e: {  	s26 =	sshll.u32 s26, $0xA;
	s28 =	sadd.s32 s28, s29  }
0x1f: {  	s26 =	sand.u32 $0x3C00, s26;
	s28 =	sshll.u32 s28, $0xE  }
0x20: {  	_ =	swait.ge [sflag:s15], $0x4000;
	s26 =	sor.u32 s26, s28  }
0x21: {  	[sflag:s15] =	ssyncset.done $0x0;
	s26 =	sshrl.u32 s26, $0x3  }
0x22: {  	p0 =	seq.s32 s24, $0x0;
	[sflag:s15] =	ssyncadd.s32 $0xFFFFC000;
	s26 =	sadd.s32 s5, s26  }
0x23: {  	[tilespmem:s3], [sflag:$0x5] =	stream.linear.gather [hbm4b:s26+s3], $0x400, $0x38;
	[tilespmem:$0x10800] =	vst v63  }
0x24: {  	s26 =	simm.s32 @!p0 $0x3  }
0x25: {  	_ =	swait.ge @!p0 [sflag:s26], $0x2000  }
0x26: {  	[sflag:s26] =	ssyncset.done @!p0 $0x0  }
0x27: {  	[sflag:s26] =	ssyncadd.s32 @!p0 $0xFFFFE000  }
0x28: {  	_ =	swait.ge @!p0 [sflag:s26], $0x2000  }
0x29: {  	[sflag:s26] =	ssyncset.done @!p0 $0x0  }
0x2a: {  	s28 =	simm.s32 $0xA800;
	[sflag:s26] =	ssyncadd.s32 @!p0 $0xFFFFE000;
	s26 =	simm.s32 $0x70  }
.LBB2_3:
0x2b: {  	s29 =	sadd.s32 $0xFFFFFF90, s26  }
0x2c: {  	v1 =	vmov s29  }
0x2d: {  	v1 =	vshll.u32 v1, $0x4  }
0x2e: {  	v1 =	vor.u32 v0, v1  }
0x2f: {  	v2 =	vor.u32 $0x1, v1  }
0x30: {  	v3 =	vor.u32 $0x2, v1  }
0x31: {  	v4 =	vor.u32 $0x3, v1  }
0x32: {  	v5 =	vor.u32 $0x4, v1  }
0x33: {  	v7 =	vor.u32 $0x5, v1;
	v6 =	vld.idx.msk [tilespmem:v1+s12+$0x0], $0xffff  }
0x34: {  	v8 =	vor.u32 $0x6, v1;
	v2 =	vld.idx.msk [tilespmem:v2+s12+$0x0], $0xffff  }
0x35: {  	v9 =	vor.u32 $0x7, v1;
	v3 =	vld.idx.msk [tilespmem:v3+s12+$0x0], $0xffff  }
0x36: {  	v10 =	vor.u32 $0x8, v1;
	v4 =	vld.idx.msk [tilespmem:v4+s12+$0x0], $0xffff  }
0x37: {  	v11 =	vor.u32 $0x9, v1;
	v5 =	vld.idx.msk [tilespmem:v5+s12+$0x0], $0xffff  }
0x38: {  	v12 =	vor.u32 $0xA, v1;
	v7 =	vld.idx.msk [tilespmem:v7+s12+$0x0], $0xffff  }
0x39: {  	v13 =	vor.u32 $0xB, v1;
	v8 =	vld.idx.msk [tilespmem:v8+s12+$0x0], $0xffff  }
0x3a: {  	v14 =	vor.u32 $0xC, v1;
	v9 =	vld.idx.msk [tilespmem:v9+s12+$0x0], $0xffff  }
0x3b: {  	v15 =	vor.u32 $0xD, v1;
	v10 =	vld.idx.msk [tilespmem:v10+s12+$0x0], $0xffff  }
0x3c: {  	v16 =	vor.u32 $0xE, v1;
	v11 =	vld.idx.msk [tilespmem:v11+s12+$0x0], $0xffff  }
0x3d: {  	v1 =	vor.u32 $0xF, v1;
	v12 =	vld.idx.msk [tilespmem:v12+s12+$0x0], $0xffff  }
0x3e: {  	v13 =	vld.idx.msk [tilespmem:v13+s12+$0x0], $0xffff  }
0x3f: {  	v14 =	vld.idx.msk [tilespmem:v14+s12+$0x0], $0xffff  }
0x40: {  	v15 =	vld.idx.msk [tilespmem:v15+s12+$0x0], $0xffff  }
0x41: {  	v16 =	vld.idx.msk [tilespmem:v16+s12+$0x0], $0xffff  }
0x42: {  	v1 =	vld.idx.msk [tilespmem:v1+s12+$0x0], $0xffff;
	[tilespmem:s28+$0xFFFFE000] =	vst v6  }
0x43: {  	[tilespmem:s28+$0xFFFFE080] =	vst v2  }
0x44: {  	[tilespmem:s28+$0xFFFFE100] =	vst v3  }
0x45: {  	[tilespmem:s28+$0xFFFFE180] =	vst v4  }
0x46: {  	[tilespmem:s28+$0xFFFFE200] =	vst v5  }
0x47: {  	[tilespmem:s28+$0xFFFFE280] =	vst v7  }
0x48: {  	[tilespmem:s28+$0xFFFFE300] =	vst v8  }
0x49: {  	[tilespmem:s28+$0xFFFFE380] =	vst v9  }
0x4a: {  	s30 =	sadd.s32 $0xFFFFFFA0, s26;
	[tilespmem:s28+$0x0] =	vst v10  }
0x4b: {  	[tilespmem:s28+$0x80] =	vst v11;
	v2 =	vmov s30  }
0x4c: {  	[tilespmem:s28+$0x100] =	vst v12;
	v2 =	vshll.u32 v2, $0x4  }
0x4d: {  	[tilespmem:s28+$0x180] =	vst v13;
	v2 =	vor.u32 v0, v2  }
0x4e: {  	[tilespmem:s28+$0x200] =	vst v14;
	v3 =	vor.u32 $0x1, v2  }
0x4f: {  	[tilespmem:s28+$0x280] =	vst v15;
	v28 =	vor.u32 $0x2, v2  }
0x50: {  	[tilespmem:s28+$0x300] =	vst v16;
	v29 =	vor.u32 $0x3, v2  }
0x51: {  	v30 =	vor.u32 $0x5, v2;
	[tilespmem:s28+$0x380] =	vst v1  }
0x52: {  	v31 =	vor.u32 $0x6, v2;
	v6 =	vld.idx.msk [tilespmem:v2+s12+$0x0], $0xffff  }
0x53: {  	v32 =	vor.u32 $0x7, v2;
	v3 =	vld.idx.msk [tilespmem:v3+s12+$0x0], $0xffff  }
0x54: {  	v33 =	vor.u32 $0x8, v2;
	v4 =	vld.idx.msk [tilespmem:v28+s12+$0x0], $0xffff  }
0x55: {  	v34 =	vor.u32 $0x9, v2;
	v5 =	vld.idx.msk [tilespmem:v29+s12+$0x0], $0xffff  }
0x56: {  	v35 =	vor.u32 $0xA, v2;
	v7 =	vld.idx.msk [tilespmem:v30+s12+$0x0], $0xffff  }
0x57: {  	v36 =	vor.u32 $0xB, v2;
	v8 =	vld.idx.msk [tilespmem:v31+s12+$0x0], $0xffff  }
0x58: {  	v37 =	vor.u32 $0xC, v2;
	v9 =	vld.idx.msk [tilespmem:v32+s12+$0x0], $0xffff  }
0x59: {  	v38 =	vor.u32 $0xD, v2;
	v10 =	vld.idx.msk [tilespmem:v33+s12+$0x0], $0xffff  }
0x5a: {  	v39 =	vor.u32 $0xE, v2;
	v11 =	vld.idx.msk [tilespmem:v34+s12+$0x0], $0xffff  }
0x5b: {  	v1 =	vor.u32 $0x4, v2;
	v12 =	vld.idx.msk [tilespmem:v35+s12+$0x0], $0xffff  }
0x5c: {  	v2 =	vor.u32 $0xF, v2;
	v13 =	vld.idx.msk [tilespmem:v36+s12+$0x0], $0xffff  }
0x5d: {  	v14 =	vld.idx.msk [tilespmem:v37+s12+$0x0], $0xffff  }
0x5e: {  	v15 =	vld.idx.msk [tilespmem:v38+s12+$0x0], $0xffff  }
0x5f: {  	v16 =	vld.idx.msk [tilespmem:v39+s12+$0x0], $0xffff  }
0x60: {  	v1 =	vld.idx.msk [tilespmem:v1+s12+$0x0], $0xffff  }
0x61: {  	v2 =	vld.idx.msk [tilespmem:v2+s12+$0x0], $0xffff;
	[tilespmem:s28+$0xFFFFE010] =	vst v6  }
0x62: {  	[tilespmem:s28+$0xFFFFE090] =	vst v3  }
0x63: {  	[tilespmem:s28+$0xFFFFE110] =	vst v4  }
0x64: {  	[tilespmem:s28+$0xFFFFE190] =	vst v5  }
0x65: {  	[tilespmem:s28+$0xFFFFE290] =	vst v7  }
0x66: {  	[tilespmem:s28+$0xFFFFE310] =	vst v8  }
0x67: {  	[tilespmem:s28+$0xFFFFE390] =	vst v9  }
0x68: {  	[tilespmem:s28+$0x10] =	vst v10  }
0x69: {  	s31 =	sadd.s32 $0xFFFFFFB0, s26;
	[tilespmem:s28+$0x90] =	vst v11  }
0x6a: {  	[tilespmem:s28+$0xFFFFE210] =	vst v1;
	v1 =	vmov s31  }
0x6b: {  	[tilespmem:s28+$0x110] =	vst v12;
	v1 =	vshll.u32 v1, $0x4  }
0x6c: {  	[tilespmem:s28+$0x190] =	vst v13;
	v1 =	vor.u32 v0, v1  }
0x6d: {  	[tilespmem:s28+$0x210] =	vst v14;
	v3 =	vor.u32 $0x1, v1  }
0x6e: {  	[tilespmem:s28+$0x290] =	vst v15;
	v40 =	vor.u32 $0x2, v1  }
0x6f: {  	[tilespmem:s28+$0x310] =	vst v16;
	v41 =	vor.u32 $0x3, v1  }
0x70: {  	[tilespmem:s28+$0x390] =	vst v2;
	v2 =	vor.u32 $0x4, v1  }
0x71: {  	v42 =	vor.u32 $0x5, v1;
	v6 =	vld.idx.msk [tilespmem:v1+s12+$0x0], $0xffff  }
0x72: {  	v43 =	vor.u32 $0x6, v1;
	v3 =	vld.idx.msk [tilespmem:v3+s12+$0x0], $0xffff  }
0x73: {  	v44 =	vor.u32 $0x7, v1;
	v4 =	vld.idx.msk [tilespmem:v40+s12+$0x0], $0xffff  }
0x74: {  	v45 =	vor.u32 $0x8, v1;
	v5 =	vld.idx.msk [tilespmem:v41+s12+$0x0], $0xffff  }
0x75: {  	v46 =	vor.u32 $0x9, v1;
	v2 =	vld.idx.msk [tilespmem:v2+s12+$0x0], $0xffff  }
0x76: {  	v47 =	vor.u32 $0xA, v1;
	v7 =	vld.idx.msk [tilespmem:v42+s12+$0x0], $0xffff  }
0x77: {  	v48 =	vor.u32 $0xB, v1;
	v8 =	vld.idx.msk [tilespmem:v43+s12+$0x0], $0xffff  }
0x78: {  	v49 =	vor.u32 $0xC, v1;
	v9 =	vld.idx.msk [tilespmem:v44+s12+$0x0], $0xffff  }
0x79: {  	v50 =	vor.u32 $0xD, v1;
	v10 =	vld.idx.msk [tilespmem:v45+s12+$0x0], $0xffff  }
0x7a: {  	v51 =	vor.u32 $0xE, v1;
	v11 =	vld.idx.msk [tilespmem:v46+s12+$0x0], $0xffff  }
0x7b: {  	v1 =	vor.u32 $0xF, v1;
	v12 =	vld.idx.msk [tilespmem:v47+s12+$0x0], $0xffff  }
0x7c: {  	v13 =	vld.idx.msk [tilespmem:v48+s12+$0x0], $0xffff  }
0x7d: {  	v14 =	vld.idx.msk [tilespmem:v49+s12+$0x0], $0xffff  }
0x7e: {  	v15 =	vld.idx.msk [tilespmem:v50+s12+$0x0], $0xffff  }
0x7f: {  	v16 =	vld.idx.msk [tilespmem:v51+s12+$0x0], $0xffff  }
0x80: {  	v1 =	vld.idx.msk [tilespmem:v1+s12+$0x0], $0xffff;
	[tilespmem:s28+$0xFFFFE020] =	vst v6  }
0x81: {  	[tilespmem:s28+$0xFFFFE0A0] =	vst v3  }
0x82: {  	[tilespmem:s28+$0xFFFFE120] =	vst v4  }
0x83: {  	[tilespmem:s28+$0xFFFFE1A0] =	vst v5  }
0x84: {  	[tilespmem:s28+$0xFFFFE220] =	vst v2  }
0x85: {  	[tilespmem:s28+$0xFFFFE2A0] =	vst v7  }
0x86: {  	[tilespmem:s28+$0xFFFFE320] =	vst v8  }
0x87: {  	[tilespmem:s28+$0xFFFFE3A0] =	vst v9  }
0x88: {  	s30 =	sadd.s32 $0xFFFFFFC0, s26;
	[tilespmem:s28+$0x20] =	vst v10  }
0x89: {  	[tilespmem:s28+$0xA0] =	vst v11;
	v2 =	vmov s30  }
0x8a: {  	[tilespmem:s28+$0x120] =	vst v12;
	v2 =	vshll.u32 v2, $0x4  }
0x8b: {  	[tilespmem:s28+$0x1A0] =	vst v13;
	v2 =	vor.u32 v0, v2  }
0x8c: {  	[tilespmem:s28+$0x220] =	vst v14;
	v3 =	vor.u32 $0x1, v2  }
0x8d: {  	[tilespmem:s28+$0x2A0] =	vst v15;
	v52 =	vor.u32 $0x2, v2  }
0x8e: {  	[tilespmem:s28+$0x320] =	vst v16;
	v53 =	vor.u32 $0x3, v2  }
0x8f: {  	v54 =	vor.u32 $0x5, v2;
	[tilespmem:s28+$0x3A0] =	vst v1  }
0x90: {  	v55 =	vor.u32 $0x6, v2;
	v6 =	vld.idx.msk [tilespmem:v2+s12+$0x0], $0xffff  }
0x91: {  	v56 =	vor.u32 $0x7, v2;
	v3 =	vld.idx.msk [tilespmem:v3+s12+$0x0], $0xffff  }
0x92: {  	v57 =	vor.u32 $0x8, v2;
	v4 =	vld.idx.msk [tilespmem:v52+s12+$0x0], $0xffff  }
0x93: {  	v58 =	vor.u32 $0x9, v2;
	v5 =	vld.idx.msk [tilespmem:v53+s12+$0x0], $0xffff  }
0x94: {  	v59 =	vor.u32 $0xA, v2;
	v7 =	vld.idx.msk [tilespmem:v54+s12+$0x0], $0xffff  }
0x95: {  	v60 =	vor.u32 $0xB, v2;
	v8 =	vld.idx.msk [tilespmem:v55+s12+$0x0], $0xffff  }
0x96: {  	v61 =	vor.u32 $0xC, v2;
	v9 =	vld.idx.msk [tilespmem:v56+s12+$0x0], $0xffff  }
0x97: {  	v62 =	vor.u32 $0xD, v2;
	v10 =	vld.idx.msk [tilespmem:v57+s12+$0x0], $0xffff  }
0x98: {  	v63 =	vor.u32 $0xE, v2;
	v11 =	vld.idx.msk [tilespmem:v58+s12+$0x0], $0xffff  }
0x99: {  	v1 =	vor.u32 $0x4, v2;
	v12 =	vld.idx.msk [tilespmem:v59+s12+$0x0], $0xffff  }
0x9a: {  	v2 =	vor.u32 $0xF, v2;
	v13 =	vld.idx.msk [tilespmem:v60+s12+$0x0], $0xffff  }
0x9b: {  	v14 =	vld.idx.msk [tilespmem:v61+s12+$0x0], $0xffff  }
0x9c: {  	v15 =	vld.idx.msk [tilespmem:v62+s12+$0x0], $0xffff  }
0x9d: {  	v16 =	vld.idx.msk [tilespmem:v63+s12+$0x0], $0xffff  }
0x9e: {  	v1 =	vld.idx.msk [tilespmem:v1+s12+$0x0], $0xffff  }
0x9f: {  	v2 =	vld.idx.msk [tilespmem:v2+s12+$0x0], $0xffff;
	[tilespmem:s28+$0xFFFFE030] =	vst v6  }
0xa0: {  	[tilespmem:s28+$0xFFFFE0B0] =	vst v3  }
0xa1: {  	[tilespmem:s28+$0xFFFFE130] =	vst v4  }
0xa2: {  	[tilespmem:s28+$0xFFFFE1B0] =	vst v5  }
0xa3: {  	[tilespmem:s28+$0xFFFFE2B0] =	vst v7  }
0xa4: {  	[tilespmem:s28+$0xFFFFE330] =	vst v8  }
0xa5: {  	[tilespmem:s28+$0xFFFFE3B0] =	vst v9  }
0xa6: {  	[tilespmem:s28+$0x30] =	vst v10  }
0xa7: {  	s31 =	sadd.s32 $0xFFFFFFD0, s26;
	[tilespmem:s28+$0xB0] =	vst v11  }
0xa8: {  	[tilespmem:s28+$0xFFFFE230] =	vst v1;
	v1 =	vmov s31  }
0xa9: {  	[tilespmem:s28+$0x130] =	vst v12;
	v1 =	vshll.u32 v1, $0x4  }
0xaa: {  	[tilespmem:s28+$0x1B0] =	vst v13;
	v1 =	vor.u32 v0, v1  }
0xab: {  	[tilespmem:s28+$0x230] =	vst v14;
	v3 =	vor.u32 $0x1, v1  }
0xac: {  	[tilespmem:s28+$0x2B0] =	vst v15;
	v15 =	vor.u32 $0x2, v1  }
0xad: {  	[tilespmem:s28+$0x330] =	vst v16;
	v17 =	vor.u32 $0x3, v1  }
0xae: {  	[tilespmem:s28+$0x3B0] =	vst v2;
	v2 =	vor.u32 $0x4, v1  }
0xaf: {  	v18 =	vor.u32 $0x5, v1;
	v6 =	vld.idx.msk [tilespmem:v1+s12+$0x0], $0xffff  }
0xb0: {  	v19 =	vor.u32 $0x6, v1;
	v3 =	vld.idx.msk [tilespmem:v3+s12+$0x0], $0xffff  }
0xb1: {  	v20 =	vor.u32 $0x7, v1;
	v4 =	vld.idx.msk [tilespmem:v15+s12+$0x0], $0xffff  }
0xb2: {  	v21 =	vor.u32 $0x8, v1;
	v5 =	vld.idx.msk [tilespmem:v17+s12+$0x0], $0xffff  }
0xb3: {  	v22 =	vor.u32 $0x9, v1;
	v2 =	vld.idx.msk [tilespmem:v2+s12+$0x0], $0xffff  }
0xb4: {  	v23 =	vor.u32 $0xA, v1;
	v7 =	vld.idx.msk [tilespmem:v18+s12+$0x0], $0xffff  }
0xb5: {  	v24 =	vor.u32 $0xB, v1;
	v8 =	vld.idx.msk [tilespmem:v19+s12+$0x0], $0xffff  }
0xb6: {  	v25 =	vor.u32 $0xC, v1;
	v9 =	vld.idx.msk [tilespmem:v20+s12+$0x0], $0xffff  }
0xb7: {  	v26 =	vor.u32 $0xD, v1;
	v10 =	vld.idx.msk [tilespmem:v21+s12+$0x0], $0xffff  }
0xb8: {  	v27 =	vor.u32 $0xE, v1;
	v11 =	vld.idx.msk [tilespmem:v22+s12+$0x0], $0xffff  }
0xb9: {  	v1 =	vor.u32 $0xF, v1;
	v12 =	vld.idx.msk [tilespmem:v23+s12+$0x0], $0xffff  }
0xba: {  	v13 =	vld.idx.msk [tilespmem:v24+s12+$0x0], $0xffff  }
0xbb: {  	v14 =	vld.idx.msk [tilespmem:v25+s12+$0x0], $0xffff  }
0xbc: {  	v15 =	vld.idx.msk [tilespmem:v26+s12+$0x0], $0xffff  }
0xbd: {  	v16 =	vld.idx.msk [tilespmem:v27+s12+$0x0], $0xffff  }
0xbe: {  	v1 =	vld.idx.msk [tilespmem:v1+s12+$0x0], $0xffff;
	[tilespmem:s28+$0xFFFFE040] =	vst v6  }
0xbf: {  	[tilespmem:s28+$0xFFFFE0C0] =	vst v3  }
0xc0: {  	[tilespmem:s28+$0xFFFFE140] =	vst v4  }
0xc1: {  	[tilespmem:s28+$0xFFFFE1C0] =	vst v5  }
0xc2: {  	[tilespmem:s28+$0xFFFFE240] =	vst v2  }
0xc3: {  	[tilespmem:s28+$0xFFFFE2C0] =	vst v7  }
0xc4: {  	[tilespmem:s28+$0xFFFFE340] =	vst v8  }
0xc5: {  	[tilespmem:s28+$0xFFFFE3C0] =	vst v9  }
0xc6: {  	s30 =	sadd.s32 $0xFFFFFFE0, s26;
	[tilespmem:s28+$0x40] =	vst v10  }
0xc7: {  	[tilespmem:s28+$0xC0] =	vst v11;
	v2 =	vmov s30  }
0xc8: {  	[tilespmem:s28+$0x140] =	vst v12;
	v2 =	vshll.u32 v2, $0x4  }
0xc9: {  	[tilespmem:s28+$0x1C0] =	vst v13;
	v2 =	vor.u32 v0, v2  }
0xca: {  	[tilespmem:s28+$0x240] =	vst v14;
	v3 =	vor.u32 $0x1, v2  }
0xcb: {  	[tilespmem:s28+$0x2C0] =	vst v15;
	v28 =	vor.u32 $0x2, v2  }
0xcc: {  	[tilespmem:s28+$0x340] =	vst v16;
	v29 =	vor.u32 $0x3, v2  }
0xcd: {  	v30 =	vor.u32 $0x5, v2;
	[tilespmem:s28+$0x3C0] =	vst v1  }
0xce: {  	v31 =	vor.u32 $0x6, v2;
	v6 =	vld.idx.msk [tilespmem:v2+s12+$0x0], $0xffff  }
0xcf: {  	v32 =	vor.u32 $0x7, v2;
	v3 =	vld.idx.msk [tilespmem:v3+s12+$0x0], $0xffff  }
0xd0: {  	v33 =	vor.u32 $0x8, v2;
	v4 =	vld.idx.msk [tilespmem:v28+s12+$0x0], $0xffff  }
0xd1: {  	v34 =	vor.u32 $0x9, v2;
	v5 =	vld.idx.msk [tilespmem:v29+s12+$0x0], $0xffff  }
0xd2: {  	v35 =	vor.u32 $0xA, v2;
	v7 =	vld.idx.msk [tilespmem:v30+s12+$0x0], $0xffff  }
0xd3: {  	v36 =	vor.u32 $0xB, v2;
	v8 =	vld.idx.msk [tilespmem:v31+s12+$0x0], $0xffff  }
0xd4: {  	v37 =	vor.u32 $0xC, v2;
	v9 =	vld.idx.msk [tilespmem:v32+s12+$0x0], $0xffff  }
0xd5: {  	v38 =	vor.u32 $0xD, v2;
	v10 =	vld.idx.msk [tilespmem:v33+s12+$0x0], $0xffff  }
0xd6: {  	v39 =	vor.u32 $0xE, v2;
	v11 =	vld.idx.msk [tilespmem:v34+s12+$0x0], $0xffff  }
0xd7: {  	v1 =	vor.u32 $0x4, v2;
	v12 =	vld.idx.msk [tilespmem:v35+s12+$0x0], $0xffff  }
0xd8: {  	v2 =	vor.u32 $0xF, v2;
	v13 =	vld.idx.msk [tilespmem:v36+s12+$0x0], $0xffff  }
0xd9: {  	v14 =	vld.idx.msk [tilespmem:v37+s12+$0x0], $0xffff  }
0xda: {  	v15 =	vld.idx.msk [tilespmem:v38+s12+$0x0], $0xffff  }
0xdb: {  	v16 =	vld.idx.msk [tilespmem:v39+s12+$0x0], $0xffff  }
0xdc: {  	v1 =	vld.idx.msk [tilespmem:v1+s12+$0x0], $0xffff  }
0xdd: {  	v2 =	vld.idx.msk [tilespmem:v2+s12+$0x0], $0xffff;
	[tilespmem:s28+$0xFFFFE050] =	vst v6  }
0xde: {  	[tilespmem:s28+$0xFFFFE0D0] =	vst v3  }
0xdf: {  	[tilespmem:s28+$0xFFFFE150] =	vst v4  }
0xe0: {  	[tilespmem:s28+$0xFFFFE1D0] =	vst v5  }
0xe1: {  	[tilespmem:s28+$0xFFFFE2D0] =	vst v7  }
0xe2: {  	[tilespmem:s28+$0xFFFFE350] =	vst v8  }
0xe3: {  	[tilespmem:s28+$0xFFFFE3D0] =	vst v9  }
0xe4: {  	[tilespmem:s28+$0x50] =	vst v10  }
0xe5: {  	s31 =	sadd.s32 $0xFFFFFFF0, s26;
	[tilespmem:s28+$0xD0] =	vst v11  }
0xe6: {  	[tilespmem:s28+$0xFFFFE250] =	vst v1;
	v1 =	vmov s31  }
0xe7: {  	[tilespmem:s28+$0x150] =	vst v12;
	v1 =	vshll.u32 v1, $0x4  }
0xe8: {  	[tilespmem:s28+$0x1D0] =	vst v13;
	v1 =	vor.u32 v0, v1  }
0xe9: {  	[tilespmem:s28+$0x250] =	vst v14;
	v3 =	vor.u32 $0x1, v1  }
0xea: {  	[tilespmem:s28+$0x2D0] =	vst v15;
	v40 =	vor.u32 $0x2, v1  }
0xeb: {  	[tilespmem:s28+$0x350] =	vst v16;
	v41 =	vor.u32 $0x3, v1  }
0xec: {  	[tilespmem:s28+$0x3D0] =	vst v2;
	v2 =	vor.u32 $0x4, v1  }
0xed: {  	v42 =	vor.u32 $0x5, v1;
	v6 =	vld.idx.msk [tilespmem:v1+s12+$0x0], $0xffff  }
0xee: {  	v43 =	vor.u32 $0x6, v1;
	v3 =	vld.idx.msk [tilespmem:v3+s12+$0x0], $0xffff  }
0xef: {  	v44 =	vor.u32 $0x7, v1;
	v4 =	vld.idx.msk [tilespmem:v40+s12+$0x0], $0xffff  }
0xf0: {  	v45 =	vor.u32 $0x8, v1;
	v5 =	vld.idx.msk [tilespmem:v41+s12+$0x0], $0xffff  }
0xf1: {  	v46 =	vor.u32 $0x9, v1;
	v2 =	vld.idx.msk [tilespmem:v2+s12+$0x0], $0xffff  }
0xf2: {  	v47 =	vor.u32 $0xA, v1;
	v7 =	vld.idx.msk [tilespmem:v42+s12+$0x0], $0xffff  }
0xf3: {  	v48 =	vor.u32 $0xB, v1;
	v8 =	vld.idx.msk [tilespmem:v43+s12+$0x0], $0xffff  }
0xf4: {  	v49 =	vor.u32 $0xC, v1;
	v9 =	vld.idx.msk [tilespmem:v44+s12+$0x0], $0xffff  }
0xf5: {  	v50 =	vor.u32 $0xD, v1;
	v10 =	vld.idx.msk [tilespmem:v45+s12+$0x0], $0xffff  }
0xf6: {  	v51 =	vor.u32 $0xE, v1;
	v11 =	vld.idx.msk [tilespmem:v46+s12+$0x0], $0xffff  }
0xf7: {  	v1 =	vor.u32 $0xF, v1;
	v12 =	vld.idx.msk [tilespmem:v47+s12+$0x0], $0xffff  }
0xf8: {  	v13 =	vld.idx.msk [tilespmem:v48+s12+$0x0], $0xffff  }
0xf9: {  	v14 =	vld.idx.msk [tilespmem:v49+s12+$0x0], $0xffff  }
0xfa: {  	v15 =	vld.idx.msk [tilespmem:v50+s12+$0x0], $0xffff  }
0xfb: {  	v16 =	vld.idx.msk [tilespmem:v51+s12+$0x0], $0xffff  }
0xfc: {  	v1 =	vld.idx.msk [tilespmem:v1+s12+$0x0], $0xffff;
	[tilespmem:s28+$0xFFFFE060] =	vst v6  }
0xfd: {  	[tilespmem:s28+$0xFFFFE0E0] =	vst v3  }
0xfe: {  	[tilespmem:s28+$0xFFFFE160] =	vst v4  }
0xff: {  	[tilespmem:s28+$0xFFFFE1E0] =	vst v5  }
0x100: {  	[tilespmem:s28+$0xFFFFE260] =	vst v2  }
0x101: {  	[tilespmem:s28+$0xFFFFE2E0] =	vst v7  }
0x102: {  	[tilespmem:s28+$0xFFFFE360] =	vst v8  }
0x103: {  	[tilespmem:s28+$0xFFFFE3E0] =	vst v9  }
0x104: {  	[tilespmem:s28+$0x60] =	vst v10  }
0x105: {  	[tilespmem:s28+$0xE0] =	vst v11;
	v2 =	vmov s26  }
0x106: {  	[tilespmem:s28+$0x160] =	vst v12;
	v2 =	vshll.u32 v2, $0x4  }
0x107: {  	[tilespmem:s28+$0x1E0] =	vst v13;
	v2 =	vor.u32 v0, v2  }
0x108: {  	[tilespmem:s28+$0x260] =	vst v14;
	v3 =	vor.u32 $0x1, v2  }
0x109: {  	[tilespmem:s28+$0x2E0] =	vst v15;
	v52 =	vor.u32 $0x2, v2  }
0x10a: {  	[tilespmem:s28+$0x360] =	vst v16;
	v53 =	vor.u32 $0x3, v2  }
0x10b: {  	v54 =	vor.u32 $0x5, v2;
	[tilespmem:s28+$0x3E0] =	vst v1  }
0x10c: {  	v55 =	vor.u32 $0x6, v2;
	v6 =	vld.idx.msk [tilespmem:v2+s12+$0x0], $0xffff  }
0x10d: {  	v56 =	vor.u32 $0x7, v2;
	v3 =	vld.idx.msk [tilespmem:v3+s12+$0x0], $0xffff  }
0x10e: {  	v57 =	vor.u32 $0x8, v2;
	v4 =	vld.idx.msk [tilespmem:v52+s12+$0x0], $0xffff  }
0x10f: {  	v58 =	vor.u32 $0x9, v2;
	v5 =	vld.idx.msk [tilespmem:v53+s12+$0x0], $0xffff  }
0x110: {  	v59 =	vor.u32 $0xA, v2;
	v7 =	vld.idx.msk [tilespmem:v54+s12+$0x0], $0xffff  }
0x111: {  	v60 =	vor.u32 $0xB, v2;
	v8 =	vld.idx.msk [tilespmem:v55+s12+$0x0], $0xffff  }
0x112: {  	v61 =	vor.u32 $0xC, v2;
	v9 =	vld.idx.msk [tilespmem:v56+s12+$0x0], $0xffff  }
0x113: {  	v62 =	vor.u32 $0xD, v2;
	v10 =	vld.idx.msk [tilespmem:v57+s12+$0x0], $0xffff  }
0x114: {  	v63 =	vor.u32 $0xE, v2;
	v11 =	vld.idx.msk [tilespmem:v58+s12+$0x0], $0xffff  }
0x115: {  	v1 =	vor.u32 $0x4, v2;
	v12 =	vld.idx.msk [tilespmem:v59+s12+$0x0], $0xffff  }
0x116: {  	v2 =	vor.u32 $0xF, v2;
	v13 =	vld.idx.msk [tilespmem:v60+s12+$0x0], $0xffff  }
0x117: {  	v14 =	vld.idx.msk [tilespmem:v61+s12+$0x0], $0xffff  }
0x118: {  	v15 =	vld.idx.msk [tilespmem:v62+s12+$0x0], $0xffff  }
0x119: {  	v16 =	vld.idx.msk [tilespmem:v63+s12+$0x0], $0xffff  }
0x11a: {  	v1 =	vld.idx.msk [tilespmem:v1+s12+$0x0], $0xffff  }
0x11b: {  	v2 =	vld.idx.msk [tilespmem:v2+s12+$0x0], $0xffff;
	[tilespmem:s28+$0xFFFFE070] =	vst v6  }
0x11c: {  	[tilespmem:s28+$0xFFFFE0F0] =	vst v3  }
0x11d: {  	[tilespmem:s28+$0xFFFFE170] =	vst v4  }
0x11e: {  	[tilespmem:s28+$0xFFFFE1F0] =	vst v5  }
0x11f: {  	[tilespmem:s28+$0xFFFFE2F0] =	vst v7  }
0x120: {  	[tilespmem:s28+$0xFFFFE370] =	vst v8  }
0x121: {  	[tilespmem:s28+$0xFFFFE3F0] =	vst v9  }
0x122: {  	[tilespmem:s28+$0x70] =	vst v10  }
0x123: {  	[tilespmem:s28+$0xF0] =	vst v11  }
0x124: {  	[tilespmem:s28+$0x170] =	vst v12  }
0x125: {  	p1 =	sne.s32 s26, $0x3F0;
	[tilespmem:s28+$0x1F0] =	vst v13  }
.Ltmp0:
0x126: {  	[tilespmem:s28+$0x270] =	vst v14;
	(pc) =	sbr.rel @p1 .LBB2_3-.Ltmp0, $4  }
0x127: {  	[tilespmem:s28+$0x2F0] =	vst v15  }
0x128: {  	[tilespmem:s28+$0x370] =	vst v16  }
0x129: {  	[tilespmem:s28+$0xFFFFE270] =	vst v1  }
0x12a: {  	s26 =	sadd.s32 $0x80, s26;
	[tilespmem:s28+$0x3F0] =	vst v2;
	s28 =	sadd.s32 $0x400, s28  }
0x12b: {  	s26 =	sshrl.u32 s24, $0x1  }
0x12c: {  	s26 =	sadd.s32 s6, s26  }
0x12d: {  	s28 =	sshll.u32 s26, $0x10;
	s29 =	sshll.u32 s26, $0xD  }
0x12e: {  	s30 =	sshll.u32 s24, $0x13;
	s26 =	sand.u32 $0x7FF00000, s28;
	s28 =	sand.u32 $0x1E000, s29  }
0x12f: {  	s29 =	sand.u32 $0x80000, s30;
	s30 =	sor.u32 s26, s28  }
0x130: {  	s30 =	sor.u32 s29, s30  }
0x131: {  	s30 =	sshrl.u32 s30, $0x3  }
0x132: {  	s25 =	smin.u32 s25, $0x60;
	s30 =	sadd.s32 s2, s30  }
0x133: {  	[hbm4b:s30+s3] =	stream.linear.scatter [tilespmem:s16], [sflag:$0x3], $0x2000, $0x38;
	[tilespmem:$0x10800] =	vst v63  }
0x134: {  	s25 =	sadd.s32 $0x3, s25;
	s30 =	sadd.s32 $0x4000, s30  }
0x135: {  	[hbm4b:s30+s3] =	stream.linear.scatter [tilespmem:s17], [sflag:$0x3], $0x2000, $0x38;
	[tilespmem:$0x10800] =	vst v63  }
0x136: {  	s30 =	sand.u32 $0x3, s25;
	s25 =	sshrl.u32 s25, $0x2  }
0x137: {  	_ =	swait.ge [sflag:s10], $0x400;
	s30 =	smul.u32 $0x32, s30;
	s25 =	sadd.s32 s6, s25  }
0x138: {  	[sflag:s10] =	ssyncset.done $0x0;
	s31 =	sshrl.u32 s25, $0x4  }
0x139: {  	s25 =	sshll.u32 s25, $0xA;
	[sflag:s10] =	ssyncadd.s32 $0xFFFFFC00;
	s30 =	sadd.s32 s30, s31  }
0x13a: {  	[tilespmem:s12], [sflag:$0x1] =	stream.indirect.gather [hbm4b:s4+s11], $0x10, s3, s11, $0xb8;
	[tilespmem:$0x10800] =	vst v63  }
0x13b: {  	s25 =	sand.u32 $0x3C00, s25;
	s30 =	sshll.u32 s30, $0xE  }
0x13c: {  	_ =	swait.ge [sflag:s18], $0x4000;
	s25 =	sor.u32 s25, s30  }
0x13d: {  	[sflag:s18] =	ssyncset.done $0x0;
	s25 =	sshrl.u32 s25, $0x3  }
0x13e: {  	[sflag:s18] =	ssyncadd.s32 $0xFFFFC000;
	s25 =	sadd.s32 s5, s25  }
0x13f: {  	[tilespmem:s11], [sflag:$0x6] =	stream.linear.gather [hbm4b:s25+s3], $0x400, $0x38;
	[tilespmem:$0x10800] =	vst v63  }
0x140: {  	s25 =	simm.s32 @!p0 $0x4  }
0x141: {  	_ =	swait.ge @!p0 [sflag:s25], $0x2000  }
0x142: {  	[sflag:s25] =	ssyncset.done @!p0 $0x0  }
0x143: {  	[sflag:s25] =	ssyncadd.s32 @!p0 $0xFFFFE000  }
0x144: {  	_ =	swait.ge @!p0 [sflag:s25], $0x2000  }
0x145: {  	[sflag:s25] =	ssyncset.done @!p0 $0x0  }
0x146: {  	s30 =	simm.s32 $0xE800;
	[sflag:s25] =	ssyncadd.s32 @!p0 $0xFFFFE000;
	s25 =	simm.s32 $0x70  }
.LBB2_5:
0x147: {  	s31 =	sadd.s32 $0xFFFFFF90, s25  }
0x148: {  	v1 =	vmov s31  }
0x149: {  	v1 =	vshll.u32 v1, $0x4  }
0x14a: {  	v1 =	vor.u32 v0, v1  }
0x14b: {  	v2 =	vor.u32 $0x1, v1  }
0x14c: {  	v3 =	vor.u32 $0x2, v1  }
0x14d: {  	v4 =	vor.u32 $0x3, v1  }
0x14e: {  	v5 =	vor.u32 $0x4, v1  }
0x14f: {  	v7 =	vor.u32 $0x5, v1;
	v6 =	vld.idx.msk [tilespmem:v1+s14+$0x0], $0xffff  }
0x150: {  	v8 =	vor.u32 $0x6, v1;
	v2 =	vld.idx.msk [tilespmem:v2+s14+$0x0], $0xffff  }
0x151: {  	v9 =	vor.u32 $0x7, v1;
	v3 =	vld.idx.msk [tilespmem:v3+s14+$0x0], $0xffff  }
0x152: {  	v10 =	vor.u32 $0x8, v1;
	v4 =	vld.idx.msk [tilespmem:v4+s14+$0x0], $0xffff  }
0x153: {  	v11 =	vor.u32 $0x9, v1;
	v5 =	vld.idx.msk [tilespmem:v5+s14+$0x0], $0xffff  }
0x154: {  	v12 =	vor.u32 $0xA, v1;
	v7 =	vld.idx.msk [tilespmem:v7+s14+$0x0], $0xffff  }
0x155: {  	v13 =	vor.u32 $0xB, v1;
	v8 =	vld.idx.msk [tilespmem:v8+s14+$0x0], $0xffff  }
0x156: {  	v14 =	vor.u32 $0xC, v1;
	v9 =	vld.idx.msk [tilespmem:v9+s14+$0x0], $0xffff  }
0x157: {  	v15 =	vor.u32 $0xD, v1;
	v10 =	vld.idx.msk [tilespmem:v10+s14+$0x0], $0xffff  }
0x158: {  	v16 =	vor.u32 $0xE, v1;
	v11 =	vld.idx.msk [tilespmem:v11+s14+$0x0], $0xffff  }
0x159: {  	v1 =	vor.u32 $0xF, v1;
	v12 =	vld.idx.msk [tilespmem:v12+s14+$0x0], $0xffff  }
0x15a: {  	v13 =	vld.idx.msk [tilespmem:v13+s14+$0x0], $0xffff  }
0x15b: {  	v14 =	vld.idx.msk [tilespmem:v14+s14+$0x0], $0xffff  }
0x15c: {  	v15 =	vld.idx.msk [tilespmem:v15+s14+$0x0], $0xffff  }
0x15d: {  	v16 =	vld.idx.msk [tilespmem:v16+s14+$0x0], $0xffff  }
0x15e: {  	v1 =	vld.idx.msk [tilespmem:v1+s14+$0x0], $0xffff;
	[tilespmem:s30+$0xFFFFE000] =	vst v6  }
0x15f: {  	[tilespmem:s30+$0xFFFFE080] =	vst v2  }
0x160: {  	[tilespmem:s30+$0xFFFFE100] =	vst v3  }
0x161: {  	[tilespmem:s30+$0xFFFFE180] =	vst v4  }
0x162: {  	[tilespmem:s30+$0xFFFFE200] =	vst v5  }
0x163: {  	[tilespmem:s30+$0xFFFFE280] =	vst v7  }
0x164: {  	[tilespmem:s30+$0xFFFFE300] =	vst v8  }
0x165: {  	[tilespmem:s30+$0xFFFFE380] =	vst v9  }
0x166: {  	s31 =	sadd.s32 $0xFFFFFFA0, s25;
	[tilespmem:s30+$0x0] =	vst v10  }
0x167: {  	[tilespmem:s30+$0x80] =	vst v11;
	v2 =	vmov s31  }
0x168: {  	[tilespmem:s30+$0x100] =	vst v12;
	v2 =	vshll.u32 v2, $0x4  }
0x169: {  	[tilespmem:s30+$0x180] =	vst v13;
	v2 =	vor.u32 v0, v2  }
0x16a: {  	[tilespmem:s30+$0x200] =	vst v14;
	v3 =	vor.u32 $0x1, v2  }
0x16b: {  	[tilespmem:s30+$0x280] =	vst v15;
	v28 =	vor.u32 $0x2, v2  }
0x16c: {  	[tilespmem:s30+$0x300] =	vst v16;
	v29 =	vor.u32 $0x3, v2  }
0x16d: {  	v30 =	vor.u32 $0x5, v2;
	[tilespmem:s30+$0x380] =	vst v1  }
0x16e: {  	v31 =	vor.u32 $0x6, v2;
	v6 =	vld.idx.msk [tilespmem:v2+s14+$0x0], $0xffff  }
0x16f: {  	v32 =	vor.u32 $0x7, v2;
	v3 =	vld.idx.msk [tilespmem:v3+s14+$0x0], $0xffff  }
0x170: {  	v33 =	vor.u32 $0x8, v2;
	v4 =	vld.idx.msk [tilespmem:v28+s14+$0x0], $0xffff  }
0x171: {  	v34 =	vor.u32 $0x9, v2;
	v5 =	vld.idx.msk [tilespmem:v29+s14+$0x0], $0xffff  }
0x172: {  	v35 =	vor.u32 $0xA, v2;
	v7 =	vld.idx.msk [tilespmem:v30+s14+$0x0], $0xffff  }
0x173: {  	v36 =	vor.u32 $0xB, v2;
	v8 =	vld.idx.msk [tilespmem:v31+s14+$0x0], $0xffff  }
0x174: {  	v37 =	vor.u32 $0xC, v2;
	v9 =	vld.idx.msk [tilespmem:v32+s14+$0x0], $0xffff  }
0x175: {  	v38 =	vor.u32 $0xD, v2;
	v10 =	vld.idx.msk [tilespmem:v33+s14+$0x0], $0xffff  }
0x176: {  	v39 =	vor.u32 $0xE, v2;
	v11 =	vld.idx.msk [tilespmem:v34+s14+$0x0], $0xffff  }
0x177: {  	v1 =	vor.u32 $0x4, v2;
	v12 =	vld.idx.msk [tilespmem:v35+s14+$0x0], $0xffff  }
0x178: {  	v2 =	vor.u32 $0xF, v2;
	v13 =	vld.idx.msk [tilespmem:v36+s14+$0x0], $0xffff  }
0x179: {  	v14 =	vld.idx.msk [tilespmem:v37+s14+$0x0], $0xffff  }
0x17a: {  	v15 =	vld.idx.msk [tilespmem:v38+s14+$0x0], $0xffff  }
0x17b: {  	v16 =	vld.idx.msk [tilespmem:v39+s14+$0x0], $0xffff  }
0x17c: {  	v1 =	vld.idx.msk [tilespmem:v1+s14+$0x0], $0xffff  }
0x17d: {  	v2 =	vld.idx.msk [tilespmem:v2+s14+$0x0], $0xffff;
	[tilespmem:s30+$0xFFFFE010] =	vst v6  }
0x17e: {  	[tilespmem:s30+$0xFFFFE090] =	vst v3  }
0x17f: {  	[tilespmem:s30+$0xFFFFE110] =	vst v4  }
0x180: {  	[tilespmem:s30+$0xFFFFE190] =	vst v5  }
0x181: {  	[tilespmem:s30+$0xFFFFE290] =	vst v7  }
0x182: {  	[tilespmem:s30+$0xFFFFE310] =	vst v8  }
0x183: {  	[tilespmem:s30+$0xFFFFE390] =	vst v9  }
0x184: {  	[tilespmem:s30+$0x10] =	vst v10  }
0x185: {  	s31 =	sadd.s32 $0xFFFFFFB0, s25;
	[tilespmem:s30+$0x90] =	vst v11  }
0x186: {  	[tilespmem:s30+$0xFFFFE210] =	vst v1;
	v1 =	vmov s31  }
0x187: {  	[tilespmem:s30+$0x110] =	vst v12;
	v1 =	vshll.u32 v1, $0x4  }
0x188: {  	[tilespmem:s30+$0x190] =	vst v13;
	v1 =	vor.u32 v0, v1  }
0x189: {  	[tilespmem:s30+$0x210] =	vst v14;
	v3 =	vor.u32 $0x1, v1  }
0x18a: {  	[tilespmem:s30+$0x290] =	vst v15;
	v40 =	vor.u32 $0x2, v1  }
0x18b: {  	[tilespmem:s30+$0x310] =	vst v16;
	v41 =	vor.u32 $0x3, v1  }
0x18c: {  	[tilespmem:s30+$0x390] =	vst v2;
	v2 =	vor.u32 $0x4, v1  }
0x18d: {  	v42 =	vor.u32 $0x5, v1;
	v6 =	vld.idx.msk [tilespmem:v1+s14+$0x0], $0xffff  }
0x18e: {  	v43 =	vor.u32 $0x6, v1;
	v3 =	vld.idx.msk [tilespmem:v3+s14+$0x0], $0xffff  }
0x18f: {  	v44 =	vor.u32 $0x7, v1;
	v4 =	vld.idx.msk [tilespmem:v40+s14+$0x0], $0xffff  }
0x190: {  	v45 =	vor.u32 $0x8, v1;
	v5 =	vld.idx.msk [tilespmem:v41+s14+$0x0], $0xffff  }
0x191: {  	v46 =	vor.u32 $0x9, v1;
	v2 =	vld.idx.msk [tilespmem:v2+s14+$0x0], $0xffff  }
0x192: {  	v47 =	vor.u32 $0xA, v1;
	v7 =	vld.idx.msk [tilespmem:v42+s14+$0x0], $0xffff  }
0x193: {  	v48 =	vor.u32 $0xB, v1;
	v8 =	vld.idx.msk [tilespmem:v43+s14+$0x0], $0xffff  }
0x194: {  	v49 =	vor.u32 $0xC, v1;
	v9 =	vld.idx.msk [tilespmem:v44+s14+$0x0], $0xffff  }
0x195: {  	v50 =	vor.u32 $0xD, v1;
	v10 =	vld.idx.msk [tilespmem:v45+s14+$0x0], $0xffff  }
0x196: {  	v51 =	vor.u32 $0xE, v1;
	v11 =	vld.idx.msk [tilespmem:v46+s14+$0x0], $0xffff  }
0x197: {  	v1 =	vor.u32 $0xF, v1;
	v12 =	vld.idx.msk [tilespmem:v47+s14+$0x0], $0xffff  }
0x198: {  	v13 =	vld.idx.msk [tilespmem:v48+s14+$0x0], $0xffff  }
0x199: {  	v14 =	vld.idx.msk [tilespmem:v49+s14+$0x0], $0xffff  }
0x19a: {  	v15 =	vld.idx.msk [tilespmem:v50+s14+$0x0], $0xffff  }
0x19b: {  	v16 =	vld.idx.msk [tilespmem:v51+s14+$0x0], $0xffff  }
0x19c: {  	v1 =	vld.idx.msk [tilespmem:v1+s14+$0x0], $0xffff;
	[tilespmem:s30+$0xFFFFE020] =	vst v6  }
0x19d: {  	[tilespmem:s30+$0xFFFFE0A0] =	vst v3  }
0x19e: {  	[tilespmem:s30+$0xFFFFE120] =	vst v4  }
0x19f: {  	[tilespmem:s30+$0xFFFFE1A0] =	vst v5  }
0x1a0: {  	[tilespmem:s30+$0xFFFFE220] =	vst v2  }
0x1a1: {  	[tilespmem:s30+$0xFFFFE2A0] =	vst v7  }
0x1a2: {  	[tilespmem:s30+$0xFFFFE320] =	vst v8  }
0x1a3: {  	[tilespmem:s30+$0xFFFFE3A0] =	vst v9  }
0x1a4: {  	s31 =	sadd.s32 $0xFFFFFFC0, s25;
	[tilespmem:s30+$0x20] =	vst v10  }
0x1a5: {  	[tilespmem:s30+$0xA0] =	vst v11;
	v2 =	vmov s31  }
0x1a6: {  	[tilespmem:s30+$0x120] =	vst v12;
	v2 =	vshll.u32 v2, $0x4  }
0x1a7: {  	[tilespmem:s30+$0x1A0] =	vst v13;
	v2 =	vor.u32 v0, v2  }
0x1a8: {  	[tilespmem:s30+$0x220] =	vst v14;
	v3 =	vor.u32 $0x1, v2  }
0x1a9: {  	[tilespmem:s30+$0x2A0] =	vst v15;
	v52 =	vor.u32 $0x2, v2  }
0x1aa: {  	[tilespmem:s30+$0x320] =	vst v16;
	v53 =	vor.u32 $0x3, v2  }
0x1ab: {  	v54 =	vor.u32 $0x5, v2;
	[tilespmem:s30+$0x3A0] =	vst v1  }
0x1ac: {  	v55 =	vor.u32 $0x6, v2;
	v6 =	vld.idx.msk [tilespmem:v2+s14+$0x0], $0xffff  }
0x1ad: {  	v56 =	vor.u32 $0x7, v2;
	v3 =	vld.idx.msk [tilespmem:v3+s14+$0x0], $0xffff  }
0x1ae: {  	v57 =	vor.u32 $0x8, v2;
	v4 =	vld.idx.msk [tilespmem:v52+s14+$0x0], $0xffff  }
0x1af: {  	v58 =	vor.u32 $0x9, v2;
	v5 =	vld.idx.msk [tilespmem:v53+s14+$0x0], $0xffff  }
0x1b0: {  	v59 =	vor.u32 $0xA, v2;
	v7 =	vld.idx.msk [tilespmem:v54+s14+$0x0], $0xffff  }
0x1b1: {  	v60 =	vor.u32 $0xB, v2;
	v8 =	vld.idx.msk [tilespmem:v55+s14+$0x0], $0xffff  }
0x1b2: {  	v61 =	vor.u32 $0xC, v2;
	v9 =	vld.idx.msk [tilespmem:v56+s14+$0x0], $0xffff  }
0x1b3: {  	v62 =	vor.u32 $0xD, v2;
	v10 =	vld.idx.msk [tilespmem:v57+s14+$0x0], $0xffff  }
0x1b4: {  	v63 =	vor.u32 $0xE, v2;
	v11 =	vld.idx.msk [tilespmem:v58+s14+$0x0], $0xffff  }
0x1b5: {  	v1 =	vor.u32 $0x4, v2;
	v12 =	vld.idx.msk [tilespmem:v59+s14+$0x0], $0xffff  }
0x1b6: {  	v2 =	vor.u32 $0xF, v2;
	v13 =	vld.idx.msk [tilespmem:v60+s14+$0x0], $0xffff  }
0x1b7: {  	v14 =	vld.idx.msk [tilespmem:v61+s14+$0x0], $0xffff  }
0x1b8: {  	v15 =	vld.idx.msk [tilespmem:v62+s14+$0x0], $0xffff  }
0x1b9: {  	v16 =	vld.idx.msk [tilespmem:v63+s14+$0x0], $0xffff  }
0x1ba: {  	v1 =	vld.idx.msk [tilespmem:v1+s14+$0x0], $0xffff  }
0x1bb: {  	v2 =	vld.idx.msk [tilespmem:v2+s14+$0x0], $0xffff;
	[tilespmem:s30+$0xFFFFE030] =	vst v6  }
0x1bc: {  	[tilespmem:s30+$0xFFFFE0B0] =	vst v3  }
0x1bd: {  	[tilespmem:s30+$0xFFFFE130] =	vst v4  }
0x1be: {  	[tilespmem:s30+$0xFFFFE1B0] =	vst v5  }
0x1bf: {  	[tilespmem:s30+$0xFFFFE2B0] =	vst v7  }
0x1c0: {  	[tilespmem:s30+$0xFFFFE330] =	vst v8  }
0x1c1: {  	[tilespmem:s30+$0xFFFFE3B0] =	vst v9  }
0x1c2: {  	[tilespmem:s30+$0x30] =	vst v10  }
0x1c3: {  	s31 =	sadd.s32 $0xFFFFFFD0, s25;
	[tilespmem:s30+$0xB0] =	vst v11  }
0x1c4: {  	[tilespmem:s30+$0xFFFFE230] =	vst v1;
	v1 =	vmov s31  }
0x1c5: {  	[tilespmem:s30+$0x130] =	vst v12;
	v1 =	vshll.u32 v1, $0x4  }
0x1c6: {  	[tilespmem:s30+$0x1B0] =	vst v13;
	v1 =	vor.u32 v0, v1  }
0x1c7: {  	[tilespmem:s30+$0x230] =	vst v14;
	v3 =	vor.u32 $0x1, v1  }
0x1c8: {  	[tilespmem:s30+$0x2B0] =	vst v15;
	v15 =	vor.u32 $0x2, v1  }
0x1c9: {  	[tilespmem:s30+$0x330] =	vst v16;
	v17 =	vor.u32 $0x3, v1  }
0x1ca: {  	[tilespmem:s30+$0x3B0] =	vst v2;
	v2 =	vor.u32 $0x4, v1  }
0x1cb: {  	v18 =	vor.u32 $0x5, v1;
	v6 =	vld.idx.msk [tilespmem:v1+s14+$0x0], $0xffff  }
0x1cc: {  	v19 =	vor.u32 $0x6, v1;
	v3 =	vld.idx.msk [tilespmem:v3+s14+$0x0], $0xffff  }
0x1cd: {  	v20 =	vor.u32 $0x7, v1;
	v4 =	vld.idx.msk [tilespmem:v15+s14+$0x0], $0xffff  }
0x1ce: {  	v21 =	vor.u32 $0x8, v1;
	v5 =	vld.idx.msk [tilespmem:v17+s14+$0x0], $0xffff  }
0x1cf: {  	v22 =	vor.u32 $0x9, v1;
	v2 =	vld.idx.msk [tilespmem:v2+s14+$0x0], $0xffff  }
0x1d0: {  	v23 =	vor.u32 $0xA, v1;
	v7 =	vld.idx.msk [tilespmem:v18+s14+$0x0], $0xffff  }
0x1d1: {  	v24 =	vor.u32 $0xB, v1;
	v8 =	vld.idx.msk [tilespmem:v19+s14+$0x0], $0xffff  }
0x1d2: {  	v25 =	vor.u32 $0xC, v1;
	v9 =	vld.idx.msk [tilespmem:v20+s14+$0x0], $0xffff  }
0x1d3: {  	v26 =	vor.u32 $0xD, v1;
	v10 =	vld.idx.msk [tilespmem:v21+s14+$0x0], $0xffff  }
0x1d4: {  	v27 =	vor.u32 $0xE, v1;
	v11 =	vld.idx.msk [tilespmem:v22+s14+$0x0], $0xffff  }
0x1d5: {  	v1 =	vor.u32 $0xF, v1;
	v12 =	vld.idx.msk [tilespmem:v23+s14+$0x0], $0xffff  }
0x1d6: {  	v13 =	vld.idx.msk [tilespmem:v24+s14+$0x0], $0xffff  }
0x1d7: {  	v14 =	vld.idx.msk [tilespmem:v25+s14+$0x0], $0xffff  }
0x1d8: {  	v15 =	vld.idx.msk [tilespmem:v26+s14+$0x0], $0xffff  }
0x1d9: {  	v16 =	vld.idx.msk [tilespmem:v27+s14+$0x0], $0xffff  }
0x1da: {  	v1 =	vld.idx.msk [tilespmem:v1+s14+$0x0], $0xffff;
	[tilespmem:s30+$0xFFFFE040] =	vst v6  }
0x1db: {  	[tilespmem:s30+$0xFFFFE0C0] =	vst v3  }
0x1dc: {  	[tilespmem:s30+$0xFFFFE140] =	vst v4  }
0x1dd: {  	[tilespmem:s30+$0xFFFFE1C0] =	vst v5  }
0x1de: {  	[tilespmem:s30+$0xFFFFE240] =	vst v2  }
0x1df: {  	[tilespmem:s30+$0xFFFFE2C0] =	vst v7  }
0x1e0: {  	[tilespmem:s30+$0xFFFFE340] =	vst v8  }
0x1e1: {  	[tilespmem:s30+$0xFFFFE3C0] =	vst v9  }
0x1e2: {  	s31 =	sadd.s32 $0xFFFFFFE0, s25;
	[tilespmem:s30+$0x40] =	vst v10  }
0x1e3: {  	[tilespmem:s30+$0xC0] =	vst v11;
	v2 =	vmov s31  }
0x1e4: {  	[tilespmem:s30+$0x140] =	vst v12;
	v2 =	vshll.u32 v2, $0x4  }
0x1e5: {  	[tilespmem:s30+$0x1C0] =	vst v13;
	v2 =	vor.u32 v0, v2  }
0x1e6: {  	[tilespmem:s30+$0x240] =	vst v14;
	v3 =	vor.u32 $0x1, v2  }
0x1e7: {  	[tilespmem:s30+$0x2C0] =	vst v15;
	v28 =	vor.u32 $0x2, v2  }
0x1e8: {  	[tilespmem:s30+$0x340] =	vst v16;
	v29 =	vor.u32 $0x3, v2  }
0x1e9: {  	v30 =	vor.u32 $0x5, v2;
	[tilespmem:s30+$0x3C0] =	vst v1  }
0x1ea: {  	v31 =	vor.u32 $0x6, v2;
	v6 =	vld.idx.msk [tilespmem:v2+s14+$0x0], $0xffff  }
0x1eb: {  	v32 =	vor.u32 $0x7, v2;
	v3 =	vld.idx.msk [tilespmem:v3+s14+$0x0], $0xffff  }
0x1ec: {  	v33 =	vor.u32 $0x8, v2;
	v4 =	vld.idx.msk [tilespmem:v28+s14+$0x0], $0xffff  }
0x1ed: {  	v34 =	vor.u32 $0x9, v2;
	v5 =	vld.idx.msk [tilespmem:v29+s14+$0x0], $0xffff  }
0x1ee: {  	v35 =	vor.u32 $0xA, v2;
	v7 =	vld.idx.msk [tilespmem:v30+s14+$0x0], $0xffff  }
0x1ef: {  	v36 =	vor.u32 $0xB, v2;
	v8 =	vld.idx.msk [tilespmem:v31+s14+$0x0], $0xffff  }
0x1f0: {  	v37 =	vor.u32 $0xC, v2;
	v9 =	vld.idx.msk [tilespmem:v32+s14+$0x0], $0xffff  }
0x1f1: {  	v38 =	vor.u32 $0xD, v2;
	v10 =	vld.idx.msk [tilespmem:v33+s14+$0x0], $0xffff  }
0x1f2: {  	v39 =	vor.u32 $0xE, v2;
	v11 =	vld.idx.msk [tilespmem:v34+s14+$0x0], $0xffff  }
0x1f3: {  	v1 =	vor.u32 $0x4, v2;
	v12 =	vld.idx.msk [tilespmem:v35+s14+$0x0], $0xffff  }
0x1f4: {  	v2 =	vor.u32 $0xF, v2;
	v13 =	vld.idx.msk [tilespmem:v36+s14+$0x0], $0xffff  }
0x1f5: {  	v14 =	vld.idx.msk [tilespmem:v37+s14+$0x0], $0xffff  }
0x1f6: {  	v15 =	vld.idx.msk [tilespmem:v38+s14+$0x0], $0xffff  }
0x1f7: {  	v16 =	vld.idx.msk [tilespmem:v39+s14+$0x0], $0xffff  }
0x1f8: {  	v1 =	vld.idx.msk [tilespmem:v1+s14+$0x0], $0xffff  }
0x1f9: {  	v2 =	vld.idx.msk [tilespmem:v2+s14+$0x0], $0xffff;
	[tilespmem:s30+$0xFFFFE050] =	vst v6  }
0x1fa: {  	[tilespmem:s30+$0xFFFFE0D0] =	vst v3  }
0x1fb: {  	[tilespmem:s30+$0xFFFFE150] =	vst v4  }
0x1fc: {  	[tilespmem:s30+$0xFFFFE1D0] =	vst v5  }
0x1fd: {  	[tilespmem:s30+$0xFFFFE2D0] =	vst v7  }
0x1fe: {  	[tilespmem:s30+$0xFFFFE350] =	vst v8  }
0x1ff: {  	[tilespmem:s30+$0xFFFFE3D0] =	vst v9  }
0x200: {  	[tilespmem:s30+$0x50] =	vst v10  }
0x201: {  	s31 =	sadd.s32 $0xFFFFFFF0, s25;
	[tilespmem:s30+$0xD0] =	vst v11  }
0x202: {  	[tilespmem:s30+$0xFFFFE250] =	vst v1;
	v1 =	vmov s31  }
0x203: {  	[tilespmem:s30+$0x150] =	vst v12;
	v1 =	vshll.u32 v1, $0x4  }
0x204: {  	[tilespmem:s30+$0x1D0] =	vst v13;
	v1 =	vor.u32 v0, v1  }
0x205: {  	[tilespmem:s30+$0x250] =	vst v14;
	v3 =	vor.u32 $0x1, v1  }
0x206: {  	[tilespmem:s30+$0x2D0] =	vst v15;
	v40 =	vor.u32 $0x2, v1  }
0x207: {  	[tilespmem:s30+$0x350] =	vst v16;
	v41 =	vor.u32 $0x3, v1  }
0x208: {  	[tilespmem:s30+$0x3D0] =	vst v2;
	v2 =	vor.u32 $0x4, v1  }
0x209: {  	v42 =	vor.u32 $0x5, v1;
	v6 =	vld.idx.msk [tilespmem:v1+s14+$0x0], $0xffff  }
0x20a: {  	v43 =	vor.u32 $0x6, v1;
	v3 =	vld.idx.msk [tilespmem:v3+s14+$0x0], $0xffff  }
0x20b: {  	v44 =	vor.u32 $0x7, v1;
	v4 =	vld.idx.msk [tilespmem:v40+s14+$0x0], $0xffff  }
0x20c: {  	v45 =	vor.u32 $0x8, v1;
	v5 =	vld.idx.msk [tilespmem:v41+s14+$0x0], $0xffff  }
0x20d: {  	v46 =	vor.u32 $0x9, v1;
	v2 =	vld.idx.msk [tilespmem:v2+s14+$0x0], $0xffff  }
0x20e: {  	v47 =	vor.u32 $0xA, v1;
	v7 =	vld.idx.msk [tilespmem:v42+s14+$0x0], $0xffff  }
0x20f: {  	v48 =	vor.u32 $0xB, v1;
	v8 =	vld.idx.msk [tilespmem:v43+s14+$0x0], $0xffff  }
0x210: {  	v49 =	vor.u32 $0xC, v1;
	v9 =	vld.idx.msk [tilespmem:v44+s14+$0x0], $0xffff  }
0x211: {  	v50 =	vor.u32 $0xD, v1;
	v10 =	vld.idx.msk [tilespmem:v45+s14+$0x0], $0xffff  }
0x212: {  	v51 =	vor.u32 $0xE, v1;
	v11 =	vld.idx.msk [tilespmem:v46+s14+$0x0], $0xffff  }
0x213: {  	v1 =	vor.u32 $0xF, v1;
	v12 =	vld.idx.msk [tilespmem:v47+s14+$0x0], $0xffff  }
0x214: {  	v13 =	vld.idx.msk [tilespmem:v48+s14+$0x0], $0xffff  }
0x215: {  	v14 =	vld.idx.msk [tilespmem:v49+s14+$0x0], $0xffff  }
0x216: {  	v15 =	vld.idx.msk [tilespmem:v50+s14+$0x0], $0xffff  }
0x217: {  	v16 =	vld.idx.msk [tilespmem:v51+s14+$0x0], $0xffff  }
0x218: {  	v1 =	vld.idx.msk [tilespmem:v1+s14+$0x0], $0xffff;
	[tilespmem:s30+$0xFFFFE060] =	vst v6  }
0x219: {  	[tilespmem:s30+$0xFFFFE0E0] =	vst v3  }
0x21a: {  	[tilespmem:s30+$0xFFFFE160] =	vst v4  }
0x21b: {  	[tilespmem:s30+$0xFFFFE1E0] =	vst v5  }
0x21c: {  	[tilespmem:s30+$0xFFFFE260] =	vst v2  }
0x21d: {  	[tilespmem:s30+$0xFFFFE2E0] =	vst v7  }
0x21e: {  	[tilespmem:s30+$0xFFFFE360] =	vst v8  }
0x21f: {  	[tilespmem:s30+$0xFFFFE3E0] =	vst v9  }
0x220: {  	[tilespmem:s30+$0x60] =	vst v10  }
0x221: {  	[tilespmem:s30+$0xE0] =	vst v11;
	v2 =	vmov s25  }
0x222: {  	[tilespmem:s30+$0x160] =	vst v12;
	v2 =	vshll.u32 v2, $0x4  }
0x223: {  	[tilespmem:s30+$0x1E0] =	vst v13;
	v2 =	vor.u32 v0, v2  }
0x224: {  	[tilespmem:s30+$0x260] =	vst v14;
	v3 =	vor.u32 $0x1, v2  }
0x225: {  	[tilespmem:s30+$0x2E0] =	vst v15;
	v52 =	vor.u32 $0x2, v2  }
0x226: {  	[tilespmem:s30+$0x360] =	vst v16;
	v53 =	vor.u32 $0x3, v2  }
0x227: {  	v54 =	vor.u32 $0x5, v2;
	[tilespmem:s30+$0x3E0] =	vst v1  }
0x228: {  	v55 =	vor.u32 $0x6, v2;
	v6 =	vld.idx.msk [tilespmem:v2+s14+$0x0], $0xffff  }
0x229: {  	v56 =	vor.u32 $0x7, v2;
	v3 =	vld.idx.msk [tilespmem:v3+s14+$0x0], $0xffff  }
0x22a: {  	v57 =	vor.u32 $0x8, v2;
	v4 =	vld.idx.msk [tilespmem:v52+s14+$0x0], $0xffff  }
0x22b: {  	v58 =	vor.u32 $0x9, v2;
	v5 =	vld.idx.msk [tilespmem:v53+s14+$0x0], $0xffff  }
0x22c: {  	v59 =	vor.u32 $0xA, v2;
	v7 =	vld.idx.msk [tilespmem:v54+s14+$0x0], $0xffff  }
0x22d: {  	v60 =	vor.u32 $0xB, v2;
	v8 =	vld.idx.msk [tilespmem:v55+s14+$0x0], $0xffff  }
0x22e: {  	v61 =	vor.u32 $0xC, v2;
	v9 =	vld.idx.msk [tilespmem:v56+s14+$0x0], $0xffff  }
0x22f: {  	v62 =	vor.u32 $0xD, v2;
	v10 =	vld.idx.msk [tilespmem:v57+s14+$0x0], $0xffff  }
0x230: {  	v63 =	vor.u32 $0xE, v2;
	v11 =	vld.idx.msk [tilespmem:v58+s14+$0x0], $0xffff  }
0x231: {  	v1 =	vor.u32 $0x4, v2;
	v12 =	vld.idx.msk [tilespmem:v59+s14+$0x0], $0xffff  }
0x232: {  	v2 =	vor.u32 $0xF, v2;
	v13 =	vld.idx.msk [tilespmem:v60+s14+$0x0], $0xffff  }
0x233: {  	v14 =	vld.idx.msk [tilespmem:v61+s14+$0x0], $0xffff  }
0x234: {  	v15 =	vld.idx.msk [tilespmem:v62+s14+$0x0], $0xffff  }
0x235: {  	v16 =	vld.idx.msk [tilespmem:v63+s14+$0x0], $0xffff  }
0x236: {  	v1 =	vld.idx.msk [tilespmem:v1+s14+$0x0], $0xffff  }
0x237: {  	v2 =	vld.idx.msk [tilespmem:v2+s14+$0x0], $0xffff;
	[tilespmem:s30+$0xFFFFE070] =	vst v6  }
0x238: {  	[tilespmem:s30+$0xFFFFE0F0] =	vst v3  }
0x239: {  	[tilespmem:s30+$0xFFFFE170] =	vst v4  }
0x23a: {  	[tilespmem:s30+$0xFFFFE1F0] =	vst v5  }
0x23b: {  	[tilespmem:s30+$0xFFFFE2F0] =	vst v7  }
0x23c: {  	[tilespmem:s30+$0xFFFFE370] =	vst v8  }
0x23d: {  	[tilespmem:s30+$0xFFFFE3F0] =	vst v9  }
0x23e: {  	[tilespmem:s30+$0x70] =	vst v10  }
0x23f: {  	[tilespmem:s30+$0xF0] =	vst v11  }
0x240: {  	[tilespmem:s30+$0x170] =	vst v12  }
0x241: {  	p0 =	sne.s32 s25, $0x3F0;
	[tilespmem:s30+$0x1F0] =	vst v13  }
.Ltmp1:
0x242: {  	[tilespmem:s30+$0x270] =	vst v14;
	(pc) =	sbr.rel @p0 .LBB2_5-.Ltmp1, $4  }
0x243: {  	[tilespmem:s30+$0x2F0] =	vst v15  }
0x244: {  	[tilespmem:s30+$0x370] =	vst v16  }
0x245: {  	[tilespmem:s30+$0xFFFFE270] =	vst v1  }
0x246: {  	s25 =	sadd.s32 $0x80, s25;
	[tilespmem:s30+$0x3F0] =	vst v2;
	s30 =	sadd.s32 $0x400, s30  }
0x247: {  	s25 =	sor.u32 s26, s29  }
0x248: {  	s24 =	sadd.s32 $0x1, s24;
	s25 =	sor.u32 s28, s25  }
0x249: {  	p0 =	sne.s32 s24, $0x32;
	s25 =	sshrl.u32 s25, $0x3  }
.Ltmp2:
0x24a: {  	s25 =	sadd.s32 s25, s2;
	(pc) =	sbr.rel @p0 .LBB2_2-.Ltmp2, $4  }
0x24b: {  	s31 =	sadd.s32 $0x8000, s25  }
0x24c: {  	[hbm4b:s31+s3] =	stream.linear.scatter [tilespmem:s19], [sflag:$0x4], $0x2000, $0x38;
	[tilespmem:$0x10800] =	vst v63  }
0x24d: {  	s25 =	sadd.s32 $0xC000, s25  }
0x24e: {  	[hbm4b:s25+s3] =	stream.linear.scatter [tilespmem:s20], [sflag:$0x4], $0x2000, $0x38;
	[tilespmem:$0x10800] =	vst v63  }
0x24f: {  	_ =	swait.ge [sflag:s15], $0x4000  }
0x250: {  	[sflag:s15] =	ssyncset.done $0x0  }
0x251: {  	[sflag:s15] =	ssyncadd.s32 $0xFFFFC000  }
0x252: {  	_ =	swait.ge [sflag:s13], $0x400  }
0x253: {  	[sflag:s13] =	ssyncset.done $0x0  }
0x254: {  	[sflag:s13] =	ssyncadd.s32 $0xFFFFFC00  }
0x255: {  	_ =	swait.ge [sflag:s21], $0x2000  }
0x256: {  	[sflag:s21] =	ssyncset.done $0x0  }
0x257: {  	[sflag:s21] =	ssyncadd.s32 $0xFFFFE000  }
0x258: {  	_ =	swait.ge [sflag:s21], $0x2000  }
0x259: {  	[sflag:s21] =	ssyncset.done $0x0  }
0x25a: {  	s23 =	sadd.s32 $0x1, s23;
	[sflag:s21] =	ssyncadd.s32 $0xFFFFE000  }
0x25b: {  	p0 =	sne.s32 s23, s9;
	_ =	swait.ge [sflag:s22], $0x2000  }
.Ltmp3:
0x25c: {  	[sflag:s22] =	ssyncset.done $0x0;
	(pc) =	sbr.rel @p0 .LBB2_1-.Ltmp3, $4  }
0x25d: {  	[sflag:s22] =	ssyncadd.s32 $0xFFFFE000  }
0x25e: {  	_ =	swait.ge [sflag:s22], $0x2000  }
0x25f: {  	[sflag:s22] =	ssyncset.done $0x0  }
0x260: {  	[sflag:s22] =	ssyncadd.s32 $0xFFFFE000  }
0x261: {  	_ =	sfence.sel $0x180000  }
0x262: {  	[bflag:$0x0] =	sbarrier.arrive $0xFFFF  }
0x263: {  	p0 =	sne.s32 s0, $0x0;
	_ =	strace $0x90000047  }
0x264: {  	s0 =	sadd.s32 @!p0 $0x100000, s1;
	[bflag:$0x2] =	sbarrier.arrive $0xFFFF  }
0x265: {  	[sflag:s0] =	ssyncadd.tile.s32 @!p0 $0x1;
	_ =	shalt  }
.Lfunc_end2:
_tile_overlayer_lowered:
.L_overlay_start_2:
0x266: {  	(tag) =	ssettag $0x2  }
0x267: {  	s0 =	rddreg [dreg:$0x0];
	s2 =	stileid.u32  }
0x268: {  	s1 =	rddreg [dreg:$0x1];
	p0 =	sne.s32 s2, $0x0  }
0x269: {  	s3 =	rddreg [dreg:$0x2];
	[bflag:$0x3] =	sbarrier.arrive $0xFFFF;
	s2 =	simm.s32 @!p0 $0x1C07  }
0x26a: {  	[timem:s3], [sflag:s2] =	dma.local @!p0 [hbm:s0], s1  }
0x26b: {  	s0 =	simm.s32 @!p0 $0x7  }
0x26c: {  	_ =	swait.ge @!p0 [sflag:s0], s1  }
0x26d: {  	s1 =	ssub.s32 @!p0 $0x0, s1;
	[sflag:s0] =	ssyncset.done @!p0 $0x0  }
0x26e: {  	[sflag:s0] =	ssyncadd.s32 @!p0 s1  }
0x26f: {  	[bflag:$0x3] =	sbarrier.arrive $0xFFFF  }
0x270: {  	_ =	shalt  }

</sc_bundles>
